<compile_context>
chip_gen: v7x
topology: tpu7x:2x2x1
jax: 0.10.2.dev20260603
libtpu: 0.0.44.dev20260713+nightly
codegen_flags: <defaults>
</compile_context>

<pallas_src>
import functools

import jax
import jax.numpy as jnp
from jax import lax
from jax.experimental import pallas as pl
from jax.experimental.pallas import tpu as pltpu
from jax.experimental.pallas import tpu_sc as plsc

_NC = 2
_NS = 16
_NW = _NC * _NS
_L = 16
_TBL = 128
_C = 64


@functools.lru_cache(maxsize=None)
def _make_sc_normalize(n: int, d: int, num_bins: int):
    per_w = n // _NW
    G = per_w // _C
    vregs_per_row = d // _L
    mesh = plsc.VectorSubcoreMesh(core_axis_name="c", subcore_axis_name="s")

    @functools.partial(
        pl.kernel,
        out_type=jax.ShapeDtypeStruct((n, d), jnp.float32),
        mesh=mesh,
        scratch_types=[
            pltpu.VMEM((per_w,), jnp.float32),
            pltpu.VMEM((_TBL,), jnp.float32),
            pltpu.VMEM((_TBL,), jnp.float32),
            pltpu.VMEM((per_w,), jnp.float32),
            pltpu.VMEM((per_w,), jnp.float32),
            pltpu.VMEM((_C, d), jnp.float32),
            pltpu.VMEM((_C, d), jnp.float32),
            pltpu.VMEM((_C, d), jnp.float32),
            pltpu.SemaphoreType.DMA,
            pltpu.SemaphoreType.DMA,
            pltpu.SemaphoreType.DMA,
            pltpu.SemaphoreType.DMA,
            pltpu.SemaphoreType.DMA,
            pltpu.SemaphoreType.DMA,
        ],
        compiler_params=pltpu.CompilerParams(
            needs_layout_passes=False,
            skip_device_barrier=True,
            disable_bounds_checks=True,
        ),
    )
    def sc_fn(x_hbm, t_hbm, mean_hbm, std_hbm, out_hbm,
              t_v, mean_v, std_v, scale_v, bias_v,
              buf0, buf1, buf2, si0, si1, si2, so0, so1, so2):
        wid = lax.axis_index("s") * _NC + lax.axis_index("c")
        r0 = wid * per_w
        bufs = (buf0, buf1, buf2)
        in_sems = (si0, si1, si2)
        out_sems = (so0, so1, so2)

        in_h = {}
        out_h = {}
        for g in range(min(2, G)):
            in_h[g] = pltpu.async_copy(
                x_hbm.at[pl.ds(r0 + g * _C, _C), :], bufs[g % 3], in_sems[g % 3])

        h_t = pltpu.async_copy(t_hbm.at[pl.ds(r0, per_w)], t_v, out_sems[0])
        h_m = pltpu.async_copy(mean_hbm, mean_v, out_sems[1])
        h_s = pltpu.async_copy(std_hbm, std_v, out_sems[2])
        h_t.wait()
        h_m.wait()
        h_s.wait()

        def gather_body(i, carry):
            sl = pl.ds(i * _L, _L)
            tv = t_v[sl]
            bins = (tv * float(num_bins)).astype(jnp.int32)
            m = plsc.load_gather(mean_v, [bins])
            s = plsc.load_gather(std_v, [bins])
            inv = 1.0 / s
            scale_v[sl] = inv
            bias_v[sl] = -m * inv
            return carry

        lax.fori_loop(0, per_w // _L, gather_body, 0)

        def row_body(buf, g):
            def body(r, carry):
                rr = g * _C + r
                idx = jnp.full((_L,), rr, jnp.int32)
                sv = plsc.load_gather(scale_v, [idx])
                bv = plsc.load_gather(bias_v, [idx])
                for k in range(vregs_per_row):
                    sl = pl.ds(k * _L, _L)
                    buf[r, sl] = buf[r, sl] * sv + bv
                return carry
            lax.fori_loop(0, _C, body, 0)

        waited = set()
        for g in range(G):
            b = g % 3
            p = g + 2
            if p < G:
                if p - 3 >= 0:
                    out_h[p - 3].wait()
                    waited.add(p - 3)
                in_h[p] = pltpu.async_copy(
                    x_hbm.at[pl.ds(r0 + p * _C, _C), :], bufs[p % 3], in_sems[p % 3])
            in_h[g].wait()
            row_body(bufs[b], g)
            out_h[g] = pltpu.async_copy(
                bufs[b], out_hbm.at[pl.ds(r0 + g * _C, _C), :], out_sems[b])
        for g in range(G):
            if g not in waited:
                out_h[g].wait()

    return sc_fn


def kernel(x_t, t, data_mean, data_std):
    n, d = x_t.shape
    num_bins = data_mean.shape[0]
    mean_p = jnp.pad(data_mean, (0, _TBL - num_bins))
    std_p = jnp.pad(data_std, (0, _TBL - num_bins), constant_values=1.0)
    return _make_sc_normalize(n, d, num_bins)(x_t, t, mean_p, std_p)

# --- scband reference (transcript-rebuilt; emitter-appended) ---
"""Pipeline reference for scband-normalizer-xt-27616639713777 (READ-ONLY COPY).

The authoritative reference and input builder live on the scoring server;
editing this copy changes nothing except your own understanding.
"""

import jax, jax.numpy as jnp
import numpy as np

NUM_BINS = 100


def setup_inputs(seed: int = 0) -> dict:
    key = jax.random.key(seed)
    k1, k2, k3, k4 = jax.random.split(key, 4)
    x_t = jax.random.normal(k1, (16384, 512), dtype=jnp.float32)
    # t in [0, 1): t_bins = floor(t * num_bins) stays in [0, num_bins)
    t = jax.random.uniform(k2, (16384,), dtype=jnp.float32, minval=0.0, maxval=1.0)
    # Buffers of the module (data_mean init 0, data_std init 1 in torch; use
    # non-trivial values so the math is exercised, std kept positive).
    data_mean = jax.random.normal(k3, (NUM_BINS,), dtype=jnp.float32)
    data_std = jax.random.uniform(k4, (NUM_BINS,), dtype=jnp.float32, minval=0.0, maxval=1.0) + 0.5
    return {"x_t": x_t, "t": t, "data_mean": data_mean, "data_std": data_std}


def reference(x_t, t, data_mean, data_std):
    # Faithful translation of NormalizerXT.normalize(x_t, t)
    # param_shape = [len(x_t)] + [1] * (x_t.ndim - 1)
    param_shape = (x_t.shape[0],) + (1,) * (x_t.ndim - 1)
    # t_bins = (t * num_bins).type(torch.long)  -- truncation toward zero
    t_bins = (t * NUM_BINS).astype(jnp.int32)
    mean_val = jnp.take(data_mean, t_bins, axis=0).reshape(param_shape)
    std_val = jnp.take(data_std, t_bins, axis=0).reshape(param_shape)
    return (x_t - mean_val) / std_val

if __name__ == "__main__":
    import jax
    _d = setup_inputs()
    print(jax.jit(kernel)(*tuple(_d.values())))

</pallas_src>

<mosaic_0001>
#map = affine_map<(d0, d1) -> (0, 0)>
#map1 = affine_map<(d0, d1) -> (0)>
module attributes {stable_mosaic.version = 14 : i64} {
  func.func @sc_fn(%arg0: i32, %arg1: i32, %arg2: memref<16384x512xf32, #tpu.memory_space<hbm>>, %arg3: memref<16384xf32, #tpu.memory_space<hbm>>, %arg4: memref<128xf32, #tpu.memory_space<hbm>>, %arg5: memref<128xf32, #tpu.memory_space<hbm>>, %arg6: memref<16384x512xf32, #tpu.memory_space<hbm>>, %arg7: memref<512xf32, #tpu.memory_space<vmem>>, %arg8: memref<128xf32, #tpu.memory_space<vmem>>, %arg9: memref<128xf32, #tpu.memory_space<vmem>>, %arg10: memref<512xf32, #tpu.memory_space<vmem>>, %arg11: memref<512xf32, #tpu.memory_space<vmem>>, %arg12: memref<64x512xf32, #tpu.memory_space<vmem>>, %arg13: memref<64x512xf32, #tpu.memory_space<vmem>>, %arg14: memref<64x512xf32, #tpu.memory_space<vmem>>, %arg15: memref<!tpu.dma_semaphore, #tpu.memory_space<semaphore_mem>>, %arg16: memref<!tpu.dma_semaphore, #tpu.memory_space<semaphore_mem>>, %arg17: memref<!tpu.dma_semaphore, #tpu.memory_space<semaphore_mem>>, %arg18: memref<!tpu.dma_semaphore, #tpu.memory_space<semaphore_mem>>, %arg19: memref<!tpu.dma_semaphore, #tpu.memory_space<semaphore_mem>>, %arg20: memref<!tpu.dma_semaphore, #tpu.memory_space<semaphore_mem>>) attributes {dimension_semantics = [#tpu.dimension_semantics<core_parallel>, #tpu.dimension_semantics<subcore_parallel>], iteration_bounds = array<i64: 2, 16>, scalar_prefetch = 0 : i64, scratch_operands = 14 : i64, tpu.core_type = #tpu.core_type<sc_vector_subcore>, window_params = [{transform_indices = #map}, {transform_indices = #map1}, {transform_indices = #map1}, {transform_indices = #map1}, {transform_indices = #map}]} {
    %mul3A = arith.constant 2 : i32
    %mul3A_0 = arith.muli %arg1, %mul3A : i32
    %add3A = arith.addi %mul3A_0, %arg0 : i32
    %mul3A_1 = arith.constant 512 : i32
    %mul3A_2 = arith.muli %add3A, %mul3A_1 : i32
    %add3A_3 = arith.constant 0 : i32
    %add3A_4 = arith.addi %mul3A_2, %add3A_3 : i32
    %dma_start3A = arith.constant 0 : i32
    %dma_start3A_5 = tpu.memref_slice %arg2[%add3A_4, %dma_start3A] : memref<16384x512xf32, #tpu.memory_space<hbm>> -> memref<64x512xf32, #tpu.memory_space<hbm>>
    %dma_start3A_6 = arith.constant 0 : i32
    %dma_start3A_7 = tpu.memref_slice %arg2[%add3A_4, %dma_start3A_6] : memref<16384x512xf32, #tpu.memory_space<hbm>> -> memref<64x512xf32, #tpu.memory_space<hbm>>
    tpu.enqueue_dma source(%dma_start3A_7 : memref<64x512xf32, #tpu.memory_space<hbm>>) target(%arg12 : memref<64x512xf32, #tpu.memory_space<vmem>>) target_semaphore(%arg15 : memref<!tpu.dma_semaphore, #tpu.memory_space<semaphore_mem>>)
    %add3A_8 = arith.constant 64 : i32
    %add3A_9 = arith.addi %mul3A_2, %add3A_8 : i32
    %dma_start3A_10 = arith.constant 0 : i32
    %dma_start3A_11 = tpu.memref_slice %arg2[%add3A_9, %dma_start3A_10] : memref<16384x512xf32, #tpu.memory_space<hbm>> -> memref<64x512xf32, #tpu.memory_space<hbm>>
    %dma_start3A_12 = arith.constant 0 : i32
    %dma_start3A_13 = tpu.memref_slice %arg2[%add3A_9, %dma_start3A_12] : memref<16384x512xf32, #tpu.memory_space<hbm>> -> memref<64x512xf32, #tpu.memory_space<hbm>>
    tpu.enqueue_dma source(%dma_start3A_13 : memref<64x512xf32, #tpu.memory_space<hbm>>) target(%arg13 : memref<64x512xf32, #tpu.memory_space<vmem>>) target_semaphore(%arg16 : memref<!tpu.dma_semaphore, #tpu.memory_space<semaphore_mem>>)
    %dma_start3A_14 = tpu.memref_slice %arg3[%mul3A_2] : memref<16384xf32, #tpu.memory_space<hbm>> -> memref<512xf32, #tpu.memory_space<hbm>>
    %dma_start3A_15 = tpu.memref_slice %arg3[%mul3A_2] : memref<16384xf32, #tpu.memory_space<hbm>> -> memref<512xf32, #tpu.memory_space<hbm>>
    tpu.enqueue_dma source(%dma_start3A_15 : memref<512xf32, #tpu.memory_space<hbm>>) target(%arg7 : memref<512xf32, #tpu.memory_space<vmem>>) target_semaphore(%arg18 : memref<!tpu.dma_semaphore, #tpu.memory_space<semaphore_mem>>)
    tpu.enqueue_dma source(%arg4 : memref<128xf32, #tpu.memory_space<hbm>>) target(%arg8 : memref<128xf32, #tpu.memory_space<vmem>>) target_semaphore(%arg19 : memref<!tpu.dma_semaphore, #tpu.memory_space<semaphore_mem>>)
    tpu.enqueue_dma source(%arg5 : memref<128xf32, #tpu.memory_space<hbm>>) target(%arg9 : memref<128xf32, #tpu.memory_space<vmem>>) target_semaphore(%arg20 : memref<!tpu.dma_semaphore, #tpu.memory_space<semaphore_mem>>)
    %dma_wait3A = tpu.memref_slice %arg3[%mul3A_2] : memref<16384xf32, #tpu.memory_space<hbm>> -> memref<512xf32, #tpu.memory_space<hbm>>
    %dma_wait3A_16 = tpu.memref_slice %arg3[%mul3A_2] : memref<16384xf32, #tpu.memory_space<hbm>> -> memref<512xf32, #tpu.memory_space<hbm>>
    tpu.wait_dma2 semaphore(%arg18 : memref<!tpu.dma_semaphore, #tpu.memory_space<semaphore_mem>>) src(%dma_wait3A_16 : memref<512xf32, #tpu.memory_space<hbm>>) dst(%arg7 : memref<512xf32, #tpu.memory_space<vmem>>)
    tpu.wait_dma2 semaphore(%arg19 : memref<!tpu.dma_semaphore, #tpu.memory_space<semaphore_mem>>) src(%arg4 : memref<128xf32, #tpu.memory_space<hbm>>) dst(%arg8 : memref<128xf32, #tpu.memory_space<vmem>>)
    tpu.wait_dma2 semaphore(%arg20 : memref<!tpu.dma_semaphore, #tpu.memory_space<semaphore_mem>>) src(%arg5 : memref<128xf32, #tpu.memory_space<hbm>>) dst(%arg9 : memref<128xf32, #tpu.memory_space<vmem>>)
    %scan3A = arith.constant 0 : i32
    %scan3A_17 = arith.constant 0 : i32
    %scan3A_18 = arith.constant 32 : i32
    %scan3A_19 = arith.addi %scan3A_17, %scan3A_18 : i32
    %scan3A_20 = arith.constant 1 : i32
    scf.for %scan3A_218 = %scan3A_17 to %scan3A_19 step %scan3A_20  : i32 {
      %mul3A_219 = arith.constant 16 : i32
      %mul3A_220 = arith.muli %scan3A_218, %mul3A_219 : i32
      %get3A = arith.index_cast %mul3A_220 : i32 to index
      %get3A_221 = tpu.vector_load %arg7[%get3A] {strides = array<i32>} : memref<512xf32, #tpu.memory_space<vmem>>, vector<16xf32>,
      %mul3A_222 = arith.constant 1.000000e+02 : f32
      %mul3A_223 = vector.broadcast %mul3A_222 : f32 to vector<16xf32>
      %mul3A_224 = arith.mulf %get3A_221, %mul3A_223 : vector<16xf32>
      %convert_element_type3A = arith.fptosi %mul3A_224 : vector<16xf32> to vector<16xi32>
      %gather3A = tpu.vector_load_idx %arg8[%convert_element_type3A] : memref<128xf32, #tpu.memory_space<vmem>>[vector<16xi32>], vector<16xf32>,
      %gather3A_225 = tpu.vector_load_idx %arg9[%convert_element_type3A] : memref<128xf32, #tpu.memory_space<vmem>>[vector<16xi32>], vector<16xf32>,
      %div3A = arith.constant 1.000000e+00 : f32
      %div3A_226 = vector.broadcast %div3A : f32 to vector<16xf32>
      %div3A_227 = arith.divf %div3A_226, %gather3A_225 : vector<16xf32>
      %swap3A = arith.index_cast %mul3A_220 : i32 to index
      %swap3A_228 = tpu.vector_load %arg10[%swap3A] {strides = array<i32>} : memref<512xf32, #tpu.memory_space<vmem>>, vector<16xf32>,
      tpu.vector_store %arg10[%swap3A], %div3A_227 {strides = array<i32>} : memref<512xf32, #tpu.memory_space<vmem>>, vector<16xf32>,
      %neg3A = arith.constant 0.000000e+00 : f32
      %neg3A_229 = vector.broadcast %neg3A : f32 to vector<16xf32>
      %neg3A_230 = arith.subf %neg3A_229, %gather3A : vector<16xf32>
      %mul3A_231 = arith.mulf %neg3A_230, %div3A_227 : vector<16xf32>
      %swap3A_232 = arith.index_cast %mul3A_220 : i32 to index
      %swap3A_233 = tpu.vector_load %arg11[%swap3A_232] {strides = array<i32>} : memref<512xf32, #tpu.memory_space<vmem>>, vector<16xf32>,
      tpu.vector_store %arg11[%swap3A_232], %mul3A_231 {strides = array<i32>} : memref<512xf32, #tpu.memory_space<vmem>>, vector<16xf32>,
    }
    %scan3A_21 = arith.constant 32 : i32
    %add3A_22 = arith.constant 128 : i32
    %add3A_23 = arith.addi %mul3A_2, %add3A_22 : i32
    %dma_start3A_24 = arith.constant 0 : i32
    %dma_start3A_25 = tpu.memref_slice %arg2[%add3A_23, %dma_start3A_24] : memref<16384x512xf32, #tpu.memory_space<hbm>> -> memref<64x512xf32, #tpu.memory_space<hbm>>
    %dma_start3A_26 = arith.constant 0 : i32
    %dma_start3A_27 = tpu.memref_slice %arg2[%add3A_23, %dma_start3A_26] : memref<16384x512xf32, #tpu.memory_space<hbm>> -> memref<64x512xf32, #tpu.memory_space<hbm>>
    tpu.enqueue_dma source(%dma_start3A_27 : memref<64x512xf32, #tpu.memory_space<hbm>>) target(%arg14 : memref<64x512xf32, #tpu.memory_space<vmem>>) target_semaphore(%arg17 : memref<!tpu.dma_semaphore, #tpu.memory_space<semaphore_mem>>)
    %dma_wait3A_28 = arith.constant 0 : i32
    %dma_wait3A_29 = tpu.memref_slice %arg2[%add3A_4, %dma_wait3A_28] : memref<16384x512xf32, #tpu.memory_space<hbm>> -> memref<64x512xf32, #tpu.memory_space<hbm>>
    %dma_wait3A_30 = arith.constant 0 : i32
    %dma_wait3A_31 = tpu.memref_slice %arg2[%add3A_4, %dma_wait3A_30] : memref<16384x512xf32, #tpu.memory_space<hbm>> -> memref<64x512xf32, #tpu.memory_space<hbm>>
    tpu.wait_dma2 semaphore(%arg15 : memref<!tpu.dma_semaphore, #tpu.memory_space<semaphore_mem>>) src(%dma_wait3A_31 : memref<64x512xf32, #tpu.memory_space<hbm>>) dst(%arg12 : memref<64x512xf32, #tpu.memory_space<vmem>>)
    %scan3A_32 = arith.constant 0 : i32
    %scan3A_33 = arith.constant 0 : i32
    %scan3A_34 = arith.constant 64 : i32
    %scan3A_35 = arith.addi %scan3A_33, %scan3A_34 : i32
    %scan3A_36 = arith.constant 1 : i32
    scf.for %scan3A_218 = %scan3A_33 to %scan3A_35 step %scan3A_36  : i32 {
      %add3A_219 = arith.constant 0 : i32
      %add3A_220 = arith.addi %add3A_219, %scan3A_218 : i32
      %broadcast_in_dim3A = vector.broadcast %add3A_220 : i32 to vector<16xi32>
      %gather3A = tpu.vector_load_idx %arg10[%broadcast_in_dim3A] : memref<512xf32, #tpu.memory_space<vmem>>[vector<16xi32>], vector<16xf32>,
      %gather3A_221 = tpu.vector_load_idx %arg11[%broadcast_in_dim3A] : memref<512xf32, #tpu.memory_space<vmem>>[vector<16xi32>], vector<16xf32>,
      %get3A = arith.index_cast %scan3A_218 : i32 to index
      %get3A_222 = arith.constant 0 : index
      %get3A_223 = tpu.vector_load %arg12[%get3A, %get3A_222] {strides = array<i32>} : memref<64x512xf32, #tpu.memory_space<vmem>>, vector<16xf32>,
      %mul3A_224 = arith.mulf %get3A_223, %gather3A : vector<16xf32>
      %add3A_225 = arith.addf %mul3A_224, %gather3A_221 : vector<16xf32>
      %swap3A = arith.index_cast %scan3A_218 : i32 to index
      %swap3A_226 = arith.constant 0 : index
      %swap3A_227 = tpu.vector_load %arg12[%swap3A, %swap3A_226] {strides = array<i32>} : memref<64x512xf32, #tpu.memory_space<vmem>>, vector<16xf32>,
      tpu.vector_store %arg12[%swap3A, %swap3A_226], %add3A_225 {strides = array<i32>} : memref<64x512xf32, #tpu.memory_space<vmem>>, vector<16xf32>,
      %get3A_228 = arith.index_cast %scan3A_218 : i32 to index
      %get3A_229 = arith.constant 16 : index
      %get3A_230 = tpu.vector_load %arg12[%get3A_228, %get3A_229] {strides = array<i32>} : memref<64x512xf32, #tpu.memory_space<vmem>>, vector<16xf32>,
      %mul3A_231 = arith.mulf %get3A_230, %gather3A : vector<16xf32>
      %add3A_232 = arith.addf %mul3A_231, %gather3A_221 : vector<16xf32>
      %swap3A_233 = arith.index_cast %scan3A_218 : i32 to index
      %swap3A_234 = arith.constant 16 : index
      %swap3A_235 = tpu.vector_load %arg12[%swap3A_233, %swap3A_234] {strides = array<i32>} : memref<64x512xf32, #tpu.memory_space<vmem>>, vector<16xf32>,
      tpu.vector_store %arg12[%swap3A_233, %swap3A_234], %add3A_232 {strides = array<i32>} : memref<64x512xf32, #tpu.memory_space<vmem>>, vector<16xf32>,
      %get3A_236 = arith.index_cast %scan3A_218 : i32 to index
      %get3A_237 = arith.constant 32 : index
      %get3A_238 = tpu.vector_load %arg12[%get3A_236, %get3A_237] {strides = array<i32>} : memref<64x512xf32, #tpu.memory_space<vmem>>, vector<16xf32>,
      %mul3A_239 = arith.mulf %get3A_238, %gather3A : vector<16xf32>
      %add3A_240 = arith.addf %mul3A_239, %gather3A_221 : vector<16xf32>
      %swap3A_241 = arith.index_cast %scan3A_218 : i32 to index
      %swap3A_242 = arith.constant 32 : index
      %swap3A_243 = tpu.vector_load %arg12[%swap3A_241, %swap3A_242] {strides = array<i32>} : memref<64x512xf32, #tpu.memory_space<vmem>>, vector<16xf32>,
      tpu.vector_store %arg12[%swap3A_241, %swap3A_242], %add3A_240 {strides = array<i32>} : memref<64x512xf32, #tpu.memory_space<vmem>>, vector<16xf32>,
      %get3A_244 = arith.index_cast %scan3A_218 : i32 to index
      %get3A_245 = arith.constant 48 : index
      %get3A_246 = tpu.vector_load %arg12[%get3A_244, %get3A_245] {strides = array<i32>} : memref<64x512xf32, #tpu.memory_space<vmem>>, vector<16xf32>,
      %mul3A_247 = arith.mulf %get3A_246, %gather3A : vector<16xf32>
      %add3A_248 = arith.addf %mul3A_247, %gather3A_221 : vector<16xf32>
      %swap3A_249 = arith.index_cast %scan3A_218 : i32 to index
      %swap3A_250 = arith.constant 48 : index
      %swap3A_251 = tpu.vector_load %arg12[%swap3A_249, %swap3A_250] {strides = array<i32>} : memref<64x512xf32, #tpu.memory_space<vmem>>, vector<16xf32>,
      tpu.vector_store %arg12[%swap3A_249, %swap3A_250], %add3A_248 {strides = array<i32>} : memref<64x512xf32, #tpu.memory_space<vmem>>, vector<16xf32>,
      %get3A_252 = arith.index_cast %scan3A_218 : i32 to index
      %get3A_253 = arith.constant 64 : index
      %get3A_254 = tpu.vector_load %arg12[%get3A_252, %get3A_253] {strides = array<i32>} : memref<64x512xf32, #tpu.memory_space<vmem>>, vector<16xf32>,
      %mul3A_255 = arith.mulf %get3A_254, %gather3A : vector<16xf32>
      %add3A_256 = arith.addf %mul3A_255, %gather3A_221 : vector<16xf32>
      %swap3A_257 = arith.index_cast %scan3A_218 : i32 to index
      %swap3A_258 = arith.constant 64 : index
      %swap3A_259 = tpu.vector_load %arg12[%swap3A_257, %swap3A_258] {strides = array<i32>} : memref<64x512xf32, #tpu.memory_space<vmem>>, vector<16xf32>,
      tpu.vector_store %arg12[%swap3A_257, %swap3A_258], %add3A_256 {strides = array<i32>} : memref<64x512xf32, #tpu.memory_space<vmem>>, vector<16xf32>,
      %get3A_260 = arith.index_cast %scan3A_218 : i32 to index
      %get3A_261 = arith.constant 80 : index
      %get3A_262 = tpu.vector_load %arg12[%get3A_260, %get3A_261] {strides = array<i32>} : memref<64x512xf32, #tpu.memory_space<vmem>>, vector<16xf32>,
      %mul3A_263 = arith.mulf %get3A_262, %gather3A : vector<16xf32>
      %add3A_264 = arith.addf %mul3A_263, %gather3A_221 : vector<16xf32>
      %swap3A_265 = arith.index_cast %scan3A_218 : i32 to index
      %swap3A_266 = arith.constant 80 : index
      %swap3A_267 = tpu.vector_load %arg12[%swap3A_265, %swap3A_266] {strides = array<i32>} : memref<64x512xf32, #tpu.memory_space<vmem>>, vector<16xf32>,
      tpu.vector_store %arg12[%swap3A_265, %swap3A_266], %add3A_264 {strides = array<i32>} : memref<64x512xf32, #tpu.memory_space<vmem>>, vector<16xf32>,
      %get3A_268 = arith.index_cast %scan3A_218 : i32 to index
      %get3A_269 = arith.constant 96 : index
      %get3A_270 = tpu.vector_load %arg12[%get3A_268, %get3A_269] {strides = array<i32>} : memref<64x512xf32, #tpu.memory_space<vmem>>, vector<16xf32>,
      %mul3A_271 = arith.mulf %get3A_270, %gather3A : vector<16xf32>
      %add3A_272 = arith.addf %mul3A_271, %gather3A_221 : vector<16xf32>
      %swap3A_273 = arith.index_cast %scan3A_218 : i32 to index
      %swap3A_274 = arith.constant 96 : index
      %swap3A_275 = tpu.vector_load %arg12[%swap3A_273, %swap3A_274] {strides = array<i32>} : memref<64x512xf32, #tpu.memory_space<vmem>>, vector<16xf32>,
      tpu.vector_store %arg12[%swap3A_273, %swap3A_274], %add3A_272 {strides = array<i32>} : memref<64x512xf32, #tpu.memory_space<vmem>>, vector<16xf32>,
      %get3A_276 = arith.index_cast %scan3A_218 : i32 to index
      %get3A_277 = arith.constant 112 : index
      %get3A_278 = tpu.vector_load %arg12[%get3A_276, %get3A_277] {strides = array<i32>} : memref<64x512xf32, #tpu.memory_space<vmem>>, vector<16xf32>,
      %mul3A_279 = arith.mulf %get3A_278, %gather3A : vector<16xf32>
      %add3A_280 = arith.addf %mul3A_279, %gather3A_221 : vector<16xf32>
      %swap3A_281 = arith.index_cast %scan3A_218 : i32 to index
      %swap3A_282 = arith.constant 112 : index
      %swap3A_283 = tpu.vector_load %arg12[%swap3A_281, %swap3A_282] {strides = array<i32>} : memref<64x512xf32, #tpu.memory_space<vmem>>, vector<16xf32>,
      tpu.vector_store %arg12[%swap3A_281, %swap3A_282], %add3A_280 {strides = array<i32>} : memref<64x512xf32, #tpu.memory_space<vmem>>, vector<16xf32>,
      %get3A_284 = arith.index_cast %scan3A_218 : i32 to index
      %get3A_285 = arith.constant 128 : index
      %get3A_286 = tpu.vector_load %arg12[%get3A_284, %get3A_285] {strides = array<i32>} : memref<64x512xf32, #tpu.memory_space<vmem>>, vector<16xf32>,
      %mul3A_287 = arith.mulf %get3A_286, %gather3A : vector<16xf32>
      %add3A_288 = arith.addf %mul3A_287, %gather3A_221 : vector<16xf32>
      %swap3A_289 = arith.index_cast %scan3A_218 : i32 to index
      %swap3A_290 = arith.constant 128 : index
      %swap3A_291 = tpu.vector_load %arg12[%swap3A_289, %swap3A_290] {strides = array<i32>} : memref<64x512xf32, #tpu.memory_space<vmem>>, vector<16xf32>,
      tpu.vector_store %arg12[%swap3A_289, %swap3A_290], %add3A_288 {strides = array<i32>} : memref<64x512xf32, #tpu.memory_space<vmem>>, vector<16xf32>,
      %get3A_292 = arith.index_cast %scan3A_218 : i32 to index
      %get3A_293 = arith.constant 144 : index
      %get3A_294 = tpu.vector_load %arg12[%get3A_292, %get3A_293] {strides = array<i32>} : memref<64x512xf32, #tpu.memory_space<vmem>>, vector<16xf32>,
      %mul3A_295 = arith.mulf %get3A_294, %gather3A : vector<16xf32>
      %add3A_296 = arith.addf %mul3A_295, %gather3A_221 : vector<16xf32>
      %swap3A_297 = arith.index_cast %scan3A_218 : i32 to index
      %swap3A_298 = arith.constant 144 : index
      %swap3A_299 = tpu.vector_load %arg12[%swap3A_297, %swap3A_298] {strides = array<i32>} : memref<64x512xf32, #tpu.memory_space<vmem>>, vector<16xf32>,
      tpu.vector_store %arg12[%swap3A_297, %swap3A_298], %add3A_296 {strides = array<i32>} : memref<64x512xf32, #tpu.memory_space<vmem>>, vector<16xf32>,
      %get3A_300 = arith.index_cast %scan3A_218 : i32 to index
      %get3A_301 = arith.constant 160 : index
      %get3A_302 = tpu.vector_load %arg12[%get3A_300, %get3A_301] {strides = array<i32>} : memref<64x512xf32, #tpu.memory_space<vmem>>, vector<16xf32>,
      %mul3A_303 = arith.mulf %get3A_302, %gather3A : vector<16xf32>
      %add3A_304 = arith.addf %mul3A_303, %gather3A_221 : vector<16xf32>
      %swap3A_305 = arith.index_cast %scan3A_218 : i32 to index
      %swap3A_306 = arith.constant 160 : index
      %swap3A_307 = tpu.vector_load %arg12[%swap3A_305, %swap3A_306] {strides = array<i32>} : memref<64x512xf32, #tpu.memory_space<vmem>>, vector<16xf32>,
      tpu.vector_store %arg12[%swap3A_305, %swap3A_306], %add3A_304 {strides = array<i32>} : memref<64x512xf32, #tpu.memory_space<vmem>>, vector<16xf32>,
      %get3A_308 = arith.index_cast %scan3A_218 : i32 to index
      %get3A_309 = arith.constant 176 : index
      %get3A_310 = tpu.vector_load %arg12[%get3A_308, %get3A_309] {strides = array<i32>} : memref<64x512xf32, #tpu.memory_space<vmem>>, vector<16xf32>,
      %mul3A_311 = arith.mulf %get3A_310, %gather3A : vector<16xf32>
      %add3A_312 = arith.addf %mul3A_311, %gather3A_221 : vector<16xf32>
      %swap3A_313 = arith.index_cast %scan3A_218 : i32 to index
      %swap3A_314 = arith.constant 176 : index
      %swap3A_315 = tpu.vector_load %arg12[%swap3A_313, %swap3A_314] {strides = array<i32>} : memref<64x512xf32, #tpu.memory_space<vmem>>, vector<16xf32>,
      tpu.vector_store %arg12[%swap3A_313, %swap3A_314], %add3A_312 {strides = array<i32>} : memref<64x512xf32, #tpu.memory_space<vmem>>, vector<16xf32>,
      %get3A_316 = arith.index_cast %scan3A_218 : i32 to index
      %get3A_317 = arith.constant 192 : index
      %get3A_318 = tpu.vector_load %arg12[%get3A_316, %get3A_317] {strides = array<i32>} : memref<64x512xf32, #tpu.memory_space<vmem>>, vector<16xf32>,
      %mul3A_319 = arith.mulf %get3A_318, %gather3A : vector<16xf32>
      %add3A_320 = arith.addf %mul3A_319, %gather3A_221 : vector<16xf32>
      %swap3A_321 = arith.index_cast %scan3A_218 : i32 to index
      %swap3A_322 = arith.constant 192 : index
      %swap3A_323 = tpu.vector_load %arg12[%swap3A_321, %swap3A_322] {strides = array<i32>} : memref<64x512xf32, #tpu.memory_space<vmem>>, vector<16xf32>,
      tpu.vector_store %arg12[%swap3A_321, %swap3A_322], %add3A_320 {strides = array<i32>} : memref<64x512xf32, #tpu.memory_space<vmem>>, vector<16xf32>,
      %get3A_324 = arith.index_cast %scan3A_218 : i32 to index
      %get3A_325 = arith.constant 208 : index
      %get3A_326 = tpu.vector_load %arg12[%get3A_324, %get3A_325] {strides = array<i32>} : memref<64x512xf32, #tpu.memory_space<vmem>>, vector<16xf32>,
      %mul3A_327 = arith.mulf %get3A_326, %gather3A : vector<16xf32>
      %add3A_328 = arith.addf %mul3A_327, %gather3A_221 : vector<16xf32>
      %swap3A_329 = arith.index_cast %scan3A_218 : i32 to index
      %swap3A_330 = arith.constant 208 : index
      %swap3A_331 = tpu.vector_load %arg12[%swap3A_329, %swap3A_330] {strides = array<i32>} : memref<64x512xf32, #tpu.memory_space<vmem>>, vector<16xf32>,
      tpu.vector_store %arg12[%swap3A_329, %swap3A_330], %add3A_328 {strides = array<i32>} : memref<64x512xf32, #tpu.memory_space<vmem>>, vector<16xf32>,
      %get3A_332 = arith.index_cast %scan3A_218 : i32 to index
      %get3A_333 = arith.constant 224 : index
      %get3A_334 = tpu.vector_load %arg12[%get3A_332, %get3A_333] {strides = array<i32>} : memref<64x512xf32, #tpu.memory_space<vmem>>, vector<16xf32>,
      %mul3A_335 = arith.mulf %get3A_334, %gather3A : vector<16xf32>
      %add3A_336 = arith.addf %mul3A_335, %gather3A_221 : vector<16xf32>
      %swap3A_337 = arith.index_cast %scan3A_218 : i32 to index
      %swap3A_338 = arith.constant 224 : index
      %swap3A_339 = tpu.vector_load %arg12[%swap3A_337, %swap3A_338] {strides = array<i32>} : memref<64x512xf32, #tpu.memory_space<vmem>>, vector<16xf32>,
      tpu.vector_store %arg12[%swap3A_337, %swap3A_338], %add3A_336 {strides = array<i32>} : memref<64x512xf32, #tpu.memory_space<vmem>>, vector<16xf32>,
      %get3A_340 = arith.index_cast %scan3A_218 : i32 to index
      %get3A_341 = arith.constant 240 : index
      %get3A_342 = tpu.vector_load %arg12[%get3A_340, %get3A_341] {strides = array<i32>} : memref<64x512xf32, #tpu.memory_space<vmem>>, vector<16xf32>,
      %mul3A_343 = arith.mulf %get3A_342, %gather3A : vector<16xf32>
      %add3A_344 = arith.addf %mul3A_343, %gather3A_221 : vector<16xf32>
      %swap3A_345 = arith.index_cast %scan3A_218 : i32 to index
      %swap3A_346 = arith.constant 240 : index
      %swap3A_347 = tpu.vector_load %arg12[%swap3A_345, %swap3A_346] {strides = array<i32>} : memref<64x512xf32, #tpu.memory_space<vmem>>, vector<16xf32>,
      tpu.vector_store %arg12[%swap3A_345, %swap3A_346], %add3A_344 {strides = array<i32>} : memref<64x512xf32, #tpu.memory_space<vmem>>, vector<16xf32>,
      %get3A_348 = arith.index_cast %scan3A_218 : i32 to index
      %get3A_349 = arith.constant 256 : index
      %get3A_350 = tpu.vector_load %arg12[%get3A_348, %get3A_349] {strides = array<i32>} : memref<64x512xf32, #tpu.memory_space<vmem>>, vector<16xf32>,
      %mul3A_351 = arith.mulf %get3A_350, %gather3A : vector<16xf32>
      %add3A_352 = arith.addf %mul3A_351, %gather3A_221 : vector<16xf32>
      %swap3A_353 = arith.index_cast %scan3A_218 : i32 to index
      %swap3A_354 = arith.constant 256 : index
      %swap3A_355 = tpu.vector_load %arg12[%swap3A_353, %swap3A_354] {strides = array<i32>} : memref<64x512xf32, #tpu.memory_space<vmem>>, vector<16xf32>,
      tpu.vector_store %arg12[%swap3A_353, %swap3A_354], %add3A_352 {strides = array<i32>} : memref<64x512xf32, #tpu.memory_space<vmem>>, vector<16xf32>,
      %get3A_356 = arith.index_cast %scan3A_218 : i32 to index
      %get3A_357 = arith.constant 272 : index
      %get3A_358 = tpu.vector_load %arg12[%get3A_356, %get3A_357] {strides = array<i32>} : memref<64x512xf32, #tpu.memory_space<vmem>>, vector<16xf32>,
      %mul3A_359 = arith.mulf %get3A_358, %gather3A : vector<16xf32>
      %add3A_360 = arith.addf %mul3A_359, %gather3A_221 : vector<16xf32>
      %swap3A_361 = arith.index_cast %scan3A_218 : i32 to index
      %swap3A_362 = arith.constant 272 : index
      %swap3A_363 = tpu.vector_load %arg12[%swap3A_361, %swap3A_362] {strides = array<i32>} : memref<64x512xf32, #tpu.memory_space<vmem>>, vector<16xf32>,
      tpu.vector_store %arg12[%swap3A_361, %swap3A_362], %add3A_360 {strides = array<i32>} : memref<64x512xf32, #tpu.memory_space<vmem>>, vector<16xf32>,
      %get3A_364 = arith.index_cast %scan3A_218 : i32 to index
      %get3A_365 = arith.constant 288 : index
      %get3A_366 = tpu.vector_load %arg12[%get3A_364, %get3A_365] {strides = array<i32>} : memref<64x512xf32, #tpu.memory_space<vmem>>, vector<16xf32>,
      %mul3A_367 = arith.mulf %get3A_366, %gather3A : vector<16xf32>
      %add3A_368 = arith.addf %mul3A_367, %gather3A_221 : vector<16xf32>
      %swap3A_369 = arith.index_cast %scan3A_218 : i32 to index
      %swap3A_370 = arith.constant 288 : index
      %swap3A_371 = tpu.vector_load %arg12[%swap3A_369, %swap3A_370] {strides = array<i32>} : memref<64x512xf32, #tpu.memory_space<vmem>>, vector<16xf32>,
      tpu.vector_store %arg12[%swap3A_369, %swap3A_370], %add3A_368 {strides = array<i32>} : memref<64x512xf32, #tpu.memory_space<vmem>>, vector<16xf32>,
      %get3A_372 = arith.index_cast %scan3A_218 : i32 to index
      %get3A_373 = arith.constant 304 : index
      %get3A_374 = tpu.vector_load %arg12[%get3A_372, %get3A_373] {strides = array<i32>} : memref<64x512xf32, #tpu.memory_space<vmem>>, vector<16xf32>,
      %mul3A_375 = arith.mulf %get3A_374, %gather3A : vector<16xf32>
      %add3A_376 = arith.addf %mul3A_375, %gather3A_221 : vector<16xf32>
      %swap3A_377 = arith.index_cast %scan3A_218 : i32 to index
      %swap3A_378 = arith.constant 304 : index
      %swap3A_379 = tpu.vector_load %arg12[%swap3A_377, %swap3A_378] {strides = array<i32>} : memref<64x512xf32, #tpu.memory_space<vmem>>, vector<16xf32>,
      tpu.vector_store %arg12[%swap3A_377, %swap3A_378], %add3A_376 {strides = array<i32>} : memref<64x512xf32, #tpu.memory_space<vmem>>, vector<16xf32>,
      %get3A_380 = arith.index_cast %scan3A_218 : i32 to index
      %get3A_381 = arith.constant 320 : index
      %get3A_382 = tpu.vector_load %arg12[%get3A_380, %get3A_381] {strides = array<i32>} : memref<64x512xf32, #tpu.memory_space<vmem>>, vector<16xf32>,
      %mul3A_383 = arith.mulf %get3A_382, %gather3A : vector<16xf32>
      %add3A_384 = arith.addf %mul3A_383, %gather3A_221 : vector<16xf32>
      %swap3A_385 = arith.index_cast %scan3A_218 : i32 to index
      %swap3A_386 = arith.constant 320 : index
      %swap3A_387 = tpu.vector_load %arg12[%swap3A_385, %swap3A_386] {strides = array<i32>} : memref<64x512xf32, #tpu.memory_space<vmem>>, vector<16xf32>,
      tpu.vector_store %arg12[%swap3A_385, %swap3A_386], %add3A_384 {strides = array<i32>} : memref<64x512xf32, #tpu.memory_space<vmem>>, vector<16xf32>,
      %get3A_388 = arith.index_cast %scan3A_218 : i32 to index
      %get3A_389 = arith.constant 336 : index
      %get3A_390 = tpu.vector_load %arg12[%get3A_388, %get3A_389] {strides = array<i32>} : memref<64x512xf32, #tpu.memory_space<vmem>>, vector<16xf32>,
      %mul3A_391 = arith.mulf %get3A_390, %gather3A : vector<16xf32>
      %add3A_392 = arith.addf %mul3A_391, %gather3A_221 : vector<16xf32>
      %swap3A_393 = arith.index_cast %scan3A_218 : i32 to index
      %swap3A_394 = arith.constant 336 : index
      %swap3A_395 = tpu.vector_load %arg12[%swap3A_393, %swap3A_394] {strides = array<i32>} : memref<64x512xf32, #tpu.memory_space<vmem>>, vector<16xf32>,
      tpu.vector_store %arg12[%swap3A_393, %swap3A_394], %add3A_392 {strides = array<i32>} : memref<64x512xf32, #tpu.memory_space<vmem>>, vector<16xf32>,
      %get3A_396 = arith.index_cast %scan3A_218 : i32 to index
      %get3A_397 = arith.constant 352 : index
      %get3A_398 = tpu.vector_load %arg12[%get3A_396, %get3A_397] {strides = array<i32>} : memref<64x512xf32, #tpu.memory_space<vmem>>, vector<16xf32>,
      %mul3A_399 = arith.mulf %get3A_398, %gather3A : vector<16xf32>
      %add3A_400 = arith.addf %mul3A_399, %gather3A_221 : vector<16xf32>
      %swap3A_401 = arith.index_cast %scan3A_218 : i32 to index
      %swap3A_402 = arith.constant 352 : index
      %swap3A_403 = tpu.vector_load %arg12[%swap3A_401, %swap3A_402] {strides = array<i32>} : memref<64x512xf32, #tpu.memory_space<vmem>>, vector<16xf32>,
      tpu.vector_store %arg12[%swap3A_401, %swap3A_402], %add3A_400 {strides = array<i32>} : memref<64x512xf32, #tpu.memory_space<vmem>>, vector<16xf32>,
      %get3A_404 = arith.index_cast %scan3A_218 : i32 to index
      %get3A_405 = arith.constant 368 : index
      %get3A_406 = tpu.vector_load %arg12[%get3A_404, %get3A_405] {strides = array<i32>} : memref<64x512xf32, #tpu.memory_space<vmem>>, vector<16xf32>,
      %mul3A_407 = arith.mulf %get3A_406, %gather3A : vector<16xf32>
      %add3A_408 = arith.addf %mul3A_407, %gather3A_221 : vector<16xf32>
      %swap3A_409 = arith.index_cast %scan3A_218 : i32 to index
      %swap3A_410 = arith.constant 368 : index
      %swap3A_411 = tpu.vector_load %arg12[%swap3A_409, %swap3A_410] {strides = array<i32>} : memref<64x512xf32, #tpu.memory_space<vmem>>, vector<16xf32>,
      tpu.vector_store %arg12[%swap3A_409, %swap3A_410], %add3A_408 {strides = array<i32>} : memref<64x512xf32, #tpu.memory_space<vmem>>, vector<16xf32>,
      %get3A_412 = arith.index_cast %scan3A_218 : i32 to index
      %get3A_413 = arith.constant 384 : index
      %get3A_414 = tpu.vector_load %arg12[%get3A_412, %get3A_413] {strides = array<i32>} : memref<64x512xf32, #tpu.memory_space<vmem>>, vector<16xf32>,
      %mul3A_415 = arith.mulf %get3A_414, %gather3A : vector<16xf32>
      %add3A_416 = arith.addf %mul3A_415, %gather3A_221 : vector<16xf32>
      %swap3A_417 = arith.index_cast %scan3A_218 : i32 to index
      %swap3A_418 = arith.constant 384 : index
      %swap3A_419 = tpu.vector_load %arg12[%swap3A_417, %swap3A_418] {strides = array<i32>} : memref<64x512xf32, #tpu.memory_space<vmem>>, vector<16xf32>,
      tpu.vector_store %arg12[%swap3A_417, %swap3A_418], %add3A_416 {strides = array<i32>} : memref<64x512xf32, #tpu.memory_space<vmem>>, vector<16xf32>,
      %get3A_420 = arith.index_cast %scan3A_218 : i32 to index
      %get3A_421 = arith.constant 400 : index
      %get3A_422 = tpu.vector_load %arg12[%get3A_420, %get3A_421] {strides = array<i32>} : memref<64x512xf32, #tpu.memory_space<vmem>>, vector<16xf32>,
      %mul3A_423 = arith.mulf %get3A_422, %gather3A : vector<16xf32>
      %add3A_424 = arith.addf %mul3A_423, %gather3A_221 : vector<16xf32>
      %swap3A_425 = arith.index_cast %scan3A_218 : i32 to index
      %swap3A_426 = arith.constant 400 : index
      %swap3A_427 = tpu.vector_load %arg12[%swap3A_425, %swap3A_426] {strides = array<i32>} : memref<64x512xf32, #tpu.memory_space<vmem>>, vector<16xf32>,
      tpu.vector_store %arg12[%swap3A_425, %swap3A_426], %add3A_424 {strides = array<i32>} : memref<64x512xf32, #tpu.memory_space<vmem>>, vector<16xf32>,
      %get3A_428 = arith.index_cast %scan3A_218 : i32 to index
      %get3A_429 = arith.constant 416 : index
      %get3A_430 = tpu.vector_load %arg12[%get3A_428, %get3A_429] {strides = array<i32>} : memref<64x512xf32, #tpu.memory_space<vmem>>, vector<16xf32>,
      %mul3A_431 = arith.mulf %get3A_430, %gather3A : vector<16xf32>
      %add3A_432 = arith.addf %mul3A_431, %gather3A_221 : vector<16xf32>
      %swap3A_433 = arith.index_cast %scan3A_218 : i32 to index
      %swap3A_434 = arith.constant 416 : index
      %swap3A_435 = tpu.vector_load %arg12[%swap3A_433, %swap3A_434] {strides = array<i32>} : memref<64x512xf32, #tpu.memory_space<vmem>>, vector<16xf32>,
      tpu.vector_store %arg12[%swap3A_433, %swap3A_434], %add3A_432 {strides = array<i32>} : memref<64x512xf32, #tpu.memory_space<vmem>>, vector<16xf32>,
      %get3A_436 = arith.index_cast %scan3A_218 : i32 to index
      %get3A_437 = arith.constant 432 : index
      %get3A_438 = tpu.vector_load %arg12[%get3A_436, %get3A_437] {strides = array<i32>} : memref<64x512xf32, #tpu.memory_space<vmem>>, vector<16xf32>,
      %mul3A_439 = arith.mulf %get3A_438, %gather3A : vector<16xf32>
      %add3A_440 = arith.addf %mul3A_439, %gather3A_221 : vector<16xf32>
      %swap3A_441 = arith.index_cast %scan3A_218 : i32 to index
      %swap3A_442 = arith.constant 432 : index
      %swap3A_443 = tpu.vector_load %arg12[%swap3A_441, %swap3A_442] {strides = array<i32>} : memref<64x512xf32, #tpu.memory_space<vmem>>, vector<16xf32>,
      tpu.vector_store %arg12[%swap3A_441, %swap3A_442], %add3A_440 {strides = array<i32>} : memref<64x512xf32, #tpu.memory_space<vmem>>, vector<16xf32>,
      %get3A_444 = arith.index_cast %scan3A_218 : i32 to index
      %get3A_445 = arith.constant 448 : index
      %get3A_446 = tpu.vector_load %arg12[%get3A_444, %get3A_445] {strides = array<i32>} : memref<64x512xf32, #tpu.memory_space<vmem>>, vector<16xf32>,
      %mul3A_447 = arith.mulf %get3A_446, %gather3A : vector<16xf32>
      %add3A_448 = arith.addf %mul3A_447, %gather3A_221 : vector<16xf32>
      %swap3A_449 = arith.index_cast %scan3A_218 : i32 to index
      %swap3A_450 = arith.constant 448 : index
      %swap3A_451 = tpu.vector_load %arg12[%swap3A_449, %swap3A_450] {strides = array<i32>} : memref<64x512xf32, #tpu.memory_space<vmem>>, vector<16xf32>,
      tpu.vector_store %arg12[%swap3A_449, %swap3A_450], %add3A_448 {strides = array<i32>} : memref<64x512xf32, #tpu.memory_space<vmem>>, vector<16xf32>,
      %get3A_452 = arith.index_cast %scan3A_218 : i32 to index
      %get3A_453 = arith.constant 464 : index
      %get3A_454 = tpu.vector_load %arg12[%get3A_452, %get3A_453] {strides = array<i32>} : memref<64x512xf32, #tpu.memory_space<vmem>>, vector<16xf32>,
      %mul3A_455 = arith.mulf %get3A_454, %gather3A : vector<16xf32>
      %add3A_456 = arith.addf %mul3A_455, %gather3A_221 : vector<16xf32>
      %swap3A_457 = arith.index_cast %scan3A_218 : i32 to index
      %swap3A_458 = arith.constant 464 : index
      %swap3A_459 = tpu.vector_load %arg12[%swap3A_457, %swap3A_458] {strides = array<i32>} : memref<64x512xf32, #tpu.memory_space<vmem>>, vector<16xf32>,
      tpu.vector_store %arg12[%swap3A_457, %swap3A_458], %add3A_456 {strides = array<i32>} : memref<64x512xf32, #tpu.memory_space<vmem>>, vector<16xf32>,
      %get3A_460 = arith.index_cast %scan3A_218 : i32 to index
      %get3A_461 = arith.constant 480 : index
      %get3A_462 = tpu.vector_load %arg12[%get3A_460, %get3A_461] {strides = array<i32>} : memref<64x512xf32, #tpu.memory_space<vmem>>, vector<16xf32>,
      %mul3A_463 = arith.mulf %get3A_462, %gather3A : vector<16xf32>
      %add3A_464 = arith.addf %mul3A_463, %gather3A_221 : vector<16xf32>
      %swap3A_465 = arith.index_cast %scan3A_218 : i32 to index
      %swap3A_466 = arith.constant 480 : index
      %swap3A_467 = tpu.vector_load %arg12[%swap3A_465, %swap3A_466] {strides = array<i32>} : memref<64x512xf32, #tpu.memory_space<vmem>>, vector<16xf32>,
      tpu.vector_store %arg12[%swap3A_465, %swap3A_466], %add3A_464 {strides = array<i32>} : memref<64x512xf32, #tpu.memory_space<vmem>>, vector<16xf32>,
      %get3A_468 = arith.index_cast %scan3A_218 : i32 to index
      %get3A_469 = arith.constant 496 : index
      %get3A_470 = tpu.vector_load %arg12[%get3A_468, %get3A_469] {strides = array<i32>} : memref<64x512xf32, #tpu.memory_space<vmem>>, vector<16xf32>,
      %mul3A_471 = arith.mulf %get3A_470, %gather3A : vector<16xf32>
      %add3A_472 = arith.addf %mul3A_471, %gather3A_221 : vector<16xf32>
      %swap3A_473 = arith.index_cast %scan3A_218 : i32 to index
      %swap3A_474 = arith.constant 496 : index
      %swap3A_475 = tpu.vector_load %arg12[%swap3A_473, %swap3A_474] {strides = array<i32>} : memref<64x512xf32, #tpu.memory_space<vmem>>, vector<16xf32>,
      tpu.vector_store %arg12[%swap3A_473, %swap3A_474], %add3A_472 {strides = array<i32>} : memref<64x512xf32, #tpu.memory_space<vmem>>, vector<16xf32>,
    }
    %scan3A_37 = arith.constant 64 : i32
    %add3A_38 = arith.constant 0 : i32
    %add3A_39 = arith.addi %mul3A_2, %add3A_38 : i32
    %dma_start3A_40 = arith.constant 0 : i32
    %dma_start3A_41 = tpu.memref_slice %arg6[%add3A_39, %dma_start3A_40] : memref<16384x512xf32, #tpu.memory_space<hbm>> -> memref<64x512xf32, #tpu.memory_space<hbm>>
    %dma_start3A_42 = arith.constant 0 : i32
    %dma_start3A_43 = tpu.memref_slice %arg6[%add3A_39, %dma_start3A_42] : memref<16384x512xf32, #tpu.memory_space<hbm>> -> memref<64x512xf32, #tpu.memory_space<hbm>>
    tpu.enqueue_dma source(%arg12 : memref<64x512xf32, #tpu.memory_space<vmem>>) target(%dma_start3A_43 : memref<64x512xf32, #tpu.memory_space<hbm>>) target_semaphore(%arg18 : memref<!tpu.dma_semaphore, #tpu.memory_space<semaphore_mem>>)
    %dma_wait3A_44 = arith.constant 0 : i32
    %dma_wait3A_45 = tpu.memref_slice %arg6[%add3A_39, %dma_wait3A_44] : memref<16384x512xf32, #tpu.memory_space<hbm>> -> memref<64x512xf32, #tpu.memory_space<hbm>>
    %dma_wait3A_46 = arith.constant 0 : i32
    %dma_wait3A_47 = tpu.memref_slice %arg6[%add3A_39, %dma_wait3A_46] : memref<16384x512xf32, #tpu.memory_space<hbm>> -> memref<64x512xf32, #tpu.memory_space<hbm>>
    tpu.wait_dma2 semaphore(%arg18 : memref<!tpu.dma_semaphore, #tpu.memory_space<semaphore_mem>>) src(%arg12 : memref<64x512xf32, #tpu.memory_space<vmem>>) dst(%dma_wait3A_47 : memref<64x512xf32, #tpu.memory_space<hbm>>)
    %add3A_48 = arith.constant 192 : i32
    %add3A_49 = arith.addi %mul3A_2, %add3A_48 : i32
    %dma_start3A_50 = arith.constant 0 : i32
    %dma_start3A_51 = tpu.memref_slice %arg2[%add3A_49, %dma_start3A_50] : memref<16384x512xf32, #tpu.memory_space<hbm>> -> memref<64x512xf32, #tpu.memory_space<hbm>>
    %dma_start3A_52 = arith.constant 0 : i32
    %dma_start3A_53 = tpu.memref_slice %arg2[%add3A_49, %dma_start3A_52] : memref<16384x512xf32, #tpu.memory_space<hbm>> -> memref<64x512xf32, #tpu.memory_space<hbm>>
    tpu.enqueue_dma source(%dma_start3A_53 : memref<64x512xf32, #tpu.memory_space<hbm>>) target(%arg12 : memref<64x512xf32, #tpu.memory_space<vmem>>) target_semaphore(%arg15 : memref<!tpu.dma_semaphore, #tpu.memory_space<semaphore_mem>>)
    %dma_wait3A_54 = arith.constant 0 : i32
    %dma_wait3A_55 = tpu.memref_slice %arg2[%add3A_9, %dma_wait3A_54] : memref<16384x512xf32, #tpu.memory_space<hbm>> -> memref<64x512xf32, #tpu.memory_space<hbm>>
    %dma_wait3A_56 = arith.constant 0 : i32
    %dma_wait3A_57 = tpu.memref_slice %arg2[%add3A_9, %dma_wait3A_56] : memref<16384x512xf32, #tpu.memory_space<hbm>> -> memref<64x512xf32, #tpu.memory_space<hbm>>
    tpu.wait_dma2 semaphore(%arg16 : memref<!tpu.dma_semaphore, #tpu.memory_space<semaphore_mem>>) src(%dma_wait3A_57 : memref<64x512xf32, #tpu.memory_space<hbm>>) dst(%arg13 : memref<64x512xf32, #tpu.memory_space<vmem>>)
    %scan3A_58 = arith.constant 0 : i32
    %scan3A_59 = arith.constant 0 : i32
    %scan3A_60 = arith.constant 64 : i32
    %scan3A_61 = arith.addi %scan3A_59, %scan3A_60 : i32
    %scan3A_62 = arith.constant 1 : i32
    scf.for %scan3A_218 = %scan3A_59 to %scan3A_61 step %scan3A_62  : i32 {
      %add3A_219 = arith.constant 64 : i32
      %add3A_220 = arith.addi %add3A_219, %scan3A_218 : i32
      %broadcast_in_dim3A = vector.broadcast %add3A_220 : i32 to vector<16xi32>
      %gather3A = tpu.vector_load_idx %arg10[%broadcast_in_dim3A] : memref<512xf32, #tpu.memory_space<vmem>>[vector<16xi32>], vector<16xf32>,
      %gather3A_221 = tpu.vector_load_idx %arg11[%broadcast_in_dim3A] : memref<512xf32, #tpu.memory_space<vmem>>[vector<16xi32>], vector<16xf32>,
      %get3A = arith.index_cast %scan3A_218 : i32 to index
      %get3A_222 = arith.constant 0 : index
      %get3A_223 = tpu.vector_load %arg13[%get3A, %get3A_222] {strides = array<i32>} : memref<64x512xf32, #tpu.memory_space<vmem>>, vector<16xf32>,
      %mul3A_224 = arith.mulf %get3A_223, %gather3A : vector<16xf32>
      %add3A_225 = arith.addf %mul3A_224, %gather3A_221 : vector<16xf32>
      %swap3A = arith.index_cast %scan3A_218 : i32 to index
      %swap3A_226 = arith.constant 0 : index
      %swap3A_227 = tpu.vector_load %arg13[%swap3A, %swap3A_226] {strides = array<i32>} : memref<64x512xf32, #tpu.memory_space<vmem>>, vector<16xf32>,
      tpu.vector_store %arg13[%swap3A, %swap3A_226], %add3A_225 {strides = array<i32>} : memref<64x512xf32, #tpu.memory_space<vmem>>, vector<16xf32>,
      %get3A_228 = arith.index_cast %scan3A_218 : i32 to index
      %get3A_229 = arith.constant 16 : index
      %get3A_230 = tpu.vector_load %arg13[%get3A_228, %get3A_229] {strides = array<i32>} : memref<64x512xf32, #tpu.memory_space<vmem>>, vector<16xf32>,
      %mul3A_231 = arith.mulf %get3A_230, %gather3A : vector<16xf32>
      %add3A_232 = arith.addf %mul3A_231, %gather3A_221 : vector<16xf32>
      %swap3A_233 = arith.index_cast %scan3A_218 : i32 to index
      %swap3A_234 = arith.constant 16 : index
      %swap3A_235 = tpu.vector_load %arg13[%swap3A_233, %swap3A_234] {strides = array<i32>} : memref<64x512xf32, #tpu.memory_space<vmem>>, vector<16xf32>,
      tpu.vector_store %arg13[%swap3A_233, %swap3A_234], %add3A_232 {strides = array<i32>} : memref<64x512xf32, #tpu.memory_space<vmem>>, vector<16xf32>,
      %get3A_236 = arith.index_cast %scan3A_218 : i32 to index
      %get3A_237 = arith.constant 32 : index
      %get3A_238 = tpu.vector_load %arg13[%get3A_236, %get3A_237] {strides = array<i32>} : memref<64x512xf32, #tpu.memory_space<vmem>>, vector<16xf32>,
      %mul3A_239 = arith.mulf %get3A_238, %gather3A : vector<16xf32>
      %add3A_240 = arith.addf %mul3A_239, %gather3A_221 : vector<16xf32>
      %swap3A_241 = arith.index_cast %scan3A_218 : i32 to index
      %swap3A_242 = arith.constant 32 : index
      %swap3A_243 = tpu.vector_load %arg13[%swap3A_241, %swap3A_242] {strides = array<i32>} : memref<64x512xf32, #tpu.memory_space<vmem>>, vector<16xf32>,
      tpu.vector_store %arg13[%swap3A_241, %swap3A_242], %add3A_240 {strides = array<i32>} : memref<64x512xf32, #tpu.memory_space<vmem>>, vector<16xf32>,
      %get3A_244 = arith.index_cast %scan3A_218 : i32 to index
      %get3A_245 = arith.constant 48 : index
      %get3A_246 = tpu.vector_load %arg13[%get3A_244, %get3A_245] {strides = array<i32>} : memref<64x512xf32, #tpu.memory_space<vmem>>, vector<16xf32>,
      %mul3A_247 = arith.mulf %get3A_246, %gather3A : vector<16xf32>
      %add3A_248 = arith.addf %mul3A_247, %gather3A_221 : vector<16xf32>
      %swap3A_249 = arith.index_cast %scan3A_218 : i32 to index
      %swap3A_250 = arith.constant 48 : index
      %swap3A_251 = tpu.vector_load %arg13[%swap3A_249, %swap3A_250] {strides = array<i32>} : memref<64x512xf32, #tpu.memory_space<vmem>>, vector<16xf32>,
      tpu.vector_store %arg13[%swap3A_249, %swap3A_250], %add3A_248 {strides = array<i32>} : memref<64x512xf32, #tpu.memory_space<vmem>>, vector<16xf32>,
      %get3A_252 = arith.index_cast %scan3A_218 : i32 to index
      %get3A_253 = arith.constant 64 : index
      %get3A_254 = tpu.vector_load %arg13[%get3A_252, %get3A_253] {strides = array<i32>} : memref<64x512xf32, #tpu.memory_space<vmem>>, vector<16xf32>,
      %mul3A_255 = arith.mulf %get3A_254, %gather3A : vector<16xf32>
      %add3A_256 = arith.addf %mul3A_255, %gather3A_221 : vector<16xf32>
      %swap3A_257 = arith.index_cast %scan3A_218 : i32 to index
      %swap3A_258 = arith.constant 64 : index
      %swap3A_259 = tpu.vector_load %arg13[%swap3A_257, %swap3A_258] {strides = array<i32>} : memref<64x512xf32, #tpu.memory_space<vmem>>, vector<16xf32>,
      tpu.vector_store %arg13[%swap3A_257, %swap3A_258], %add3A_256 {strides = array<i32>} : memref<64x512xf32, #tpu.memory_space<vmem>>, vector<16xf32>,
      %get3A_260 = arith.index_cast %scan3A_218 : i32 to index
      %get3A_261 = arith.constant 80 : index
      %get3A_262 = tpu.vector_load %arg13[%get3A_260, %get3A_261] {strides = array<i32>} : memref<64x512xf32, #tpu.memory_space<vmem>>, vector<16xf32>,
      %mul3A_263 = arith.mulf %get3A_262, %gather3A : vector<16xf32>
      %add3A_264 = arith.addf %mul3A_263, %gather3A_221 : vector<16xf32>
      %swap3A_265 = arith.index_cast %scan3A_218 : i32 to index
      %swap3A_266 = arith.constant 80 : index
      %swap3A_267 = tpu.vector_load %arg13[%swap3A_265, %swap3A_266] {strides = array<i32>} : memref<64x512xf32, #tpu.memory_space<vmem>>, vector<16xf32>,
      tpu.vector_store %arg13[%swap3A_265, %swap3A_266], %add3A_264 {strides = array<i32>} : memref<64x512xf32, #tpu.memory_space<vmem>>, vector<16xf32>,
      %get3A_268 = arith.index_cast %scan3A_218 : i32 to index
      %get3A_269 = arith.constant 96 : index
      %get3A_270 = tpu.vector_load %arg13[%get3A_268, %get3A_269] {strides = array<i32>} : memref<64x512xf32, #tpu.memory_space<vmem>>, vector<16xf32>,
      %mul3A_271 = arith.mulf %get3A_270, %gather3A : vector<16xf32>
      %add3A_272 = arith.addf %mul3A_271, %gather3A_221 : vector<16xf32>
      %swap3A_273 = arith.index_cast %scan3A_218 : i32 to index
      %swap3A_274 = arith.constant 96 : index
      %swap3A_275 = tpu.vector_load %arg13[%swap3A_273, %swap3A_274] {strides = array<i32>} : memref<64x512xf32, #tpu.memory_space<vmem>>, vector<16xf32>,
      tpu.vector_store %arg13[%swap3A_273, %swap3A_274], %add3A_272 {strides = array<i32>} : memref<64x512xf32, #tpu.memory_space<vmem>>, vector<16xf32>,
      %get3A_276 = arith.index_cast %scan3A_218 : i32 to index
      %get3A_277 = arith.constant 112 : index
      %get3A_278 = tpu.vector_load %arg13[%get3A_276, %get3A_277] {strides = array<i32>} : memref<64x512xf32, #tpu.memory_space<vmem>>, vector<16xf32>,
      %mul3A_279 = arith.mulf %get3A_278, %gather3A : vector<16xf32>
      %add3A_280 = arith.addf %mul3A_279, %gather3A_221 : vector<16xf32>
      %swap3A_281 = arith.index_cast %scan3A_218 : i32 to index
      %swap3A_282 = arith.constant 112 : index
      %swap3A_283 = tpu.vector_load %arg13[%swap3A_281, %swap3A_282] {strides = array<i32>} : memref<64x512xf32, #tpu.memory_space<vmem>>, vector<16xf32>,
      tpu.vector_store %arg13[%swap3A_281, %swap3A_282], %add3A_280 {strides = array<i32>} : memref<64x512xf32, #tpu.memory_space<vmem>>, vector<16xf32>,
      %get3A_284 = arith.index_cast %scan3A_218 : i32 to index
      %get3A_285 = arith.constant 128 : index
      %get3A_286 = tpu.vector_load %arg13[%get3A_284, %get3A_285] {strides = array<i32>} : memref<64x512xf32, #tpu.memory_space<vmem>>, vector<16xf32>,
      %mul3A_287 = arith.mulf %get3A_286, %gather3A : vector<16xf32>
      %add3A_288 = arith.addf %mul3A_287, %gather3A_221 : vector<16xf32>
      %swap3A_289 = arith.index_cast %scan3A_218 : i32 to index
      %swap3A_290 = arith.constant 128 : index
      %swap3A_291 = tpu.vector_load %arg13[%swap3A_289, %swap3A_290] {strides = array<i32>} : memref<64x512xf32, #tpu.memory_space<vmem>>, vector<16xf32>,
      tpu.vector_store %arg13[%swap3A_289, %swap3A_290], %add3A_288 {strides = array<i32>} : memref<64x512xf32, #tpu.memory_space<vmem>>, vector<16xf32>,
      %get3A_292 = arith.index_cast %scan3A_218 : i32 to index
      %get3A_293 = arith.constant 144 : index
      %get3A_294 = tpu.vector_load %arg13[%get3A_292, %get3A_293] {strides = array<i32>} : memref<64x512xf32, #tpu.memory_space<vmem>>, vector<16xf32>,
      %mul3A_295 = arith.mulf %get3A_294, %gather3A : vector<16xf32>
      %add3A_296 = arith.addf %mul3A_295, %gather3A_221 : vector<16xf32>
      %swap3A_297 = arith.index_cast %scan3A_218 : i32 to index
      %swap3A_298 = arith.constant 144 : index
      %swap3A_299 = tpu.vector_load %arg13[%swap3A_297, %swap3A_298] {strides = array<i32>} : memref<64x512xf32, #tpu.memory_space<vmem>>, vector<16xf32>,
      tpu.vector_store %arg13[%swap3A_297, %swap3A_298], %add3A_296 {strides = array<i32>} : memref<64x512xf32, #tpu.memory_space<vmem>>, vector<16xf32>,
      %get3A_300 = arith.index_cast %scan3A_218 : i32 to index
      %get3A_301 = arith.constant 160 : index
      %get3A_302 = tpu.vector_load %arg13[%get3A_300, %get3A_301] {strides = array<i32>} : memref<64x512xf32, #tpu.memory_space<vmem>>, vector<16xf32>,
      %mul3A_303 = arith.mulf %get3A_302, %gather3A : vector<16xf32>
      %add3A_304 = arith.addf %mul3A_303, %gather3A_221 : vector<16xf32>
      %swap3A_305 = arith.index_cast %scan3A_218 : i32 to index
      %swap3A_306 = arith.constant 160 : index
      %swap3A_307 = tpu.vector_load %arg13[%swap3A_305, %swap3A_306] {strides = array<i32>} : memref<64x512xf32, #tpu.memory_space<vmem>>, vector<16xf32>,
      tpu.vector_store %arg13[%swap3A_305, %swap3A_306], %add3A_304 {strides = array<i32>} : memref<64x512xf32, #tpu.memory_space<vmem>>, vector<16xf32>,
      %get3A_308 = arith.index_cast %scan3A_218 : i32 to index
      %get3A_309 = arith.constant 176 : index
      %get3A_310 = tpu.vector_load %arg13[%get3A_308, %get3A_309] {strides = array<i32>} : memref<64x512xf32, #tpu.memory_space<vmem>>, vector<16xf32>,
      %mul3A_311 = arith.mulf %get3A_310, %gather3A : vector<16xf32>
      %add3A_312 = arith.addf %mul3A_311, %gather3A_221 : vector<16xf32>
      %swap3A_313 = arith.index_cast %scan3A_218 : i32 to index
      %swap3A_314 = arith.constant 176 : index
      %swap3A_315 = tpu.vector_load %arg13[%swap3A_313, %swap3A_314] {strides = array<i32>} : memref<64x512xf32, #tpu.memory_space<vmem>>, vector<16xf32>,
      tpu.vector_store %arg13[%swap3A_313, %swap3A_314], %add3A_312 {strides = array<i32>} : memref<64x512xf32, #tpu.memory_space<vmem>>, vector<16xf32>,
      %get3A_316 = arith.index_cast %scan3A_218 : i32 to index
      %get3A_317 = arith.constant 192 : index
      %get3A_318 = tpu.vector_load %arg13[%get3A_316, %get3A_317] {strides = array<i32>} : memref<64x512xf32, #tpu.memory_space<vmem>>, vector<16xf32>,
      %mul3A_319 = arith.mulf %get3A_318, %gather3A : vector<16xf32>
      %add3A_320 = arith.addf %mul3A_319, %gather3A_221 : vector<16xf32>
      %swap3A_321 = arith.index_cast %scan3A_218 : i32 to index
      %swap3A_322 = arith.constant 192 : index
      %swap3A_323 = tpu.vector_load %arg13[%swap3A_321, %swap3A_322] {strides = array<i32>} : memref<64x512xf32, #tpu.memory_space<vmem>>, vector<16xf32>,
      tpu.vector_store %arg13[%swap3A_321, %swap3A_322], %add3A_320 {strides = array<i32>} : memref<64x512xf32, #tpu.memory_space<vmem>>, vector<16xf32>,
      %get3A_324 = arith.index_cast %scan3A_218 : i32 to index
      %get3A_325 = arith.constant 208 : index
      %get3A_326 = tpu.vector_load %arg13[%get3A_324, %get3A_325] {strides = array<i32>} : memref<64x512xf32, #tpu.memory_space<vmem>>, vector<16xf32>,
      %mul3A_327 = arith.mulf %get3A_326, %gather3A : vector<16xf32>
      %add3A_328 = arith.addf %mul3A_327, %gather3A_221 : vector<16xf32>
      %swap3A_329 = arith.index_cast %scan3A_218 : i32 to index
      %swap3A_330 = arith.constant 208 : index
      %swap3A_331 = tpu.vector_load %arg13[%swap3A_329, %swap3A_330] {strides = array<i32>} : memref<64x512xf32, #tpu.memory_space<vmem>>, vector<16xf32>,
      tpu.vector_store %arg13[%swap3A_329, %swap3A_330], %add3A_328 {strides = array<i32>} : memref<64x512xf32, #tpu.memory_space<vmem>>, vector<16xf32>,
      %get3A_332 = arith.index_cast %scan3A_218 : i32 to index
      %get3A_333 = arith.constant 224 : index
      %get3A_334 = tpu.vector_load %arg13[%get3A_332, %get3A_333] {strides = array<i32>} : memref<64x512xf32, #tpu.memory_space<vmem>>, vector<16xf32>,
      %mul3A_335 = arith.mulf %get3A_334, %gather3A : vector<16xf32>
      %add3A_336 = arith.addf %mul3A_335, %gather3A_221 : vector<16xf32>
      %swap3A_337 = arith.index_cast %scan3A_218 : i32 to index
      %swap3A_338 = arith.constant 224 : index
      %swap3A_339 = tpu.vector_load %arg13[%swap3A_337, %swap3A_338] {strides = array<i32>} : memref<64x512xf32, #tpu.memory_space<vmem>>, vector<16xf32>,
      tpu.vector_store %arg13[%swap3A_337, %swap3A_338], %add3A_336 {strides = array<i32>} : memref<64x512xf32, #tpu.memory_space<vmem>>, vector<16xf32>,
      %get3A_340 = arith.index_cast %scan3A_218 : i32 to index
      %get3A_341 = arith.constant 240 : index
      %get3A_342 = tpu.vector_load %arg13[%get3A_340, %get3A_341] {strides = array<i32>} : memref<64x512xf32, #tpu.memory_space<vmem>>, vector<16xf32>,
      %mul3A_343 = arith.mulf %get3A_342, %gather3A : vector<16xf32>
      %add3A_344 = arith.addf %mul3A_343, %gather3A_221 : vector<16xf32>
      %swap3A_345 = arith.index_cast %scan3A_218 : i32 to index
      %swap3A_346 = arith.constant 240 : index
      %swap3A_347 = tpu.vector_load %arg13[%swap3A_345, %swap3A_346] {strides = array<i32>} : memref<64x512xf32, #tpu.memory_space<vmem>>, vector<16xf32>,
      tpu.vector_store %arg13[%swap3A_345, %swap3A_346], %add3A_344 {strides = array<i32>} : memref<64x512xf32, #tpu.memory_space<vmem>>, vector<16xf32>,
      %get3A_348 = arith.index_cast %scan3A_218 : i32 to index
      %get3A_349 = arith.constant 256 : index
      %get3A_350 = tpu.vector_load %arg13[%get3A_348, %get3A_349] {strides = array<i32>} : memref<64x512xf32, #tpu.memory_space<vmem>>, vector<16xf32>,
      %mul3A_351 = arith.mulf %get3A_350, %gather3A : vector<16xf32>
      %add3A_352 = arith.addf %mul3A_351, %gather3A_221 : vector<16xf32>
      %swap3A_353 = arith.index_cast %scan3A_218 : i32 to index
      %swap3A_354 = arith.constant 256 : index
      %swap3A_355 = tpu.vector_load %arg13[%swap3A_353, %swap3A_354] {strides = array<i32>} : memref<64x512xf32, #tpu.memory_space<vmem>>, vector<16xf32>,
      tpu.vector_store %arg13[%swap3A_353, %swap3A_354], %add3A_352 {strides = array<i32>} : memref<64x512xf32, #tpu.memory_space<vmem>>, vector<16xf32>,
      %get3A_356 = arith.index_cast %scan3A_218 : i32 to index
      %get3A_357 = arith.constant 272 : index
      %get3A_358 = tpu.vector_load %arg13[%get3A_356, %get3A_357] {strides = array<i32>} : memref<64x512xf32, #tpu.memory_space<vmem>>, vector<16xf32>,
      %mul3A_359 = arith.mulf %get3A_358, %gather3A : vector<16xf32>
      %add3A_360 = arith.addf %mul3A_359, %gather3A_221 : vector<16xf32>
      %swap3A_361 = arith.index_cast %scan3A_218 : i32 to index
      %swap3A_362 = arith.constant 272 : index
      %swap3A_363 = tpu.vector_load %arg13[%swap3A_361, %swap3A_362] {strides = array<i32>} : memref<64x512xf32, #tpu.memory_space<vmem>>, vector<16xf32>,
      tpu.vector_store %arg13[%swap3A_361, %swap3A_362], %add3A_360 {strides = array<i32>} : memref<64x512xf32, #tpu.memory_space<vmem>>, vector<16xf32>,
      %get3A_364 = arith.index_cast %scan3A_218 : i32 to index
      %get3A_365 = arith.constant 288 : index
      %get3A_366 = tpu.vector_load %arg13[%get3A_364, %get3A_365] {strides = array<i32>} : memref<64x512xf32, #tpu.memory_space<vmem>>, vector<16xf32>,
      %mul3A_367 = arith.mulf %get3A_366, %gather3A : vector<16xf32>
      %add3A_368 = arith.addf %mul3A_367, %gather3A_221 : vector<16xf32>
      %swap3A_369 = arith.index_cast %scan3A_218 : i32 to index
      %swap3A_370 = arith.constant 288 : index
      %swap3A_371 = tpu.vector_load %arg13[%swap3A_369, %swap3A_370] {strides = array<i32>} : memref<64x512xf32, #tpu.memory_space<vmem>>, vector<16xf32>,
      tpu.vector_store %arg13[%swap3A_369, %swap3A_370], %add3A_368 {strides = array<i32>} : memref<64x512xf32, #tpu.memory_space<vmem>>, vector<16xf32>,
      %get3A_372 = arith.index_cast %scan3A_218 : i32 to index
      %get3A_373 = arith.constant 304 : index
      %get3A_374 = tpu.vector_load %arg13[%get3A_372, %get3A_373] {strides = array<i32>} : memref<64x512xf32, #tpu.memory_space<vmem>>, vector<16xf32>,
      %mul3A_375 = arith.mulf %get3A_374, %gather3A : vector<16xf32>
      %add3A_376 = arith.addf %mul3A_375, %gather3A_221 : vector<16xf32>
      %swap3A_377 = arith.index_cast %scan3A_218 : i32 to index
      %swap3A_378 = arith.constant 304 : index
      %swap3A_379 = tpu.vector_load %arg13[%swap3A_377, %swap3A_378] {strides = array<i32>} : memref<64x512xf32, #tpu.memory_space<vmem>>, vector<16xf32>,
      tpu.vector_store %arg13[%swap3A_377, %swap3A_378], %add3A_376 {strides = array<i32>} : memref<64x512xf32, #tpu.memory_space<vmem>>, vector<16xf32>,
      %get3A_380 = arith.index_cast %scan3A_218 : i32 to index
      %get3A_381 = arith.constant 320 : index
      %get3A_382 = tpu.vector_load %arg13[%get3A_380, %get3A_381] {strides = array<i32>} : memref<64x512xf32, #tpu.memory_space<vmem>>, vector<16xf32>,
      %mul3A_383 = arith.mulf %get3A_382, %gather3A : vector<16xf32>
      %add3A_384 = arith.addf %mul3A_383, %gather3A_221 : vector<16xf32>
      %swap3A_385 = arith.index_cast %scan3A_218 : i32 to index
      %swap3A_386 = arith.constant 320 : index
      %swap3A_387 = tpu.vector_load %arg13[%swap3A_385, %swap3A_386] {strides = array<i32>} : memref<64x512xf32, #tpu.memory_space<vmem>>, vector<16xf32>,
      tpu.vector_store %arg13[%swap3A_385, %swap3A_386], %add3A_384 {strides = array<i32>} : memref<64x512xf32, #tpu.memory_space<vmem>>, vector<16xf32>,
      %get3A_388 = arith.index_cast %scan3A_218 : i32 to index
      %get3A_389 = arith.constant 336 : index
      %get3A_390 = tpu.vector_load %arg13[%get3A_388, %get3A_389] {strides = array<i32>} : memref<64x512xf32, #tpu.memory_space<vmem>>, vector<16xf32>,
      %mul3A_391 = arith.mulf %get3A_390, %gather3A : vector<16xf32>
      %add3A_392 = arith.addf %mul3A_391, %gather3A_221 : vector<16xf32>
      %swap3A_393 = arith.index_cast %scan3A_218 : i32 to index
      %swap3A_394 = arith.constant 336 : index
      %swap3A_395 = tpu.vector_load %arg13[%swap3A_393, %swap3A_394] {strides = array<i32>} : memref<64x512xf32, #tpu.memory_space<vmem>>, vector<16xf32>,
      tpu.vector_store %arg13[%swap3A_393, %swap3A_394], %add3A_392 {strides = array<i32>} : memref<64x512xf32, #tpu.memory_space<vmem>>, vector<16xf32>,
      %get3A_396 = arith.index_cast %scan3A_218 : i32 to index
      %get3A_397 = arith.constant 352 : index
      %get3A_398 = tpu.vector_load %arg13[%get3A_396, %get3A_397] {strides = array<i32>} : memref<64x512xf32, #tpu.memory_space<vmem>>, vector<16xf32>,
      %mul3A_399 = arith.mulf %get3A_398, %gather3A : vector<16xf32>
      %add3A_400 = arith.addf %mul3A_399, %gather3A_221 : vector<16xf32>
      %swap3A_401 = arith.index_cast %scan3A_218 : i32 to index
      %swap3A_402 = arith.constant 352 : index
      %swap3A_403 = tpu.vector_load %arg13[%swap3A_401, %swap3A_402] {strides = array<i32>} : memref<64x512xf32, #tpu.memory_space<vmem>>, vector<16xf32>,
      tpu.vector_store %arg13[%swap3A_401, %swap3A_402], %add3A_400 {strides = array<i32>} : memref<64x512xf32, #tpu.memory_space<vmem>>, vector<16xf32>,
      %get3A_404 = arith.index_cast %scan3A_218 : i32 to index
      %get3A_405 = arith.constant 368 : index
      %get3A_406 = tpu.vector_load %arg13[%get3A_404, %get3A_405] {strides = array<i32>} : memref<64x512xf32, #tpu.memory_space<vmem>>, vector<16xf32>,
      %mul3A_407 = arith.mulf %get3A_406, %gather3A : vector<16xf32>
      %add3A_408 = arith.addf %mul3A_407, %gather3A_221 : vector<16xf32>
      %swap3A_409 = arith.index_cast %scan3A_218 : i32 to index
      %swap3A_410 = arith.constant 368 : index
      %swap3A_411 = tpu.vector_load %arg13[%swap3A_409, %swap3A_410] {strides = array<i32>} : memref<64x512xf32, #tpu.memory_space<vmem>>, vector<16xf32>,
      tpu.vector_store %arg13[%swap3A_409, %swap3A_410], %add3A_408 {strides = array<i32>} : memref<64x512xf32, #tpu.memory_space<vmem>>, vector<16xf32>,
      %get3A_412 = arith.index_cast %scan3A_218 : i32 to index
      %get3A_413 = arith.constant 384 : index
      %get3A_414 = tpu.vector_load %arg13[%get3A_412, %get3A_413] {strides = array<i32>} : memref<64x512xf32, #tpu.memory_space<vmem>>, vector<16xf32>,
      %mul3A_415 = arith.mulf %get3A_414, %gather3A : vector<16xf32>
      %add3A_416 = arith.addf %mul3A_415, %gather3A_221 : vector<16xf32>
      %swap3A_417 = arith.index_cast %scan3A_218 : i32 to index
      %swap3A_418 = arith.constant 384 : index
      %swap3A_419 = tpu.vector_load %arg13[%swap3A_417, %swap3A_418] {strides = array<i32>} : memref<64x512xf32, #tpu.memory_space<vmem>>, vector<16xf32>,
      tpu.vector_store %arg13[%swap3A_417, %swap3A_418], %add3A_416 {strides = array<i32>} : memref<64x512xf32, #tpu.memory_space<vmem>>, vector<16xf32>,
      %get3A_420 = arith.index_cast %scan3A_218 : i32 to index
      %get3A_421 = arith.constant 400 : index
      %get3A_422 = tpu.vector_load %arg13[%get3A_420, %get3A_421] {strides = array<i32>} : memref<64x512xf32, #tpu.memory_space<vmem>>, vector<16xf32>,
      %mul3A_423 = arith.mulf %get3A_422, %gather3A : vector<16xf32>
      %add3A_424 = arith.addf %mul3A_423, %gather3A_221 : vector<16xf32>
      %swap3A_425 = arith.index_cast %scan3A_218 : i32 to index
      %swap3A_426 = arith.constant 400 : index
      %swap3A_427 = tpu.vector_load %arg13[%swap3A_425, %swap3A_426] {strides = array<i32>} : memref<64x512xf32, #tpu.memory_space<vmem>>, vector<16xf32>,
      tpu.vector_store %arg13[%swap3A_425, %swap3A_426], %add3A_424 {strides = array<i32>} : memref<64x512xf32, #tpu.memory_space<vmem>>, vector<16xf32>,
      %get3A_428 = arith.index_cast %scan3A_218 : i32 to index
      %get3A_429 = arith.constant 416 : index
      %get3A_430 = tpu.vector_load %arg13[%get3A_428, %get3A_429] {strides = array<i32>} : memref<64x512xf32, #tpu.memory_space<vmem>>, vector<16xf32>,
      %mul3A_431 = arith.mulf %get3A_430, %gather3A : vector<16xf32>
      %add3A_432 = arith.addf %mul3A_431, %gather3A_221 : vector<16xf32>
      %swap3A_433 = arith.index_cast %scan3A_218 : i32 to index
      %swap3A_434 = arith.constant 416 : index
      %swap3A_435 = tpu.vector_load %arg13[%swap3A_433, %swap3A_434] {strides = array<i32>} : memref<64x512xf32, #tpu.memory_space<vmem>>, vector<16xf32>,
      tpu.vector_store %arg13[%swap3A_433, %swap3A_434], %add3A_432 {strides = array<i32>} : memref<64x512xf32, #tpu.memory_space<vmem>>, vector<16xf32>,
      %get3A_436 = arith.index_cast %scan3A_218 : i32 to index
      %get3A_437 = arith.constant 432 : index
      %get3A_438 = tpu.vector_load %arg13[%get3A_436, %get3A_437] {strides = array<i32>} : memref<64x512xf32, #tpu.memory_space<vmem>>, vector<16xf32>,
      %mul3A_439 = arith.mulf %get3A_438, %gather3A : vector<16xf32>
      %add3A_440 = arith.addf %mul3A_439, %gather3A_221 : vector<16xf32>
      %swap3A_441 = arith.index_cast %scan3A_218 : i32 to index
      %swap3A_442 = arith.constant 432 : index
      %swap3A_443 = tpu.vector_load %arg13[%swap3A_441, %swap3A_442] {strides = array<i32>} : memref<64x512xf32, #tpu.memory_space<vmem>>, vector<16xf32>,
      tpu.vector_store %arg13[%swap3A_441, %swap3A_442], %add3A_440 {strides = array<i32>} : memref<64x512xf32, #tpu.memory_space<vmem>>, vector<16xf32>,
      %get3A_444 = arith.index_cast %scan3A_218 : i32 to index
      %get3A_445 = arith.constant 448 : index
      %get3A_446 = tpu.vector_load %arg13[%get3A_444, %get3A_445] {strides = array<i32>} : memref<64x512xf32, #tpu.memory_space<vmem>>, vector<16xf32>,
      %mul3A_447 = arith.mulf %get3A_446, %gather3A : vector<16xf32>
      %add3A_448 = arith.addf %mul3A_447, %gather3A_221 : vector<16xf32>
      %swap3A_449 = arith.index_cast %scan3A_218 : i32 to index
      %swap3A_450 = arith.constant 448 : index
      %swap3A_451 = tpu.vector_load %arg13[%swap3A_449, %swap3A_450] {strides = array<i32>} : memref<64x512xf32, #tpu.memory_space<vmem>>, vector<16xf32>,
      tpu.vector_store %arg13[%swap3A_449, %swap3A_450], %add3A_448 {strides = array<i32>} : memref<64x512xf32, #tpu.memory_space<vmem>>, vector<16xf32>,
      %get3A_452 = arith.index_cast %scan3A_218 : i32 to index
      %get3A_453 = arith.constant 464 : index
      %get3A_454 = tpu.vector_load %arg13[%get3A_452, %get3A_453] {strides = array<i32>} : memref<64x512xf32, #tpu.memory_space<vmem>>, vector<16xf32>,
      %mul3A_455 = arith.mulf %get3A_454, %gather3A : vector<16xf32>
      %add3A_456 = arith.addf %mul3A_455, %gather3A_221 : vector<16xf32>
      %swap3A_457 = arith.index_cast %scan3A_218 : i32 to index
      %swap3A_458 = arith.constant 464 : index
      %swap3A_459 = tpu.vector_load %arg13[%swap3A_457, %swap3A_458] {strides = array<i32>} : memref<64x512xf32, #tpu.memory_space<vmem>>, vector<16xf32>,
      tpu.vector_store %arg13[%swap3A_457, %swap3A_458], %add3A_456 {strides = array<i32>} : memref<64x512xf32, #tpu.memory_space<vmem>>, vector<16xf32>,
      %get3A_460 = arith.index_cast %scan3A_218 : i32 to index
      %get3A_461 = arith.constant 480 : index
      %get3A_462 = tpu.vector_load %arg13[%get3A_460, %get3A_461] {strides = array<i32>} : memref<64x512xf32, #tpu.memory_space<vmem>>, vector<16xf32>,
      %mul3A_463 = arith.mulf %get3A_462, %gather3A : vector<16xf32>
      %add3A_464 = arith.addf %mul3A_463, %gather3A_221 : vector<16xf32>
      %swap3A_465 = arith.index_cast %scan3A_218 : i32 to index
      %swap3A_466 = arith.constant 480 : index
      %swap3A_467 = tpu.vector_load %arg13[%swap3A_465, %swap3A_466] {strides = array<i32>} : memref<64x512xf32, #tpu.memory_space<vmem>>, vector<16xf32>,
      tpu.vector_store %arg13[%swap3A_465, %swap3A_466], %add3A_464 {strides = array<i32>} : memref<64x512xf32, #tpu.memory_space<vmem>>, vector<16xf32>,
      %get3A_468 = arith.index_cast %scan3A_218 : i32 to index
      %get3A_469 = arith.constant 496 : index
      %get3A_470 = tpu.vector_load %arg13[%get3A_468, %get3A_469] {strides = array<i32>} : memref<64x512xf32, #tpu.memory_space<vmem>>, vector<16xf32>,
      %mul3A_471 = arith.mulf %get3A_470, %gather3A : vector<16xf32>
      %add3A_472 = arith.addf %mul3A_471, %gather3A_221 : vector<16xf32>
      %swap3A_473 = arith.index_cast %scan3A_218 : i32 to index
      %swap3A_474 = arith.constant 496 : index
      %swap3A_475 = tpu.vector_load %arg13[%swap3A_473, %swap3A_474] {strides = array<i32>} : memref<64x512xf32, #tpu.memory_space<vmem>>, vector<16xf32>,
      tpu.vector_store %arg13[%swap3A_473, %swap3A_474], %add3A_472 {strides = array<i32>} : memref<64x512xf32, #tpu.memory_space<vmem>>, vector<16xf32>,
    }
    %scan3A_63 = arith.constant 64 : i32
    %add3A_64 = arith.constant 64 : i32
    %add3A_65 = arith.addi %mul3A_2, %add3A_64 : i32
    %dma_start3A_66 = arith.constant 0 : i32
    %dma_start3A_67 = tpu.memref_slice %arg6[%add3A_65, %dma_start3A_66] : memref<16384x512xf32, #tpu.memory_space<hbm>> -> memref<64x512xf32, #tpu.memory_space<hbm>>
    %dma_start3A_68 = arith.constant 0 : i32
    %dma_start3A_69 = tpu.memref_slice %arg6[%add3A_65, %dma_start3A_68] : memref<16384x512xf32, #tpu.memory_space<hbm>> -> memref<64x512xf32, #tpu.memory_space<hbm>>
    tpu.enqueue_dma source(%arg13 : memref<64x512xf32, #tpu.memory_space<vmem>>) target(%dma_start3A_69 : memref<64x512xf32, #tpu.memory_space<hbm>>) target_semaphore(%arg19 : memref<!tpu.dma_semaphore, #tpu.memory_space<semaphore_mem>>)
    %dma_wait3A_70 = arith.constant 0 : i32
    %dma_wait3A_71 = tpu.memref_slice %arg6[%add3A_65, %dma_wait3A_70] : memref<16384x512xf32, #tpu.memory_space<hbm>> -> memref<64x512xf32, #tpu.memory_space<hbm>>
    %dma_wait3A_72 = arith.constant 0 : i32
    %dma_wait3A_73 = tpu.memref_slice %arg6[%add3A_65, %dma_wait3A_72] : memref<16384x512xf32, #tpu.memory_space<hbm>> -> memref<64x512xf32, #tpu.memory_space<hbm>>
    tpu.wait_dma2 semaphore(%arg19 : memref<!tpu.dma_semaphore, #tpu.memory_space<semaphore_mem>>) src(%arg13 : memref<64x512xf32, #tpu.memory_space<vmem>>) dst(%dma_wait3A_73 : memref<64x512xf32, #tpu.memory_space<hbm>>)
    %add3A_74 = arith.constant 256 : i32
    %add3A_75 = arith.addi %mul3A_2, %add3A_74 : i32
    %dma_start3A_76 = arith.constant 0 : i32
    %dma_start3A_77 = tpu.memref_slice %arg2[%add3A_75, %dma_start3A_76] : memref<16384x512xf32, #tpu.memory_space<hbm>> -> memref<64x512xf32, #tpu.memory_space<hbm>>
    %dma_start3A_78 = arith.constant 0 : i32
    %dma_start3A_79 = tpu.memref_slice %arg2[%add3A_75, %dma_start3A_78] : memref<16384x512xf32, #tpu.memory_space<hbm>> -> memref<64x512xf32, #tpu.memory_space<hbm>>
    tpu.enqueue_dma source(%dma_start3A_79 : memref<64x512xf32, #tpu.memory_space<hbm>>) target(%arg13 : memref<64x512xf32, #tpu.memory_space<vmem>>) target_semaphore(%arg16 : memref<!tpu.dma_semaphore, #tpu.memory_space<semaphore_mem>>)
    %dma_wait3A_80 = arith.constant 0 : i32
    %dma_wait3A_81 = tpu.memref_slice %arg2[%add3A_23, %dma_wait3A_80] : memref<16384x512xf32, #tpu.memory_space<hbm>> -> memref<64x512xf32, #tpu.memory_space<hbm>>
    %dma_wait3A_82 = arith.constant 0 : i32
    %dma_wait3A_83 = tpu.memref_slice %arg2[%add3A_23, %dma_wait3A_82] : memref<16384x512xf32, #tpu.memory_space<hbm>> -> memref<64x512xf32, #tpu.memory_space<hbm>>
    tpu.wait_dma2 semaphore(%arg17 : memref<!tpu.dma_semaphore, #tpu.memory_space<semaphore_mem>>) src(%dma_wait3A_83 : memref<64x512xf32, #tpu.memory_space<hbm>>) dst(%arg14 : memref<64x512xf32, #tpu.memory_space<vmem>>)
    %scan3A_84 = arith.constant 0 : i32
    %scan3A_85 = arith.constant 0 : i32
    %scan3A_86 = arith.constant 64 : i32
    %scan3A_87 = arith.addi %scan3A_85, %scan3A_86 : i32
    %scan3A_88 = arith.constant 1 : i32
    scf.for %scan3A_218 = %scan3A_85 to %scan3A_87 step %scan3A_88  : i32 {
      %add3A_219 = arith.constant 128 : i32
      %add3A_220 = arith.addi %add3A_219, %scan3A_218 : i32
      %broadcast_in_dim3A = vector.broadcast %add3A_220 : i32 to vector<16xi32>
      %gather3A = tpu.vector_load_idx %arg10[%broadcast_in_dim3A] : memref<512xf32, #tpu.memory_space<vmem>>[vector<16xi32>], vector<16xf32>,
      %gather3A_221 = tpu.vector_load_idx %arg11[%broadcast_in_dim3A] : memref<512xf32, #tpu.memory_space<vmem>>[vector<16xi32>], vector<16xf32>,
      %get3A = arith.index_cast %scan3A_218 : i32 to index
      %get3A_222 = arith.constant 0 : index
      %get3A_223 = tpu.vector_load %arg14[%get3A, %get3A_222] {strides = array<i32>} : memref<64x512xf32, #tpu.memory_space<vmem>>, vector<16xf32>,
      %mul3A_224 = arith.mulf %get3A_223, %gather3A : vector<16xf32>
      %add3A_225 = arith.addf %mul3A_224, %gather3A_221 : vector<16xf32>
      %swap3A = arith.index_cast %scan3A_218 : i32 to index
      %swap3A_226 = arith.constant 0 : index
      %swap3A_227 = tpu.vector_load %arg14[%swap3A, %swap3A_226] {strides = array<i32>} : memref<64x512xf32, #tpu.memory_space<vmem>>, vector<16xf32>,
      tpu.vector_store %arg14[%swap3A, %swap3A_226], %add3A_225 {strides = array<i32>} : memref<64x512xf32, #tpu.memory_space<vmem>>, vector<16xf32>,
      %get3A_228 = arith.index_cast %scan3A_218 : i32 to index
      %get3A_229 = arith.constant 16 : index
      %get3A_230 = tpu.vector_load %arg14[%get3A_228, %get3A_229] {strides = array<i32>} : memref<64x512xf32, #tpu.memory_space<vmem>>, vector<16xf32>,
      %mul3A_231 = arith.mulf %get3A_230, %gather3A : vector<16xf32>
      %add3A_232 = arith.addf %mul3A_231, %gather3A_221 : vector<16xf32>
      %swap3A_233 = arith.index_cast %scan3A_218 : i32 to index
      %swap3A_234 = arith.constant 16 : index
      %swap3A_235 = tpu.vector_load %arg14[%swap3A_233, %swap3A_234] {strides = array<i32>} : memref<64x512xf32, #tpu.memory_space<vmem>>, vector<16xf32>,
      tpu.vector_store %arg14[%swap3A_233, %swap3A_234], %add3A_232 {strides = array<i32>} : memref<64x512xf32, #tpu.memory_space<vmem>>, vector<16xf32>,
      %get3A_236 = arith.index_cast %scan3A_218 : i32 to index
      %get3A_237 = arith.constant 32 : index
      %get3A_238 = tpu.vector_load %arg14[%get3A_236, %get3A_237] {strides = array<i32>} : memref<64x512xf32, #tpu.memory_space<vmem>>, vector<16xf32>,
      %mul3A_239 = arith.mulf %get3A_238, %gather3A : vector<16xf32>
      %add3A_240 = arith.addf %mul3A_239, %gather3A_221 : vector<16xf32>
      %swap3A_241 = arith.index_cast %scan3A_218 : i32 to index
      %swap3A_242 = arith.constant 32 : index
      %swap3A_243 = tpu.vector_load %arg14[%swap3A_241, %swap3A_242] {strides = array<i32>} : memref<64x512xf32, #tpu.memory_space<vmem>>, vector<16xf32>,
      tpu.vector_store %arg14[%swap3A_241, %swap3A_242], %add3A_240 {strides = array<i32>} : memref<64x512xf32, #tpu.memory_space<vmem>>, vector<16xf32>,
      %get3A_244 = arith.index_cast %scan3A_218 : i32 to index
      %get3A_245 = arith.constant 48 : index
      %get3A_246 = tpu.vector_load %arg14[%get3A_244, %get3A_245] {strides = array<i32>} : memref<64x512xf32, #tpu.memory_space<vmem>>, vector<16xf32>,
      %mul3A_247 = arith.mulf %get3A_246, %gather3A : vector<16xf32>
      %add3A_248 = arith.addf %mul3A_247, %gather3A_221 : vector<16xf32>
      %swap3A_249 = arith.index_cast %scan3A_218 : i32 to index
      %swap3A_250 = arith.constant 48 : index
      %swap3A_251 = tpu.vector_load %arg14[%swap3A_249, %swap3A_250] {strides = array<i32>} : memref<64x512xf32, #tpu.memory_space<vmem>>, vector<16xf32>,
      tpu.vector_store %arg14[%swap3A_249, %swap3A_250], %add3A_248 {strides = array<i32>} : memref<64x512xf32, #tpu.memory_space<vmem>>, vector<16xf32>,
      %get3A_252 = arith.index_cast %scan3A_218 : i32 to index
      %get3A_253 = arith.constant 64 : index
      %get3A_254 = tpu.vector_load %arg14[%get3A_252, %get3A_253] {strides = array<i32>} : memref<64x512xf32, #tpu.memory_space<vmem>>, vector<16xf32>,
      %mul3A_255 = arith.mulf %get3A_254, %gather3A : vector<16xf32>
      %add3A_256 = arith.addf %mul3A_255, %gather3A_221 : vector<16xf32>
      %swap3A_257 = arith.index_cast %scan3A_218 : i32 to index
      %swap3A_258 = arith.constant 64 : index
      %swap3A_259 = tpu.vector_load %arg14[%swap3A_257, %swap3A_258] {strides = array<i32>} : memref<64x512xf32, #tpu.memory_space<vmem>>, vector<16xf32>,
      tpu.vector_store %arg14[%swap3A_257, %swap3A_258], %add3A_256 {strides = array<i32>} : memref<64x512xf32, #tpu.memory_space<vmem>>, vector<16xf32>,
      %get3A_260 = arith.index_cast %scan3A_218 : i32 to index
      %get3A_261 = arith.constant 80 : index
      %get3A_262 = tpu.vector_load %arg14[%get3A_260, %get3A_261] {strides = array<i32>} : memref<64x512xf32, #tpu.memory_space<vmem>>, vector<16xf32>,
      %mul3A_263 = arith.mulf %get3A_262, %gather3A : vector<16xf32>
      %add3A_264 = arith.addf %mul3A_263, %gather3A_221 : vector<16xf32>
      %swap3A_265 = arith.index_cast %scan3A_218 : i32 to index
      %swap3A_266 = arith.constant 80 : index
      %swap3A_267 = tpu.vector_load %arg14[%swap3A_265, %swap3A_266] {strides = array<i32>} : memref<64x512xf32, #tpu.memory_space<vmem>>, vector<16xf32>,
      tpu.vector_store %arg14[%swap3A_265, %swap3A_266], %add3A_264 {strides = array<i32>} : memref<64x512xf32, #tpu.memory_space<vmem>>, vector<16xf32>,
      %get3A_268 = arith.index_cast %scan3A_218 : i32 to index
      %get3A_269 = arith.constant 96 : index
      %get3A_270 = tpu.vector_load %arg14[%get3A_268, %get3A_269] {strides = array<i32>} : memref<64x512xf32, #tpu.memory_space<vmem>>, vector<16xf32>,
      %mul3A_271 = arith.mulf %get3A_270, %gather3A : vector<16xf32>
      %add3A_272 = arith.addf %mul3A_271, %gather3A_221 : vector<16xf32>
      %swap3A_273 = arith.index_cast %scan3A_218 : i32 to index
      %swap3A_274 = arith.constant 96 : index
      %swap3A_275 = tpu.vector_load %arg14[%swap3A_273, %swap3A_274] {strides = array<i32>} : memref<64x512xf32, #tpu.memory_space<vmem>>, vector<16xf32>,
      tpu.vector_store %arg14[%swap3A_273, %swap3A_274], %add3A_272 {strides = array<i32>} : memref<64x512xf32, #tpu.memory_space<vmem>>, vector<16xf32>,
      %get3A_276 = arith.index_cast %scan3A_218 : i32 to index
      %get3A_277 = arith.constant 112 : index
      %get3A_278 = tpu.vector_load %arg14[%get3A_276, %get3A_277] {strides = array<i32>} : memref<64x512xf32, #tpu.memory_space<vmem>>, vector<16xf32>,
      %mul3A_279 = arith.mulf %get3A_278, %gather3A : vector<16xf32>
      %add3A_280 = arith.addf %mul3A_279, %gather3A_221 : vector<16xf32>
      %swap3A_281 = arith.index_cast %scan3A_218 : i32 to index
      %swap3A_282 = arith.constant 112 : index
      %swap3A_283 = tpu.vector_load %arg14[%swap3A_281, %swap3A_282] {strides = array<i32>} : memref<64x512xf32, #tpu.memory_space<vmem>>, vector<16xf32>,
      tpu.vector_store %arg14[%swap3A_281, %swap3A_282], %add3A_280 {strides = array<i32>} : memref<64x512xf32, #tpu.memory_space<vmem>>, vector<16xf32>,
      %get3A_284 = arith.index_cast %scan3A_218 : i32 to index
      %get3A_285 = arith.constant 128 : index
      %get3A_286 = tpu.vector_load %arg14[%get3A_284, %get3A_285] {strides = array<i32>} : memref<64x512xf32, #tpu.memory_space<vmem>>, vector<16xf32>,
      %mul3A_287 = arith.mulf %get3A_286, %gather3A : vector<16xf32>
      %add3A_288 = arith.addf %mul3A_287, %gather3A_221 : vector<16xf32>
      %swap3A_289 = arith.index_cast %scan3A_218 : i32 to index
      %swap3A_290 = arith.constant 128 : index
      %swap3A_291 = tpu.vector_load %arg14[%swap3A_289, %swap3A_290] {strides = array<i32>} : memref<64x512xf32, #tpu.memory_space<vmem>>, vector<16xf32>,
      tpu.vector_store %arg14[%swap3A_289, %swap3A_290], %add3A_288 {strides = array<i32>} : memref<64x512xf32, #tpu.memory_space<vmem>>, vector<16xf32>,
      %get3A_292 = arith.index_cast %scan3A_218 : i32 to index
      %get3A_293 = arith.constant 144 : index
      %get3A_294 = tpu.vector_load %arg14[%get3A_292, %get3A_293] {strides = array<i32>} : memref<64x512xf32, #tpu.memory_space<vmem>>, vector<16xf32>,
      %mul3A_295 = arith.mulf %get3A_294, %gather3A : vector<16xf32>
      %add3A_296 = arith.addf %mul3A_295, %gather3A_221 : vector<16xf32>
      %swap3A_297 = arith.index_cast %scan3A_218 : i32 to index
      %swap3A_298 = arith.constant 144 : index
      %swap3A_299 = tpu.vector_load %arg14[%swap3A_297, %swap3A_298] {strides = array<i32>} : memref<64x512xf32, #tpu.memory_space<vmem>>, vector<16xf32>,
      tpu.vector_store %arg14[%swap3A_297, %swap3A_298], %add3A_296 {strides = array<i32>} : memref<64x512xf32, #tpu.memory_space<vmem>>, vector<16xf32>,
      %get3A_300 = arith.index_cast %scan3A_218 : i32 to index
      %get3A_301 = arith.constant 160 : index
      %get3A_302 = tpu.vector_load %arg14[%get3A_300, %get3A_301] {strides = array<i32>} : memref<64x512xf32, #tpu.memory_space<vmem>>, vector<16xf32>,
      %mul3A_303 = arith.mulf %get3A_302, %gather3A : vector<16xf32>
      %add3A_304 = arith.addf %mul3A_303, %gather3A_221 : vector<16xf32>
      %swap3A_305 = arith.index_cast %scan3A_218 : i32 to index
      %swap3A_306 = arith.constant 160 : index
      %swap3A_307 = tpu.vector_load %arg14[%swap3A_305, %swap3A_306] {strides = array<i32>} : memref<64x512xf32, #tpu.memory_space<vmem>>, vector<16xf32>,
      tpu.vector_store %arg14[%swap3A_305, %swap3A_306], %add3A_304 {strides = array<i32>} : memref<64x512xf32, #tpu.memory_space<vmem>>, vector<16xf32>,
      %get3A_308 = arith.index_cast %scan3A_218 : i32 to index
      %get3A_309 = arith.constant 176 : index
      %get3A_310 = tpu.vector_load %arg14[%get3A_308, %get3A_309] {strides = array<i32>} : memref<64x512xf32, #tpu.memory_space<vmem>>, vector<16xf32>,
      %mul3A_311 = arith.mulf %get3A_310, %gather3A : vector<16xf32>
      %add3A_312 = arith.addf %mul3A_311, %gather3A_221 : vector<16xf32>
      %swap3A_313 = arith.index_cast %scan3A_218 : i32 to index
      %swap3A_314 = arith.constant 176 : index
      %swap3A_315 = tpu.vector_load %arg14[%swap3A_313, %swap3A_314] {strides = array<i32>} : memref<64x512xf32, #tpu.memory_space<vmem>>, vector<16xf32>,
      tpu.vector_store %arg14[%swap3A_313, %swap3A_314], %add3A_312 {strides = array<i32>} : memref<64x512xf32, #tpu.memory_space<vmem>>, vector<16xf32>,
      %get3A_316 = arith.index_cast %scan3A_218 : i32 to index
      %get3A_317 = arith.constant 192 : index
      %get3A_318 = tpu.vector_load %arg14[%get3A_316, %get3A_317] {strides = array<i32>} : memref<64x512xf32, #tpu.memory_space<vmem>>, vector<16xf32>,
      %mul3A_319 = arith.mulf %get3A_318, %gather3A : vector<16xf32>
      %add3A_320 = arith.addf %mul3A_319, %gather3A_221 : vector<16xf32>
      %swap3A_321 = arith.index_cast %scan3A_218 : i32 to index
      %swap3A_322 = arith.constant 192 : index
      %swap3A_323 = tpu.vector_load %arg14[%swap3A_321, %swap3A_322] {strides = array<i32>} : memref<64x512xf32, #tpu.memory_space<vmem>>, vector<16xf32>,
      tpu.vector_store %arg14[%swap3A_321, %swap3A_322], %add3A_320 {strides = array<i32>} : memref<64x512xf32, #tpu.memory_space<vmem>>, vector<16xf32>,
      %get3A_324 = arith.index_cast %scan3A_218 : i32 to index
      %get3A_325 = arith.constant 208 : index
      %get3A_326 = tpu.vector_load %arg14[%get3A_324, %get3A_325] {strides = array<i32>} : memref<64x512xf32, #tpu.memory_space<vmem>>, vector<16xf32>,
      %mul3A_327 = arith.mulf %get3A_326, %gather3A : vector<16xf32>
      %add3A_328 = arith.addf %mul3A_327, %gather3A_221 : vector<16xf32>
      %swap3A_329 = arith.index_cast %scan3A_218 : i32 to index
      %swap3A_330 = arith.constant 208 : index
      %swap3A_331 = tpu.vector_load %arg14[%swap3A_329, %swap3A_330] {strides = array<i32>} : memref<64x512xf32, #tpu.memory_space<vmem>>, vector<16xf32>,
      tpu.vector_store %arg14[%swap3A_329, %swap3A_330], %add3A_328 {strides = array<i32>} : memref<64x512xf32, #tpu.memory_space<vmem>>, vector<16xf32>,
      %get3A_332 = arith.index_cast %scan3A_218 : i32 to index
      %get3A_333 = arith.constant 224 : index
      %get3A_334 = tpu.vector_load %arg14[%get3A_332, %get3A_333] {strides = array<i32>} : memref<64x512xf32, #tpu.memory_space<vmem>>, vector<16xf32>,
      %mul3A_335 = arith.mulf %get3A_334, %gather3A : vector<16xf32>
      %add3A_336 = arith.addf %mul3A_335, %gather3A_221 : vector<16xf32>
      %swap3A_337 = arith.index_cast %scan3A_218 : i32 to index
      %swap3A_338 = arith.constant 224 : index
      %swap3A_339 = tpu.vector_load %arg14[%swap3A_337, %swap3A_338] {strides = array<i32>} : memref<64x512xf32, #tpu.memory_space<vmem>>, vector<16xf32>,
      tpu.vector_store %arg14[%swap3A_337, %swap3A_338], %add3A_336 {strides = array<i32>} : memref<64x512xf32, #tpu.memory_space<vmem>>, vector<16xf32>,
      %get3A_340 = arith.index_cast %scan3A_218 : i32 to index
      %get3A_341 = arith.constant 240 : index
      %get3A_342 = tpu.vector_load %arg14[%get3A_340, %get3A_341] {strides = array<i32>} : memref<64x512xf32, #tpu.memory_space<vmem>>, vector<16xf32>,
      %mul3A_343 = arith.mulf %get3A_342, %gather3A : vector<16xf32>
      %add3A_344 = arith.addf %mul3A_343, %gather3A_221 : vector<16xf32>
      %swap3A_345 = arith.index_cast %scan3A_218 : i32 to index
      %swap3A_346 = arith.constant 240 : index
      %swap3A_347 = tpu.vector_load %arg14[%swap3A_345, %swap3A_346] {strides = array<i32>} : memref<64x512xf32, #tpu.memory_space<vmem>>, vector<16xf32>,
      tpu.vector_store %arg14[%swap3A_345, %swap3A_346], %add3A_344 {strides = array<i32>} : memref<64x512xf32, #tpu.memory_space<vmem>>, vector<16xf32>,
      %get3A_348 = arith.index_cast %scan3A_218 : i32 to index
      %get3A_349 = arith.constant 256 : index
      %get3A_350 = tpu.vector_load %arg14[%get3A_348, %get3A_349] {strides = array<i32>} : memref<64x512xf32, #tpu.memory_space<vmem>>, vector<16xf32>,
      %mul3A_351 = arith.mulf %get3A_350, %gather3A : vector<16xf32>
      %add3A_352 = arith.addf %mul3A_351, %gather3A_221 : vector<16xf32>
      %swap3A_353 = arith.index_cast %scan3A_218 : i32 to index
      %swap3A_354 = arith.constant 256 : index
      %swap3A_355 = tpu.vector_load %arg14[%swap3A_353, %swap3A_354] {strides = array<i32>} : memref<64x512xf32, #tpu.memory_space<vmem>>, vector<16xf32>,
      tpu.vector_store %arg14[%swap3A_353, %swap3A_354], %add3A_352 {strides = array<i32>} : memref<64x512xf32, #tpu.memory_space<vmem>>, vector<16xf32>,
      %get3A_356 = arith.index_cast %scan3A_218 : i32 to index
      %get3A_357 = arith.constant 272 : index
      %get3A_358 = tpu.vector_load %arg14[%get3A_356, %get3A_357] {strides = array<i32>} : memref<64x512xf32, #tpu.memory_space<vmem>>, vector<16xf32>,
      %mul3A_359 = arith.mulf %get3A_358, %gather3A : vector<16xf32>
      %add3A_360 = arith.addf %mul3A_359, %gather3A_221 : vector<16xf32>
      %swap3A_361 = arith.index_cast %scan3A_218 : i32 to index
      %swap3A_362 = arith.constant 272 : index
      %swap3A_363 = tpu.vector_load %arg14[%swap3A_361, %swap3A_362] {strides = array<i32>} : memref<64x512xf32, #tpu.memory_space<vmem>>, vector<16xf32>,
      tpu.vector_store %arg14[%swap3A_361, %swap3A_362], %add3A_360 {strides = array<i32>} : memref<64x512xf32, #tpu.memory_space<vmem>>, vector<16xf32>,
      %get3A_364 = arith.index_cast %scan3A_218 : i32 to index
      %get3A_365 = arith.constant 288 : index
      %get3A_366 = tpu.vector_load %arg14[%get3A_364, %get3A_365] {strides = array<i32>} : memref<64x512xf32, #tpu.memory_space<vmem>>, vector<16xf32>,
      %mul3A_367 = arith.mulf %get3A_366, %gather3A : vector<16xf32>
      %add3A_368 = arith.addf %mul3A_367, %gather3A_221 : vector<16xf32>
      %swap3A_369 = arith.index_cast %scan3A_218 : i32 to index
      %swap3A_370 = arith.constant 288 : index
      %swap3A_371 = tpu.vector_load %arg14[%swap3A_369, %swap3A_370] {strides = array<i32>} : memref<64x512xf32, #tpu.memory_space<vmem>>, vector<16xf32>,
      tpu.vector_store %arg14[%swap3A_369, %swap3A_370], %add3A_368 {strides = array<i32>} : memref<64x512xf32, #tpu.memory_space<vmem>>, vector<16xf32>,
      %get3A_372 = arith.index_cast %scan3A_218 : i32 to index
      %get3A_373 = arith.constant 304 : index
      %get3A_374 = tpu.vector_load %arg14[%get3A_372, %get3A_373] {strides = array<i32>} : memref<64x512xf32, #tpu.memory_space<vmem>>, vector<16xf32>,
      %mul3A_375 = arith.mulf %get3A_374, %gather3A : vector<16xf32>
      %add3A_376 = arith.addf %mul3A_375, %gather3A_221 : vector<16xf32>
      %swap3A_377 = arith.index_cast %scan3A_218 : i32 to index
      %swap3A_378 = arith.constant 304 : index
      %swap3A_379 = tpu.vector_load %arg14[%swap3A_377, %swap3A_378] {strides = array<i32>} : memref<64x512xf32, #tpu.memory_space<vmem>>, vector<16xf32>,
      tpu.vector_store %arg14[%swap3A_377, %swap3A_378], %add3A_376 {strides = array<i32>} : memref<64x512xf32, #tpu.memory_space<vmem>>, vector<16xf32>,
      %get3A_380 = arith.index_cast %scan3A_218 : i32 to index
      %get3A_381 = arith.constant 320 : index
      %get3A_382 = tpu.vector_load %arg14[%get3A_380, %get3A_381] {strides = array<i32>} : memref<64x512xf32, #tpu.memory_space<vmem>>, vector<16xf32>,
      %mul3A_383 = arith.mulf %get3A_382, %gather3A : vector<16xf32>
      %add3A_384 = arith.addf %mul3A_383, %gather3A_221 : vector<16xf32>
      %swap3A_385 = arith.index_cast %scan3A_218 : i32 to index
      %swap3A_386 = arith.constant 320 : index
      %swap3A_387 = tpu.vector_load %arg14[%swap3A_385, %swap3A_386] {strides = array<i32>} : memref<64x512xf32, #tpu.memory_space<vmem>>, vector<16xf32>,
      tpu.vector_store %arg14[%swap3A_385, %swap3A_386], %add3A_384 {strides = array<i32>} : memref<64x512xf32, #tpu.memory_space<vmem>>, vector<16xf32>,
      %get3A_388 = arith.index_cast %scan3A_218 : i32 to index
      %get3A_389 = arith.constant 336 : index
      %get3A_390 = tpu.vector_load %arg14[%get3A_388, %get3A_389] {strides = array<i32>} : memref<64x512xf32, #tpu.memory_space<vmem>>, vector<16xf32>,
      %mul3A_391 = arith.mulf %get3A_390, %gather3A : vector<16xf32>
      %add3A_392 = arith.addf %mul3A_391, %gather3A_221 : vector<16xf32>
      %swap3A_393 = arith.index_cast %scan3A_218 : i32 to index
      %swap3A_394 = arith.constant 336 : index
      %swap3A_395 = tpu.vector_load %arg14[%swap3A_393, %swap3A_394] {strides = array<i32>} : memref<64x512xf32, #tpu.memory_space<vmem>>, vector<16xf32>,
      tpu.vector_store %arg14[%swap3A_393, %swap3A_394], %add3A_392 {strides = array<i32>} : memref<64x512xf32, #tpu.memory_space<vmem>>, vector<16xf32>,
      %get3A_396 = arith.index_cast %scan3A_218 : i32 to index
      %get3A_397 = arith.constant 352 : index
      %get3A_398 = tpu.vector_load %arg14[%get3A_396, %get3A_397] {strides = array<i32>} : memref<64x512xf32, #tpu.memory_space<vmem>>, vector<16xf32>,
      %mul3A_399 = arith.mulf %get3A_398, %gather3A : vector<16xf32>
      %add3A_400 = arith.addf %mul3A_399, %gather3A_221 : vector<16xf32>
      %swap3A_401 = arith.index_cast %scan3A_218 : i32 to index
      %swap3A_402 = arith.constant 352 : index
      %swap3A_403 = tpu.vector_load %arg14[%swap3A_401, %swap3A_402] {strides = array<i32>} : memref<64x512xf32, #tpu.memory_space<vmem>>, vector<16xf32>,
      tpu.vector_store %arg14[%swap3A_401, %swap3A_402], %add3A_400 {strides = array<i32>} : memref<64x512xf32, #tpu.memory_space<vmem>>, vector<16xf32>,
      %get3A_404 = arith.index_cast %scan3A_218 : i32 to index
      %get3A_405 = arith.constant 368 : index
      %get3A_406 = tpu.vector_load %arg14[%get3A_404, %get3A_405] {strides = array<i32>} : memref<64x512xf32, #tpu.memory_space<vmem>>, vector<16xf32>,
      %mul3A_407 = arith.mulf %get3A_406, %gather3A : vector<16xf32>
      %add3A_408 = arith.addf %mul3A_407, %gather3A_221 : vector<16xf32>
      %swap3A_409 = arith.index_cast %scan3A_218 : i32 to index
      %swap3A_410 = arith.constant 368 : index
      %swap3A_411 = tpu.vector_load %arg14[%swap3A_409, %swap3A_410] {strides = array<i32>} : memref<64x512xf32, #tpu.memory_space<vmem>>, vector<16xf32>,
      tpu.vector_store %arg14[%swap3A_409, %swap3A_410], %add3A_408 {strides = array<i32>} : memref<64x512xf32, #tpu.memory_space<vmem>>, vector<16xf32>,
      %get3A_412 = arith.index_cast %scan3A_218 : i32 to index
      %get3A_413 = arith.constant 384 : index
      %get3A_414 = tpu.vector_load %arg14[%get3A_412, %get3A_413] {strides = array<i32>} : memref<64x512xf32, #tpu.memory_space<vmem>>, vector<16xf32>,
      %mul3A_415 = arith.mulf %get3A_414, %gather3A : vector<16xf32>
      %add3A_416 = arith.addf %mul3A_415, %gather3A_221 : vector<16xf32>
      %swap3A_417 = arith.index_cast %scan3A_218 : i32 to index
      %swap3A_418 = arith.constant 384 : index
      %swap3A_419 = tpu.vector_load %arg14[%swap3A_417, %swap3A_418] {strides = array<i32>} : memref<64x512xf32, #tpu.memory_space<vmem>>, vector<16xf32>,
      tpu.vector_store %arg14[%swap3A_417, %swap3A_418], %add3A_416 {strides = array<i32>} : memref<64x512xf32, #tpu.memory_space<vmem>>, vector<16xf32>,
      %get3A_420 = arith.index_cast %scan3A_218 : i32 to index
      %get3A_421 = arith.constant 400 : index
      %get3A_422 = tpu.vector_load %arg14[%get3A_420, %get3A_421] {strides = array<i32>} : memref<64x512xf32, #tpu.memory_space<vmem>>, vector<16xf32>,
      %mul3A_423 = arith.mulf %get3A_422, %gather3A : vector<16xf32>
      %add3A_424 = arith.addf %mul3A_423, %gather3A_221 : vector<16xf32>
      %swap3A_425 = arith.index_cast %scan3A_218 : i32 to index
      %swap3A_426 = arith.constant 400 : index
      %swap3A_427 = tpu.vector_load %arg14[%swap3A_425, %swap3A_426] {strides = array<i32>} : memref<64x512xf32, #tpu.memory_space<vmem>>, vector<16xf32>,
      tpu.vector_store %arg14[%swap3A_425, %swap3A_426], %add3A_424 {strides = array<i32>} : memref<64x512xf32, #tpu.memory_space<vmem>>, vector<16xf32>,
      %get3A_428 = arith.index_cast %scan3A_218 : i32 to index
      %get3A_429 = arith.constant 416 : index
      %get3A_430 = tpu.vector_load %arg14[%get3A_428, %get3A_429] {strides = array<i32>} : memref<64x512xf32, #tpu.memory_space<vmem>>, vector<16xf32>,
      %mul3A_431 = arith.mulf %get3A_430, %gather3A : vector<16xf32>
      %add3A_432 = arith.addf %mul3A_431, %gather3A_221 : vector<16xf32>
      %swap3A_433 = arith.index_cast %scan3A_218 : i32 to index
      %swap3A_434 = arith.constant 416 : index
      %swap3A_435 = tpu.vector_load %arg14[%swap3A_433, %swap3A_434] {strides = array<i32>} : memref<64x512xf32, #tpu.memory_space<vmem>>, vector<16xf32>,
      tpu.vector_store %arg14[%swap3A_433, %swap3A_434], %add3A_432 {strides = array<i32>} : memref<64x512xf32, #tpu.memory_space<vmem>>, vector<16xf32>,
      %get3A_436 = arith.index_cast %scan3A_218 : i32 to index
      %get3A_437 = arith.constant 432 : index
      %get3A_438 = tpu.vector_load %arg14[%get3A_436, %get3A_437] {strides = array<i32>} : memref<64x512xf32, #tpu.memory_space<vmem>>, vector<16xf32>,
      %mul3A_439 = arith.mulf %get3A_438, %gather3A : vector<16xf32>
      %add3A_440 = arith.addf %mul3A_439, %gather3A_221 : vector<16xf32>
      %swap3A_441 = arith.index_cast %scan3A_218 : i32 to index
      %swap3A_442 = arith.constant 432 : index
      %swap3A_443 = tpu.vector_load %arg14[%swap3A_441, %swap3A_442] {strides = array<i32>} : memref<64x512xf32, #tpu.memory_space<vmem>>, vector<16xf32>,
      tpu.vector_store %arg14[%swap3A_441, %swap3A_442], %add3A_440 {strides = array<i32>} : memref<64x512xf32, #tpu.memory_space<vmem>>, vector<16xf32>,
      %get3A_444 = arith.index_cast %scan3A_218 : i32 to index
      %get3A_445 = arith.constant 448 : index
      %get3A_446 = tpu.vector_load %arg14[%get3A_444, %get3A_445] {strides = array<i32>} : memref<64x512xf32, #tpu.memory_space<vmem>>, vector<16xf32>,
      %mul3A_447 = arith.mulf %get3A_446, %gather3A : vector<16xf32>
      %add3A_448 = arith.addf %mul3A_447, %gather3A_221 : vector<16xf32>
      %swap3A_449 = arith.index_cast %scan3A_218 : i32 to index
      %swap3A_450 = arith.constant 448 : index
      %swap3A_451 = tpu.vector_load %arg14[%swap3A_449, %swap3A_450] {strides = array<i32>} : memref<64x512xf32, #tpu.memory_space<vmem>>, vector<16xf32>,
      tpu.vector_store %arg14[%swap3A_449, %swap3A_450], %add3A_448 {strides = array<i32>} : memref<64x512xf32, #tpu.memory_space<vmem>>, vector<16xf32>,
      %get3A_452 = arith.index_cast %scan3A_218 : i32 to index
      %get3A_453 = arith.constant 464 : index
      %get3A_454 = tpu.vector_load %arg14[%get3A_452, %get3A_453] {strides = array<i32>} : memref<64x512xf32, #tpu.memory_space<vmem>>, vector<16xf32>,
      %mul3A_455 = arith.mulf %get3A_454, %gather3A : vector<16xf32>
      %add3A_456 = arith.addf %mul3A_455, %gather3A_221 : vector<16xf32>
      %swap3A_457 = arith.index_cast %scan3A_218 : i32 to index
      %swap3A_458 = arith.constant 464 : index
      %swap3A_459 = tpu.vector_load %arg14[%swap3A_457, %swap3A_458] {strides = array<i32>} : memref<64x512xf32, #tpu.memory_space<vmem>>, vector<16xf32>,
      tpu.vector_store %arg14[%swap3A_457, %swap3A_458], %add3A_456 {strides = array<i32>} : memref<64x512xf32, #tpu.memory_space<vmem>>, vector<16xf32>,
      %get3A_460 = arith.index_cast %scan3A_218 : i32 to index
      %get3A_461 = arith.constant 480 : index
      %get3A_462 = tpu.vector_load %arg14[%get3A_460, %get3A_461] {strides = array<i32>} : memref<64x512xf32, #tpu.memory_space<vmem>>, vector<16xf32>,
      %mul3A_463 = arith.mulf %get3A_462, %gather3A : vector<16xf32>
      %add3A_464 = arith.addf %mul3A_463, %gather3A_221 : vector<16xf32>
      %swap3A_465 = arith.index_cast %scan3A_218 : i32 to index
      %swap3A_466 = arith.constant 480 : index
      %swap3A_467 = tpu.vector_load %arg14[%swap3A_465, %swap3A_466] {strides = array<i32>} : memref<64x512xf32, #tpu.memory_space<vmem>>, vector<16xf32>,
      tpu.vector_store %arg14[%swap3A_465, %swap3A_466], %add3A_464 {strides = array<i32>} : memref<64x512xf32, #tpu.memory_space<vmem>>, vector<16xf32>,
      %get3A_468 = arith.index_cast %scan3A_218 : i32 to index
      %get3A_469 = arith.constant 496 : index
      %get3A_470 = tpu.vector_load %arg14[%get3A_468, %get3A_469] {strides = array<i32>} : memref<64x512xf32, #tpu.memory_space<vmem>>, vector<16xf32>,
      %mul3A_471 = arith.mulf %get3A_470, %gather3A : vector<16xf32>
      %add3A_472 = arith.addf %mul3A_471, %gather3A_221 : vector<16xf32>
      %swap3A_473 = arith.index_cast %scan3A_218 : i32 to index
      %swap3A_474 = arith.constant 496 : index
      %swap3A_475 = tpu.vector_load %arg14[%swap3A_473, %swap3A_474] {strides = array<i32>} : memref<64x512xf32, #tpu.memory_space<vmem>>, vector<16xf32>,
      tpu.vector_store %arg14[%swap3A_473, %swap3A_474], %add3A_472 {strides = array<i32>} : memref<64x512xf32, #tpu.memory_space<vmem>>, vector<16xf32>,
    }
    %scan3A_89 = arith.constant 64 : i32
    %add3A_90 = arith.constant 128 : i32
    %add3A_91 = arith.addi %mul3A_2, %add3A_90 : i32
    %dma_start3A_92 = arith.constant 0 : i32
    %dma_start3A_93 = tpu.memref_slice %arg6[%add3A_91, %dma_start3A_92] : memref<16384x512xf32, #tpu.memory_space<hbm>> -> memref<64x512xf32, #tpu.memory_space<hbm>>
    %dma_start3A_94 = arith.constant 0 : i32
    %dma_start3A_95 = tpu.memref_slice %arg6[%add3A_91, %dma_start3A_94] : memref<16384x512xf32, #tpu.memory_space<hbm>> -> memref<64x512xf32, #tpu.memory_space<hbm>>
    tpu.enqueue_dma source(%arg14 : memref<64x512xf32, #tpu.memory_space<vmem>>) target(%dma_start3A_95 : memref<64x512xf32, #tpu.memory_space<hbm>>) target_semaphore(%arg20 : memref<!tpu.dma_semaphore, #tpu.memory_space<semaphore_mem>>)
    %dma_wait3A_96 = arith.constant 0 : i32
    %dma_wait3A_97 = tpu.memref_slice %arg6[%add3A_91, %dma_wait3A_96] : memref<16384x512xf32, #tpu.memory_space<hbm>> -> memref<64x512xf32, #tpu.memory_space<hbm>>
    %dma_wait3A_98 = arith.constant 0 : i32
    %dma_wait3A_99 = tpu.memref_slice %arg6[%add3A_91, %dma_wait3A_98] : memref<16384x512xf32, #tpu.memory_space<hbm>> -> memref<64x512xf32, #tpu.memory_space<hbm>>
    tpu.wait_dma2 semaphore(%arg20 : memref<!tpu.dma_semaphore, #tpu.memory_space<semaphore_mem>>) src(%arg14 : memref<64x512xf32, #tpu.memory_space<vmem>>) dst(%dma_wait3A_99 : memref<64x512xf32, #tpu.memory_space<hbm>>)
    %add3A_100 = arith.constant 320 : i32
    %add3A_101 = arith.addi %mul3A_2, %add3A_100 : i32
    %dma_start3A_102 = arith.constant 0 : i32
    %dma_start3A_103 = tpu.memref_slice %arg2[%add3A_101, %dma_start3A_102] : memref<16384x512xf32, #tpu.memory_space<hbm>> -> memref<64x512xf32, #tpu.memory_space<hbm>>
    %dma_start3A_104 = arith.constant 0 : i32
    %dma_start3A_105 = tpu.memref_slice %arg2[%add3A_101, %dma_start3A_104] : memref<16384x512xf32, #tpu.memory_space<hbm>> -> memref<64x512xf32, #tpu.memory_space<hbm>>
    tpu.enqueue_dma source(%dma_start3A_105 : memref<64x512xf32, #tpu.memory_space<hbm>>) target(%arg14 : memref<64x512xf32, #tpu.memory_space<vmem>>) target_semaphore(%arg17 : memref<!tpu.dma_semaphore, #tpu.memory_space<semaphore_mem>>)
    %dma_wait3A_106 = arith.constant 0 : i32
    %dma_wait3A_107 = tpu.memref_slice %arg2[%add3A_49, %dma_wait3A_106] : memref<16384x512xf32, #tpu.memory_space<hbm>> -> memref<64x512xf32, #tpu.memory_space<hbm>>
    %dma_wait3A_108 = arith.constant 0 : i32
    %dma_wait3A_109 = tpu.memref_slice %arg2[%add3A_49, %dma_wait3A_108] : memref<16384x512xf32, #tpu.memory_space<hbm>> -> memref<64x512xf32, #tpu.memory_space<hbm>>
    tpu.wait_dma2 semaphore(%arg15 : memref<!tpu.dma_semaphore, #tpu.memory_space<semaphore_mem>>) src(%dma_wait3A_109 : memref<64x512xf32, #tpu.memory_space<hbm>>) dst(%arg12 : memref<64x512xf32, #tpu.memory_space<vmem>>)
    %scan3A_110 = arith.constant 0 : i32
    %scan3A_111 = arith.constant 0 : i32
    %scan3A_112 = arith.constant 64 : i32
    %scan3A_113 = arith.addi %scan3A_111, %scan3A_112 : i32
    %scan3A_114 = arith.constant 1 : i32
    scf.for %scan3A_218 = %scan3A_111 to %scan3A_113 step %scan3A_114  : i32 {
      %add3A_219 = arith.constant 192 : i32
      %add3A_220 = arith.addi %add3A_219, %scan3A_218 : i32
      %broadcast_in_dim3A = vector.broadcast %add3A_220 : i32 to vector<16xi32>
      %gather3A = tpu.vector_load_idx %arg10[%broadcast_in_dim3A] : memref<512xf32, #tpu.memory_space<vmem>>[vector<16xi32>], vector<16xf32>,
      %gather3A_221 = tpu.vector_load_idx %arg11[%broadcast_in_dim3A] : memref<512xf32, #tpu.memory_space<vmem>>[vector<16xi32>], vector<16xf32>,
      %get3A = arith.index_cast %scan3A_218 : i32 to index
      %get3A_222 = arith.constant 0 : index
      %get3A_223 = tpu.vector_load %arg12[%get3A, %get3A_222] {strides = array<i32>} : memref<64x512xf32, #tpu.memory_space<vmem>>, vector<16xf32>,
      %mul3A_224 = arith.mulf %get3A_223, %gather3A : vector<16xf32>
      %add3A_225 = arith.addf %mul3A_224, %gather3A_221 : vector<16xf32>
      %swap3A = arith.index_cast %scan3A_218 : i32 to index
      %swap3A_226 = arith.constant 0 : index
      %swap3A_227 = tpu.vector_load %arg12[%swap3A, %swap3A_226] {strides = array<i32>} : memref<64x512xf32, #tpu.memory_space<vmem>>, vector<16xf32>,
      tpu.vector_store %arg12[%swap3A, %swap3A_226], %add3A_225 {strides = array<i32>} : memref<64x512xf32, #tpu.memory_space<vmem>>, vector<16xf32>,
      %get3A_228 = arith.index_cast %scan3A_218 : i32 to index
      %get3A_229 = arith.constant 16 : index
      %get3A_230 = tpu.vector_load %arg12[%get3A_228, %get3A_229] {strides = array<i32>} : memref<64x512xf32, #tpu.memory_space<vmem>>, vector<16xf32>,
      %mul3A_231 = arith.mulf %get3A_230, %gather3A : vector<16xf32>
      %add3A_232 = arith.addf %mul3A_231, %gather3A_221 : vector<16xf32>
      %swap3A_233 = arith.index_cast %scan3A_218 : i32 to index
      %swap3A_234 = arith.constant 16 : index
      %swap3A_235 = tpu.vector_load %arg12[%swap3A_233, %swap3A_234] {strides = array<i32>} : memref<64x512xf32, #tpu.memory_space<vmem>>, vector<16xf32>,
      tpu.vector_store %arg12[%swap3A_233, %swap3A_234], %add3A_232 {strides = array<i32>} : memref<64x512xf32, #tpu.memory_space<vmem>>, vector<16xf32>,
      %get3A_236 = arith.index_cast %scan3A_218 : i32 to index
      %get3A_237 = arith.constant 32 : index
      %get3A_238 = tpu.vector_load %arg12[%get3A_236, %get3A_237] {strides = array<i32>} : memref<64x512xf32, #tpu.memory_space<vmem>>, vector<16xf32>,
      %mul3A_239 = arith.mulf %get3A_238, %gather3A : vector<16xf32>
      %add3A_240 = arith.addf %mul3A_239, %gather3A_221 : vector<16xf32>
      %swap3A_241 = arith.index_cast %scan3A_218 : i32 to index
      %swap3A_242 = arith.constant 32 : index
      %swap3A_243 = tpu.vector_load %arg12[%swap3A_241, %swap3A_242] {strides = array<i32>} : memref<64x512xf32, #tpu.memory_space<vmem>>, vector<16xf32>,
      tpu.vector_store %arg12[%swap3A_241, %swap3A_242], %add3A_240 {strides = array<i32>} : memref<64x512xf32, #tpu.memory_space<vmem>>, vector<16xf32>,
      %get3A_244 = arith.index_cast %scan3A_218 : i32 to index
      %get3A_245 = arith.constant 48 : index
      %get3A_246 = tpu.vector_load %arg12[%get3A_244, %get3A_245] {strides = array<i32>} : memref<64x512xf32, #tpu.memory_space<vmem>>, vector<16xf32>,
      %mul3A_247 = arith.mulf %get3A_246, %gather3A : vector<16xf32>
      %add3A_248 = arith.addf %mul3A_247, %gather3A_221 : vector<16xf32>
      %swap3A_249 = arith.index_cast %scan3A_218 : i32 to index
      %swap3A_250 = arith.constant 48 : index
      %swap3A_251 = tpu.vector_load %arg12[%swap3A_249, %swap3A_250] {strides = array<i32>} : memref<64x512xf32, #tpu.memory_space<vmem>>, vector<16xf32>,
      tpu.vector_store %arg12[%swap3A_249, %swap3A_250], %add3A_248 {strides = array<i32>} : memref<64x512xf32, #tpu.memory_space<vmem>>, vector<16xf32>,
      %get3A_252 = arith.index_cast %scan3A_218 : i32 to index
      %get3A_253 = arith.constant 64 : index
      %get3A_254 = tpu.vector_load %arg12[%get3A_252, %get3A_253] {strides = array<i32>} : memref<64x512xf32, #tpu.memory_space<vmem>>, vector<16xf32>,
      %mul3A_255 = arith.mulf %get3A_254, %gather3A : vector<16xf32>
      %add3A_256 = arith.addf %mul3A_255, %gather3A_221 : vector<16xf32>
      %swap3A_257 = arith.index_cast %scan3A_218 : i32 to index
      %swap3A_258 = arith.constant 64 : index
      %swap3A_259 = tpu.vector_load %arg12[%swap3A_257, %swap3A_258] {strides = array<i32>} : memref<64x512xf32, #tpu.memory_space<vmem>>, vector<16xf32>,
      tpu.vector_store %arg12[%swap3A_257, %swap3A_258], %add3A_256 {strides = array<i32>} : memref<64x512xf32, #tpu.memory_space<vmem>>, vector<16xf32>,
      %get3A_260 = arith.index_cast %scan3A_218 : i32 to index
      %get3A_261 = arith.constant 80 : index
      %get3A_262 = tpu.vector_load %arg12[%get3A_260, %get3A_261] {strides = array<i32>} : memref<64x512xf32, #tpu.memory_space<vmem>>, vector<16xf32>,
      %mul3A_263 = arith.mulf %get3A_262, %gather3A : vector<16xf32>
      %add3A_264 = arith.addf %mul3A_263, %gather3A_221 : vector<16xf32>
      %swap3A_265 = arith.index_cast %scan3A_218 : i32 to index
      %swap3A_266 = arith.constant 80 : index
      %swap3A_267 = tpu.vector_load %arg12[%swap3A_265, %swap3A_266] {strides = array<i32>} : memref<64x512xf32, #tpu.memory_space<vmem>>, vector<16xf32>,
      tpu.vector_store %arg12[%swap3A_265, %swap3A_266], %add3A_264 {strides = array<i32>} : memref<64x512xf32, #tpu.memory_space<vmem>>, vector<16xf32>,
      %get3A_268 = arith.index_cast %scan3A_218 : i32 to index
      %get3A_269 = arith.constant 96 : index
      %get3A_270 = tpu.vector_load %arg12[%get3A_268, %get3A_269] {strides = array<i32>} : memref<64x512xf32, #tpu.memory_space<vmem>>, vector<16xf32>,
      %mul3A_271 = arith.mulf %get3A_270, %gather3A : vector<16xf32>
      %add3A_272 = arith.addf %mul3A_271, %gather3A_221 : vector<16xf32>
      %swap3A_273 = arith.index_cast %scan3A_218 : i32 to index
      %swap3A_274 = arith.constant 96 : index
      %swap3A_275 = tpu.vector_load %arg12[%swap3A_273, %swap3A_274] {strides = array<i32>} : memref<64x512xf32, #tpu.memory_space<vmem>>, vector<16xf32>,
      tpu.vector_store %arg12[%swap3A_273, %swap3A_274], %add3A_272 {strides = array<i32>} : memref<64x512xf32, #tpu.memory_space<vmem>>, vector<16xf32>,
      %get3A_276 = arith.index_cast %scan3A_218 : i32 to index
      %get3A_277 = arith.constant 112 : index
      %get3A_278 = tpu.vector_load %arg12[%get3A_276, %get3A_277] {strides = array<i32>} : memref<64x512xf32, #tpu.memory_space<vmem>>, vector<16xf32>,
      %mul3A_279 = arith.mulf %get3A_278, %gather3A : vector<16xf32>
      %add3A_280 = arith.addf %mul3A_279, %gather3A_221 : vector<16xf32>
      %swap3A_281 = arith.index_cast %scan3A_218 : i32 to index
      %swap3A_282 = arith.constant 112 : index
      %swap3A_283 = tpu.vector_load %arg12[%swap3A_281, %swap3A_282] {strides = array<i32>} : memref<64x512xf32, #tpu.memory_space<vmem>>, vector<16xf32>,
      tpu.vector_store %arg12[%swap3A_281, %swap3A_282], %add3A_280 {strides = array<i32>} : memref<64x512xf32, #tpu.memory_space<vmem>>, vector<16xf32>,
      %get3A_284 = arith.index_cast %scan3A_218 : i32 to index
      %get3A_285 = arith.constant 128 : index
      %get3A_286 = tpu.vector_load %arg12[%get3A_284, %get3A_285] {strides = array<i32>} : memref<64x512xf32, #tpu.memory_space<vmem>>, vector<16xf32>,
      %mul3A_287 = arith.mulf %get3A_286, %gather3A : vector<16xf32>
      %add3A_288 = arith.addf %mul3A_287, %gather3A_221 : vector<16xf32>
      %swap3A_289 = arith.index_cast %scan3A_218 : i32 to index
      %swap3A_290 = arith.constant 128 : index
      %swap3A_291 = tpu.vector_load %arg12[%swap3A_289, %swap3A_290] {strides = array<i32>} : memref<64x512xf32, #tpu.memory_space<vmem>>, vector<16xf32>,
      tpu.vector_store %arg12[%swap3A_289, %swap3A_290], %add3A_288 {strides = array<i32>} : memref<64x512xf32, #tpu.memory_space<vmem>>, vector<16xf32>,
      %get3A_292 = arith.index_cast %scan3A_218 : i32 to index
      %get3A_293 = arith.constant 144 : index
      %get3A_294 = tpu.vector_load %arg12[%get3A_292, %get3A_293] {strides = array<i32>} : memref<64x512xf32, #tpu.memory_space<vmem>>, vector<16xf32>,
      %mul3A_295 = arith.mulf %get3A_294, %gather3A : vector<16xf32>
      %add3A_296 = arith.addf %mul3A_295, %gather3A_221 : vector<16xf32>
      %swap3A_297 = arith.index_cast %scan3A_218 : i32 to index
      %swap3A_298 = arith.constant 144 : index
      %swap3A_299 = tpu.vector_load %arg12[%swap3A_297, %swap3A_298] {strides = array<i32>} : memref<64x512xf32, #tpu.memory_space<vmem>>, vector<16xf32>,
      tpu.vector_store %arg12[%swap3A_297, %swap3A_298], %add3A_296 {strides = array<i32>} : memref<64x512xf32, #tpu.memory_space<vmem>>, vector<16xf32>,
      %get3A_300 = arith.index_cast %scan3A_218 : i32 to index
      %get3A_301 = arith.constant 160 : index
      %get3A_302 = tpu.vector_load %arg12[%get3A_300, %get3A_301] {strides = array<i32>} : memref<64x512xf32, #tpu.memory_space<vmem>>, vector<16xf32>,
      %mul3A_303 = arith.mulf %get3A_302, %gather3A : vector<16xf32>
      %add3A_304 = arith.addf %mul3A_303, %gather3A_221 : vector<16xf32>
      %swap3A_305 = arith.index_cast %scan3A_218 : i32 to index
      %swap3A_306 = arith.constant 160 : index
      %swap3A_307 = tpu.vector_load %arg12[%swap3A_305, %swap3A_306] {strides = array<i32>} : memref<64x512xf32, #tpu.memory_space<vmem>>, vector<16xf32>,
      tpu.vector_store %arg12[%swap3A_305, %swap3A_306], %add3A_304 {strides = array<i32>} : memref<64x512xf32, #tpu.memory_space<vmem>>, vector<16xf32>,
      %get3A_308 = arith.index_cast %scan3A_218 : i32 to index
      %get3A_309 = arith.constant 176 : index
      %get3A_310 = tpu.vector_load %arg12[%get3A_308, %get3A_309] {strides = array<i32>} : memref<64x512xf32, #tpu.memory_space<vmem>>, vector<16xf32>,
      %mul3A_311 = arith.mulf %get3A_310, %gather3A : vector<16xf32>
      %add3A_312 = arith.addf %mul3A_311, %gather3A_221 : vector<16xf32>
      %swap3A_313 = arith.index_cast %scan3A_218 : i32 to index
      %swap3A_314 = arith.constant 176 : index
      %swap3A_315 = tpu.vector_load %arg12[%swap3A_313, %swap3A_314] {strides = array<i32>} : memref<64x512xf32, #tpu.memory_space<vmem>>, vector<16xf32>,
      tpu.vector_store %arg12[%swap3A_313, %swap3A_314], %add3A_312 {strides = array<i32>} : memref<64x512xf32, #tpu.memory_space<vmem>>, vector<16xf32>,
      %get3A_316 = arith.index_cast %scan3A_218 : i32 to index
      %get3A_317 = arith.constant 192 : index
      %get3A_318 = tpu.vector_load %arg12[%get3A_316, %get3A_317] {strides = array<i32>} : memref<64x512xf32, #tpu.memory_space<vmem>>, vector<16xf32>,
      %mul3A_319 = arith.mulf %get3A_318, %gather3A : vector<16xf32>
      %add3A_320 = arith.addf %mul3A_319, %gather3A_221 : vector<16xf32>
      %swap3A_321 = arith.index_cast %scan3A_218 : i32 to index
      %swap3A_322 = arith.constant 192 : index
      %swap3A_323 = tpu.vector_load %arg12[%swap3A_321, %swap3A_322] {strides = array<i32>} : memref<64x512xf32, #tpu.memory_space<vmem>>, vector<16xf32>,
      tpu.vector_store %arg12[%swap3A_321, %swap3A_322], %add3A_320 {strides = array<i32>} : memref<64x512xf32, #tpu.memory_space<vmem>>, vector<16xf32>,
      %get3A_324 = arith.index_cast %scan3A_218 : i32 to index
      %get3A_325 = arith.constant 208 : index
      %get3A_326 = tpu.vector_load %arg12[%get3A_324, %get3A_325] {strides = array<i32>} : memref<64x512xf32, #tpu.memory_space<vmem>>, vector<16xf32>,
      %mul3A_327 = arith.mulf %get3A_326, %gather3A : vector<16xf32>
      %add3A_328 = arith.addf %mul3A_327, %gather3A_221 : vector<16xf32>
      %swap3A_329 = arith.index_cast %scan3A_218 : i32 to index
      %swap3A_330 = arith.constant 208 : index
      %swap3A_331 = tpu.vector_load %arg12[%swap3A_329, %swap3A_330] {strides = array<i32>} : memref<64x512xf32, #tpu.memory_space<vmem>>, vector<16xf32>,
      tpu.vector_store %arg12[%swap3A_329, %swap3A_330], %add3A_328 {strides = array<i32>} : memref<64x512xf32, #tpu.memory_space<vmem>>, vector<16xf32>,
      %get3A_332 = arith.index_cast %scan3A_218 : i32 to index
      %get3A_333 = arith.constant 224 : index
      %get3A_334 = tpu.vector_load %arg12[%get3A_332, %get3A_333] {strides = array<i32>} : memref<64x512xf32, #tpu.memory_space<vmem>>, vector<16xf32>,
      %mul3A_335 = arith.mulf %get3A_334, %gather3A : vector<16xf32>
      %add3A_336 = arith.addf %mul3A_335, %gather3A_221 : vector<16xf32>
      %swap3A_337 = arith.index_cast %scan3A_218 : i32 to index
      %swap3A_338 = arith.constant 224 : index
      %swap3A_339 = tpu.vector_load %arg12[%swap3A_337, %swap3A_338] {strides = array<i32>} : memref<64x512xf32, #tpu.memory_space<vmem>>, vector<16xf32>,
      tpu.vector_store %arg12[%swap3A_337, %swap3A_338], %add3A_336 {strides = array<i32>} : memref<64x512xf32, #tpu.memory_space<vmem>>, vector<16xf32>,
      %get3A_340 = arith.index_cast %scan3A_218 : i32 to index
      %get3A_341 = arith.constant 240 : index
      %get3A_342 = tpu.vector_load %arg12[%get3A_340, %get3A_341] {strides = array<i32>} : memref<64x512xf32, #tpu.memory_space<vmem>>, vector<16xf32>,
      %mul3A_343 = arith.mulf %get3A_342, %gather3A : vector<16xf32>
      %add3A_344 = arith.addf %mul3A_343, %gather3A_221 : vector<16xf32>
      %swap3A_345 = arith.index_cast %scan3A_218 : i32 to index
      %swap3A_346 = arith.constant 240 : index
      %swap3A_347 = tpu.vector_load %arg12[%swap3A_345, %swap3A_346] {strides = array<i32>} : memref<64x512xf32, #tpu.memory_space<vmem>>, vector<16xf32>,
      tpu.vector_store %arg12[%swap3A_345, %swap3A_346], %add3A_344 {strides = array<i32>} : memref<64x512xf32, #tpu.memory_space<vmem>>, vector<16xf32>,
      %get3A_348 = arith.index_cast %scan3A_218 : i32 to index
      %get3A_349 = arith.constant 256 : index
      %get3A_350 = tpu.vector_load %arg12[%get3A_348, %get3A_349] {strides = array<i32>} : memref<64x512xf32, #tpu.memory_space<vmem>>, vector<16xf32>,
      %mul3A_351 = arith.mulf %get3A_350, %gather3A : vector<16xf32>
      %add3A_352 = arith.addf %mul3A_351, %gather3A_221 : vector<16xf32>
      %swap3A_353 = arith.index_cast %scan3A_218 : i32 to index
      %swap3A_354 = arith.constant 256 : index
      %swap3A_355 = tpu.vector_load %arg12[%swap3A_353, %swap3A_354] {strides = array<i32>} : memref<64x512xf32, #tpu.memory_space<vmem>>, vector<16xf32>,
      tpu.vector_store %arg12[%swap3A_353, %swap3A_354], %add3A_352 {strides = array<i32>} : memref<64x512xf32, #tpu.memory_space<vmem>>, vector<16xf32>,
      %get3A_356 = arith.index_cast %scan3A_218 : i32 to index
      %get3A_357 = arith.constant 272 : index
      %get3A_358 = tpu.vector_load %arg12[%get3A_356, %get3A_357] {strides = array<i32>} : memref<64x512xf32, #tpu.memory_space<vmem>>, vector<16xf32>,
      %mul3A_359 = arith.mulf %get3A_358, %gather3A : vector<16xf32>
      %add3A_360 = arith.addf %mul3A_359, %gather3A_221 : vector<16xf32>
      %swap3A_361 = arith.index_cast %scan3A_218 : i32 to index
      %swap3A_362 = arith.constant 272 : index
      %swap3A_363 = tpu.vector_load %arg12[%swap3A_361, %swap3A_362] {strides = array<i32>} : memref<64x512xf32, #tpu.memory_space<vmem>>, vector<16xf32>,
      tpu.vector_store %arg12[%swap3A_361, %swap3A_362], %add3A_360 {strides = array<i32>} : memref<64x512xf32, #tpu.memory_space<vmem>>, vector<16xf32>,
      %get3A_364 = arith.index_cast %scan3A_218 : i32 to index
      %get3A_365 = arith.constant 288 : index
      %get3A_366 = tpu.vector_load %arg12[%get3A_364, %get3A_365] {strides = array<i32>} : memref<64x512xf32, #tpu.memory_space<vmem>>, vector<16xf32>,
      %mul3A_367 = arith.mulf %get3A_366, %gather3A : vector<16xf32>
      %add3A_368 = arith.addf %mul3A_367, %gather3A_221 : vector<16xf32>
      %swap3A_369 = arith.index_cast %scan3A_218 : i32 to index
      %swap3A_370 = arith.constant 288 : index
      %swap3A_371 = tpu.vector_load %arg12[%swap3A_369, %swap3A_370] {strides = array<i32>} : memref<64x512xf32, #tpu.memory_space<vmem>>, vector<16xf32>,
      tpu.vector_store %arg12[%swap3A_369, %swap3A_370], %add3A_368 {strides = array<i32>} : memref<64x512xf32, #tpu.memory_space<vmem>>, vector<16xf32>,
      %get3A_372 = arith.index_cast %scan3A_218 : i32 to index
      %get3A_373 = arith.constant 304 : index
      %get3A_374 = tpu.vector_load %arg12[%get3A_372, %get3A_373] {strides = array<i32>} : memref<64x512xf32, #tpu.memory_space<vmem>>, vector<16xf32>,
      %mul3A_375 = arith.mulf %get3A_374, %gather3A : vector<16xf32>
      %add3A_376 = arith.addf %mul3A_375, %gather3A_221 : vector<16xf32>
      %swap3A_377 = arith.index_cast %scan3A_218 : i32 to index
      %swap3A_378 = arith.constant 304 : index
      %swap3A_379 = tpu.vector_load %arg12[%swap3A_377, %swap3A_378] {strides = array<i32>} : memref<64x512xf32, #tpu.memory_space<vmem>>, vector<16xf32>,
      tpu.vector_store %arg12[%swap3A_377, %swap3A_378], %add3A_376 {strides = array<i32>} : memref<64x512xf32, #tpu.memory_space<vmem>>, vector<16xf32>,
      %get3A_380 = arith.index_cast %scan3A_218 : i32 to index
      %get3A_381 = arith.constant 320 : index
      %get3A_382 = tpu.vector_load %arg12[%get3A_380, %get3A_381] {strides = array<i32>} : memref<64x512xf32, #tpu.memory_space<vmem>>, vector<16xf32>,
      %mul3A_383 = arith.mulf %get3A_382, %gather3A : vector<16xf32>
      %add3A_384 = arith.addf %mul3A_383, %gather3A_221 : vector<16xf32>
      %swap3A_385 = arith.index_cast %scan3A_218 : i32 to index
      %swap3A_386 = arith.constant 320 : index
      %swap3A_387 = tpu.vector_load %arg12[%swap3A_385, %swap3A_386] {strides = array<i32>} : memref<64x512xf32, #tpu.memory_space<vmem>>, vector<16xf32>,
      tpu.vector_store %arg12[%swap3A_385, %swap3A_386], %add3A_384 {strides = array<i32>} : memref<64x512xf32, #tpu.memory_space<vmem>>, vector<16xf32>,
      %get3A_388 = arith.index_cast %scan3A_218 : i32 to index
      %get3A_389 = arith.constant 336 : index
      %get3A_390 = tpu.vector_load %arg12[%get3A_388, %get3A_389] {strides = array<i32>} : memref<64x512xf32, #tpu.memory_space<vmem>>, vector<16xf32>,
      %mul3A_391 = arith.mulf %get3A_390, %gather3A : vector<16xf32>
      %add3A_392 = arith.addf %mul3A_391, %gather3A_221 : vector<16xf32>
      %swap3A_393 = arith.index_cast %scan3A_218 : i32 to index
      %swap3A_394 = arith.constant 336 : index
      %swap3A_395 = tpu.vector_load %arg12[%swap3A_393, %swap3A_394] {strides = array<i32>} : memref<64x512xf32, #tpu.memory_space<vmem>>, vector<16xf32>,
      tpu.vector_store %arg12[%swap3A_393, %swap3A_394], %add3A_392 {strides = array<i32>} : memref<64x512xf32, #tpu.memory_space<vmem>>, vector<16xf32>,
      %get3A_396 = arith.index_cast %scan3A_218 : i32 to index
      %get3A_397 = arith.constant 352 : index
      %get3A_398 = tpu.vector_load %arg12[%get3A_396, %get3A_397] {strides = array<i32>} : memref<64x512xf32, #tpu.memory_space<vmem>>, vector<16xf32>,
      %mul3A_399 = arith.mulf %get3A_398, %gather3A : vector<16xf32>
      %add3A_400 = arith.addf %mul3A_399, %gather3A_221 : vector<16xf32>
      %swap3A_401 = arith.index_cast %scan3A_218 : i32 to index
      %swap3A_402 = arith.constant 352 : index
      %swap3A_403 = tpu.vector_load %arg12[%swap3A_401, %swap3A_402] {strides = array<i32>} : memref<64x512xf32, #tpu.memory_space<vmem>>, vector<16xf32>,
      tpu.vector_store %arg12[%swap3A_401, %swap3A_402], %add3A_400 {strides = array<i32>} : memref<64x512xf32, #tpu.memory_space<vmem>>, vector<16xf32>,
      %get3A_404 = arith.index_cast %scan3A_218 : i32 to index
      %get3A_405 = arith.constant 368 : index
      %get3A_406 = tpu.vector_load %arg12[%get3A_404, %get3A_405] {strides = array<i32>} : memref<64x512xf32, #tpu.memory_space<vmem>>, vector<16xf32>,
      %mul3A_407 = arith.mulf %get3A_406, %gather3A : vector<16xf32>
      %add3A_408 = arith.addf %mul3A_407, %gather3A_221 : vector<16xf32>
      %swap3A_409 = arith.index_cast %scan3A_218 : i32 to index
      %swap3A_410 = arith.constant 368 : index
      %swap3A_411 = tpu.vector_load %arg12[%swap3A_409, %swap3A_410] {strides = array<i32>} : memref<64x512xf32, #tpu.memory_space<vmem>>, vector<16xf32>,
      tpu.vector_store %arg12[%swap3A_409, %swap3A_410], %add3A_408 {strides = array<i32>} : memref<64x512xf32, #tpu.memory_space<vmem>>, vector<16xf32>,
      %get3A_412 = arith.index_cast %scan3A_218 : i32 to index
      %get3A_413 = arith.constant 384 : index
      %get3A_414 = tpu.vector_load %arg12[%get3A_412, %get3A_413] {strides = array<i32>} : memref<64x512xf32, #tpu.memory_space<vmem>>, vector<16xf32>,
      %mul3A_415 = arith.mulf %get3A_414, %gather3A : vector<16xf32>
      %add3A_416 = arith.addf %mul3A_415, %gather3A_221 : vector<16xf32>
      %swap3A_417 = arith.index_cast %scan3A_218 : i32 to index
      %swap3A_418 = arith.constant 384 : index
      %swap3A_419 = tpu.vector_load %arg12[%swap3A_417, %swap3A_418] {strides = array<i32>} : memref<64x512xf32, #tpu.memory_space<vmem>>, vector<16xf32>,
      tpu.vector_store %arg12[%swap3A_417, %swap3A_418], %add3A_416 {strides = array<i32>} : memref<64x512xf32, #tpu.memory_space<vmem>>, vector<16xf32>,
      %get3A_420 = arith.index_cast %scan3A_218 : i32 to index
      %get3A_421 = arith.constant 400 : index
      %get3A_422 = tpu.vector_load %arg12[%get3A_420, %get3A_421] {strides = array<i32>} : memref<64x512xf32, #tpu.memory_space<vmem>>, vector<16xf32>,
      %mul3A_423 = arith.mulf %get3A_422, %gather3A : vector<16xf32>
      %add3A_424 = arith.addf %mul3A_423, %gather3A_221 : vector<16xf32>
      %swap3A_425 = arith.index_cast %scan3A_218 : i32 to index
      %swap3A_426 = arith.constant 400 : index
      %swap3A_427 = tpu.vector_load %arg12[%swap3A_425, %swap3A_426] {strides = array<i32>} : memref<64x512xf32, #tpu.memory_space<vmem>>, vector<16xf32>,
      tpu.vector_store %arg12[%swap3A_425, %swap3A_426], %add3A_424 {strides = array<i32>} : memref<64x512xf32, #tpu.memory_space<vmem>>, vector<16xf32>,
      %get3A_428 = arith.index_cast %scan3A_218 : i32 to index
      %get3A_429 = arith.constant 416 : index
      %get3A_430 = tpu.vector_load %arg12[%get3A_428, %get3A_429] {strides = array<i32>} : memref<64x512xf32, #tpu.memory_space<vmem>>, vector<16xf32>,
      %mul3A_431 = arith.mulf %get3A_430, %gather3A : vector<16xf32>
      %add3A_432 = arith.addf %mul3A_431, %gather3A_221 : vector<16xf32>
      %swap3A_433 = arith.index_cast %scan3A_218 : i32 to index
      %swap3A_434 = arith.constant 416 : index
      %swap3A_435 = tpu.vector_load %arg12[%swap3A_433, %swap3A_434] {strides = array<i32>} : memref<64x512xf32, #tpu.memory_space<vmem>>, vector<16xf32>,
      tpu.vector_store %arg12[%swap3A_433, %swap3A_434], %add3A_432 {strides = array<i32>} : memref<64x512xf32, #tpu.memory_space<vmem>>, vector<16xf32>,
      %get3A_436 = arith.index_cast %scan3A_218 : i32 to index
      %get3A_437 = arith.constant 432 : index
      %get3A_438 = tpu.vector_load %arg12[%get3A_436, %get3A_437] {strides = array<i32>} : memref<64x512xf32, #tpu.memory_space<vmem>>, vector<16xf32>,
      %mul3A_439 = arith.mulf %get3A_438, %gather3A : vector<16xf32>
      %add3A_440 = arith.addf %mul3A_439, %gather3A_221 : vector<16xf32>
      %swap3A_441 = arith.index_cast %scan3A_218 : i32 to index
      %swap3A_442 = arith.constant 432 : index
      %swap3A_443 = tpu.vector_load %arg12[%swap3A_441, %swap3A_442] {strides = array<i32>} : memref<64x512xf32, #tpu.memory_space<vmem>>, vector<16xf32>,
      tpu.vector_store %arg12[%swap3A_441, %swap3A_442], %add3A_440 {strides = array<i32>} : memref<64x512xf32, #tpu.memory_space<vmem>>, vector<16xf32>,
      %get3A_444 = arith.index_cast %scan3A_218 : i32 to index
      %get3A_445 = arith.constant 448 : index
      %get3A_446 = tpu.vector_load %arg12[%get3A_444, %get3A_445] {strides = array<i32>} : memref<64x512xf32, #tpu.memory_space<vmem>>, vector<16xf32>,
      %mul3A_447 = arith.mulf %get3A_446, %gather3A : vector<16xf32>
      %add3A_448 = arith.addf %mul3A_447, %gather3A_221 : vector<16xf32>
      %swap3A_449 = arith.index_cast %scan3A_218 : i32 to index
      %swap3A_450 = arith.constant 448 : index
      %swap3A_451 = tpu.vector_load %arg12[%swap3A_449, %swap3A_450] {strides = array<i32>} : memref<64x512xf32, #tpu.memory_space<vmem>>, vector<16xf32>,
      tpu.vector_store %arg12[%swap3A_449, %swap3A_450], %add3A_448 {strides = array<i32>} : memref<64x512xf32, #tpu.memory_space<vmem>>, vector<16xf32>,
      %get3A_452 = arith.index_cast %scan3A_218 : i32 to index
      %get3A_453 = arith.constant 464 : index
      %get3A_454 = tpu.vector_load %arg12[%get3A_452, %get3A_453] {strides = array<i32>} : memref<64x512xf32, #tpu.memory_space<vmem>>, vector<16xf32>,
      %mul3A_455 = arith.mulf %get3A_454, %gather3A : vector<16xf32>
      %add3A_456 = arith.addf %mul3A_455, %gather3A_221 : vector<16xf32>
      %swap3A_457 = arith.index_cast %scan3A_218 : i32 to index
      %swap3A_458 = arith.constant 464 : index
      %swap3A_459 = tpu.vector_load %arg12[%swap3A_457, %swap3A_458] {strides = array<i32>} : memref<64x512xf32, #tpu.memory_space<vmem>>, vector<16xf32>,
      tpu.vector_store %arg12[%swap3A_457, %swap3A_458], %add3A_456 {strides = array<i32>} : memref<64x512xf32, #tpu.memory_space<vmem>>, vector<16xf32>,
      %get3A_460 = arith.index_cast %scan3A_218 : i32 to index
      %get3A_461 = arith.constant 480 : index
      %get3A_462 = tpu.vector_load %arg12[%get3A_460, %get3A_461] {strides = array<i32>} : memref<64x512xf32, #tpu.memory_space<vmem>>, vector<16xf32>,
      %mul3A_463 = arith.mulf %get3A_462, %gather3A : vector<16xf32>
      %add3A_464 = arith.addf %mul3A_463, %gather3A_221 : vector<16xf32>
      %swap3A_465 = arith.index_cast %scan3A_218 : i32 to index
      %swap3A_466 = arith.constant 480 : index
      %swap3A_467 = tpu.vector_load %arg12[%swap3A_465, %swap3A_466] {strides = array<i32>} : memref<64x512xf32, #tpu.memory_space<vmem>>, vector<16xf32>,
      tpu.vector_store %arg12[%swap3A_465, %swap3A_466], %add3A_464 {strides = array<i32>} : memref<64x512xf32, #tpu.memory_space<vmem>>, vector<16xf32>,
      %get3A_468 = arith.index_cast %scan3A_218 : i32 to index
      %get3A_469 = arith.constant 496 : index
      %get3A_470 = tpu.vector_load %arg12[%get3A_468, %get3A_469] {strides = array<i32>} : memref<64x512xf32, #tpu.memory_space<vmem>>, vector<16xf32>,
      %mul3A_471 = arith.mulf %get3A_470, %gather3A : vector<16xf32>
      %add3A_472 = arith.addf %mul3A_471, %gather3A_221 : vector<16xf32>
      %swap3A_473 = arith.index_cast %scan3A_218 : i32 to index
      %swap3A_474 = arith.constant 496 : index
      %swap3A_475 = tpu.vector_load %arg12[%swap3A_473, %swap3A_474] {strides = array<i32>} : memref<64x512xf32, #tpu.memory_space<vmem>>, vector<16xf32>,
      tpu.vector_store %arg12[%swap3A_473, %swap3A_474], %add3A_472 {strides = array<i32>} : memref<64x512xf32, #tpu.memory_space<vmem>>, vector<16xf32>,
    }
    %scan3A_115 = arith.constant 64 : i32
    %add3A_116 = arith.constant 192 : i32
    %add3A_117 = arith.addi %mul3A_2, %add3A_116 : i32
    %dma_start3A_118 = arith.constant 0 : i32
    %dma_start3A_119 = tpu.memref_slice %arg6[%add3A_117, %dma_start3A_118] : memref<16384x512xf32, #tpu.memory_space<hbm>> -> memref<64x512xf32, #tpu.memory_space<hbm>>
    %dma_start3A_120 = arith.constant 0 : i32
    %dma_start3A_121 = tpu.memref_slice %arg6[%add3A_117, %dma_start3A_120] : memref<16384x512xf32, #tpu.memory_space<hbm>> -> memref<64x512xf32, #tpu.memory_space<hbm>>
    tpu.enqueue_dma source(%arg12 : memref<64x512xf32, #tpu.memory_space<vmem>>) target(%dma_start3A_121 : memref<64x512xf32, #tpu.memory_space<hbm>>) target_semaphore(%arg18 : memref<!tpu.dma_semaphore, #tpu.memory_space<semaphore_mem>>)
    %dma_wait3A_122 = arith.constant 0 : i32
    %dma_wait3A_123 = tpu.memref_slice %arg6[%add3A_117, %dma_wait3A_122] : memref<16384x512xf32, #tpu.memory_space<hbm>> -> memref<64x512xf32, #tpu.memory_space<hbm>>
    %dma_wait3A_124 = arith.constant 0 : i32
    %dma_wait3A_125 = tpu.memref_slice %arg6[%add3A_117, %dma_wait3A_124] : memref<16384x512xf32, #tpu.memory_space<hbm>> -> memref<64x512xf32, #tpu.memory_space<hbm>>
    tpu.wait_dma2 semaphore(%arg18 : memref<!tpu.dma_semaphore, #tpu.memory_space<semaphore_mem>>) src(%arg12 : memref<64x512xf32, #tpu.memory_space<vmem>>) dst(%dma_wait3A_125 : memref<64x512xf32, #tpu.memory_space<hbm>>)
    %add3A_126 = arith.constant 384 : i32
    %add3A_127 = arith.addi %mul3A_2, %add3A_126 : i32
    %dma_start3A_128 = arith.constant 0 : i32
    %dma_start3A_129 = tpu.memref_slice %arg2[%add3A_127, %dma_start3A_128] : memref<16384x512xf32, #tpu.memory_space<hbm>> -> memref<64x512xf32, #tpu.memory_space<hbm>>
    %dma_start3A_130 = arith.constant 0 : i32
    %dma_start3A_131 = tpu.memref_slice %arg2[%add3A_127, %dma_start3A_130] : memref<16384x512xf32, #tpu.memory_space<hbm>> -> memref<64x512xf32, #tpu.memory_space<hbm>>
    tpu.enqueue_dma source(%dma_start3A_131 : memref<64x512xf32, #tpu.memory_space<hbm>>) target(%arg12 : memref<64x512xf32, #tpu.memory_space<vmem>>) target_semaphore(%arg15 : memref<!tpu.dma_semaphore, #tpu.memory_space<semaphore_mem>>)
    %dma_wait3A_132 = arith.constant 0 : i32
    %dma_wait3A_133 = tpu.memref_slice %arg2[%add3A_75, %dma_wait3A_132] : memref<16384x512xf32, #tpu.memory_space<hbm>> -> memref<64x512xf32, #tpu.memory_space<hbm>>
    %dma_wait3A_134 = arith.constant 0 : i32
    %dma_wait3A_135 = tpu.memref_slice %arg2[%add3A_75, %dma_wait3A_134] : memref<16384x512xf32, #tpu.memory_space<hbm>> -> memref<64x512xf32, #tpu.memory_space<hbm>>
    tpu.wait_dma2 semaphore(%arg16 : memref<!tpu.dma_semaphore, #tpu.memory_space<semaphore_mem>>) src(%dma_wait3A_135 : memref<64x512xf32, #tpu.memory_space<hbm>>) dst(%arg13 : memref<64x512xf32, #tpu.memory_space<vmem>>)
    %scan3A_136 = arith.constant 0 : i32
    %scan3A_137 = arith.constant 0 : i32
    %scan3A_138 = arith.constant 64 : i32
    %scan3A_139 = arith.addi %scan3A_137, %scan3A_138 : i32
    %scan3A_140 = arith.constant 1 : i32
    scf.for %scan3A_218 = %scan3A_137 to %scan3A_139 step %scan3A_140  : i32 {
      %add3A_219 = arith.constant 256 : i32
      %add3A_220 = arith.addi %add3A_219, %scan3A_218 : i32
      %broadcast_in_dim3A = vector.broadcast %add3A_220 : i32 to vector<16xi32>
      %gather3A = tpu.vector_load_idx %arg10[%broadcast_in_dim3A] : memref<512xf32, #tpu.memory_space<vmem>>[vector<16xi32>], vector<16xf32>,
      %gather3A_221 = tpu.vector_load_idx %arg11[%broadcast_in_dim3A] : memref<512xf32, #tpu.memory_space<vmem>>[vector<16xi32>], vector<16xf32>,
      %get3A = arith.index_cast %scan3A_218 : i32 to index
      %get3A_222 = arith.constant 0 : index
      %get3A_223 = tpu.vector_load %arg13[%get3A, %get3A_222] {strides = array<i32>} : memref<64x512xf32, #tpu.memory_space<vmem>>, vector<16xf32>,
      %mul3A_224 = arith.mulf %get3A_223, %gather3A : vector<16xf32>
      %add3A_225 = arith.addf %mul3A_224, %gather3A_221 : vector<16xf32>
      %swap3A = arith.index_cast %scan3A_218 : i32 to index
      %swap3A_226 = arith.constant 0 : index
      %swap3A_227 = tpu.vector_load %arg13[%swap3A, %swap3A_226] {strides = array<i32>} : memref<64x512xf32, #tpu.memory_space<vmem>>, vector<16xf32>,
      tpu.vector_store %arg13[%swap3A, %swap3A_226], %add3A_225 {strides = array<i32>} : memref<64x512xf32, #tpu.memory_space<vmem>>, vector<16xf32>,
      %get3A_228 = arith.index_cast %scan3A_218 : i32 to index
      %get3A_229 = arith.constant 16 : index
      %get3A_230 = tpu.vector_load %arg13[%get3A_228, %get3A_229] {strides = array<i32>} : memref<64x512xf32, #tpu.memory_space<vmem>>, vector<16xf32>,
      %mul3A_231 = arith.mulf %get3A_230, %gather3A : vector<16xf32>
      %add3A_232 = arith.addf %mul3A_231, %gather3A_221 : vector<16xf32>
      %swap3A_233 = arith.index_cast %scan3A_218 : i32 to index
      %swap3A_234 = arith.constant 16 : index
      %swap3A_235 = tpu.vector_load %arg13[%swap3A_233, %swap3A_234] {strides = array<i32>} : memref<64x512xf32, #tpu.memory_space<vmem>>, vector<16xf32>,
      tpu.vector_store %arg13[%swap3A_233, %swap3A_234], %add3A_232 {strides = array<i32>} : memref<64x512xf32, #tpu.memory_space<vmem>>, vector<16xf32>,
      %get3A_236 = arith.index_cast %scan3A_218 : i32 to index
      %get3A_237 = arith.constant 32 : index
      %get3A_238 = tpu.vector_load %arg13[%get3A_236, %get3A_237] {strides = array<i32>} : memref<64x512xf32, #tpu.memory_space<vmem>>, vector<16xf32>,
      %mul3A_239 = arith.mulf %get3A_238, %gather3A : vector<16xf32>
      %add3A_240 = arith.addf %mul3A_239, %gather3A_221 : vector<16xf32>
      %swap3A_241 = arith.index_cast %scan3A_218 : i32 to index
      %swap3A_242 = arith.constant 32 : index
      %swap3A_243 = tpu.vector_load %arg13[%swap3A_241, %swap3A_242] {strides = array<i32>} : memref<64x512xf32, #tpu.memory_space<vmem>>, vector<16xf32>,
      tpu.vector_store %arg13[%swap3A_241, %swap3A_242], %add3A_240 {strides = array<i32>} : memref<64x512xf32, #tpu.memory_space<vmem>>, vector<16xf32>,
      %get3A_244 = arith.index_cast %scan3A_218 : i32 to index
      %get3A_245 = arith.constant 48 : index
      %get3A_246 = tpu.vector_load %arg13[%get3A_244, %get3A_245] {strides = array<i32>} : memref<64x512xf32, #tpu.memory_space<vmem>>, vector<16xf32>,
      %mul3A_247 = arith.mulf %get3A_246, %gather3A : vector<16xf32>
      %add3A_248 = arith.addf %mul3A_247, %gather3A_221 : vector<16xf32>
      %swap3A_249 = arith.index_cast %scan3A_218 : i32 to index
      %swap3A_250 = arith.constant 48 : index
      %swap3A_251 = tpu.vector_load %arg13[%swap3A_249, %swap3A_250] {strides = array<i32>} : memref<64x512xf32, #tpu.memory_space<vmem>>, vector<16xf32>,
      tpu.vector_store %arg13[%swap3A_249, %swap3A_250], %add3A_248 {strides = array<i32>} : memref<64x512xf32, #tpu.memory_space<vmem>>, vector<16xf32>,
      %get3A_252 = arith.index_cast %scan3A_218 : i32 to index
      %get3A_253 = arith.constant 64 : index
      %get3A_254 = tpu.vector_load %arg13[%get3A_252, %get3A_253] {strides = array<i32>} : memref<64x512xf32, #tpu.memory_space<vmem>>, vector<16xf32>,
      %mul3A_255 = arith.mulf %get3A_254, %gather3A : vector<16xf32>
      %add3A_256 = arith.addf %mul3A_255, %gather3A_221 : vector<16xf32>
      %swap3A_257 = arith.index_cast %scan3A_218 : i32 to index
      %swap3A_258 = arith.constant 64 : index
      %swap3A_259 = tpu.vector_load %arg13[%swap3A_257, %swap3A_258] {strides = array<i32>} : memref<64x512xf32, #tpu.memory_space<vmem>>, vector<16xf32>,
      tpu.vector_store %arg13[%swap3A_257, %swap3A_258], %add3A_256 {strides = array<i32>} : memref<64x512xf32, #tpu.memory_space<vmem>>, vector<16xf32>,
      %get3A_260 = arith.index_cast %scan3A_218 : i32 to index
      %get3A_261 = arith.constant 80 : index
      %get3A_262 = tpu.vector_load %arg13[%get3A_260, %get3A_261] {strides = array<i32>} : memref<64x512xf32, #tpu.memory_space<vmem>>, vector<16xf32>,
      %mul3A_263 = arith.mulf %get3A_262, %gather3A : vector<16xf32>
      %add3A_264 = arith.addf %mul3A_263, %gather3A_221 : vector<16xf32>
      %swap3A_265 = arith.index_cast %scan3A_218 : i32 to index
      %swap3A_266 = arith.constant 80 : index
      %swap3A_267 = tpu.vector_load %arg13[%swap3A_265, %swap3A_266] {strides = array<i32>} : memref<64x512xf32, #tpu.memory_space<vmem>>, vector<16xf32>,
      tpu.vector_store %arg13[%swap3A_265, %swap3A_266], %add3A_264 {strides = array<i32>} : memref<64x512xf32, #tpu.memory_space<vmem>>, vector<16xf32>,
      %get3A_268 = arith.index_cast %scan3A_218 : i32 to index
      %get3A_269 = arith.constant 96 : index
      %get3A_270 = tpu.vector_load %arg13[%get3A_268, %get3A_269] {strides = array<i32>} : memref<64x512xf32, #tpu.memory_space<vmem>>, vector<16xf32>,
      %mul3A_271 = arith.mulf %get3A_270, %gather3A : vector<16xf32>
      %add3A_272 = arith.addf %mul3A_271, %gather3A_221 : vector<16xf32>
      %swap3A_273 = arith.index_cast %scan3A_218 : i32 to index
      %swap3A_274 = arith.constant 96 : index
      %swap3A_275 = tpu.vector_load %arg13[%swap3A_273, %swap3A_274] {strides = array<i32>} : memref<64x512xf32, #tpu.memory_space<vmem>>, vector<16xf32>,
      tpu.vector_store %arg13[%swap3A_273, %swap3A_274], %add3A_272 {strides = array<i32>} : memref<64x512xf32, #tpu.memory_space<vmem>>, vector<16xf32>,
      %get3A_276 = arith.index_cast %scan3A_218 : i32 to index
      %get3A_277 = arith.constant 112 : index
      %get3A_278 = tpu.vector_load %arg13[%get3A_276, %get3A_277] {strides = array<i32>} : memref<64x512xf32, #tpu.memory_space<vmem>>, vector<16xf32>,
      %mul3A_279 = arith.mulf %get3A_278, %gather3A : vector<16xf32>
      %add3A_280 = arith.addf %mul3A_279, %gather3A_221 : vector<16xf32>
      %swap3A_281 = arith.index_cast %scan3A_218 : i32 to index
      %swap3A_282 = arith.constant 112 : index
      %swap3A_283 = tpu.vector_load %arg13[%swap3A_281, %swap3A_282] {strides = array<i32>} : memref<64x512xf32, #tpu.memory_space<vmem>>, vector<16xf32>,
      tpu.vector_store %arg13[%swap3A_281, %swap3A_282], %add3A_280 {strides = array<i32>} : memref<64x512xf32, #tpu.memory_space<vmem>>, vector<16xf32>,
      %get3A_284 = arith.index_cast %scan3A_218 : i32 to index
      %get3A_285 = arith.constant 128 : index
      %get3A_286 = tpu.vector_load %arg13[%get3A_284, %get3A_285] {strides = array<i32>} : memref<64x512xf32, #tpu.memory_space<vmem>>, vector<16xf32>,
      %mul3A_287 = arith.mulf %get3A_286, %gather3A : vector<16xf32>
      %add3A_288 = arith.addf %mul3A_287, %gather3A_221 : vector<16xf32>
      %swap3A_289 = arith.index_cast %scan3A_218 : i32 to index
      %swap3A_290 = arith.constant 128 : index
      %swap3A_291 = tpu.vector_load %arg13[%swap3A_289, %swap3A_290] {strides = array<i32>} : memref<64x512xf32, #tpu.memory_space<vmem>>, vector<16xf32>,
      tpu.vector_store %arg13[%swap3A_289, %swap3A_290], %add3A_288 {strides = array<i32>} : memref<64x512xf32, #tpu.memory_space<vmem>>, vector<16xf32>,
      %get3A_292 = arith.index_cast %scan3A_218 : i32 to index
      %get3A_293 = arith.constant 144 : index
      %get3A_294 = tpu.vector_load %arg13[%get3A_292, %get3A_293] {strides = array<i32>} : memref<64x512xf32, #tpu.memory_space<vmem>>, vector<16xf32>,
      %mul3A_295 = arith.mulf %get3A_294, %gather3A : vector<16xf32>
      %add3A_296 = arith.addf %mul3A_295, %gather3A_221 : vector<16xf32>
      %swap3A_297 = arith.index_cast %scan3A_218 : i32 to index
      %swap3A_298 = arith.constant 144 : index
      %swap3A_299 = tpu.vector_load %arg13[%swap3A_297, %swap3A_298] {strides = array<i32>} : memref<64x512xf32, #tpu.memory_space<vmem>>, vector<16xf32>,
      tpu.vector_store %arg13[%swap3A_297, %swap3A_298], %add3A_296 {strides = array<i32>} : memref<64x512xf32, #tpu.memory_space<vmem>>, vector<16xf32>,
      %get3A_300 = arith.index_cast %scan3A_218 : i32 to index
      %get3A_301 = arith.constant 160 : index
      %get3A_302 = tpu.vector_load %arg13[%get3A_300, %get3A_301] {strides = array<i32>} : memref<64x512xf32, #tpu.memory_space<vmem>>, vector<16xf32>,
      %mul3A_303 = arith.mulf %get3A_302, %gather3A : vector<16xf32>
      %add3A_304 = arith.addf %mul3A_303, %gather3A_221 : vector<16xf32>
      %swap3A_305 = arith.index_cast %scan3A_218 : i32 to index
      %swap3A_306 = arith.constant 160 : index
      %swap3A_307 = tpu.vector_load %arg13[%swap3A_305, %swap3A_306] {strides = array<i32>} : memref<64x512xf32, #tpu.memory_space<vmem>>, vector<16xf32>,
      tpu.vector_store %arg13[%swap3A_305, %swap3A_306], %add3A_304 {strides = array<i32>} : memref<64x512xf32, #tpu.memory_space<vmem>>, vector<16xf32>,
      %get3A_308 = arith.index_cast %scan3A_218 : i32 to index
      %get3A_309 = arith.constant 176 : index
      %get3A_310 = tpu.vector_load %arg13[%get3A_308, %get3A_309] {strides = array<i32>} : memref<64x512xf32, #tpu.memory_space<vmem>>, vector<16xf32>,
      %mul3A_311 = arith.mulf %get3A_310, %gather3A : vector<16xf32>
      %add3A_312 = arith.addf %mul3A_311, %gather3A_221 : vector<16xf32>
      %swap3A_313 = arith.index_cast %scan3A_218 : i32 to index
      %swap3A_314 = arith.constant 176 : index
      %swap3A_315 = tpu.vector_load %arg13[%swap3A_313, %swap3A_314] {strides = array<i32>} : memref<64x512xf32, #tpu.memory_space<vmem>>, vector<16xf32>,
      tpu.vector_store %arg13[%swap3A_313, %swap3A_314], %add3A_312 {strides = array<i32>} : memref<64x512xf32, #tpu.memory_space<vmem>>, vector<16xf32>,
      %get3A_316 = arith.index_cast %scan3A_218 : i32 to index
      %get3A_317 = arith.constant 192 : index
      %get3A_318 = tpu.vector_load %arg13[%get3A_316, %get3A_317] {strides = array<i32>} : memref<64x512xf32, #tpu.memory_space<vmem>>, vector<16xf32>,
      %mul3A_319 = arith.mulf %get3A_318, %gather3A : vector<16xf32>
      %add3A_320 = arith.addf %mul3A_319, %gather3A_221 : vector<16xf32>
      %swap3A_321 = arith.index_cast %scan3A_218 : i32 to index
      %swap3A_322 = arith.constant 192 : index
      %swap3A_323 = tpu.vector_load %arg13[%swap3A_321, %swap3A_322] {strides = array<i32>} : memref<64x512xf32, #tpu.memory_space<vmem>>, vector<16xf32>,
      tpu.vector_store %arg13[%swap3A_321, %swap3A_322], %add3A_320 {strides = array<i32>} : memref<64x512xf32, #tpu.memory_space<vmem>>, vector<16xf32>,
      %get3A_324 = arith.index_cast %scan3A_218 : i32 to index
      %get3A_325 = arith.constant 208 : index
      %get3A_326 = tpu.vector_load %arg13[%get3A_324, %get3A_325] {strides = array<i32>} : memref<64x512xf32, #tpu.memory_space<vmem>>, vector<16xf32>,
      %mul3A_327 = arith.mulf %get3A_326, %gather3A : vector<16xf32>
      %add3A_328 = arith.addf %mul3A_327, %gather3A_221 : vector<16xf32>
      %swap3A_329 = arith.index_cast %scan3A_218 : i32 to index
      %swap3A_330 = arith.constant 208 : index
      %swap3A_331 = tpu.vector_load %arg13[%swap3A_329, %swap3A_330] {strides = array<i32>} : memref<64x512xf32, #tpu.memory_space<vmem>>, vector<16xf32>,
      tpu.vector_store %arg13[%swap3A_329, %swap3A_330], %add3A_328 {strides = array<i32>} : memref<64x512xf32, #tpu.memory_space<vmem>>, vector<16xf32>,
      %get3A_332 = arith.index_cast %scan3A_218 : i32 to index
      %get3A_333 = arith.constant 224 : index
      %get3A_334 = tpu.vector_load %arg13[%get3A_332, %get3A_333] {strides = array<i32>} : memref<64x512xf32, #tpu.memory_space<vmem>>, vector<16xf32>,
      %mul3A_335 = arith.mulf %get3A_334, %gather3A : vector<16xf32>
      %add3A_336 = arith.addf %mul3A_335, %gather3A_221 : vector<16xf32>
      %swap3A_337 = arith.index_cast %scan3A_218 : i32 to index
      %swap3A_338 = arith.constant 224 : index
      %swap3A_339 = tpu.vector_load %arg13[%swap3A_337, %swap3A_338] {strides = array<i32>} : memref<64x512xf32, #tpu.memory_space<vmem>>, vector<16xf32>,
      tpu.vector_store %arg13[%swap3A_337, %swap3A_338], %add3A_336 {strides = array<i32>} : memref<64x512xf32, #tpu.memory_space<vmem>>, vector<16xf32>,
      %get3A_340 = arith.index_cast %scan3A_218 : i32 to index
      %get3A_341 = arith.constant 240 : index
      %get3A_342 = tpu.vector_load %arg13[%get3A_340, %get3A_341] {strides = array<i32>} : memref<64x512xf32, #tpu.memory_space<vmem>>, vector<16xf32>,
      %mul3A_343 = arith.mulf %get3A_342, %gather3A : vector<16xf32>
      %add3A_344 = arith.addf %mul3A_343, %gather3A_221 : vector<16xf32>
      %swap3A_345 = arith.index_cast %scan3A_218 : i32 to index
      %swap3A_346 = arith.constant 240 : index
      %swap3A_347 = tpu.vector_load %arg13[%swap3A_345, %swap3A_346] {strides = array<i32>} : memref<64x512xf32, #tpu.memory_space<vmem>>, vector<16xf32>,
      tpu.vector_store %arg13[%swap3A_345, %swap3A_346], %add3A_344 {strides = array<i32>} : memref<64x512xf32, #tpu.memory_space<vmem>>, vector<16xf32>,
      %get3A_348 = arith.index_cast %scan3A_218 : i32 to index
      %get3A_349 = arith.constant 256 : index
      %get3A_350 = tpu.vector_load %arg13[%get3A_348, %get3A_349] {strides = array<i32>} : memref<64x512xf32, #tpu.memory_space<vmem>>, vector<16xf32>,
      %mul3A_351 = arith.mulf %get3A_350, %gather3A : vector<16xf32>
      %add3A_352 = arith.addf %mul3A_351, %gather3A_221 : vector<16xf32>
      %swap3A_353 = arith.index_cast %scan3A_218 : i32 to index
      %swap3A_354 = arith.constant 256 : index
      %swap3A_355 = tpu.vector_load %arg13[%swap3A_353, %swap3A_354] {strides = array<i32>} : memref<64x512xf32, #tpu.memory_space<vmem>>, vector<16xf32>,
      tpu.vector_store %arg13[%swap3A_353, %swap3A_354], %add3A_352 {strides = array<i32>} : memref<64x512xf32, #tpu.memory_space<vmem>>, vector<16xf32>,
      %get3A_356 = arith.index_cast %scan3A_218 : i32 to index
      %get3A_357 = arith.constant 272 : index
      %get3A_358 = tpu.vector_load %arg13[%get3A_356, %get3A_357] {strides = array<i32>} : memref<64x512xf32, #tpu.memory_space<vmem>>, vector<16xf32>,
      %mul3A_359 = arith.mulf %get3A_358, %gather3A : vector<16xf32>
      %add3A_360 = arith.addf %mul3A_359, %gather3A_221 : vector<16xf32>
      %swap3A_361 = arith.index_cast %scan3A_218 : i32 to index
      %swap3A_362 = arith.constant 272 : index
      %swap3A_363 = tpu.vector_load %arg13[%swap3A_361, %swap3A_362] {strides = array<i32>} : memref<64x512xf32, #tpu.memory_space<vmem>>, vector<16xf32>,
      tpu.vector_store %arg13[%swap3A_361, %swap3A_362], %add3A_360 {strides = array<i32>} : memref<64x512xf32, #tpu.memory_space<vmem>>, vector<16xf32>,
      %get3A_364 = arith.index_cast %scan3A_218 : i32 to index
      %get3A_365 = arith.constant 288 : index
      %get3A_366 = tpu.vector_load %arg13[%get3A_364, %get3A_365] {strides = array<i32>} : memref<64x512xf32, #tpu.memory_space<vmem>>, vector<16xf32>,
      %mul3A_367 = arith.mulf %get3A_366, %gather3A : vector<16xf32>
      %add3A_368 = arith.addf %mul3A_367, %gather3A_221 : vector<16xf32>
      %swap3A_369 = arith.index_cast %scan3A_218 : i32 to index
      %swap3A_370 = arith.constant 288 : index
      %swap3A_371 = tpu.vector_load %arg13[%swap3A_369, %swap3A_370] {strides = array<i32>} : memref<64x512xf32, #tpu.memory_space<vmem>>, vector<16xf32>,
      tpu.vector_store %arg13[%swap3A_369, %swap3A_370], %add3A_368 {strides = array<i32>} : memref<64x512xf32, #tpu.memory_space<vmem>>, vector<16xf32>,
      %get3A_372 = arith.index_cast %scan3A_218 : i32 to index
      %get3A_373 = arith.constant 304 : index
      %get3A_374 = tpu.vector_load %arg13[%get3A_372, %get3A_373] {strides = array<i32>} : memref<64x512xf32, #tpu.memory_space<vmem>>, vector<16xf32>,
      %mul3A_375 = arith.mulf %get3A_374, %gather3A : vector<16xf32>
      %add3A_376 = arith.addf %mul3A_375, %gather3A_221 : vector<16xf32>
      %swap3A_377 = arith.index_cast %scan3A_218 : i32 to index
      %swap3A_378 = arith.constant 304 : index
      %swap3A_379 = tpu.vector_load %arg13[%swap3A_377, %swap3A_378] {strides = array<i32>} : memref<64x512xf32, #tpu.memory_space<vmem>>, vector<16xf32>,
      tpu.vector_store %arg13[%swap3A_377, %swap3A_378], %add3A_376 {strides = array<i32>} : memref<64x512xf32, #tpu.memory_space<vmem>>, vector<16xf32>,
      %get3A_380 = arith.index_cast %scan3A_218 : i32 to index
      %get3A_381 = arith.constant 320 : index
      %get3A_382 = tpu.vector_load %arg13[%get3A_380, %get3A_381] {strides = array<i32>} : memref<64x512xf32, #tpu.memory_space<vmem>>, vector<16xf32>,
      %mul3A_383 = arith.mulf %get3A_382, %gather3A : vector<16xf32>
      %add3A_384 = arith.addf %mul3A_383, %gather3A_221 : vector<16xf32>
      %swap3A_385 = arith.index_cast %scan3A_218 : i32 to index
      %swap3A_386 = arith.constant 320 : index
      %swap3A_387 = tpu.vector_load %arg13[%swap3A_385, %swap3A_386] {strides = array<i32>} : memref<64x512xf32, #tpu.memory_space<vmem>>, vector<16xf32>,
      tpu.vector_store %arg13[%swap3A_385, %swap3A_386], %add3A_384 {strides = array<i32>} : memref<64x512xf32, #tpu.memory_space<vmem>>, vector<16xf32>,
      %get3A_388 = arith.index_cast %scan3A_218 : i32 to index
      %get3A_389 = arith.constant 336 : index
      %get3A_390 = tpu.vector_load %arg13[%get3A_388, %get3A_389] {strides = array<i32>} : memref<64x512xf32, #tpu.memory_space<vmem>>, vector<16xf32>,
      %mul3A_391 = arith.mulf %get3A_390, %gather3A : vector<16xf32>
      %add3A_392 = arith.addf %mul3A_391, %gather3A_221 : vector<16xf32>
      %swap3A_393 = arith.index_cast %scan3A_218 : i32 to index
      %swap3A_394 = arith.constant 336 : index
      %swap3A_395 = tpu.vector_load %arg13[%swap3A_393, %swap3A_394] {strides = array<i32>} : memref<64x512xf32, #tpu.memory_space<vmem>>, vector<16xf32>,
      tpu.vector_store %arg13[%swap3A_393, %swap3A_394], %add3A_392 {strides = array<i32>} : memref<64x512xf32, #tpu.memory_space<vmem>>, vector<16xf32>,
      %get3A_396 = arith.index_cast %scan3A_218 : i32 to index
      %get3A_397 = arith.constant 352 : index
      %get3A_398 = tpu.vector_load %arg13[%get3A_396, %get3A_397] {strides = array<i32>} : memref<64x512xf32, #tpu.memory_space<vmem>>, vector<16xf32>,
      %mul3A_399 = arith.mulf %get3A_398, %gather3A : vector<16xf32>
      %add3A_400 = arith.addf %mul3A_399, %gather3A_221 : vector<16xf32>
      %swap3A_401 = arith.index_cast %scan3A_218 : i32 to index
      %swap3A_402 = arith.constant 352 : index
      %swap3A_403 = tpu.vector_load %arg13[%swap3A_401, %swap3A_402] {strides = array<i32>} : memref<64x512xf32, #tpu.memory_space<vmem>>, vector<16xf32>,
      tpu.vector_store %arg13[%swap3A_401, %swap3A_402], %add3A_400 {strides = array<i32>} : memref<64x512xf32, #tpu.memory_space<vmem>>, vector<16xf32>,
      %get3A_404 = arith.index_cast %scan3A_218 : i32 to index
      %get3A_405 = arith.constant 368 : index
      %get3A_406 = tpu.vector_load %arg13[%get3A_404, %get3A_405] {strides = array<i32>} : memref<64x512xf32, #tpu.memory_space<vmem>>, vector<16xf32>,
      %mul3A_407 = arith.mulf %get3A_406, %gather3A : vector<16xf32>
      %add3A_408 = arith.addf %mul3A_407, %gather3A_221 : vector<16xf32>
      %swap3A_409 = arith.index_cast %scan3A_218 : i32 to index
      %swap3A_410 = arith.constant 368 : index
      %swap3A_411 = tpu.vector_load %arg13[%swap3A_409, %swap3A_410] {strides = array<i32>} : memref<64x512xf32, #tpu.memory_space<vmem>>, vector<16xf32>,
      tpu.vector_store %arg13[%swap3A_409, %swap3A_410], %add3A_408 {strides = array<i32>} : memref<64x512xf32, #tpu.memory_space<vmem>>, vector<16xf32>,
      %get3A_412 = arith.index_cast %scan3A_218 : i32 to index
      %get3A_413 = arith.constant 384 : index
      %get3A_414 = tpu.vector_load %arg13[%get3A_412, %get3A_413] {strides = array<i32>} : memref<64x512xf32, #tpu.memory_space<vmem>>, vector<16xf32>,
      %mul3A_415 = arith.mulf %get3A_414, %gather3A : vector<16xf32>
      %add3A_416 = arith.addf %mul3A_415, %gather3A_221 : vector<16xf32>
      %swap3A_417 = arith.index_cast %scan3A_218 : i32 to index
      %swap3A_418 = arith.constant 384 : index
      %swap3A_419 = tpu.vector_load %arg13[%swap3A_417, %swap3A_418] {strides = array<i32>} : memref<64x512xf32, #tpu.memory_space<vmem>>, vector<16xf32>,
      tpu.vector_store %arg13[%swap3A_417, %swap3A_418], %add3A_416 {strides = array<i32>} : memref<64x512xf32, #tpu.memory_space<vmem>>, vector<16xf32>,
      %get3A_420 = arith.index_cast %scan3A_218 : i32 to index
      %get3A_421 = arith.constant 400 : index
      %get3A_422 = tpu.vector_load %arg13[%get3A_420, %get3A_421] {strides = array<i32>} : memref<64x512xf32, #tpu.memory_space<vmem>>, vector<16xf32>,
      %mul3A_423 = arith.mulf %get3A_422, %gather3A : vector<16xf32>
      %add3A_424 = arith.addf %mul3A_423, %gather3A_221 : vector<16xf32>
      %swap3A_425 = arith.index_cast %scan3A_218 : i32 to index
      %swap3A_426 = arith.constant 400 : index
      %swap3A_427 = tpu.vector_load %arg13[%swap3A_425, %swap3A_426] {strides = array<i32>} : memref<64x512xf32, #tpu.memory_space<vmem>>, vector<16xf32>,
      tpu.vector_store %arg13[%swap3A_425, %swap3A_426], %add3A_424 {strides = array<i32>} : memref<64x512xf32, #tpu.memory_space<vmem>>, vector<16xf32>,
      %get3A_428 = arith.index_cast %scan3A_218 : i32 to index
      %get3A_429 = arith.constant 416 : index
      %get3A_430 = tpu.vector_load %arg13[%get3A_428, %get3A_429] {strides = array<i32>} : memref<64x512xf32, #tpu.memory_space<vmem>>, vector<16xf32>,
      %mul3A_431 = arith.mulf %get3A_430, %gather3A : vector<16xf32>
      %add3A_432 = arith.addf %mul3A_431, %gather3A_221 : vector<16xf32>
      %swap3A_433 = arith.index_cast %scan3A_218 : i32 to index
      %swap3A_434 = arith.constant 416 : index
      %swap3A_435 = tpu.vector_load %arg13[%swap3A_433, %swap3A_434] {strides = array<i32>} : memref<64x512xf32, #tpu.memory_space<vmem>>, vector<16xf32>,
      tpu.vector_store %arg13[%swap3A_433, %swap3A_434], %add3A_432 {strides = array<i32>} : memref<64x512xf32, #tpu.memory_space<vmem>>, vector<16xf32>,
      %get3A_436 = arith.index_cast %scan3A_218 : i32 to index
      %get3A_437 = arith.constant 432 : index
      %get3A_438 = tpu.vector_load %arg13[%get3A_436, %get3A_437] {strides = array<i32>} : memref<64x512xf32, #tpu.memory_space<vmem>>, vector<16xf32>,
      %mul3A_439 = arith.mulf %get3A_438, %gather3A : vector<16xf32>
      %add3A_440 = arith.addf %mul3A_439, %gather3A_221 : vector<16xf32>
      %swap3A_441 = arith.index_cast %scan3A_218 : i32 to index
      %swap3A_442 = arith.constant 432 : index
      %swap3A_443 = tpu.vector_load %arg13[%swap3A_441, %swap3A_442] {strides = array<i32>} : memref<64x512xf32, #tpu.memory_space<vmem>>, vector<16xf32>,
      tpu.vector_store %arg13[%swap3A_441, %swap3A_442], %add3A_440 {strides = array<i32>} : memref<64x512xf32, #tpu.memory_space<vmem>>, vector<16xf32>,
      %get3A_444 = arith.index_cast %scan3A_218 : i32 to index
      %get3A_445 = arith.constant 448 : index
      %get3A_446 = tpu.vector_load %arg13[%get3A_444, %get3A_445] {strides = array<i32>} : memref<64x512xf32, #tpu.memory_space<vmem>>, vector<16xf32>,
      %mul3A_447 = arith.mulf %get3A_446, %gather3A : vector<16xf32>
      %add3A_448 = arith.addf %mul3A_447, %gather3A_221 : vector<16xf32>
      %swap3A_449 = arith.index_cast %scan3A_218 : i32 to index
      %swap3A_450 = arith.constant 448 : index
      %swap3A_451 = tpu.vector_load %arg13[%swap3A_449, %swap3A_450] {strides = array<i32>} : memref<64x512xf32, #tpu.memory_space<vmem>>, vector<16xf32>,
      tpu.vector_store %arg13[%swap3A_449, %swap3A_450], %add3A_448 {strides = array<i32>} : memref<64x512xf32, #tpu.memory_space<vmem>>, vector<16xf32>,
      %get3A_452 = arith.index_cast %scan3A_218 : i32 to index
      %get3A_453 = arith.constant 464 : index
      %get3A_454 = tpu.vector_load %arg13[%get3A_452, %get3A_453] {strides = array<i32>} : memref<64x512xf32, #tpu.memory_space<vmem>>, vector<16xf32>,
      %mul3A_455 = arith.mulf %get3A_454, %gather3A : vector<16xf32>
      %add3A_456 = arith.addf %mul3A_455, %gather3A_221 : vector<16xf32>
      %swap3A_457 = arith.index_cast %scan3A_218 : i32 to index
      %swap3A_458 = arith.constant 464 : index
      %swap3A_459 = tpu.vector_load %arg13[%swap3A_457, %swap3A_458] {strides = array<i32>} : memref<64x512xf32, #tpu.memory_space<vmem>>, vector<16xf32>,
      tpu.vector_store %arg13[%swap3A_457, %swap3A_458], %add3A_456 {strides = array<i32>} : memref<64x512xf32, #tpu.memory_space<vmem>>, vector<16xf32>,
      %get3A_460 = arith.index_cast %scan3A_218 : i32 to index
      %get3A_461 = arith.constant 480 : index
      %get3A_462 = tpu.vector_load %arg13[%get3A_460, %get3A_461] {strides = array<i32>} : memref<64x512xf32, #tpu.memory_space<vmem>>, vector<16xf32>,
      %mul3A_463 = arith.mulf %get3A_462, %gather3A : vector<16xf32>
      %add3A_464 = arith.addf %mul3A_463, %gather3A_221 : vector<16xf32>
      %swap3A_465 = arith.index_cast %scan3A_218 : i32 to index
      %swap3A_466 = arith.constant 480 : index
      %swap3A_467 = tpu.vector_load %arg13[%swap3A_465, %swap3A_466] {strides = array<i32>} : memref<64x512xf32, #tpu.memory_space<vmem>>, vector<16xf32>,
      tpu.vector_store %arg13[%swap3A_465, %swap3A_466], %add3A_464 {strides = array<i32>} : memref<64x512xf32, #tpu.memory_space<vmem>>, vector<16xf32>,
      %get3A_468 = arith.index_cast %scan3A_218 : i32 to index
      %get3A_469 = arith.constant 496 : index
      %get3A_470 = tpu.vector_load %arg13[%get3A_468, %get3A_469] {strides = array<i32>} : memref<64x512xf32, #tpu.memory_space<vmem>>, vector<16xf32>,
      %mul3A_471 = arith.mulf %get3A_470, %gather3A : vector<16xf32>
      %add3A_472 = arith.addf %mul3A_471, %gather3A_221 : vector<16xf32>
      %swap3A_473 = arith.index_cast %scan3A_218 : i32 to index
      %swap3A_474 = arith.constant 496 : index
      %swap3A_475 = tpu.vector_load %arg13[%swap3A_473, %swap3A_474] {strides = array<i32>} : memref<64x512xf32, #tpu.memory_space<vmem>>, vector<16xf32>,
      tpu.vector_store %arg13[%swap3A_473, %swap3A_474], %add3A_472 {strides = array<i32>} : memref<64x512xf32, #tpu.memory_space<vmem>>, vector<16xf32>,
    }
    %scan3A_141 = arith.constant 64 : i32
    %add3A_142 = arith.constant 256 : i32
    %add3A_143 = arith.addi %mul3A_2, %add3A_142 : i32
    %dma_start3A_144 = arith.constant 0 : i32
    %dma_start3A_145 = tpu.memref_slice %arg6[%add3A_143, %dma_start3A_144] : memref<16384x512xf32, #tpu.memory_space<hbm>> -> memref<64x512xf32, #tpu.memory_space<hbm>>
    %dma_start3A_146 = arith.constant 0 : i32
    %dma_start3A_147 = tpu.memref_slice %arg6[%add3A_143, %dma_start3A_146] : memref<16384x512xf32, #tpu.memory_space<hbm>> -> memref<64x512xf32, #tpu.memory_space<hbm>>
    tpu.enqueue_dma source(%arg13 : memref<64x512xf32, #tpu.memory_space<vmem>>) target(%dma_start3A_147 : memref<64x512xf32, #tpu.memory_space<hbm>>) target_semaphore(%arg19 : memref<!tpu.dma_semaphore, #tpu.memory_space<semaphore_mem>>)
    %dma_wait3A_148 = arith.constant 0 : i32
    %dma_wait3A_149 = tpu.memref_slice %arg6[%add3A_143, %dma_wait3A_148] : memref<16384x512xf32, #tpu.memory_space<hbm>> -> memref<64x512xf32, #tpu.memory_space<hbm>>
    %dma_wait3A_150 = arith.constant 0 : i32
    %dma_wait3A_151 = tpu.memref_slice %arg6[%add3A_143, %dma_wait3A_150] : memref<16384x512xf32, #tpu.memory_space<hbm>> -> memref<64x512xf32, #tpu.memory_space<hbm>>
    tpu.wait_dma2 semaphore(%arg19 : memref<!tpu.dma_semaphore, #tpu.memory_space<semaphore_mem>>) src(%arg13 : memref<64x512xf32, #tpu.memory_space<vmem>>) dst(%dma_wait3A_151 : memref<64x512xf32, #tpu.memory_space<hbm>>)
    %add3A_152 = arith.constant 448 : i32
    %add3A_153 = arith.addi %mul3A_2, %add3A_152 : i32
    %dma_start3A_154 = arith.constant 0 : i32
    %dma_start3A_155 = tpu.memref_slice %arg2[%add3A_153, %dma_start3A_154] : memref<16384x512xf32, #tpu.memory_space<hbm>> -> memref<64x512xf32, #tpu.memory_space<hbm>>
    %dma_start3A_156 = arith.constant 0 : i32
    %dma_start3A_157 = tpu.memref_slice %arg2[%add3A_153, %dma_start3A_156] : memref<16384x512xf32, #tpu.memory_space<hbm>> -> memref<64x512xf32, #tpu.memory_space<hbm>>
    tpu.enqueue_dma source(%dma_start3A_157 : memref<64x512xf32, #tpu.memory_space<hbm>>) target(%arg13 : memref<64x512xf32, #tpu.memory_space<vmem>>) target_semaphore(%arg16 : memref<!tpu.dma_semaphore, #tpu.memory_space<semaphore_mem>>)
    %dma_wait3A_158 = arith.constant 0 : i32
    %dma_wait3A_159 = tpu.memref_slice %arg2[%add3A_101, %dma_wait3A_158] : memref<16384x512xf32, #tpu.memory_space<hbm>> -> memref<64x512xf32, #tpu.memory_space<hbm>>
    %dma_wait3A_160 = arith.constant 0 : i32
    %dma_wait3A_161 = tpu.memref_slice %arg2[%add3A_101, %dma_wait3A_160] : memref<16384x512xf32, #tpu.memory_space<hbm>> -> memref<64x512xf32, #tpu.memory_space<hbm>>
    tpu.wait_dma2 semaphore(%arg17 : memref<!tpu.dma_semaphore, #tpu.memory_space<semaphore_mem>>) src(%dma_wait3A_161 : memref<64x512xf32, #tpu.memory_space<hbm>>) dst(%arg14 : memref<64x512xf32, #tpu.memory_space<vmem>>)
    %scan3A_162 = arith.constant 0 : i32
    %scan3A_163 = arith.constant 0 : i32
    %scan3A_164 = arith.constant 64 : i32
    %scan3A_165 = arith.addi %scan3A_163, %scan3A_164 : i32
    %scan3A_166 = arith.constant 1 : i32
    scf.for %scan3A_218 = %scan3A_163 to %scan3A_165 step %scan3A_166  : i32 {
      %add3A_219 = arith.constant 320 : i32
      %add3A_220 = arith.addi %add3A_219, %scan3A_218 : i32
      %broadcast_in_dim3A = vector.broadcast %add3A_220 : i32 to vector<16xi32>
      %gather3A = tpu.vector_load_idx %arg10[%broadcast_in_dim3A] : memref<512xf32, #tpu.memory_space<vmem>>[vector<16xi32>], vector<16xf32>,
      %gather3A_221 = tpu.vector_load_idx %arg11[%broadcast_in_dim3A] : memref<512xf32, #tpu.memory_space<vmem>>[vector<16xi32>], vector<16xf32>,
      %get3A = arith.index_cast %scan3A_218 : i32 to index
      %get3A_222 = arith.constant 0 : index
      %get3A_223 = tpu.vector_load %arg14[%get3A, %get3A_222] {strides = array<i32>} : memref<64x512xf32, #tpu.memory_space<vmem>>, vector<16xf32>,
      %mul3A_224 = arith.mulf %get3A_223, %gather3A : vector<16xf32>
      %add3A_225 = arith.addf %mul3A_224, %gather3A_221 : vector<16xf32>
      %swap3A = arith.index_cast %scan3A_218 : i32 to index
      %swap3A_226 = arith.constant 0 : index
      %swap3A_227 = tpu.vector_load %arg14[%swap3A, %swap3A_226] {strides = array<i32>} : memref<64x512xf32, #tpu.memory_space<vmem>>, vector<16xf32>,
      tpu.vector_store %arg14[%swap3A, %swap3A_226], %add3A_225 {strides = array<i32>} : memref<64x512xf32, #tpu.memory_space<vmem>>, vector<16xf32>,
      %get3A_228 = arith.index_cast %scan3A_218 : i32 to index
      %get3A_229 = arith.constant 16 : index
      %get3A_230 = tpu.vector_load %arg14[%get3A_228, %get3A_229] {strides = array<i32>} : memref<64x512xf32, #tpu.memory_space<vmem>>, vector<16xf32>,
      %mul3A_231 = arith.mulf %get3A_230, %gather3A : vector<16xf32>
      %add3A_232 = arith.addf %mul3A_231, %gather3A_221 : vector<16xf32>
      %swap3A_233 = arith.index_cast %scan3A_218 : i32 to index
      %swap3A_234 = arith.constant 16 : index
      %swap3A_235 = tpu.vector_load %arg14[%swap3A_233, %swap3A_234] {strides = array<i32>} : memref<64x512xf32, #tpu.memory_space<vmem>>, vector<16xf32>,
      tpu.vector_store %arg14[%swap3A_233, %swap3A_234], %add3A_232 {strides = array<i32>} : memref<64x512xf32, #tpu.memory_space<vmem>>, vector<16xf32>,
      %get3A_236 = arith.index_cast %scan3A_218 : i32 to index
      %get3A_237 = arith.constant 32 : index
      %get3A_238 = tpu.vector_load %arg14[%get3A_236, %get3A_237] {strides = array<i32>} : memref<64x512xf32, #tpu.memory_space<vmem>>, vector<16xf32>,
      %mul3A_239 = arith.mulf %get3A_238, %gather3A : vector<16xf32>
      %add3A_240 = arith.addf %mul3A_239, %gather3A_221 : vector<16xf32>
      %swap3A_241 = arith.index_cast %scan3A_218 : i32 to index
      %swap3A_242 = arith.constant 32 : index
      %swap3A_243 = tpu.vector_load %arg14[%swap3A_241, %swap3A_242] {strides = array<i32>} : memref<64x512xf32, #tpu.memory_space<vmem>>, vector<16xf32>,
      tpu.vector_store %arg14[%swap3A_241, %swap3A_242], %add3A_240 {strides = array<i32>} : memref<64x512xf32, #tpu.memory_space<vmem>>, vector<16xf32>,
      %get3A_244 = arith.index_cast %scan3A_218 : i32 to index
      %get3A_245 = arith.constant 48 : index
      %get3A_246 = tpu.vector_load %arg14[%get3A_244, %get3A_245] {strides = array<i32>} : memref<64x512xf32, #tpu.memory_space<vmem>>, vector<16xf32>,
      %mul3A_247 = arith.mulf %get3A_246, %gather3A : vector<16xf32>
      %add3A_248 = arith.addf %mul3A_247, %gather3A_221 : vector<16xf32>
      %swap3A_249 = arith.index_cast %scan3A_218 : i32 to index
      %swap3A_250 = arith.constant 48 : index
      %swap3A_251 = tpu.vector_load %arg14[%swap3A_249, %swap3A_250] {strides = array<i32>} : memref<64x512xf32, #tpu.memory_space<vmem>>, vector<16xf32>,
      tpu.vector_store %arg14[%swap3A_249, %swap3A_250], %add3A_248 {strides = array<i32>} : memref<64x512xf32, #tpu.memory_space<vmem>>, vector<16xf32>,
      %get3A_252 = arith.index_cast %scan3A_218 : i32 to index
      %get3A_253 = arith.constant 64 : index
      %get3A_254 = tpu.vector_load %arg14[%get3A_252, %get3A_253] {strides = array<i32>} : memref<64x512xf32, #tpu.memory_space<vmem>>, vector<16xf32>,
      %mul3A_255 = arith.mulf %get3A_254, %gather3A : vector<16xf32>
      %add3A_256 = arith.addf %mul3A_255, %gather3A_221 : vector<16xf32>
      %swap3A_257 = arith.index_cast %scan3A_218 : i32 to index
      %swap3A_258 = arith.constant 64 : index
      %swap3A_259 = tpu.vector_load %arg14[%swap3A_257, %swap3A_258] {strides = array<i32>} : memref<64x512xf32, #tpu.memory_space<vmem>>, vector<16xf32>,
      tpu.vector_store %arg14[%swap3A_257, %swap3A_258], %add3A_256 {strides = array<i32>} : memref<64x512xf32, #tpu.memory_space<vmem>>, vector<16xf32>,
      %get3A_260 = arith.index_cast %scan3A_218 : i32 to index
      %get3A_261 = arith.constant 80 : index
      %get3A_262 = tpu.vector_load %arg14[%get3A_260, %get3A_261] {strides = array<i32>} : memref<64x512xf32, #tpu.memory_space<vmem>>, vector<16xf32>,
      %mul3A_263 = arith.mulf %get3A_262, %gather3A : vector<16xf32>
      %add3A_264 = arith.addf %mul3A_263, %gather3A_221 : vector<16xf32>
      %swap3A_265 = arith.index_cast %scan3A_218 : i32 to index
      %swap3A_266 = arith.constant 80 : index
      %swap3A_267 = tpu.vector_load %arg14[%swap3A_265, %swap3A_266] {strides = array<i32>} : memref<64x512xf32, #tpu.memory_space<vmem>>, vector<16xf32>,
      tpu.vector_store %arg14[%swap3A_265, %swap3A_266], %add3A_264 {strides = array<i32>} : memref<64x512xf32, #tpu.memory_space<vmem>>, vector<16xf32>,
      %get3A_268 = arith.index_cast %scan3A_218 : i32 to index
      %get3A_269 = arith.constant 96 : index
      %get3A_270 = tpu.vector_load %arg14[%get3A_268, %get3A_269] {strides = array<i32>} : memref<64x512xf32, #tpu.memory_space<vmem>>, vector<16xf32>,
      %mul3A_271 = arith.mulf %get3A_270, %gather3A : vector<16xf32>
      %add3A_272 = arith.addf %mul3A_271, %gather3A_221 : vector<16xf32>
      %swap3A_273 = arith.index_cast %scan3A_218 : i32 to index
      %swap3A_274 = arith.constant 96 : index
      %swap3A_275 = tpu.vector_load %arg14[%swap3A_273, %swap3A_274] {strides = array<i32>} : memref<64x512xf32, #tpu.memory_space<vmem>>, vector<16xf32>,
      tpu.vector_store %arg14[%swap3A_273, %swap3A_274], %add3A_272 {strides = array<i32>} : memref<64x512xf32, #tpu.memory_space<vmem>>, vector<16xf32>,
      %get3A_276 = arith.index_cast %scan3A_218 : i32 to index
      %get3A_277 = arith.constant 112 : index
      %get3A_278 = tpu.vector_load %arg14[%get3A_276, %get3A_277] {strides = array<i32>} : memref<64x512xf32, #tpu.memory_space<vmem>>, vector<16xf32>,
      %mul3A_279 = arith.mulf %get3A_278, %gather3A : vector<16xf32>
      %add3A_280 = arith.addf %mul3A_279, %gather3A_221 : vector<16xf32>
      %swap3A_281 = arith.index_cast %scan3A_218 : i32 to index
      %swap3A_282 = arith.constant 112 : index
      %swap3A_283 = tpu.vector_load %arg14[%swap3A_281, %swap3A_282] {strides = array<i32>} : memref<64x512xf32, #tpu.memory_space<vmem>>, vector<16xf32>,
      tpu.vector_store %arg14[%swap3A_281, %swap3A_282], %add3A_280 {strides = array<i32>} : memref<64x512xf32, #tpu.memory_space<vmem>>, vector<16xf32>,
      %get3A_284 = arith.index_cast %scan3A_218 : i32 to index
      %get3A_285 = arith.constant 128 : index
      %get3A_286 = tpu.vector_load %arg14[%get3A_284, %get3A_285] {strides = array<i32>} : memref<64x512xf32, #tpu.memory_space<vmem>>, vector<16xf32>,
      %mul3A_287 = arith.mulf %get3A_286, %gather3A : vector<16xf32>
      %add3A_288 = arith.addf %mul3A_287, %gather3A_221 : vector<16xf32>
      %swap3A_289 = arith.index_cast %scan3A_218 : i32 to index
      %swap3A_290 = arith.constant 128 : index
      %swap3A_291 = tpu.vector_load %arg14[%swap3A_289, %swap3A_290] {strides = array<i32>} : memref<64x512xf32, #tpu.memory_space<vmem>>, vector<16xf32>,
      tpu.vector_store %arg14[%swap3A_289, %swap3A_290], %add3A_288 {strides = array<i32>} : memref<64x512xf32, #tpu.memory_space<vmem>>, vector<16xf32>,
      %get3A_292 = arith.index_cast %scan3A_218 : i32 to index
      %get3A_293 = arith.constant 144 : index
      %get3A_294 = tpu.vector_load %arg14[%get3A_292, %get3A_293] {strides = array<i32>} : memref<64x512xf32, #tpu.memory_space<vmem>>, vector<16xf32>,
      %mul3A_295 = arith.mulf %get3A_294, %gather3A : vector<16xf32>
      %add3A_296 = arith.addf %mul3A_295, %gather3A_221 : vector<16xf32>
      %swap3A_297 = arith.index_cast %scan3A_218 : i32 to index
      %swap3A_298 = arith.constant 144 : index
      %swap3A_299 = tpu.vector_load %arg14[%swap3A_297, %swap3A_298] {strides = array<i32>} : memref<64x512xf32, #tpu.memory_space<vmem>>, vector<16xf32>,
      tpu.vector_store %arg14[%swap3A_297, %swap3A_298], %add3A_296 {strides = array<i32>} : memref<64x512xf32, #tpu.memory_space<vmem>>, vector<16xf32>,
      %get3A_300 = arith.index_cast %scan3A_218 : i32 to index
      %get3A_301 = arith.constant 160 : index
      %get3A_302 = tpu.vector_load %arg14[%get3A_300, %get3A_301] {strides = array<i32>} : memref<64x512xf32, #tpu.memory_space<vmem>>, vector<16xf32>,
      %mul3A_303 = arith.mulf %get3A_302, %gather3A : vector<16xf32>
      %add3A_304 = arith.addf %mul3A_303, %gather3A_221 : vector<16xf32>
      %swap3A_305 = arith.index_cast %scan3A_218 : i32 to index
      %swap3A_306 = arith.constant 160 : index
      %swap3A_307 = tpu.vector_load %arg14[%swap3A_305, %swap3A_306] {strides = array<i32>} : memref<64x512xf32, #tpu.memory_space<vmem>>, vector<16xf32>,
      tpu.vector_store %arg14[%swap3A_305, %swap3A_306], %add3A_304 {strides = array<i32>} : memref<64x512xf32, #tpu.memory_space<vmem>>, vector<16xf32>,
      %get3A_308 = arith.index_cast %scan3A_218 : i32 to index
      %get3A_309 = arith.constant 176 : index
      %get3A_310 = tpu.vector_load %arg14[%get3A_308, %get3A_309] {strides = array<i32>} : memref<64x512xf32, #tpu.memory_space<vmem>>, vector<16xf32>,
      %mul3A_311 = arith.mulf %get3A_310, %gather3A : vector<16xf32>
      %add3A_312 = arith.addf %mul3A_311, %gather3A_221 : vector<16xf32>
      %swap3A_313 = arith.index_cast %scan3A_218 : i32 to index
      %swap3A_314 = arith.constant 176 : index
      %swap3A_315 = tpu.vector_load %arg14[%swap3A_313, %swap3A_314] {strides = array<i32>} : memref<64x512xf32, #tpu.memory_space<vmem>>, vector<16xf32>,
      tpu.vector_store %arg14[%swap3A_313, %swap3A_314], %add3A_312 {strides = array<i32>} : memref<64x512xf32, #tpu.memory_space<vmem>>, vector<16xf32>,
      %get3A_316 = arith.index_cast %scan3A_218 : i32 to index
      %get3A_317 = arith.constant 192 : index
      %get3A_318 = tpu.vector_load %arg14[%get3A_316, %get3A_317] {strides = array<i32>} : memref<64x512xf32, #tpu.memory_space<vmem>>, vector<16xf32>,
      %mul3A_319 = arith.mulf %get3A_318, %gather3A : vector<16xf32>
      %add3A_320 = arith.addf %mul3A_319, %gather3A_221 : vector<16xf32>
      %swap3A_321 = arith.index_cast %scan3A_218 : i32 to index
      %swap3A_322 = arith.constant 192 : index
      %swap3A_323 = tpu.vector_load %arg14[%swap3A_321, %swap3A_322] {strides = array<i32>} : memref<64x512xf32, #tpu.memory_space<vmem>>, vector<16xf32>,
      tpu.vector_store %arg14[%swap3A_321, %swap3A_322], %add3A_320 {strides = array<i32>} : memref<64x512xf32, #tpu.memory_space<vmem>>, vector<16xf32>,
      %get3A_324 = arith.index_cast %scan3A_218 : i32 to index
      %get3A_325 = arith.constant 208 : index
      %get3A_326 = tpu.vector_load %arg14[%get3A_324, %get3A_325] {strides = array<i32>} : memref<64x512xf32, #tpu.memory_space<vmem>>, vector<16xf32>,
      %mul3A_327 = arith.mulf %get3A_326, %gather3A : vector<16xf32>
      %add3A_328 = arith.addf %mul3A_327, %gather3A_221 : vector<16xf32>
      %swap3A_329 = arith.index_cast %scan3A_218 : i32 to index
      %swap3A_330 = arith.constant 208 : index
      %swap3A_331 = tpu.vector_load %arg14[%swap3A_329, %swap3A_330] {strides = array<i32>} : memref<64x512xf32, #tpu.memory_space<vmem>>, vector<16xf32>,
      tpu.vector_store %arg14[%swap3A_329, %swap3A_330], %add3A_328 {strides = array<i32>} : memref<64x512xf32, #tpu.memory_space<vmem>>, vector<16xf32>,
      %get3A_332 = arith.index_cast %scan3A_218 : i32 to index
      %get3A_333 = arith.constant 224 : index
      %get3A_334 = tpu.vector_load %arg14[%get3A_332, %get3A_333] {strides = array<i32>} : memref<64x512xf32, #tpu.memory_space<vmem>>, vector<16xf32>,
      %mul3A_335 = arith.mulf %get3A_334, %gather3A : vector<16xf32>
      %add3A_336 = arith.addf %mul3A_335, %gather3A_221 : vector<16xf32>
      %swap3A_337 = arith.index_cast %scan3A_218 : i32 to index
      %swap3A_338 = arith.constant 224 : index
      %swap3A_339 = tpu.vector_load %arg14[%swap3A_337, %swap3A_338] {strides = array<i32>} : memref<64x512xf32, #tpu.memory_space<vmem>>, vector<16xf32>,
      tpu.vector_store %arg14[%swap3A_337, %swap3A_338], %add3A_336 {strides = array<i32>} : memref<64x512xf32, #tpu.memory_space<vmem>>, vector<16xf32>,
      %get3A_340 = arith.index_cast %scan3A_218 : i32 to index
      %get3A_341 = arith.constant 240 : index
      %get3A_342 = tpu.vector_load %arg14[%get3A_340, %get3A_341] {strides = array<i32>} : memref<64x512xf32, #tpu.memory_space<vmem>>, vector<16xf32>,
      %mul3A_343 = arith.mulf %get3A_342, %gather3A : vector<16xf32>
      %add3A_344 = arith.addf %mul3A_343, %gather3A_221 : vector<16xf32>
      %swap3A_345 = arith.index_cast %scan3A_218 : i32 to index
      %swap3A_346 = arith.constant 240 : index
      %swap3A_347 = tpu.vector_load %arg14[%swap3A_345, %swap3A_346] {strides = array<i32>} : memref<64x512xf32, #tpu.memory_space<vmem>>, vector<16xf32>,
      tpu.vector_store %arg14[%swap3A_345, %swap3A_346], %add3A_344 {strides = array<i32>} : memref<64x512xf32, #tpu.memory_space<vmem>>, vector<16xf32>,
      %get3A_348 = arith.index_cast %scan3A_218 : i32 to index
      %get3A_349 = arith.constant 256 : index
      %get3A_350 = tpu.vector_load %arg14[%get3A_348, %get3A_349] {strides = array<i32>} : memref<64x512xf32, #tpu.memory_space<vmem>>, vector<16xf32>,
      %mul3A_351 = arith.mulf %get3A_350, %gather3A : vector<16xf32>
      %add3A_352 = arith.addf %mul3A_351, %gather3A_221 : vector<16xf32>
      %swap3A_353 = arith.index_cast %scan3A_218 : i32 to index
      %swap3A_354 = arith.constant 256 : index
      %swap3A_355 = tpu.vector_load %arg14[%swap3A_353, %swap3A_354] {strides = array<i32>} : memref<64x512xf32, #tpu.memory_space<vmem>>, vector<16xf32>,
      tpu.vector_store %arg14[%swap3A_353, %swap3A_354], %add3A_352 {strides = array<i32>} : memref<64x512xf32, #tpu.memory_space<vmem>>, vector<16xf32>,
      %get3A_356 = arith.index_cast %scan3A_218 : i32 to index
      %get3A_357 = arith.constant 272 : index
      %get3A_358 = tpu.vector_load %arg14[%get3A_356, %get3A_357] {strides = array<i32>} : memref<64x512xf32, #tpu.memory_space<vmem>>, vector<16xf32>,
      %mul3A_359 = arith.mulf %get3A_358, %gather3A : vector<16xf32>
      %add3A_360 = arith.addf %mul3A_359, %gather3A_221 : vector<16xf32>
      %swap3A_361 = arith.index_cast %scan3A_218 : i32 to index
      %swap3A_362 = arith.constant 272 : index
      %swap3A_363 = tpu.vector_load %arg14[%swap3A_361, %swap3A_362] {strides = array<i32>} : memref<64x512xf32, #tpu.memory_space<vmem>>, vector<16xf32>,
      tpu.vector_store %arg14[%swap3A_361, %swap3A_362], %add3A_360 {strides = array<i32>} : memref<64x512xf32, #tpu.memory_space<vmem>>, vector<16xf32>,
      %get3A_364 = arith.index_cast %scan3A_218 : i32 to index
      %get3A_365 = arith.constant 288 : index
      %get3A_366 = tpu.vector_load %arg14[%get3A_364, %get3A_365] {strides = array<i32>} : memref<64x512xf32, #tpu.memory_space<vmem>>, vector<16xf32>,
      %mul3A_367 = arith.mulf %get3A_366, %gather3A : vector<16xf32>
      %add3A_368 = arith.addf %mul3A_367, %gather3A_221 : vector<16xf32>
      %swap3A_369 = arith.index_cast %scan3A_218 : i32 to index
      %swap3A_370 = arith.constant 288 : index
      %swap3A_371 = tpu.vector_load %arg14[%swap3A_369, %swap3A_370] {strides = array<i32>} : memref<64x512xf32, #tpu.memory_space<vmem>>, vector<16xf32>,
      tpu.vector_store %arg14[%swap3A_369, %swap3A_370], %add3A_368 {strides = array<i32>} : memref<64x512xf32, #tpu.memory_space<vmem>>, vector<16xf32>,
      %get3A_372 = arith.index_cast %scan3A_218 : i32 to index
      %get3A_373 = arith.constant 304 : index
      %get3A_374 = tpu.vector_load %arg14[%get3A_372, %get3A_373] {strides = array<i32>} : memref<64x512xf32, #tpu.memory_space<vmem>>, vector<16xf32>,
      %mul3A_375 = arith.mulf %get3A_374, %gather3A : vector<16xf32>
      %add3A_376 = arith.addf %mul3A_375, %gather3A_221 : vector<16xf32>
      %swap3A_377 = arith.index_cast %scan3A_218 : i32 to index
      %swap3A_378 = arith.constant 304 : index
      %swap3A_379 = tpu.vector_load %arg14[%swap3A_377, %swap3A_378] {strides = array<i32>} : memref<64x512xf32, #tpu.memory_space<vmem>>, vector<16xf32>,
      tpu.vector_store %arg14[%swap3A_377, %swap3A_378], %add3A_376 {strides = array<i32>} : memref<64x512xf32, #tpu.memory_space<vmem>>, vector<16xf32>,
      %get3A_380 = arith.index_cast %scan3A_218 : i32 to index
      %get3A_381 = arith.constant 320 : index
      %get3A_382 = tpu.vector_load %arg14[%get3A_380, %get3A_381] {strides = array<i32>} : memref<64x512xf32, #tpu.memory_space<vmem>>, vector<16xf32>,
      %mul3A_383 = arith.mulf %get3A_382, %gather3A : vector<16xf32>
      %add3A_384 = arith.addf %mul3A_383, %gather3A_221 : vector<16xf32>
      %swap3A_385 = arith.index_cast %scan3A_218 : i32 to index
      %swap3A_386 = arith.constant 320 : index
      %swap3A_387 = tpu.vector_load %arg14[%swap3A_385, %swap3A_386] {strides = array<i32>} : memref<64x512xf32, #tpu.memory_space<vmem>>, vector<16xf32>,
      tpu.vector_store %arg14[%swap3A_385, %swap3A_386], %add3A_384 {strides = array<i32>} : memref<64x512xf32, #tpu.memory_space<vmem>>, vector<16xf32>,
      %get3A_388 = arith.index_cast %scan3A_218 : i32 to index
      %get3A_389 = arith.constant 336 : index
      %get3A_390 = tpu.vector_load %arg14[%get3A_388, %get3A_389] {strides = array<i32>} : memref<64x512xf32, #tpu.memory_space<vmem>>, vector<16xf32>,
      %mul3A_391 = arith.mulf %get3A_390, %gather3A : vector<16xf32>
      %add3A_392 = arith.addf %mul3A_391, %gather3A_221 : vector<16xf32>
      %swap3A_393 = arith.index_cast %scan3A_218 : i32 to index
      %swap3A_394 = arith.constant 336 : index
      %swap3A_395 = tpu.vector_load %arg14[%swap3A_393, %swap3A_394] {strides = array<i32>} : memref<64x512xf32, #tpu.memory_space<vmem>>, vector<16xf32>,
      tpu.vector_store %arg14[%swap3A_393, %swap3A_394], %add3A_392 {strides = array<i32>} : memref<64x512xf32, #tpu.memory_space<vmem>>, vector<16xf32>,
      %get3A_396 = arith.index_cast %scan3A_218 : i32 to index
      %get3A_397 = arith.constant 352 : index
      %get3A_398 = tpu.vector_load %arg14[%get3A_396, %get3A_397] {strides = array<i32>} : memref<64x512xf32, #tpu.memory_space<vmem>>, vector<16xf32>,
      %mul3A_399 = arith.mulf %get3A_398, %gather3A : vector<16xf32>
      %add3A_400 = arith.addf %mul3A_399, %gather3A_221 : vector<16xf32>
      %swap3A_401 = arith.index_cast %scan3A_218 : i32 to index
      %swap3A_402 = arith.constant 352 : index
      %swap3A_403 = tpu.vector_load %arg14[%swap3A_401, %swap3A_402] {strides = array<i32>} : memref<64x512xf32, #tpu.memory_space<vmem>>, vector<16xf32>,
      tpu.vector_store %arg14[%swap3A_401, %swap3A_402], %add3A_400 {strides = array<i32>} : memref<64x512xf32, #tpu.memory_space<vmem>>, vector<16xf32>,
      %get3A_404 = arith.index_cast %scan3A_218 : i32 to index
      %get3A_405 = arith.constant 368 : index
      %get3A_406 = tpu.vector_load %arg14[%get3A_404, %get3A_405] {strides = array<i32>} : memref<64x512xf32, #tpu.memory_space<vmem>>, vector<16xf32>,
      %mul3A_407 = arith.mulf %get3A_406, %gather3A : vector<16xf32>
      %add3A_408 = arith.addf %mul3A_407, %gather3A_221 : vector<16xf32>
      %swap3A_409 = arith.index_cast %scan3A_218 : i32 to index
      %swap3A_410 = arith.constant 368 : index
      %swap3A_411 = tpu.vector_load %arg14[%swap3A_409, %swap3A_410] {strides = array<i32>} : memref<64x512xf32, #tpu.memory_space<vmem>>, vector<16xf32>,
      tpu.vector_store %arg14[%swap3A_409, %swap3A_410], %add3A_408 {strides = array<i32>} : memref<64x512xf32, #tpu.memory_space<vmem>>, vector<16xf32>,
      %get3A_412 = arith.index_cast %scan3A_218 : i32 to index
      %get3A_413 = arith.constant 384 : index
      %get3A_414 = tpu.vector_load %arg14[%get3A_412, %get3A_413] {strides = array<i32>} : memref<64x512xf32, #tpu.memory_space<vmem>>, vector<16xf32>,
      %mul3A_415 = arith.mulf %get3A_414, %gather3A : vector<16xf32>
      %add3A_416 = arith.addf %mul3A_415, %gather3A_221 : vector<16xf32>
      %swap3A_417 = arith.index_cast %scan3A_218 : i32 to index
      %swap3A_418 = arith.constant 384 : index
      %swap3A_419 = tpu.vector_load %arg14[%swap3A_417, %swap3A_418] {strides = array<i32>} : memref<64x512xf32, #tpu.memory_space<vmem>>, vector<16xf32>,
      tpu.vector_store %arg14[%swap3A_417, %swap3A_418], %add3A_416 {strides = array<i32>} : memref<64x512xf32, #tpu.memory_space<vmem>>, vector<16xf32>,
      %get3A_420 = arith.index_cast %scan3A_218 : i32 to index
      %get3A_421 = arith.constant 400 : index
      %get3A_422 = tpu.vector_load %arg14[%get3A_420, %get3A_421] {strides = array<i32>} : memref<64x512xf32, #tpu.memory_space<vmem>>, vector<16xf32>,
      %mul3A_423 = arith.mulf %get3A_422, %gather3A : vector<16xf32>
      %add3A_424 = arith.addf %mul3A_423, %gather3A_221 : vector<16xf32>
      %swap3A_425 = arith.index_cast %scan3A_218 : i32 to index
      %swap3A_426 = arith.constant 400 : index
      %swap3A_427 = tpu.vector_load %arg14[%swap3A_425, %swap3A_426] {strides = array<i32>} : memref<64x512xf32, #tpu.memory_space<vmem>>, vector<16xf32>,
      tpu.vector_store %arg14[%swap3A_425, %swap3A_426], %add3A_424 {strides = array<i32>} : memref<64x512xf32, #tpu.memory_space<vmem>>, vector<16xf32>,
      %get3A_428 = arith.index_cast %scan3A_218 : i32 to index
      %get3A_429 = arith.constant 416 : index
      %get3A_430 = tpu.vector_load %arg14[%get3A_428, %get3A_429] {strides = array<i32>} : memref<64x512xf32, #tpu.memory_space<vmem>>, vector<16xf32>,
      %mul3A_431 = arith.mulf %get3A_430, %gather3A : vector<16xf32>
      %add3A_432 = arith.addf %mul3A_431, %gather3A_221 : vector<16xf32>
      %swap3A_433 = arith.index_cast %scan3A_218 : i32 to index
      %swap3A_434 = arith.constant 416 : index
      %swap3A_435 = tpu.vector_load %arg14[%swap3A_433, %swap3A_434] {strides = array<i32>} : memref<64x512xf32, #tpu.memory_space<vmem>>, vector<16xf32>,
      tpu.vector_store %arg14[%swap3A_433, %swap3A_434], %add3A_432 {strides = array<i32>} : memref<64x512xf32, #tpu.memory_space<vmem>>, vector<16xf32>,
      %get3A_436 = arith.index_cast %scan3A_218 : i32 to index
      %get3A_437 = arith.constant 432 : index
      %get3A_438 = tpu.vector_load %arg14[%get3A_436, %get3A_437] {strides = array<i32>} : memref<64x512xf32, #tpu.memory_space<vmem>>, vector<16xf32>,
      %mul3A_439 = arith.mulf %get3A_438, %gather3A : vector<16xf32>
      %add3A_440 = arith.addf %mul3A_439, %gather3A_221 : vector<16xf32>
      %swap3A_441 = arith.index_cast %scan3A_218 : i32 to index
      %swap3A_442 = arith.constant 432 : index
      %swap3A_443 = tpu.vector_load %arg14[%swap3A_441, %swap3A_442] {strides = array<i32>} : memref<64x512xf32, #tpu.memory_space<vmem>>, vector<16xf32>,
      tpu.vector_store %arg14[%swap3A_441, %swap3A_442], %add3A_440 {strides = array<i32>} : memref<64x512xf32, #tpu.memory_space<vmem>>, vector<16xf32>,
      %get3A_444 = arith.index_cast %scan3A_218 : i32 to index
      %get3A_445 = arith.constant 448 : index
      %get3A_446 = tpu.vector_load %arg14[%get3A_444, %get3A_445] {strides = array<i32>} : memref<64x512xf32, #tpu.memory_space<vmem>>, vector<16xf32>,
      %mul3A_447 = arith.mulf %get3A_446, %gather3A : vector<16xf32>
      %add3A_448 = arith.addf %mul3A_447, %gather3A_221 : vector<16xf32>
      %swap3A_449 = arith.index_cast %scan3A_218 : i32 to index
      %swap3A_450 = arith.constant 448 : index
      %swap3A_451 = tpu.vector_load %arg14[%swap3A_449, %swap3A_450] {strides = array<i32>} : memref<64x512xf32, #tpu.memory_space<vmem>>, vector<16xf32>,
      tpu.vector_store %arg14[%swap3A_449, %swap3A_450], %add3A_448 {strides = array<i32>} : memref<64x512xf32, #tpu.memory_space<vmem>>, vector<16xf32>,
      %get3A_452 = arith.index_cast %scan3A_218 : i32 to index
      %get3A_453 = arith.constant 464 : index
      %get3A_454 = tpu.vector_load %arg14[%get3A_452, %get3A_453] {strides = array<i32>} : memref<64x512xf32, #tpu.memory_space<vmem>>, vector<16xf32>,
      %mul3A_455 = arith.mulf %get3A_454, %gather3A : vector<16xf32>
      %add3A_456 = arith.addf %mul3A_455, %gather3A_221 : vector<16xf32>
      %swap3A_457 = arith.index_cast %scan3A_218 : i32 to index
      %swap3A_458 = arith.constant 464 : index
      %swap3A_459 = tpu.vector_load %arg14[%swap3A_457, %swap3A_458] {strides = array<i32>} : memref<64x512xf32, #tpu.memory_space<vmem>>, vector<16xf32>,
      tpu.vector_store %arg14[%swap3A_457, %swap3A_458], %add3A_456 {strides = array<i32>} : memref<64x512xf32, #tpu.memory_space<vmem>>, vector<16xf32>,
      %get3A_460 = arith.index_cast %scan3A_218 : i32 to index
      %get3A_461 = arith.constant 480 : index
      %get3A_462 = tpu.vector_load %arg14[%get3A_460, %get3A_461] {strides = array<i32>} : memref<64x512xf32, #tpu.memory_space<vmem>>, vector<16xf32>,
      %mul3A_463 = arith.mulf %get3A_462, %gather3A : vector<16xf32>
      %add3A_464 = arith.addf %mul3A_463, %gather3A_221 : vector<16xf32>
      %swap3A_465 = arith.index_cast %scan3A_218 : i32 to index
      %swap3A_466 = arith.constant 480 : index
      %swap3A_467 = tpu.vector_load %arg14[%swap3A_465, %swap3A_466] {strides = array<i32>} : memref<64x512xf32, #tpu.memory_space<vmem>>, vector<16xf32>,
      tpu.vector_store %arg14[%swap3A_465, %swap3A_466], %add3A_464 {strides = array<i32>} : memref<64x512xf32, #tpu.memory_space<vmem>>, vector<16xf32>,
      %get3A_468 = arith.index_cast %scan3A_218 : i32 to index
      %get3A_469 = arith.constant 496 : index
      %get3A_470 = tpu.vector_load %arg14[%get3A_468, %get3A_469] {strides = array<i32>} : memref<64x512xf32, #tpu.memory_space<vmem>>, vector<16xf32>,
      %mul3A_471 = arith.mulf %get3A_470, %gather3A : vector<16xf32>
      %add3A_472 = arith.addf %mul3A_471, %gather3A_221 : vector<16xf32>
      %swap3A_473 = arith.index_cast %scan3A_218 : i32 to index
      %swap3A_474 = arith.constant 496 : index
      %swap3A_475 = tpu.vector_load %arg14[%swap3A_473, %swap3A_474] {strides = array<i32>} : memref<64x512xf32, #tpu.memory_space<vmem>>, vector<16xf32>,
      tpu.vector_store %arg14[%swap3A_473, %swap3A_474], %add3A_472 {strides = array<i32>} : memref<64x512xf32, #tpu.memory_space<vmem>>, vector<16xf32>,
    }
    %scan3A_167 = arith.constant 64 : i32
    %add3A_168 = arith.constant 320 : i32
    %add3A_169 = arith.addi %mul3A_2, %add3A_168 : i32
    %dma_start3A_170 = arith.constant 0 : i32
    %dma_start3A_171 = tpu.memref_slice %arg6[%add3A_169, %dma_start3A_170] : memref<16384x512xf32, #tpu.memory_space<hbm>> -> memref<64x512xf32, #tpu.memory_space<hbm>>
    %dma_start3A_172 = arith.constant 0 : i32
    %dma_start3A_173 = tpu.memref_slice %arg6[%add3A_169, %dma_start3A_172] : memref<16384x512xf32, #tpu.memory_space<hbm>> -> memref<64x512xf32, #tpu.memory_space<hbm>>
    tpu.enqueue_dma source(%arg14 : memref<64x512xf32, #tpu.memory_space<vmem>>) target(%dma_start3A_173 : memref<64x512xf32, #tpu.memory_space<hbm>>) target_semaphore(%arg20 : memref<!tpu.dma_semaphore, #tpu.memory_space<semaphore_mem>>)
    %dma_wait3A_174 = arith.constant 0 : i32
    %dma_wait3A_175 = tpu.memref_slice %arg2[%add3A_127, %dma_wait3A_174] : memref<16384x512xf32, #tpu.memory_space<hbm>> -> memref<64x512xf32, #tpu.memory_space<hbm>>
    %dma_wait3A_176 = arith.constant 0 : i32
    %dma_wait3A_177 = tpu.memref_slice %arg2[%add3A_127, %dma_wait3A_176] : memref<16384x512xf32, #tpu.memory_space<hbm>> -> memref<64x512xf32, #tpu.memory_space<hbm>>
    tpu.wait_dma2 semaphore(%arg15 : memref<!tpu.dma_semaphore, #tpu.memory_space<semaphore_mem>>) src(%dma_wait3A_177 : memref<64x512xf32, #tpu.memory_space<hbm>>) dst(%arg12 : memref<64x512xf32, #tpu.memory_space<vmem>>)
    %scan3A_178 = arith.constant 0 : i32
    %scan3A_179 = arith.constant 0 : i32
    %scan3A_180 = arith.constant 64 : i32
    %scan3A_181 = arith.addi %scan3A_179, %scan3A_180 : i32
    %scan3A_182 = arith.constant 1 : i32
    scf.for %scan3A_218 = %scan3A_179 to %scan3A_181 step %scan3A_182  : i32 {
      %add3A_219 = arith.constant 384 : i32
      %add3A_220 = arith.addi %add3A_219, %scan3A_218 : i32
      %broadcast_in_dim3A = vector.broadcast %add3A_220 : i32 to vector<16xi32>
      %gather3A = tpu.vector_load_idx %arg10[%broadcast_in_dim3A] : memref<512xf32, #tpu.memory_space<vmem>>[vector<16xi32>], vector<16xf32>,
      %gather3A_221 = tpu.vector_load_idx %arg11[%broadcast_in_dim3A] : memref<512xf32, #tpu.memory_space<vmem>>[vector<16xi32>], vector<16xf32>,
      %get3A = arith.index_cast %scan3A_218 : i32 to index
      %get3A_222 = arith.constant 0 : index
      %get3A_223 = tpu.vector_load %arg12[%get3A, %get3A_222] {strides = array<i32>} : memref<64x512xf32, #tpu.memory_space<vmem>>, vector<16xf32>,
      %mul3A_224 = arith.mulf %get3A_223, %gather3A : vector<16xf32>
      %add3A_225 = arith.addf %mul3A_224, %gather3A_221 : vector<16xf32>
      %swap3A = arith.index_cast %scan3A_218 : i32 to index
      %swap3A_226 = arith.constant 0 : index
      %swap3A_227 = tpu.vector_load %arg12[%swap3A, %swap3A_226] {strides = array<i32>} : memref<64x512xf32, #tpu.memory_space<vmem>>, vector<16xf32>,
      tpu.vector_store %arg12[%swap3A, %swap3A_226], %add3A_225 {strides = array<i32>} : memref<64x512xf32, #tpu.memory_space<vmem>>, vector<16xf32>,
      %get3A_228 = arith.index_cast %scan3A_218 : i32 to index
      %get3A_229 = arith.constant 16 : index
      %get3A_230 = tpu.vector_load %arg12[%get3A_228, %get3A_229] {strides = array<i32>} : memref<64x512xf32, #tpu.memory_space<vmem>>, vector<16xf32>,
      %mul3A_231 = arith.mulf %get3A_230, %gather3A : vector<16xf32>
      %add3A_232 = arith.addf %mul3A_231, %gather3A_221 : vector<16xf32>
      %swap3A_233 = arith.index_cast %scan3A_218 : i32 to index
      %swap3A_234 = arith.constant 16 : index
      %swap3A_235 = tpu.vector_load %arg12[%swap3A_233, %swap3A_234] {strides = array<i32>} : memref<64x512xf32, #tpu.memory_space<vmem>>, vector<16xf32>,
      tpu.vector_store %arg12[%swap3A_233, %swap3A_234], %add3A_232 {strides = array<i32>} : memref<64x512xf32, #tpu.memory_space<vmem>>, vector<16xf32>,
      %get3A_236 = arith.index_cast %scan3A_218 : i32 to index
      %get3A_237 = arith.constant 32 : index
      %get3A_238 = tpu.vector_load %arg12[%get3A_236, %get3A_237] {strides = array<i32>} : memref<64x512xf32, #tpu.memory_space<vmem>>, vector<16xf32>,
      %mul3A_239 = arith.mulf %get3A_238, %gather3A : vector<16xf32>
      %add3A_240 = arith.addf %mul3A_239, %gather3A_221 : vector<16xf32>
      %swap3A_241 = arith.index_cast %scan3A_218 : i32 to index
      %swap3A_242 = arith.constant 32 : index
      %swap3A_243 = tpu.vector_load %arg12[%swap3A_241, %swap3A_242] {strides = array<i32>} : memref<64x512xf32, #tpu.memory_space<vmem>>, vector<16xf32>,
      tpu.vector_store %arg12[%swap3A_241, %swap3A_242], %add3A_240 {strides = array<i32>} : memref<64x512xf32, #tpu.memory_space<vmem>>, vector<16xf32>,
      %get3A_244 = arith.index_cast %scan3A_218 : i32 to index
      %get3A_245 = arith.constant 48 : index
      %get3A_246 = tpu.vector_load %arg12[%get3A_244, %get3A_245] {strides = array<i32>} : memref<64x512xf32, #tpu.memory_space<vmem>>, vector<16xf32>,
      %mul3A_247 = arith.mulf %get3A_246, %gather3A : vector<16xf32>
      %add3A_248 = arith.addf %mul3A_247, %gather3A_221 : vector<16xf32>
      %swap3A_249 = arith.index_cast %scan3A_218 : i32 to index
      %swap3A_250 = arith.constant 48 : index
      %swap3A_251 = tpu.vector_load %arg12[%swap3A_249, %swap3A_250] {strides = array<i32>} : memref<64x512xf32, #tpu.memory_space<vmem>>, vector<16xf32>,
      tpu.vector_store %arg12[%swap3A_249, %swap3A_250], %add3A_248 {strides = array<i32>} : memref<64x512xf32, #tpu.memory_space<vmem>>, vector<16xf32>,
      %get3A_252 = arith.index_cast %scan3A_218 : i32 to index
      %get3A_253 = arith.constant 64 : index
      %get3A_254 = tpu.vector_load %arg12[%get3A_252, %get3A_253] {strides = array<i32>} : memref<64x512xf32, #tpu.memory_space<vmem>>, vector<16xf32>,
      %mul3A_255 = arith.mulf %get3A_254, %gather3A : vector<16xf32>
      %add3A_256 = arith.addf %mul3A_255, %gather3A_221 : vector<16xf32>
      %swap3A_257 = arith.index_cast %scan3A_218 : i32 to index
      %swap3A_258 = arith.constant 64 : index
      %swap3A_259 = tpu.vector_load %arg12[%swap3A_257, %swap3A_258] {strides = array<i32>} : memref<64x512xf32, #tpu.memory_space<vmem>>, vector<16xf32>,
      tpu.vector_store %arg12[%swap3A_257, %swap3A_258], %add3A_256 {strides = array<i32>} : memref<64x512xf32, #tpu.memory_space<vmem>>, vector<16xf32>,
      %get3A_260 = arith.index_cast %scan3A_218 : i32 to index
      %get3A_261 = arith.constant 80 : index
      %get3A_262 = tpu.vector_load %arg12[%get3A_260, %get3A_261] {strides = array<i32>} : memref<64x512xf32, #tpu.memory_space<vmem>>, vector<16xf32>,
      %mul3A_263 = arith.mulf %get3A_262, %gather3A : vector<16xf32>
      %add3A_264 = arith.addf %mul3A_263, %gather3A_221 : vector<16xf32>
      %swap3A_265 = arith.index_cast %scan3A_218 : i32 to index
      %swap3A_266 = arith.constant 80 : index
      %swap3A_267 = tpu.vector_load %arg12[%swap3A_265, %swap3A_266] {strides = array<i32>} : memref<64x512xf32, #tpu.memory_space<vmem>>, vector<16xf32>,
      tpu.vector_store %arg12[%swap3A_265, %swap3A_266], %add3A_264 {strides = array<i32>} : memref<64x512xf32, #tpu.memory_space<vmem>>, vector<16xf32>,
      %get3A_268 = arith.index_cast %scan3A_218 : i32 to index
      %get3A_269 = arith.constant 96 : index
      %get3A_270 = tpu.vector_load %arg12[%get3A_268, %get3A_269] {strides = array<i32>} : memref<64x512xf32, #tpu.memory_space<vmem>>, vector<16xf32>,
      %mul3A_271 = arith.mulf %get3A_270, %gather3A : vector<16xf32>
      %add3A_272 = arith.addf %mul3A_271, %gather3A_221 : vector<16xf32>
      %swap3A_273 = arith.index_cast %scan3A_218 : i32 to index
      %swap3A_274 = arith.constant 96 : index
      %swap3A_275 = tpu.vector_load %arg12[%swap3A_273, %swap3A_274] {strides = array<i32>} : memref<64x512xf32, #tpu.memory_space<vmem>>, vector<16xf32>,
      tpu.vector_store %arg12[%swap3A_273, %swap3A_274], %add3A_272 {strides = array<i32>} : memref<64x512xf32, #tpu.memory_space<vmem>>, vector<16xf32>,
      %get3A_276 = arith.index_cast %scan3A_218 : i32 to index
      %get3A_277 = arith.constant 112 : index
      %get3A_278 = tpu.vector_load %arg12[%get3A_276, %get3A_277] {strides = array<i32>} : memref<64x512xf32, #tpu.memory_space<vmem>>, vector<16xf32>,
      %mul3A_279 = arith.mulf %get3A_278, %gather3A : vector<16xf32>
      %add3A_280 = arith.addf %mul3A_279, %gather3A_221 : vector<16xf32>
      %swap3A_281 = arith.index_cast %scan3A_218 : i32 to index
      %swap3A_282 = arith.constant 112 : index
      %swap3A_283 = tpu.vector_load %arg12[%swap3A_281, %swap3A_282] {strides = array<i32>} : memref<64x512xf32, #tpu.memory_space<vmem>>, vector<16xf32>,
      tpu.vector_store %arg12[%swap3A_281, %swap3A_282], %add3A_280 {strides = array<i32>} : memref<64x512xf32, #tpu.memory_space<vmem>>, vector<16xf32>,
      %get3A_284 = arith.index_cast %scan3A_218 : i32 to index
      %get3A_285 = arith.constant 128 : index
      %get3A_286 = tpu.vector_load %arg12[%get3A_284, %get3A_285] {strides = array<i32>} : memref<64x512xf32, #tpu.memory_space<vmem>>, vector<16xf32>,
      %mul3A_287 = arith.mulf %get3A_286, %gather3A : vector<16xf32>
      %add3A_288 = arith.addf %mul3A_287, %gather3A_221 : vector<16xf32>
      %swap3A_289 = arith.index_cast %scan3A_218 : i32 to index
      %swap3A_290 = arith.constant 128 : index
      %swap3A_291 = tpu.vector_load %arg12[%swap3A_289, %swap3A_290] {strides = array<i32>} : memref<64x512xf32, #tpu.memory_space<vmem>>, vector<16xf32>,
      tpu.vector_store %arg12[%swap3A_289, %swap3A_290], %add3A_288 {strides = array<i32>} : memref<64x512xf32, #tpu.memory_space<vmem>>, vector<16xf32>,
      %get3A_292 = arith.index_cast %scan3A_218 : i32 to index
      %get3A_293 = arith.constant 144 : index
      %get3A_294 = tpu.vector_load %arg12[%get3A_292, %get3A_293] {strides = array<i32>} : memref<64x512xf32, #tpu.memory_space<vmem>>, vector<16xf32>,
      %mul3A_295 = arith.mulf %get3A_294, %gather3A : vector<16xf32>
      %add3A_296 = arith.addf %mul3A_295, %gather3A_221 : vector<16xf32>
      %swap3A_297 = arith.index_cast %scan3A_218 : i32 to index
      %swap3A_298 = arith.constant 144 : index
      %swap3A_299 = tpu.vector_load %arg12[%swap3A_297, %swap3A_298] {strides = array<i32>} : memref<64x512xf32, #tpu.memory_space<vmem>>, vector<16xf32>,
      tpu.vector_store %arg12[%swap3A_297, %swap3A_298], %add3A_296 {strides = array<i32>} : memref<64x512xf32, #tpu.memory_space<vmem>>, vector<16xf32>,
      %get3A_300 = arith.index_cast %scan3A_218 : i32 to index
      %get3A_301 = arith.constant 160 : index
      %get3A_302 = tpu.vector_load %arg12[%get3A_300, %get3A_301] {strides = array<i32>} : memref<64x512xf32, #tpu.memory_space<vmem>>, vector<16xf32>,
      %mul3A_303 = arith.mulf %get3A_302, %gather3A : vector<16xf32>
      %add3A_304 = arith.addf %mul3A_303, %gather3A_221 : vector<16xf32>
      %swap3A_305 = arith.index_cast %scan3A_218 : i32 to index
      %swap3A_306 = arith.constant 160 : index
      %swap3A_307 = tpu.vector_load %arg12[%swap3A_305, %swap3A_306] {strides = array<i32>} : memref<64x512xf32, #tpu.memory_space<vmem>>, vector<16xf32>,
      tpu.vector_store %arg12[%swap3A_305, %swap3A_306], %add3A_304 {strides = array<i32>} : memref<64x512xf32, #tpu.memory_space<vmem>>, vector<16xf32>,
      %get3A_308 = arith.index_cast %scan3A_218 : i32 to index
      %get3A_309 = arith.constant 176 : index
      %get3A_310 = tpu.vector_load %arg12[%get3A_308, %get3A_309] {strides = array<i32>} : memref<64x512xf32, #tpu.memory_space<vmem>>, vector<16xf32>,
      %mul3A_311 = arith.mulf %get3A_310, %gather3A : vector<16xf32>
      %add3A_312 = arith.addf %mul3A_311, %gather3A_221 : vector<16xf32>
      %swap3A_313 = arith.index_cast %scan3A_218 : i32 to index
      %swap3A_314 = arith.constant 176 : index
      %swap3A_315 = tpu.vector_load %arg12[%swap3A_313, %swap3A_314] {strides = array<i32>} : memref<64x512xf32, #tpu.memory_space<vmem>>, vector<16xf32>,
      tpu.vector_store %arg12[%swap3A_313, %swap3A_314], %add3A_312 {strides = array<i32>} : memref<64x512xf32, #tpu.memory_space<vmem>>, vector<16xf32>,
      %get3A_316 = arith.index_cast %scan3A_218 : i32 to index
      %get3A_317 = arith.constant 192 : index
      %get3A_318 = tpu.vector_load %arg12[%get3A_316, %get3A_317] {strides = array<i32>} : memref<64x512xf32, #tpu.memory_space<vmem>>, vector<16xf32>,
      %mul3A_319 = arith.mulf %get3A_318, %gather3A : vector<16xf32>
      %add3A_320 = arith.addf %mul3A_319, %gather3A_221 : vector<16xf32>
      %swap3A_321 = arith.index_cast %scan3A_218 : i32 to index
      %swap3A_322 = arith.constant 192 : index
      %swap3A_323 = tpu.vector_load %arg12[%swap3A_321, %swap3A_322] {strides = array<i32>} : memref<64x512xf32, #tpu.memory_space<vmem>>, vector<16xf32>,
      tpu.vector_store %arg12[%swap3A_321, %swap3A_322], %add3A_320 {strides = array<i32>} : memref<64x512xf32, #tpu.memory_space<vmem>>, vector<16xf32>,
      %get3A_324 = arith.index_cast %scan3A_218 : i32 to index
      %get3A_325 = arith.constant 208 : index
      %get3A_326 = tpu.vector_load %arg12[%get3A_324, %get3A_325] {strides = array<i32>} : memref<64x512xf32, #tpu.memory_space<vmem>>, vector<16xf32>,
      %mul3A_327 = arith.mulf %get3A_326, %gather3A : vector<16xf32>
      %add3A_328 = arith.addf %mul3A_327, %gather3A_221 : vector<16xf32>
      %swap3A_329 = arith.index_cast %scan3A_218 : i32 to index
      %swap3A_330 = arith.constant 208 : index
      %swap3A_331 = tpu.vector_load %arg12[%swap3A_329, %swap3A_330] {strides = array<i32>} : memref<64x512xf32, #tpu.memory_space<vmem>>, vector<16xf32>,
      tpu.vector_store %arg12[%swap3A_329, %swap3A_330], %add3A_328 {strides = array<i32>} : memref<64x512xf32, #tpu.memory_space<vmem>>, vector<16xf32>,
      %get3A_332 = arith.index_cast %scan3A_218 : i32 to index
      %get3A_333 = arith.constant 224 : index
      %get3A_334 = tpu.vector_load %arg12[%get3A_332, %get3A_333] {strides = array<i32>} : memref<64x512xf32, #tpu.memory_space<vmem>>, vector<16xf32>,
      %mul3A_335 = arith.mulf %get3A_334, %gather3A : vector<16xf32>
      %add3A_336 = arith.addf %mul3A_335, %gather3A_221 : vector<16xf32>
      %swap3A_337 = arith.index_cast %scan3A_218 : i32 to index
      %swap3A_338 = arith.constant 224 : index
      %swap3A_339 = tpu.vector_load %arg12[%swap3A_337, %swap3A_338] {strides = array<i32>} : memref<64x512xf32, #tpu.memory_space<vmem>>, vector<16xf32>,
      tpu.vector_store %arg12[%swap3A_337, %swap3A_338], %add3A_336 {strides = array<i32>} : memref<64x512xf32, #tpu.memory_space<vmem>>, vector<16xf32>,
      %get3A_340 = arith.index_cast %scan3A_218 : i32 to index
      %get3A_341 = arith.constant 240 : index
      %get3A_342 = tpu.vector_load %arg12[%get3A_340, %get3A_341] {strides = array<i32>} : memref<64x512xf32, #tpu.memory_space<vmem>>, vector<16xf32>,
      %mul3A_343 = arith.mulf %get3A_342, %gather3A : vector<16xf32>
      %add3A_344 = arith.addf %mul3A_343, %gather3A_221 : vector<16xf32>
      %swap3A_345 = arith.index_cast %scan3A_218 : i32 to index
      %swap3A_346 = arith.constant 240 : index
      %swap3A_347 = tpu.vector_load %arg12[%swap3A_345, %swap3A_346] {strides = array<i32>} : memref<64x512xf32, #tpu.memory_space<vmem>>, vector<16xf32>,
      tpu.vector_store %arg12[%swap3A_345, %swap3A_346], %add3A_344 {strides = array<i32>} : memref<64x512xf32, #tpu.memory_space<vmem>>, vector<16xf32>,
      %get3A_348 = arith.index_cast %scan3A_218 : i32 to index
      %get3A_349 = arith.constant 256 : index
      %get3A_350 = tpu.vector_load %arg12[%get3A_348, %get3A_349] {strides = array<i32>} : memref<64x512xf32, #tpu.memory_space<vmem>>, vector<16xf32>,
      %mul3A_351 = arith.mulf %get3A_350, %gather3A : vector<16xf32>
      %add3A_352 = arith.addf %mul3A_351, %gather3A_221 : vector<16xf32>
      %swap3A_353 = arith.index_cast %scan3A_218 : i32 to index
      %swap3A_354 = arith.constant 256 : index
      %swap3A_355 = tpu.vector_load %arg12[%swap3A_353, %swap3A_354] {strides = array<i32>} : memref<64x512xf32, #tpu.memory_space<vmem>>, vector<16xf32>,
      tpu.vector_store %arg12[%swap3A_353, %swap3A_354], %add3A_352 {strides = array<i32>} : memref<64x512xf32, #tpu.memory_space<vmem>>, vector<16xf32>,
      %get3A_356 = arith.index_cast %scan3A_218 : i32 to index
      %get3A_357 = arith.constant 272 : index
      %get3A_358 = tpu.vector_load %arg12[%get3A_356, %get3A_357] {strides = array<i32>} : memref<64x512xf32, #tpu.memory_space<vmem>>, vector<16xf32>,
      %mul3A_359 = arith.mulf %get3A_358, %gather3A : vector<16xf32>
      %add3A_360 = arith.addf %mul3A_359, %gather3A_221 : vector<16xf32>
      %swap3A_361 = arith.index_cast %scan3A_218 : i32 to index
      %swap3A_362 = arith.constant 272 : index
      %swap3A_363 = tpu.vector_load %arg12[%swap3A_361, %swap3A_362] {strides = array<i32>} : memref<64x512xf32, #tpu.memory_space<vmem>>, vector<16xf32>,
      tpu.vector_store %arg12[%swap3A_361, %swap3A_362], %add3A_360 {strides = array<i32>} : memref<64x512xf32, #tpu.memory_space<vmem>>, vector<16xf32>,
      %get3A_364 = arith.index_cast %scan3A_218 : i32 to index
      %get3A_365 = arith.constant 288 : index
      %get3A_366 = tpu.vector_load %arg12[%get3A_364, %get3A_365] {strides = array<i32>} : memref<64x512xf32, #tpu.memory_space<vmem>>, vector<16xf32>,
      %mul3A_367 = arith.mulf %get3A_366, %gather3A : vector<16xf32>
      %add3A_368 = arith.addf %mul3A_367, %gather3A_221 : vector<16xf32>
      %swap3A_369 = arith.index_cast %scan3A_218 : i32 to index
      %swap3A_370 = arith.constant 288 : index
      %swap3A_371 = tpu.vector_load %arg12[%swap3A_369, %swap3A_370] {strides = array<i32>} : memref<64x512xf32, #tpu.memory_space<vmem>>, vector<16xf32>,
      tpu.vector_store %arg12[%swap3A_369, %swap3A_370], %add3A_368 {strides = array<i32>} : memref<64x512xf32, #tpu.memory_space<vmem>>, vector<16xf32>,
      %get3A_372 = arith.index_cast %scan3A_218 : i32 to index
      %get3A_373 = arith.constant 304 : index
      %get3A_374 = tpu.vector_load %arg12[%get3A_372, %get3A_373] {strides = array<i32>} : memref<64x512xf32, #tpu.memory_space<vmem>>, vector<16xf32>,
      %mul3A_375 = arith.mulf %get3A_374, %gather3A : vector<16xf32>
      %add3A_376 = arith.addf %mul3A_375, %gather3A_221 : vector<16xf32>
      %swap3A_377 = arith.index_cast %scan3A_218 : i32 to index
      %swap3A_378 = arith.constant 304 : index
      %swap3A_379 = tpu.vector_load %arg12[%swap3A_377, %swap3A_378] {strides = array<i32>} : memref<64x512xf32, #tpu.memory_space<vmem>>, vector<16xf32>,
      tpu.vector_store %arg12[%swap3A_377, %swap3A_378], %add3A_376 {strides = array<i32>} : memref<64x512xf32, #tpu.memory_space<vmem>>, vector<16xf32>,
      %get3A_380 = arith.index_cast %scan3A_218 : i32 to index
      %get3A_381 = arith.constant 320 : index
      %get3A_382 = tpu.vector_load %arg12[%get3A_380, %get3A_381] {strides = array<i32>} : memref<64x512xf32, #tpu.memory_space<vmem>>, vector<16xf32>,
      %mul3A_383 = arith.mulf %get3A_382, %gather3A : vector<16xf32>
      %add3A_384 = arith.addf %mul3A_383, %gather3A_221 : vector<16xf32>
      %swap3A_385 = arith.index_cast %scan3A_218 : i32 to index
      %swap3A_386 = arith.constant 320 : index
      %swap3A_387 = tpu.vector_load %arg12[%swap3A_385, %swap3A_386] {strides = array<i32>} : memref<64x512xf32, #tpu.memory_space<vmem>>, vector<16xf32>,
      tpu.vector_store %arg12[%swap3A_385, %swap3A_386], %add3A_384 {strides = array<i32>} : memref<64x512xf32, #tpu.memory_space<vmem>>, vector<16xf32>,
      %get3A_388 = arith.index_cast %scan3A_218 : i32 to index
      %get3A_389 = arith.constant 336 : index
      %get3A_390 = tpu.vector_load %arg12[%get3A_388, %get3A_389] {strides = array<i32>} : memref<64x512xf32, #tpu.memory_space<vmem>>, vector<16xf32>,
      %mul3A_391 = arith.mulf %get3A_390, %gather3A : vector<16xf32>
      %add3A_392 = arith.addf %mul3A_391, %gather3A_221 : vector<16xf32>
      %swap3A_393 = arith.index_cast %scan3A_218 : i32 to index
      %swap3A_394 = arith.constant 336 : index
      %swap3A_395 = tpu.vector_load %arg12[%swap3A_393, %swap3A_394] {strides = array<i32>} : memref<64x512xf32, #tpu.memory_space<vmem>>, vector<16xf32>,
      tpu.vector_store %arg12[%swap3A_393, %swap3A_394], %add3A_392 {strides = array<i32>} : memref<64x512xf32, #tpu.memory_space<vmem>>, vector<16xf32>,
      %get3A_396 = arith.index_cast %scan3A_218 : i32 to index
      %get3A_397 = arith.constant 352 : index
      %get3A_398 = tpu.vector_load %arg12[%get3A_396, %get3A_397] {strides = array<i32>} : memref<64x512xf32, #tpu.memory_space<vmem>>, vector<16xf32>,
      %mul3A_399 = arith.mulf %get3A_398, %gather3A : vector<16xf32>
      %add3A_400 = arith.addf %mul3A_399, %gather3A_221 : vector<16xf32>
      %swap3A_401 = arith.index_cast %scan3A_218 : i32 to index
      %swap3A_402 = arith.constant 352 : index
      %swap3A_403 = tpu.vector_load %arg12[%swap3A_401, %swap3A_402] {strides = array<i32>} : memref<64x512xf32, #tpu.memory_space<vmem>>, vector<16xf32>,
      tpu.vector_store %arg12[%swap3A_401, %swap3A_402], %add3A_400 {strides = array<i32>} : memref<64x512xf32, #tpu.memory_space<vmem>>, vector<16xf32>,
      %get3A_404 = arith.index_cast %scan3A_218 : i32 to index
      %get3A_405 = arith.constant 368 : index
      %get3A_406 = tpu.vector_load %arg12[%get3A_404, %get3A_405] {strides = array<i32>} : memref<64x512xf32, #tpu.memory_space<vmem>>, vector<16xf32>,
      %mul3A_407 = arith.mulf %get3A_406, %gather3A : vector<16xf32>
      %add3A_408 = arith.addf %mul3A_407, %gather3A_221 : vector<16xf32>
      %swap3A_409 = arith.index_cast %scan3A_218 : i32 to index
      %swap3A_410 = arith.constant 368 : index
      %swap3A_411 = tpu.vector_load %arg12[%swap3A_409, %swap3A_410] {strides = array<i32>} : memref<64x512xf32, #tpu.memory_space<vmem>>, vector<16xf32>,
      tpu.vector_store %arg12[%swap3A_409, %swap3A_410], %add3A_408 {strides = array<i32>} : memref<64x512xf32, #tpu.memory_space<vmem>>, vector<16xf32>,
      %get3A_412 = arith.index_cast %scan3A_218 : i32 to index
      %get3A_413 = arith.constant 384 : index
      %get3A_414 = tpu.vector_load %arg12[%get3A_412, %get3A_413] {strides = array<i32>} : memref<64x512xf32, #tpu.memory_space<vmem>>, vector<16xf32>,
      %mul3A_415 = arith.mulf %get3A_414, %gather3A : vector<16xf32>
      %add3A_416 = arith.addf %mul3A_415, %gather3A_221 : vector<16xf32>
      %swap3A_417 = arith.index_cast %scan3A_218 : i32 to index
      %swap3A_418 = arith.constant 384 : index
      %swap3A_419 = tpu.vector_load %arg12[%swap3A_417, %swap3A_418] {strides = array<i32>} : memref<64x512xf32, #tpu.memory_space<vmem>>, vector<16xf32>,
      tpu.vector_store %arg12[%swap3A_417, %swap3A_418], %add3A_416 {strides = array<i32>} : memref<64x512xf32, #tpu.memory_space<vmem>>, vector<16xf32>,
      %get3A_420 = arith.index_cast %scan3A_218 : i32 to index
      %get3A_421 = arith.constant 400 : index
      %get3A_422 = tpu.vector_load %arg12[%get3A_420, %get3A_421] {strides = array<i32>} : memref<64x512xf32, #tpu.memory_space<vmem>>, vector<16xf32>,
      %mul3A_423 = arith.mulf %get3A_422, %gather3A : vector<16xf32>
      %add3A_424 = arith.addf %mul3A_423, %gather3A_221 : vector<16xf32>
      %swap3A_425 = arith.index_cast %scan3A_218 : i32 to index
      %swap3A_426 = arith.constant 400 : index
      %swap3A_427 = tpu.vector_load %arg12[%swap3A_425, %swap3A_426] {strides = array<i32>} : memref<64x512xf32, #tpu.memory_space<vmem>>, vector<16xf32>,
      tpu.vector_store %arg12[%swap3A_425, %swap3A_426], %add3A_424 {strides = array<i32>} : memref<64x512xf32, #tpu.memory_space<vmem>>, vector<16xf32>,
      %get3A_428 = arith.index_cast %scan3A_218 : i32 to index
      %get3A_429 = arith.constant 416 : index
      %get3A_430 = tpu.vector_load %arg12[%get3A_428, %get3A_429] {strides = array<i32>} : memref<64x512xf32, #tpu.memory_space<vmem>>, vector<16xf32>,
      %mul3A_431 = arith.mulf %get3A_430, %gather3A : vector<16xf32>
      %add3A_432 = arith.addf %mul3A_431, %gather3A_221 : vector<16xf32>
      %swap3A_433 = arith.index_cast %scan3A_218 : i32 to index
      %swap3A_434 = arith.constant 416 : index
      %swap3A_435 = tpu.vector_load %arg12[%swap3A_433, %swap3A_434] {strides = array<i32>} : memref<64x512xf32, #tpu.memory_space<vmem>>, vector<16xf32>,
      tpu.vector_store %arg12[%swap3A_433, %swap3A_434], %add3A_432 {strides = array<i32>} : memref<64x512xf32, #tpu.memory_space<vmem>>, vector<16xf32>,
      %get3A_436 = arith.index_cast %scan3A_218 : i32 to index
      %get3A_437 = arith.constant 432 : index
      %get3A_438 = tpu.vector_load %arg12[%get3A_436, %get3A_437] {strides = array<i32>} : memref<64x512xf32, #tpu.memory_space<vmem>>, vector<16xf32>,
      %mul3A_439 = arith.mulf %get3A_438, %gather3A : vector<16xf32>
      %add3A_440 = arith.addf %mul3A_439, %gather3A_221 : vector<16xf32>
      %swap3A_441 = arith.index_cast %scan3A_218 : i32 to index
      %swap3A_442 = arith.constant 432 : index
      %swap3A_443 = tpu.vector_load %arg12[%swap3A_441, %swap3A_442] {strides = array<i32>} : memref<64x512xf32, #tpu.memory_space<vmem>>, vector<16xf32>,
      tpu.vector_store %arg12[%swap3A_441, %swap3A_442], %add3A_440 {strides = array<i32>} : memref<64x512xf32, #tpu.memory_space<vmem>>, vector<16xf32>,
      %get3A_444 = arith.index_cast %scan3A_218 : i32 to index
      %get3A_445 = arith.constant 448 : index
      %get3A_446 = tpu.vector_load %arg12[%get3A_444, %get3A_445] {strides = array<i32>} : memref<64x512xf32, #tpu.memory_space<vmem>>, vector<16xf32>,
      %mul3A_447 = arith.mulf %get3A_446, %gather3A : vector<16xf32>
      %add3A_448 = arith.addf %mul3A_447, %gather3A_221 : vector<16xf32>
      %swap3A_449 = arith.index_cast %scan3A_218 : i32 to index
      %swap3A_450 = arith.constant 448 : index
      %swap3A_451 = tpu.vector_load %arg12[%swap3A_449, %swap3A_450] {strides = array<i32>} : memref<64x512xf32, #tpu.memory_space<vmem>>, vector<16xf32>,
      tpu.vector_store %arg12[%swap3A_449, %swap3A_450], %add3A_448 {strides = array<i32>} : memref<64x512xf32, #tpu.memory_space<vmem>>, vector<16xf32>,
      %get3A_452 = arith.index_cast %scan3A_218 : i32 to index
      %get3A_453 = arith.constant 464 : index
      %get3A_454 = tpu.vector_load %arg12[%get3A_452, %get3A_453] {strides = array<i32>} : memref<64x512xf32, #tpu.memory_space<vmem>>, vector<16xf32>,
      %mul3A_455 = arith.mulf %get3A_454, %gather3A : vector<16xf32>
      %add3A_456 = arith.addf %mul3A_455, %gather3A_221 : vector<16xf32>
      %swap3A_457 = arith.index_cast %scan3A_218 : i32 to index
      %swap3A_458 = arith.constant 464 : index
      %swap3A_459 = tpu.vector_load %arg12[%swap3A_457, %swap3A_458] {strides = array<i32>} : memref<64x512xf32, #tpu.memory_space<vmem>>, vector<16xf32>,
      tpu.vector_store %arg12[%swap3A_457, %swap3A_458], %add3A_456 {strides = array<i32>} : memref<64x512xf32, #tpu.memory_space<vmem>>, vector<16xf32>,
      %get3A_460 = arith.index_cast %scan3A_218 : i32 to index
      %get3A_461 = arith.constant 480 : index
      %get3A_462 = tpu.vector_load %arg12[%get3A_460, %get3A_461] {strides = array<i32>} : memref<64x512xf32, #tpu.memory_space<vmem>>, vector<16xf32>,
      %mul3A_463 = arith.mulf %get3A_462, %gather3A : vector<16xf32>
      %add3A_464 = arith.addf %mul3A_463, %gather3A_221 : vector<16xf32>
      %swap3A_465 = arith.index_cast %scan3A_218 : i32 to index
      %swap3A_466 = arith.constant 480 : index
      %swap3A_467 = tpu.vector_load %arg12[%swap3A_465, %swap3A_466] {strides = array<i32>} : memref<64x512xf32, #tpu.memory_space<vmem>>, vector<16xf32>,
      tpu.vector_store %arg12[%swap3A_465, %swap3A_466], %add3A_464 {strides = array<i32>} : memref<64x512xf32, #tpu.memory_space<vmem>>, vector<16xf32>,
      %get3A_468 = arith.index_cast %scan3A_218 : i32 to index
      %get3A_469 = arith.constant 496 : index
      %get3A_470 = tpu.vector_load %arg12[%get3A_468, %get3A_469] {strides = array<i32>} : memref<64x512xf32, #tpu.memory_space<vmem>>, vector<16xf32>,
      %mul3A_471 = arith.mulf %get3A_470, %gather3A : vector<16xf32>
      %add3A_472 = arith.addf %mul3A_471, %gather3A_221 : vector<16xf32>
      %swap3A_473 = arith.index_cast %scan3A_218 : i32 to index
      %swap3A_474 = arith.constant 496 : index
      %swap3A_475 = tpu.vector_load %arg12[%swap3A_473, %swap3A_474] {strides = array<i32>} : memref<64x512xf32, #tpu.memory_space<vmem>>, vector<16xf32>,
      tpu.vector_store %arg12[%swap3A_473, %swap3A_474], %add3A_472 {strides = array<i32>} : memref<64x512xf32, #tpu.memory_space<vmem>>, vector<16xf32>,
    }
    %scan3A_183 = arith.constant 64 : i32
    %add3A_184 = arith.constant 384 : i32
    %add3A_185 = arith.addi %mul3A_2, %add3A_184 : i32
    %dma_start3A_186 = arith.constant 0 : i32
    %dma_start3A_187 = tpu.memref_slice %arg6[%add3A_185, %dma_start3A_186] : memref<16384x512xf32, #tpu.memory_space<hbm>> -> memref<64x512xf32, #tpu.memory_space<hbm>>
    %dma_start3A_188 = arith.constant 0 : i32
    %dma_start3A_189 = tpu.memref_slice %arg6[%add3A_185, %dma_start3A_188] : memref<16384x512xf32, #tpu.memory_space<hbm>> -> memref<64x512xf32, #tpu.memory_space<hbm>>
    tpu.enqueue_dma source(%arg12 : memref<64x512xf32, #tpu.memory_space<vmem>>) target(%dma_start3A_189 : memref<64x512xf32, #tpu.memory_space<hbm>>) target_semaphore(%arg18 : memref<!tpu.dma_semaphore, #tpu.memory_space<semaphore_mem>>)
    %dma_wait3A_190 = arith.constant 0 : i32
    %dma_wait3A_191 = tpu.memref_slice %arg2[%add3A_153, %dma_wait3A_190] : memref<16384x512xf32, #tpu.memory_space<hbm>> -> memref<64x512xf32, #tpu.memory_space<hbm>>
    %dma_wait3A_192 = arith.constant 0 : i32
    %dma_wait3A_193 = tpu.memref_slice %arg2[%add3A_153, %dma_wait3A_192] : memref<16384x512xf32, #tpu.memory_space<hbm>> -> memref<64x512xf32, #tpu.memory_space<hbm>>
    tpu.wait_dma2 semaphore(%arg16 : memref<!tpu.dma_semaphore, #tpu.memory_space<semaphore_mem>>) src(%dma_wait3A_193 : memref<64x512xf32, #tpu.memory_space<hbm>>) dst(%arg13 : memref<64x512xf32, #tpu.memory_space<vmem>>)
    %scan3A_194 = arith.constant 0 : i32
    %scan3A_195 = arith.constant 0 : i32
    %scan3A_196 = arith.constant 64 : i32
    %scan3A_197 = arith.addi %scan3A_195, %scan3A_196 : i32
    %scan3A_198 = arith.constant 1 : i32
    scf.for %scan3A_218 = %scan3A_195 to %scan3A_197 step %scan3A_198  : i32 {
      %add3A_219 = arith.constant 448 : i32
      %add3A_220 = arith.addi %add3A_219, %scan3A_218 : i32
      %broadcast_in_dim3A = vector.broadcast %add3A_220 : i32 to vector<16xi32>
      %gather3A = tpu.vector_load_idx %arg10[%broadcast_in_dim3A] : memref<512xf32, #tpu.memory_space<vmem>>[vector<16xi32>], vector<16xf32>,
      %gather3A_221 = tpu.vector_load_idx %arg11[%broadcast_in_dim3A] : memref<512xf32, #tpu.memory_space<vmem>>[vector<16xi32>], vector<16xf32>,
      %get3A = arith.index_cast %scan3A_218 : i32 to index
      %get3A_222 = arith.constant 0 : index
      %get3A_223 = tpu.vector_load %arg13[%get3A, %get3A_222] {strides = array<i32>} : memref<64x512xf32, #tpu.memory_space<vmem>>, vector<16xf32>,
      %mul3A_224 = arith.mulf %get3A_223, %gather3A : vector<16xf32>
      %add3A_225 = arith.addf %mul3A_224, %gather3A_221 : vector<16xf32>
      %swap3A = arith.index_cast %scan3A_218 : i32 to index
      %swap3A_226 = arith.constant 0 : index
      %swap3A_227 = tpu.vector_load %arg13[%swap3A, %swap3A_226] {strides = array<i32>} : memref<64x512xf32, #tpu.memory_space<vmem>>, vector<16xf32>,
      tpu.vector_store %arg13[%swap3A, %swap3A_226], %add3A_225 {strides = array<i32>} : memref<64x512xf32, #tpu.memory_space<vmem>>, vector<16xf32>,
      %get3A_228 = arith.index_cast %scan3A_218 : i32 to index
      %get3A_229 = arith.constant 16 : index
      %get3A_230 = tpu.vector_load %arg13[%get3A_228, %get3A_229] {strides = array<i32>} : memref<64x512xf32, #tpu.memory_space<vmem>>, vector<16xf32>,
      %mul3A_231 = arith.mulf %get3A_230, %gather3A : vector<16xf32>
      %add3A_232 = arith.addf %mul3A_231, %gather3A_221 : vector<16xf32>
      %swap3A_233 = arith.index_cast %scan3A_218 : i32 to index
      %swap3A_234 = arith.constant 16 : index
      %swap3A_235 = tpu.vector_load %arg13[%swap3A_233, %swap3A_234] {strides = array<i32>} : memref<64x512xf32, #tpu.memory_space<vmem>>, vector<16xf32>,
      tpu.vector_store %arg13[%swap3A_233, %swap3A_234], %add3A_232 {strides = array<i32>} : memref<64x512xf32, #tpu.memory_space<vmem>>, vector<16xf32>,
      %get3A_236 = arith.index_cast %scan3A_218 : i32 to index
      %get3A_237 = arith.constant 32 : index
      %get3A_238 = tpu.vector_load %arg13[%get3A_236, %get3A_237] {strides = array<i32>} : memref<64x512xf32, #tpu.memory_space<vmem>>, vector<16xf32>,
      %mul3A_239 = arith.mulf %get3A_238, %gather3A : vector<16xf32>
      %add3A_240 = arith.addf %mul3A_239, %gather3A_221 : vector<16xf32>
      %swap3A_241 = arith.index_cast %scan3A_218 : i32 to index
      %swap3A_242 = arith.constant 32 : index
      %swap3A_243 = tpu.vector_load %arg13[%swap3A_241, %swap3A_242] {strides = array<i32>} : memref<64x512xf32, #tpu.memory_space<vmem>>, vector<16xf32>,
      tpu.vector_store %arg13[%swap3A_241, %swap3A_242], %add3A_240 {strides = array<i32>} : memref<64x512xf32, #tpu.memory_space<vmem>>, vector<16xf32>,
      %get3A_244 = arith.index_cast %scan3A_218 : i32 to index
      %get3A_245 = arith.constant 48 : index
      %get3A_246 = tpu.vector_load %arg13[%get3A_244, %get3A_245] {strides = array<i32>} : memref<64x512xf32, #tpu.memory_space<vmem>>, vector<16xf32>,
      %mul3A_247 = arith.mulf %get3A_246, %gather3A : vector<16xf32>
      %add3A_248 = arith.addf %mul3A_247, %gather3A_221 : vector<16xf32>
      %swap3A_249 = arith.index_cast %scan3A_218 : i32 to index
      %swap3A_250 = arith.constant 48 : index
      %swap3A_251 = tpu.vector_load %arg13[%swap3A_249, %swap3A_250] {strides = array<i32>} : memref<64x512xf32, #tpu.memory_space<vmem>>, vector<16xf32>,
      tpu.vector_store %arg13[%swap3A_249, %swap3A_250], %add3A_248 {strides = array<i32>} : memref<64x512xf32, #tpu.memory_space<vmem>>, vector<16xf32>,
      %get3A_252 = arith.index_cast %scan3A_218 : i32 to index
      %get3A_253 = arith.constant 64 : index
      %get3A_254 = tpu.vector_load %arg13[%get3A_252, %get3A_253] {strides = array<i32>} : memref<64x512xf32, #tpu.memory_space<vmem>>, vector<16xf32>,
      %mul3A_255 = arith.mulf %get3A_254, %gather3A : vector<16xf32>
      %add3A_256 = arith.addf %mul3A_255, %gather3A_221 : vector<16xf32>
      %swap3A_257 = arith.index_cast %scan3A_218 : i32 to index
      %swap3A_258 = arith.constant 64 : index
      %swap3A_259 = tpu.vector_load %arg13[%swap3A_257, %swap3A_258] {strides = array<i32>} : memref<64x512xf32, #tpu.memory_space<vmem>>, vector<16xf32>,
      tpu.vector_store %arg13[%swap3A_257, %swap3A_258], %add3A_256 {strides = array<i32>} : memref<64x512xf32, #tpu.memory_space<vmem>>, vector<16xf32>,
      %get3A_260 = arith.index_cast %scan3A_218 : i32 to index
      %get3A_261 = arith.constant 80 : index
      %get3A_262 = tpu.vector_load %arg13[%get3A_260, %get3A_261] {strides = array<i32>} : memref<64x512xf32, #tpu.memory_space<vmem>>, vector<16xf32>,
      %mul3A_263 = arith.mulf %get3A_262, %gather3A : vector<16xf32>
      %add3A_264 = arith.addf %mul3A_263, %gather3A_221 : vector<16xf32>
      %swap3A_265 = arith.index_cast %scan3A_218 : i32 to index
      %swap3A_266 = arith.constant 80 : index
      %swap3A_267 = tpu.vector_load %arg13[%swap3A_265, %swap3A_266] {strides = array<i32>} : memref<64x512xf32, #tpu.memory_space<vmem>>, vector<16xf32>,
      tpu.vector_store %arg13[%swap3A_265, %swap3A_266], %add3A_264 {strides = array<i32>} : memref<64x512xf32, #tpu.memory_space<vmem>>, vector<16xf32>,
      %get3A_268 = arith.index_cast %scan3A_218 : i32 to index
      %get3A_269 = arith.constant 96 : index
      %get3A_270 = tpu.vector_load %arg13[%get3A_268, %get3A_269] {strides = array<i32>} : memref<64x512xf32, #tpu.memory_space<vmem>>, vector<16xf32>,
      %mul3A_271 = arith.mulf %get3A_270, %gather3A : vector<16xf32>
      %add3A_272 = arith.addf %mul3A_271, %gather3A_221 : vector<16xf32>
      %swap3A_273 = arith.index_cast %scan3A_218 : i32 to index
      %swap3A_274 = arith.constant 96 : index
      %swap3A_275 = tpu.vector_load %arg13[%swap3A_273, %swap3A_274] {strides = array<i32>} : memref<64x512xf32, #tpu.memory_space<vmem>>, vector<16xf32>,
      tpu.vector_store %arg13[%swap3A_273, %swap3A_274], %add3A_272 {strides = array<i32>} : memref<64x512xf32, #tpu.memory_space<vmem>>, vector<16xf32>,
      %get3A_276 = arith.index_cast %scan3A_218 : i32 to index
      %get3A_277 = arith.constant 112 : index
      %get3A_278 = tpu.vector_load %arg13[%get3A_276, %get3A_277] {strides = array<i32>} : memref<64x512xf32, #tpu.memory_space<vmem>>, vector<16xf32>,
      %mul3A_279 = arith.mulf %get3A_278, %gather3A : vector<16xf32>
      %add3A_280 = arith.addf %mul3A_279, %gather3A_221 : vector<16xf32>
      %swap3A_281 = arith.index_cast %scan3A_218 : i32 to index
      %swap3A_282 = arith.constant 112 : index
      %swap3A_283 = tpu.vector_load %arg13[%swap3A_281, %swap3A_282] {strides = array<i32>} : memref<64x512xf32, #tpu.memory_space<vmem>>, vector<16xf32>,
      tpu.vector_store %arg13[%swap3A_281, %swap3A_282], %add3A_280 {strides = array<i32>} : memref<64x512xf32, #tpu.memory_space<vmem>>, vector<16xf32>,
      %get3A_284 = arith.index_cast %scan3A_218 : i32 to index
      %get3A_285 = arith.constant 128 : index
      %get3A_286 = tpu.vector_load %arg13[%get3A_284, %get3A_285] {strides = array<i32>} : memref<64x512xf32, #tpu.memory_space<vmem>>, vector<16xf32>,
      %mul3A_287 = arith.mulf %get3A_286, %gather3A : vector<16xf32>
      %add3A_288 = arith.addf %mul3A_287, %gather3A_221 : vector<16xf32>
      %swap3A_289 = arith.index_cast %scan3A_218 : i32 to index
      %swap3A_290 = arith.constant 128 : index
      %swap3A_291 = tpu.vector_load %arg13[%swap3A_289, %swap3A_290] {strides = array<i32>} : memref<64x512xf32, #tpu.memory_space<vmem>>, vector<16xf32>,
      tpu.vector_store %arg13[%swap3A_289, %swap3A_290], %add3A_288 {strides = array<i32>} : memref<64x512xf32, #tpu.memory_space<vmem>>, vector<16xf32>,
      %get3A_292 = arith.index_cast %scan3A_218 : i32 to index
      %get3A_293 = arith.constant 144 : index
      %get3A_294 = tpu.vector_load %arg13[%get3A_292, %get3A_293] {strides = array<i32>} : memref<64x512xf32, #tpu.memory_space<vmem>>, vector<16xf32>,
      %mul3A_295 = arith.mulf %get3A_294, %gather3A : vector<16xf32>
      %add3A_296 = arith.addf %mul3A_295, %gather3A_221 : vector<16xf32>
      %swap3A_297 = arith.index_cast %scan3A_218 : i32 to index
      %swap3A_298 = arith.constant 144 : index
      %swap3A_299 = tpu.vector_load %arg13[%swap3A_297, %swap3A_298] {strides = array<i32>} : memref<64x512xf32, #tpu.memory_space<vmem>>, vector<16xf32>,
      tpu.vector_store %arg13[%swap3A_297, %swap3A_298], %add3A_296 {strides = array<i32>} : memref<64x512xf32, #tpu.memory_space<vmem>>, vector<16xf32>,
      %get3A_300 = arith.index_cast %scan3A_218 : i32 to index
      %get3A_301 = arith.constant 160 : index
      %get3A_302 = tpu.vector_load %arg13[%get3A_300, %get3A_301] {strides = array<i32>} : memref<64x512xf32, #tpu.memory_space<vmem>>, vector<16xf32>,
      %mul3A_303 = arith.mulf %get3A_302, %gather3A : vector<16xf32>
      %add3A_304 = arith.addf %mul3A_303, %gather3A_221 : vector<16xf32>
      %swap3A_305 = arith.index_cast %scan3A_218 : i32 to index
      %swap3A_306 = arith.constant 160 : index
      %swap3A_307 = tpu.vector_load %arg13[%swap3A_305, %swap3A_306] {strides = array<i32>} : memref<64x512xf32, #tpu.memory_space<vmem>>, vector<16xf32>,
      tpu.vector_store %arg13[%swap3A_305, %swap3A_306], %add3A_304 {strides = array<i32>} : memref<64x512xf32, #tpu.memory_space<vmem>>, vector<16xf32>,
      %get3A_308 = arith.index_cast %scan3A_218 : i32 to index
      %get3A_309 = arith.constant 176 : index
      %get3A_310 = tpu.vector_load %arg13[%get3A_308, %get3A_309] {strides = array<i32>} : memref<64x512xf32, #tpu.memory_space<vmem>>, vector<16xf32>,
      %mul3A_311 = arith.mulf %get3A_310, %gather3A : vector<16xf32>
      %add3A_312 = arith.addf %mul3A_311, %gather3A_221 : vector<16xf32>
      %swap3A_313 = arith.index_cast %scan3A_218 : i32 to index
      %swap3A_314 = arith.constant 176 : index
      %swap3A_315 = tpu.vector_load %arg13[%swap3A_313, %swap3A_314] {strides = array<i32>} : memref<64x512xf32, #tpu.memory_space<vmem>>, vector<16xf32>,
      tpu.vector_store %arg13[%swap3A_313, %swap3A_314], %add3A_312 {strides = array<i32>} : memref<64x512xf32, #tpu.memory_space<vmem>>, vector<16xf32>,
      %get3A_316 = arith.index_cast %scan3A_218 : i32 to index
      %get3A_317 = arith.constant 192 : index
      %get3A_318 = tpu.vector_load %arg13[%get3A_316, %get3A_317] {strides = array<i32>} : memref<64x512xf32, #tpu.memory_space<vmem>>, vector<16xf32>,
      %mul3A_319 = arith.mulf %get3A_318, %gather3A : vector<16xf32>
      %add3A_320 = arith.addf %mul3A_319, %gather3A_221 : vector<16xf32>
      %swap3A_321 = arith.index_cast %scan3A_218 : i32 to index
      %swap3A_322 = arith.constant 192 : index
      %swap3A_323 = tpu.vector_load %arg13[%swap3A_321, %swap3A_322] {strides = array<i32>} : memref<64x512xf32, #tpu.memory_space<vmem>>, vector<16xf32>,
      tpu.vector_store %arg13[%swap3A_321, %swap3A_322], %add3A_320 {strides = array<i32>} : memref<64x512xf32, #tpu.memory_space<vmem>>, vector<16xf32>,
      %get3A_324 = arith.index_cast %scan3A_218 : i32 to index
      %get3A_325 = arith.constant 208 : index
      %get3A_326 = tpu.vector_load %arg13[%get3A_324, %get3A_325] {strides = array<i32>} : memref<64x512xf32, #tpu.memory_space<vmem>>, vector<16xf32>,
      %mul3A_327 = arith.mulf %get3A_326, %gather3A : vector<16xf32>
      %add3A_328 = arith.addf %mul3A_327, %gather3A_221 : vector<16xf32>
      %swap3A_329 = arith.index_cast %scan3A_218 : i32 to index
      %swap3A_330 = arith.constant 208 : index
      %swap3A_331 = tpu.vector_load %arg13[%swap3A_329, %swap3A_330] {strides = array<i32>} : memref<64x512xf32, #tpu.memory_space<vmem>>, vector<16xf32>,
      tpu.vector_store %arg13[%swap3A_329, %swap3A_330], %add3A_328 {strides = array<i32>} : memref<64x512xf32, #tpu.memory_space<vmem>>, vector<16xf32>,
      %get3A_332 = arith.index_cast %scan3A_218 : i32 to index
      %get3A_333 = arith.constant 224 : index
      %get3A_334 = tpu.vector_load %arg13[%get3A_332, %get3A_333] {strides = array<i32>} : memref<64x512xf32, #tpu.memory_space<vmem>>, vector<16xf32>,
      %mul3A_335 = arith.mulf %get3A_334, %gather3A : vector<16xf32>
      %add3A_336 = arith.addf %mul3A_335, %gather3A_221 : vector<16xf32>
      %swap3A_337 = arith.index_cast %scan3A_218 : i32 to index
      %swap3A_338 = arith.constant 224 : index
      %swap3A_339 = tpu.vector_load %arg13[%swap3A_337, %swap3A_338] {strides = array<i32>} : memref<64x512xf32, #tpu.memory_space<vmem>>, vector<16xf32>,
      tpu.vector_store %arg13[%swap3A_337, %swap3A_338], %add3A_336 {strides = array<i32>} : memref<64x512xf32, #tpu.memory_space<vmem>>, vector<16xf32>,
      %get3A_340 = arith.index_cast %scan3A_218 : i32 to index
      %get3A_341 = arith.constant 240 : index
      %get3A_342 = tpu.vector_load %arg13[%get3A_340, %get3A_341] {strides = array<i32>} : memref<64x512xf32, #tpu.memory_space<vmem>>, vector<16xf32>,
      %mul3A_343 = arith.mulf %get3A_342, %gather3A : vector<16xf32>
      %add3A_344 = arith.addf %mul3A_343, %gather3A_221 : vector<16xf32>
      %swap3A_345 = arith.index_cast %scan3A_218 : i32 to index
      %swap3A_346 = arith.constant 240 : index
      %swap3A_347 = tpu.vector_load %arg13[%swap3A_345, %swap3A_346] {strides = array<i32>} : memref<64x512xf32, #tpu.memory_space<vmem>>, vector<16xf32>,
      tpu.vector_store %arg13[%swap3A_345, %swap3A_346], %add3A_344 {strides = array<i32>} : memref<64x512xf32, #tpu.memory_space<vmem>>, vector<16xf32>,
      %get3A_348 = arith.index_cast %scan3A_218 : i32 to index
      %get3A_349 = arith.constant 256 : index
      %get3A_350 = tpu.vector_load %arg13[%get3A_348, %get3A_349] {strides = array<i32>} : memref<64x512xf32, #tpu.memory_space<vmem>>, vector<16xf32>,
      %mul3A_351 = arith.mulf %get3A_350, %gather3A : vector<16xf32>
      %add3A_352 = arith.addf %mul3A_351, %gather3A_221 : vector<16xf32>
      %swap3A_353 = arith.index_cast %scan3A_218 : i32 to index
      %swap3A_354 = arith.constant 256 : index
      %swap3A_355 = tpu.vector_load %arg13[%swap3A_353, %swap3A_354] {strides = array<i32>} : memref<64x512xf32, #tpu.memory_space<vmem>>, vector<16xf32>,
      tpu.vector_store %arg13[%swap3A_353, %swap3A_354], %add3A_352 {strides = array<i32>} : memref<64x512xf32, #tpu.memory_space<vmem>>, vector<16xf32>,
      %get3A_356 = arith.index_cast %scan3A_218 : i32 to index
      %get3A_357 = arith.constant 272 : index
      %get3A_358 = tpu.vector_load %arg13[%get3A_356, %get3A_357] {strides = array<i32>} : memref<64x512xf32, #tpu.memory_space<vmem>>, vector<16xf32>,
      %mul3A_359 = arith.mulf %get3A_358, %gather3A : vector<16xf32>
      %add3A_360 = arith.addf %mul3A_359, %gather3A_221 : vector<16xf32>
      %swap3A_361 = arith.index_cast %scan3A_218 : i32 to index
      %swap3A_362 = arith.constant 272 : index
      %swap3A_363 = tpu.vector_load %arg13[%swap3A_361, %swap3A_362] {strides = array<i32>} : memref<64x512xf32, #tpu.memory_space<vmem>>, vector<16xf32>,
      tpu.vector_store %arg13[%swap3A_361, %swap3A_362], %add3A_360 {strides = array<i32>} : memref<64x512xf32, #tpu.memory_space<vmem>>, vector<16xf32>,
      %get3A_364 = arith.index_cast %scan3A_218 : i32 to index
      %get3A_365 = arith.constant 288 : index
      %get3A_366 = tpu.vector_load %arg13[%get3A_364, %get3A_365] {strides = array<i32>} : memref<64x512xf32, #tpu.memory_space<vmem>>, vector<16xf32>,
      %mul3A_367 = arith.mulf %get3A_366, %gather3A : vector<16xf32>
      %add3A_368 = arith.addf %mul3A_367, %gather3A_221 : vector<16xf32>
      %swap3A_369 = arith.index_cast %scan3A_218 : i32 to index
      %swap3A_370 = arith.constant 288 : index
      %swap3A_371 = tpu.vector_load %arg13[%swap3A_369, %swap3A_370] {strides = array<i32>} : memref<64x512xf32, #tpu.memory_space<vmem>>, vector<16xf32>,
      tpu.vector_store %arg13[%swap3A_369, %swap3A_370], %add3A_368 {strides = array<i32>} : memref<64x512xf32, #tpu.memory_space<vmem>>, vector<16xf32>,
      %get3A_372 = arith.index_cast %scan3A_218 : i32 to index
      %get3A_373 = arith.constant 304 : index
      %get3A_374 = tpu.vector_load %arg13[%get3A_372, %get3A_373] {strides = array<i32>} : memref<64x512xf32, #tpu.memory_space<vmem>>, vector<16xf32>,
      %mul3A_375 = arith.mulf %get3A_374, %gather3A : vector<16xf32>
      %add3A_376 = arith.addf %mul3A_375, %gather3A_221 : vector<16xf32>
      %swap3A_377 = arith.index_cast %scan3A_218 : i32 to index
      %swap3A_378 = arith.constant 304 : index
      %swap3A_379 = tpu.vector_load %arg13[%swap3A_377, %swap3A_378] {strides = array<i32>} : memref<64x512xf32, #tpu.memory_space<vmem>>, vector<16xf32>,
      tpu.vector_store %arg13[%swap3A_377, %swap3A_378], %add3A_376 {strides = array<i32>} : memref<64x512xf32, #tpu.memory_space<vmem>>, vector<16xf32>,
      %get3A_380 = arith.index_cast %scan3A_218 : i32 to index
      %get3A_381 = arith.constant 320 : index
      %get3A_382 = tpu.vector_load %arg13[%get3A_380, %get3A_381] {strides = array<i32>} : memref<64x512xf32, #tpu.memory_space<vmem>>, vector<16xf32>,
      %mul3A_383 = arith.mulf %get3A_382, %gather3A : vector<16xf32>
      %add3A_384 = arith.addf %mul3A_383, %gather3A_221 : vector<16xf32>
      %swap3A_385 = arith.index_cast %scan3A_218 : i32 to index
      %swap3A_386 = arith.constant 320 : index
      %swap3A_387 = tpu.vector_load %arg13[%swap3A_385, %swap3A_386] {strides = array<i32>} : memref<64x512xf32, #tpu.memory_space<vmem>>, vector<16xf32>,
      tpu.vector_store %arg13[%swap3A_385, %swap3A_386], %add3A_384 {strides = array<i32>} : memref<64x512xf32, #tpu.memory_space<vmem>>, vector<16xf32>,
      %get3A_388 = arith.index_cast %scan3A_218 : i32 to index
      %get3A_389 = arith.constant 336 : index
      %get3A_390 = tpu.vector_load %arg13[%get3A_388, %get3A_389] {strides = array<i32>} : memref<64x512xf32, #tpu.memory_space<vmem>>, vector<16xf32>,
      %mul3A_391 = arith.mulf %get3A_390, %gather3A : vector<16xf32>
      %add3A_392 = arith.addf %mul3A_391, %gather3A_221 : vector<16xf32>
      %swap3A_393 = arith.index_cast %scan3A_218 : i32 to index
      %swap3A_394 = arith.constant 336 : index
      %swap3A_395 = tpu.vector_load %arg13[%swap3A_393, %swap3A_394] {strides = array<i32>} : memref<64x512xf32, #tpu.memory_space<vmem>>, vector<16xf32>,
      tpu.vector_store %arg13[%swap3A_393, %swap3A_394], %add3A_392 {strides = array<i32>} : memref<64x512xf32, #tpu.memory_space<vmem>>, vector<16xf32>,
      %get3A_396 = arith.index_cast %scan3A_218 : i32 to index
      %get3A_397 = arith.constant 352 : index
      %get3A_398 = tpu.vector_load %arg13[%get3A_396, %get3A_397] {strides = array<i32>} : memref<64x512xf32, #tpu.memory_space<vmem>>, vector<16xf32>,
      %mul3A_399 = arith.mulf %get3A_398, %gather3A : vector<16xf32>
      %add3A_400 = arith.addf %mul3A_399, %gather3A_221 : vector<16xf32>
      %swap3A_401 = arith.index_cast %scan3A_218 : i32 to index
      %swap3A_402 = arith.constant 352 : index
      %swap3A_403 = tpu.vector_load %arg13[%swap3A_401, %swap3A_402] {strides = array<i32>} : memref<64x512xf32, #tpu.memory_space<vmem>>, vector<16xf32>,
      tpu.vector_store %arg13[%swap3A_401, %swap3A_402], %add3A_400 {strides = array<i32>} : memref<64x512xf32, #tpu.memory_space<vmem>>, vector<16xf32>,
      %get3A_404 = arith.index_cast %scan3A_218 : i32 to index
      %get3A_405 = arith.constant 368 : index
      %get3A_406 = tpu.vector_load %arg13[%get3A_404, %get3A_405] {strides = array<i32>} : memref<64x512xf32, #tpu.memory_space<vmem>>, vector<16xf32>,
      %mul3A_407 = arith.mulf %get3A_406, %gather3A : vector<16xf32>
      %add3A_408 = arith.addf %mul3A_407, %gather3A_221 : vector<16xf32>
      %swap3A_409 = arith.index_cast %scan3A_218 : i32 to index
      %swap3A_410 = arith.constant 368 : index
      %swap3A_411 = tpu.vector_load %arg13[%swap3A_409, %swap3A_410] {strides = array<i32>} : memref<64x512xf32, #tpu.memory_space<vmem>>, vector<16xf32>,
      tpu.vector_store %arg13[%swap3A_409, %swap3A_410], %add3A_408 {strides = array<i32>} : memref<64x512xf32, #tpu.memory_space<vmem>>, vector<16xf32>,
      %get3A_412 = arith.index_cast %scan3A_218 : i32 to index
      %get3A_413 = arith.constant 384 : index
      %get3A_414 = tpu.vector_load %arg13[%get3A_412, %get3A_413] {strides = array<i32>} : memref<64x512xf32, #tpu.memory_space<vmem>>, vector<16xf32>,
      %mul3A_415 = arith.mulf %get3A_414, %gather3A : vector<16xf32>
      %add3A_416 = arith.addf %mul3A_415, %gather3A_221 : vector<16xf32>
      %swap3A_417 = arith.index_cast %scan3A_218 : i32 to index
      %swap3A_418 = arith.constant 384 : index
      %swap3A_419 = tpu.vector_load %arg13[%swap3A_417, %swap3A_418] {strides = array<i32>} : memref<64x512xf32, #tpu.memory_space<vmem>>, vector<16xf32>,
      tpu.vector_store %arg13[%swap3A_417, %swap3A_418], %add3A_416 {strides = array<i32>} : memref<64x512xf32, #tpu.memory_space<vmem>>, vector<16xf32>,
      %get3A_420 = arith.index_cast %scan3A_218 : i32 to index
      %get3A_421 = arith.constant 400 : index
      %get3A_422 = tpu.vector_load %arg13[%get3A_420, %get3A_421] {strides = array<i32>} : memref<64x512xf32, #tpu.memory_space<vmem>>, vector<16xf32>,
      %mul3A_423 = arith.mulf %get3A_422, %gather3A : vector<16xf32>
      %add3A_424 = arith.addf %mul3A_423, %gather3A_221 : vector<16xf32>
      %swap3A_425 = arith.index_cast %scan3A_218 : i32 to index
      %swap3A_426 = arith.constant 400 : index
      %swap3A_427 = tpu.vector_load %arg13[%swap3A_425, %swap3A_426] {strides = array<i32>} : memref<64x512xf32, #tpu.memory_space<vmem>>, vector<16xf32>,
      tpu.vector_store %arg13[%swap3A_425, %swap3A_426], %add3A_424 {strides = array<i32>} : memref<64x512xf32, #tpu.memory_space<vmem>>, vector<16xf32>,
      %get3A_428 = arith.index_cast %scan3A_218 : i32 to index
      %get3A_429 = arith.constant 416 : index
      %get3A_430 = tpu.vector_load %arg13[%get3A_428, %get3A_429] {strides = array<i32>} : memref<64x512xf32, #tpu.memory_space<vmem>>, vector<16xf32>,
      %mul3A_431 = arith.mulf %get3A_430, %gather3A : vector<16xf32>
      %add3A_432 = arith.addf %mul3A_431, %gather3A_221 : vector<16xf32>
      %swap3A_433 = arith.index_cast %scan3A_218 : i32 to index
      %swap3A_434 = arith.constant 416 : index
      %swap3A_435 = tpu.vector_load %arg13[%swap3A_433, %swap3A_434] {strides = array<i32>} : memref<64x512xf32, #tpu.memory_space<vmem>>, vector<16xf32>,
      tpu.vector_store %arg13[%swap3A_433, %swap3A_434], %add3A_432 {strides = array<i32>} : memref<64x512xf32, #tpu.memory_space<vmem>>, vector<16xf32>,
      %get3A_436 = arith.index_cast %scan3A_218 : i32 to index
      %get3A_437 = arith.constant 432 : index
      %get3A_438 = tpu.vector_load %arg13[%get3A_436, %get3A_437] {strides = array<i32>} : memref<64x512xf32, #tpu.memory_space<vmem>>, vector<16xf32>,
      %mul3A_439 = arith.mulf %get3A_438, %gather3A : vector<16xf32>
      %add3A_440 = arith.addf %mul3A_439, %gather3A_221 : vector<16xf32>
      %swap3A_441 = arith.index_cast %scan3A_218 : i32 to index
      %swap3A_442 = arith.constant 432 : index
      %swap3A_443 = tpu.vector_load %arg13[%swap3A_441, %swap3A_442] {strides = array<i32>} : memref<64x512xf32, #tpu.memory_space<vmem>>, vector<16xf32>,
      tpu.vector_store %arg13[%swap3A_441, %swap3A_442], %add3A_440 {strides = array<i32>} : memref<64x512xf32, #tpu.memory_space<vmem>>, vector<16xf32>,
      %get3A_444 = arith.index_cast %scan3A_218 : i32 to index
      %get3A_445 = arith.constant 448 : index
      %get3A_446 = tpu.vector_load %arg13[%get3A_444, %get3A_445] {strides = array<i32>} : memref<64x512xf32, #tpu.memory_space<vmem>>, vector<16xf32>,
      %mul3A_447 = arith.mulf %get3A_446, %gather3A : vector<16xf32>
      %add3A_448 = arith.addf %mul3A_447, %gather3A_221 : vector<16xf32>
      %swap3A_449 = arith.index_cast %scan3A_218 : i32 to index
      %swap3A_450 = arith.constant 448 : index
      %swap3A_451 = tpu.vector_load %arg13[%swap3A_449, %swap3A_450] {strides = array<i32>} : memref<64x512xf32, #tpu.memory_space<vmem>>, vector<16xf32>,
      tpu.vector_store %arg13[%swap3A_449, %swap3A_450], %add3A_448 {strides = array<i32>} : memref<64x512xf32, #tpu.memory_space<vmem>>, vector<16xf32>,
      %get3A_452 = arith.index_cast %scan3A_218 : i32 to index
      %get3A_453 = arith.constant 464 : index
      %get3A_454 = tpu.vector_load %arg13[%get3A_452, %get3A_453] {strides = array<i32>} : memref<64x512xf32, #tpu.memory_space<vmem>>, vector<16xf32>,
      %mul3A_455 = arith.mulf %get3A_454, %gather3A : vector<16xf32>
      %add3A_456 = arith.addf %mul3A_455, %gather3A_221 : vector<16xf32>
      %swap3A_457 = arith.index_cast %scan3A_218 : i32 to index
      %swap3A_458 = arith.constant 464 : index
      %swap3A_459 = tpu.vector_load %arg13[%swap3A_457, %swap3A_458] {strides = array<i32>} : memref<64x512xf32, #tpu.memory_space<vmem>>, vector<16xf32>,
      tpu.vector_store %arg13[%swap3A_457, %swap3A_458], %add3A_456 {strides = array<i32>} : memref<64x512xf32, #tpu.memory_space<vmem>>, vector<16xf32>,
      %get3A_460 = arith.index_cast %scan3A_218 : i32 to index
      %get3A_461 = arith.constant 480 : index
      %get3A_462 = tpu.vector_load %arg13[%get3A_460, %get3A_461] {strides = array<i32>} : memref<64x512xf32, #tpu.memory_space<vmem>>, vector<16xf32>,
      %mul3A_463 = arith.mulf %get3A_462, %gather3A : vector<16xf32>
      %add3A_464 = arith.addf %mul3A_463, %gather3A_221 : vector<16xf32>
      %swap3A_465 = arith.index_cast %scan3A_218 : i32 to index
      %swap3A_466 = arith.constant 480 : index
      %swap3A_467 = tpu.vector_load %arg13[%swap3A_465, %swap3A_466] {strides = array<i32>} : memref<64x512xf32, #tpu.memory_space<vmem>>, vector<16xf32>,
      tpu.vector_store %arg13[%swap3A_465, %swap3A_466], %add3A_464 {strides = array<i32>} : memref<64x512xf32, #tpu.memory_space<vmem>>, vector<16xf32>,
      %get3A_468 = arith.index_cast %scan3A_218 : i32 to index
      %get3A_469 = arith.constant 496 : index
      %get3A_470 = tpu.vector_load %arg13[%get3A_468, %get3A_469] {strides = array<i32>} : memref<64x512xf32, #tpu.memory_space<vmem>>, vector<16xf32>,
      %mul3A_471 = arith.mulf %get3A_470, %gather3A : vector<16xf32>
      %add3A_472 = arith.addf %mul3A_471, %gather3A_221 : vector<16xf32>
      %swap3A_473 = arith.index_cast %scan3A_218 : i32 to index
      %swap3A_474 = arith.constant 496 : index
      %swap3A_475 = tpu.vector_load %arg13[%swap3A_473, %swap3A_474] {strides = array<i32>} : memref<64x512xf32, #tpu.memory_space<vmem>>, vector<16xf32>,
      tpu.vector_store %arg13[%swap3A_473, %swap3A_474], %add3A_472 {strides = array<i32>} : memref<64x512xf32, #tpu.memory_space<vmem>>, vector<16xf32>,
    }
    %scan3A_199 = arith.constant 64 : i32
    %add3A_200 = arith.constant 448 : i32
    %add3A_201 = arith.addi %mul3A_2, %add3A_200 : i32
    %dma_start3A_202 = arith.constant 0 : i32
    %dma_start3A_203 = tpu.memref_slice %arg6[%add3A_201, %dma_start3A_202] : memref<16384x512xf32, #tpu.memory_space<hbm>> -> memref<64x512xf32, #tpu.memory_space<hbm>>
    %dma_start3A_204 = arith.constant 0 : i32
    %dma_start3A_205 = tpu.memref_slice %arg6[%add3A_201, %dma_start3A_204] : memref<16384x512xf32, #tpu.memory_space<hbm>> -> memref<64x512xf32, #tpu.memory_space<hbm>>
    tpu.enqueue_dma source(%arg13 : memref<64x512xf32, #tpu.memory_space<vmem>>) target(%dma_start3A_205 : memref<64x512xf32, #tpu.memory_space<hbm>>) target_semaphore(%arg19 : memref<!tpu.dma_semaphore, #tpu.memory_space<semaphore_mem>>)
    %dma_wait3A_206 = arith.constant 0 : i32
    %dma_wait3A_207 = tpu.memref_slice %arg6[%add3A_169, %dma_wait3A_206] : memref<16384x512xf32, #tpu.memory_space<hbm>> -> memref<64x512xf32, #tpu.memory_space<hbm>>
    %dma_wait3A_208 = arith.constant 0 : i32
    %dma_wait3A_209 = tpu.memref_slice %arg6[%add3A_169, %dma_wait3A_208] : memref<16384x512xf32, #tpu.memory_space<hbm>> -> memref<64x512xf32, #tpu.memory_space<hbm>>
    tpu.wait_dma2 semaphore(%arg20 : memref<!tpu.dma_semaphore, #tpu.memory_space<semaphore_mem>>) src(%arg14 : memref<64x512xf32, #tpu.memory_space<vmem>>) dst(%dma_wait3A_209 : memref<64x512xf32, #tpu.memory_space<hbm>>)
    %dma_wait3A_210 = arith.constant 0 : i32
    %dma_wait3A_211 = tpu.memref_slice %arg6[%add3A_185, %dma_wait3A_210] : memref<16384x512xf32, #tpu.memory_space<hbm>> -> memref<64x512xf32, #tpu.memory_space<hbm>>
    %dma_wait3A_212 = arith.constant 0 : i32
    %dma_wait3A_213 = tpu.memref_slice %arg6[%add3A_185, %dma_wait3A_212] : memref<16384x512xf32, #tpu.memory_space<hbm>> -> memref<64x512xf32, #tpu.memory_space<hbm>>
    tpu.wait_dma2 semaphore(%arg18 : memref<!tpu.dma_semaphore, #tpu.memory_space<semaphore_mem>>) src(%arg12 : memref<64x512xf32, #tpu.memory_space<vmem>>) dst(%dma_wait3A_213 : memref<64x512xf32, #tpu.memory_space<hbm>>)
    %dma_wait3A_214 = arith.constant 0 : i32
    %dma_wait3A_215 = tpu.memref_slice %arg6[%add3A_201, %dma_wait3A_214] : memref<16384x512xf32, #tpu.memory_space<hbm>> -> memref<64x512xf32, #tpu.memory_space<hbm>>
    %dma_wait3A_216 = arith.constant 0 : i32
    %dma_wait3A_217 = tpu.memref_slice %arg6[%add3A_201, %dma_wait3A_216] : memref<16384x512xf32, #tpu.memory_space<hbm>> -> memref<64x512xf32, #tpu.memory_space<hbm>>
    tpu.wait_dma2 semaphore(%arg19 : memref<!tpu.dma_semaphore, #tpu.memory_space<semaphore_mem>>) src(%arg13 : memref<64x512xf32, #tpu.memory_space<vmem>>) dst(%dma_wait3A_217 : memref<64x512xf32, #tpu.memory_space<hbm>>)
    return
  }
}

</mosaic_0001>

<sc_bundles>
// kernel: kernel.3.cloned.1.call-start
scs
__scs_entry_jumppad:
0x0: {  	(pc) =	sbr.rel $0x88, $3  }
0x1: {  	(tag) =	ssettag $0x0;
	lr =	simm.s32 $0x1  }
0x2: {  	[smem:$0x3F9D] =	sst lr;
	_ =	strace $0xD0000000  }
0x3: {  	_ = 	snop  }
0x4: {  	_ = 	snop  }
0x5: {  	_ = 	snop  }
0x6: {  	_ = 	snop  }
0x7: {  	_ = 	snop  }
__scs_overlays_trampoline_lowered:
0x8: {  	[smem:$0x3FAC] =	sst s0  }
0x9: {  	[smem:$0x3FAD] =	sst s1  }
0xa: {  	[smem:$0x3FAE] =	sst s2  }
0xb: {  	[smem:$0x3FAF] =	sst s3  }
0xc: {  	[smem:$0x3FB0] =	sst s4  }
0xd: {  	[smem:$0x3FB1] =	sst s5  }
0xe: {  	[smem:$0x3FB2] =	sst s6  }
0xf: {  	[smem:$0x3FB3] =	sst s7  }
0x10: {  	[smem:$0x3FB4] =	sst s8  }
0x11: {  	[smem:$0x3FB5] =	sst s9;
	s0 =	simm.s32 @!p0 $0x0  }
0x12: {  	s1 =	sld [smem:$0x3F9B];
	s0 =	simm.s32 @p0 $0x1  }
0x13: {  	[smem:$0x3FB6] =	sst s0;
	s0 =	simm.s32 @!p1 $0x0  }
0x14: {  	s2 =	sld [smem:$0x3F9A];
	s0 =	simm.s32 @p1 $0x1  }
0x15: {  	[smem:$0x3FB7] =	sst s0;
	s0 =	simm.s32 @!p2 $0x0  }
0x16: {  	s3 =	sld [smem:$0x3FDB];
	s0 =	simm.s32 @p2 $0x1  }
0x17: {  	s4 =	simm.s32 $0x1BF5;
	[smem:$0x3FB9] =	sst s0  }
0x18: {  	s0 =	sld [smem:$0x3F9C];
	_ =	swait.ge [sflag:s4], $0x0  }
0x19: {  	s7 =	sld [smem:$0x3F9D]  }
0x1a: {  	s8 =	sadd.s32 $0xFFFFE003, lr  }
0x1b: {  	s9 =	sadd.s32 $0xFFFFFEF7, lr;
	s5 =	simm.s32 $0xFFFFFFFF;
	p2 =	slt.u32 s8, $0xFFFFF086  }
0x1c: {  	p1 =	slt.u32 s9, $0xF7A;
	s5 =	simm.s32 @!p2 $0x0  }
0x1d: {  	s5 =	simm.s32 @p1 $0x1;
	p0 =	seq.s32 s7, s2  }
0x1e: {  	s7 =	smul.u32 @!p0 $0xF7A, s2;
	p2 =	seq.s32 @!p0 s5, $0x0  }
0x1f: {  	s9 =	smul.u32 $0xF7A, s1;
	s8 =	simm.s32 @!p0 $0x1BF5;
	p2 =	por !p2, p0  }
0x20: {  	[sflag:s8] =	ssyncset.s32 @!p0 $0xFFFFF086;
	s6 =	sadd.s32 @!p0 s3, s7;
	s7 =	simm.s32 @!p0 $0x108  }
0x21: {  	s3 =	sadd.s32 s3, s9;
	s6 =	sadd.s32 @!p0 $0x88, s6;
	s7 =	simm.s32 @p2 $0x1082  }
0x22: {  	[simem:s7], [sflag:s8] =	dma.local @!p0 [hbm:s6], $0xF7A  }
0x23: {  	s9 =	sor.u32 $0xD0000000, s2;
	s6 =	simm.s32 $0x108;
	_ =	swait.ge @!p0 [sflag:s8], $0x0  }
0x24: {  	s3 =	sadd.s32 $0x88, s3;
	s6 =	simm.s32 @!p1 $0x1082;
	[sflag:s4] =	ssyncset.s32 $0xFFFFF086  }
0x25: {  	[simem:s6], [sflag:s4] =	dma.local [hbm:s3], $0xF7A  }
0x26: {  	[smem:$0x3F9D] =	sst s1;
	(tag) =	ssettag s2;
	_ =	strace s9  }
0x27: {  	s1 =	sld [smem:$0x3FAD]  }
0x28: {  	s2 =	sld [smem:$0x3FAE]  }
0x29: {  	s4 =	sld [smem:$0x3FB0]  }
0x2a: {  	p0 =	seq.s32 s5, $0x0;
	s5 =	sld [smem:$0x3FB1]  }
0x2b: {  	s6 =	sld [smem:$0x3FB2]  }
0x2c: {  	s7 =	sld [smem:$0x3FB3]  }
0x2d: {  	s3 =	simm.s32 $0x108;
	s8 =	sld [smem:$0x3FB4]  }
0x2e: {  	s3 =	simm.s32 @!p0 $0x1082;
	s9 =	sld [smem:$0x3FB5]  }
0x2f: {  	lr =	sadd.s32 s0, s3;
	s0 =	sld [smem:$0x3FAC]  }
0x30: {  	s3 =	sld [smem:$0x3FAF]  }
0x31: {  	[smem:$0x3FB8] =	sst s10  }
0x32: {  	s10 =	sld [smem:$0x3FB6];
	_ =	sdelay $0x3  }
0x33: {  	p0 =	seq.s32 s10, $0x1;
	s10 =	sld [smem:$0x3FB8];
	_ =	sdelay $0x3  }
0x34: {  	[smem:$0x3FB8] =	sst s10  }
0x35: {  	s10 =	sld [smem:$0x3FB7];
	_ =	sdelay $0x3  }
0x36: {  	p1 =	seq.s32 s10, $0x1;
	s10 =	sld [smem:$0x3FB8];
	_ =	sdelay $0x3  }
0x37: {  	[smem:$0x3FB8] =	sst s10  }
0x38: {  	s10 =	sld [smem:$0x3FB9]  }
0x39: {  	_ = 	snop;
	(pc) =	sbr.ind lr, $3  }
0x3a: {  	_ = 	snop  }
0x3b: {  	_ = 	snop  }
0x3c: {  	p2 =	seq.s32 s10, $0x1;
	s10 =	sld [smem:$0x3FB8]  }
0x3d: {  	_ =	shalt  }
0x3e: {  	_ =	shalt  }
0x3f: {  	_ =	shalt  }
0x40: {  	_ =	shalt  }
0x41: {  	_ =	shalt  }
0x42: {  	_ =	shalt  }
0x43: {  	_ =	shalt  }
0x44: {  	_ =	shalt  }
0x45: {  	_ =	shalt  }
0x46: {  	_ =	shalt  }
0x47: {  	_ =	shalt  }
0x48: {  	_ =	shalt  }
0x49: {  	_ =	shalt  }
0x4a: {  	_ =	shalt  }
0x4b: {  	_ =	shalt  }
0x4c: {  	_ =	shalt  }
0x4d: {  	_ =	shalt  }
0x4e: {  	_ =	shalt  }
0x4f: {  	_ =	shalt  }
0x50: {  	_ =	shalt  }
0x51: {  	_ =	shalt  }
0x52: {  	_ =	shalt  }
0x53: {  	_ =	shalt  }
0x54: {  	_ =	shalt  }
0x55: {  	_ =	shalt  }
0x56: {  	_ =	shalt  }
0x57: {  	_ =	shalt  }
0x58: {  	_ =	shalt  }
0x59: {  	_ =	shalt  }
0x5a: {  	_ =	shalt  }
0x5b: {  	_ =	shalt  }
0x5c: {  	_ =	shalt  }
0x5d: {  	_ =	shalt  }
0x5e: {  	_ =	shalt  }
0x5f: {  	_ =	shalt  }
0x60: {  	_ =	shalt  }
0x61: {  	_ =	shalt  }
0x62: {  	_ =	shalt  }
0x63: {  	_ =	shalt  }
0x64: {  	_ =	shalt  }
0x65: {  	_ =	shalt  }
0x66: {  	_ =	shalt  }
0x67: {  	_ =	shalt  }
0x68: {  	_ =	shalt  }
0x69: {  	_ =	shalt  }
0x6a: {  	_ =	shalt  }
0x6b: {  	_ =	shalt  }
0x6c: {  	_ =	shalt  }
0x6d: {  	_ =	shalt  }
0x6e: {  	_ =	shalt  }
0x6f: {  	_ =	shalt  }
0x70: {  	_ =	shalt  }
0x71: {  	_ =	shalt  }
0x72: {  	_ =	shalt  }
0x73: {  	_ =	shalt  }
0x74: {  	_ =	shalt  }
0x75: {  	_ =	shalt  }
0x76: {  	_ =	shalt  }
0x77: {  	_ =	shalt  }
0x78: {  	_ =	shalt  }
0x79: {  	_ =	shalt  }
0x7a: {  	_ =	shalt  }
0x7b: {  	_ =	shalt  }
0x7c: {  	_ =	shalt  }
0x7d: {  	_ =	shalt  }
0x7e: {  	_ =	shalt  }
0x7f: {  	_ =	shalt  }
0x80: {  	_ =	shalt  }
0x81: {  	_ =	shalt  }
0x82: {  	_ =	shalt  }
0x83: {  	_ =	shalt  }
0x84: {  	_ =	shalt  }
0x85: {  	_ =	shalt  }
0x86: {  	_ =	shalt  }
0x87: {  	_ =	shalt  }
.Lfunc_end0:
.L_simem_size_0:
called_computation_lowered:
.L_overlay_start_0:
0x88: {  	s2 =	sld [smem:$0x3FD9]  }
0x89: {  	s3 =	sld [smem:$0x3FFE];
	_ =	sdelay $0x1  }
0x8a: {  	s1 =	srdreg.scid  }
0x8b: {  	s0 =	sand.u32 $0x1, s1  }
0x8c: {  	s17 =	sshll.u32 s0, $0xA;
	s2 =	sadd.s32 s3, s2  }
0x8d: {  	s2 =	sadd.s32 s2, s17  }
0x8e: {  	[smem:$0x3FC4] =	sst s2  }
0x8f: {  	_ = 	snop  }
0x90: {  	s2 =	sld [smem:$0x3FC9]  }
0x91: {  	s18 =	sld [smem:$0x3FC8]  }
0x92: {  	s4 =	sld [smem:$0x3FD0];
	(tm) =	ssettm $0x1  }
0x93: {  	s5 =	sld [smem:$0x3FFB];
	_ =	sdelay $0x3  }
0x94: {  	_ =	strace s5  }
0x95: {  	s5 =	sld [smem:$0x3FFC];
	_ =	sdelay $0x3  }
0x96: {  	_ =	strace s5  }
0x97: {  	s5 =	sld [smem:$0x3FFD];
	_ =	sdelay $0x3  }
0x98: {  	_ =	strace s5  }
0x99: {  	_ =	strace $0x8FFFFFFF  }
0x9a: {  	s19 =	sld [smem:$0x3FDB];
	_ =	sdelay $0x1  }
0x9b: {  	s6 =	simm.s32 $_scs_section_size  }
0x9c: {  	s7 =	simm.s32 $_size__tile_overlayer_lowered;
	s8 =	simm.s32 $_tile_overlayer_lowered  }
0x9d: {  	s22 =	simm.s32 $0x1BFF;
	s21 =	sshll.u32 s8, $0x1;
	s5 =	sadd.s32 s6, s19  }
0x9e: {  	s9 =	simm.s32 $0x0;
	s20 =	sshll.u32 s7, $0x1;
	s7 =	sadd.s32 s21, s5  }
0x9f: {  	[timem:s9], [sflag:s22] =	dma.local [hbm:s7], s20  }
0xa0: {  	_ =	swait.ge [sflag:s22], s20  }
0xa1: {  	s6 =	ssub.s32 $0x0, s20;
	[sflag:s22] =	ssyncset.done $0x0  }
0xa2: {  	[sflag:s22] =	ssyncadd.s32 s6;
	_ =	sdelay $0x1  }
0xa3: {  	s23 =	simm.s32 $0x1B8B  }
0xa4: {  	_ =	swait.ge [sflag:s23], $0x1  }
0xa5: {  	[sflag:s23] =	ssyncset.done $0x0  }
0xa6: {  	s25 =	simm.s32 $0x1B8E;
	s24 =	sld [smem:$0x3FFE];
	[sflag:s23] =	ssyncadd.s32 $0xFFFFFFFF  }
0xa7: {  	s26 =	simm.s32 $execute0_lowered;
	[smem:$0x3FD2] =	sst s25  }
0xa8: {  	s7 =	sshll.u32 s26, $0x1;
	_ =	strace $0x80000046;
	[dreg:$0x1] =	wrdreg $0xFFFFFFFF  }
0xa9: {  	s28 =	simm.s32 $_size_execute0_lowered;
	s5 =	sadd.s32 s5, s7;
	[dreg:$0x0] =	wrdreg $0x0  }
0xaa: {  	s7 =	sshll.u32 s28, $0x1;
	[dreg:$0x2] =	wrdreg s5  }
0xab: {  	[dreg:$0x3] =	wrdreg s7  }
0xac: {  	[dreg:$0x4] =	wrdreg $0xC0  }
0xad: {  	_ =	task [dreg:s9], $0x5FFFF  }
0xae: {  	[dreg:$0x1] =	wrdreg $0xFFFFFFFF  }
0xaf: {  	[dreg:$0x0] =	wrdreg $0x60  }
0xb0: {  	[dreg:$0x2] =	wrdreg s2  }
0xb1: {  	[dreg:$0x3] =	wrdreg s18  }
0xb2: {  	[dreg:$0x4] =	wrdreg s24  }
0xb3: {  	[dreg:$0x5] =	wrdreg s4  }
0xb4: {  	[dreg:$0x6] =	wrdreg $0x9  }
0xb5: {  	_ =	task.clear_ibuf [dreg:s9], $0x7FFFF;
	_ =	strace $0x90000046  }
0xb6: {  	s29 =	simm.s32 $0x9;
	_ =	strace $0x80000048  }
0xb7: {  	_ =	swait.ge [sflag:s29], $0x1  }
0xb8: {  	[sflag:s29] =	ssyncadd.s32 $0xFFFFFFFF  }
0xb9: {  	_ =	strace $0x90000048  }
0xba: {  	_ =	sfence  }
0xbb: {  	s30 =	sld [smem:$0x0];
	_ =	sdelay $0x2  }
0xbc: {  	s31 =	sshll.u32 s1, $0xD;
	s1 =	sshrl.u32 s1, $0x2  }
0xbd: {  	s3 =	sand.u32 $0x4000, s31;
	s1 =	sadd.s32 s1, s30  }
0xbe: {  	s0 =	sor.u32 s3, s0;
	s1 =	sshll.u32 s1, $0x11  }
0xbf: {  	s0 =	sor.u32 s1, s0  }
0xc0: {  	s0 =	sadd.s32 $0x8F2B, s0  }
0xc1: {  	[sflag:s0] =	ssyncadd.remote.s32 $0x1  }
0xc2: {  	_ =	sfence.sel $0xFFFF  }
0xc3: {  	[dreg:$0x0] =	wrdreg $0xFFFFFFFF;
	(pc) =	sbr.abs _section_cstart, $3  }
0xc4: {  	[dreg:$0x1] =	wrdreg $0xFFFFFFFF  }
0xc5: {  	_ =	task.clear_ibuf [dreg:s9], $0x2FFFF;
	_ =	strace $0x9FFFFFFF  }
0xc6: {  	(tm) =	ssettm $0x7FFFFFFF  }
0xc7: {  	_ =	shalt  }
tec
execute0_lowered:
.L_overlay_start_1:
0x0: {  	(tag) =	ssettag $0x1  }
0x1: {  	s0 =	rddreg [dreg:$0x0]  }
0x2: {  	s1 =	rddreg [dreg:$0x1]  }
0x3: {  	s3 =	rddreg [dreg:$0x2]  }
0x4: {  	s4 =	rddreg [dreg:$0x3]  }
0x5: {  	s5 =	srdreg.scid;
	s2 =	simm.s32 $0x0;
	s6 =	stileid.u32  }
0x6: {  	s28 =	simm.s32 $0x4;
	s29 =	simm.s32 $0x5;
	s30 =	simm.s32 $0x6  }
0x7: {  	s31 =	simm.s32 $0x10700;
	s5 =	sand.u32 $0x1, s5;
	[smem:$0x7FF] =	sst s2  }
0x8: {  	s6 =	sshll.u32 s6, $0xA;
	s11 =	sadd.s32 $0x400, s3;
	s3 =	sadd.s32 $0x600, s3  }
0x9: {  	s7 =	sshll.u32 s5, $0x9;
	_ =	strace $0x80000047;
	[dreg:$0x5] =	wrdreg s11  }
0xa: {  	s5 =	ssub.s32 $0x2, s5;
	[dreg:$0x6] =	wrdreg s3;
	s6 =	sor.u32 s7, s6  }
0xb: {  	s3 =	simm.s32 $0x500;
	s12 =	sshrl.u32 s5, $0x1;
	s8 =	sshll.u32 s6, $0x6  }
0xc: {  	s13 =	ssub.s32 s5, s12;
	s6 =	sshrl.u32 s6, $0x3;
	s15 =	sor.u32 $0x1000, s8  }
0xd: {  	s16 =	sadd.s32 s0, s8;
	s1 =	sadd.s32 s1, s6;
	s18 =	sor.u32 $0x2000, s8  }
0xe: {  	s19 =	sor.u32 $0x3000, s8;
	s21 =	sadd.s32 s4, s8;
	s23 =	sor.u32 $0x4000, s8  }
0xf: {  	s24 =	sor.u32 $0x5000, s8;
	s25 =	sor.u32 $0x6000, s8;
	[dreg:$0x7] =	wrdreg s16  }
0x10: {  	s26 =	sor.u32 $0x7000, s8;
	s6 =	simm.s32 $0x0;
	[dreg:$0x9] =	wrdreg s1  }
0x11: {  	s17 =	sadd.s32 s0, s15;
	s20 =	sadd.s32 s0, s18;
	[dreg:$0xb] =	wrdreg s21  }
0x12: {  	s22 =	sadd.s32 s0, s19;
	s5 =	sadd.s32 s4, s15;
	s9 =	sadd.s32 s0, s23  }
0x13: {  	s1 =	sadd.s32 s4, s18;
	s14 =	sadd.s32 s0, s24;
	[dreg:$0x8] =	wrdreg s17  }
0x14: {  	s15 =	sadd.s32 s4, s19;
	s16 =	sadd.s32 s0, s25;
	[dreg:$0xa] =	wrdreg s20  }
0x15: {  	s18 =	sadd.s32 s0, s26;
	s19 =	sadd.s32 s4, s24;
	[dreg:$0xc] =	wrdreg s22  }
0x16: {  	s21 =	sadd.s32 s4, s26;
	s24 =	simm.s32 $0x8700;
	[dreg:$0xd] =	wrdreg s5  }
0x17: {  	s26 =	simm.s32 $0x280;
	s0 =	simm.s32 $0x1;
	[dreg:$0xe] =	wrdreg s9  }
0x18: {  	[dreg:$0xf] =	wrdreg s1;
	s17 =	sadd.s32 s4, s23;
	s20 =	sadd.s32 s4, s25  }
0x19: {  	s22 =	smax.u32 s13, $0x1;
	s23 =	simm.s32 $0x700;
	s25 =	simm.s32 $0x200  }
0x1a: {  	s1 =	simm.s32 $0x300;
	s4 =	simm.s32 $0x2;
	s5 =	simm.s32 $0x3  }
.LBB2_1:
0x1b: {  	s7 =	rddreg [dreg:$0x7]  }
0x1c: {  	[tilespmem:s23], [sflag:$0x1] =	stream.linear.gather [hbm4b:s7+s2], $0x8000, $0x38;
	[tilespmem:$0x18700] =	vst v63  }
0x1d: {  	s10 =	rddreg [dreg:$0x8]  }
0x1e: {  	[tilespmem:s24], [sflag:$0x2] =	stream.linear.gather [hbm4b:s10+s2], $0x8000, $0x38;
	[tilespmem:$0x18700] =	vst v63  }
0x1f: {  	s11 =	rddreg [dreg:$0x9]  }
0x20: {  	[tilespmem:s2], [sflag:$0x4] =	stream.linear.gather [hbm4b:s11+s2], $0x200, $0x38;
	[tilespmem:$0x18700] =	vst v63  }
0x21: {  	s12 =	rddreg [dreg:$0x5]  }
0x22: {  	[tilespmem:s25], [sflag:$0x5] =	stream.linear.gather [hbm4b:s12+s2], $0x80, $0x38;
	[tilespmem:$0x18700] =	vst v63  }
0x23: {  	s13 =	rddreg [dreg:$0x6]  }
0x24: {  	[tilespmem:s26], [sflag:$0x6] =	stream.linear.gather [hbm4b:s13+s2], $0x80, $0x38;
	[tilespmem:$0x18700] =	vst v63  }
0x25: {  	_ =	swait.ge [sflag:s28], $0x200  }
0x26: {  	[sflag:s28] =	ssyncset.done $0x0  }
0x27: {  	[sflag:s28] =	ssyncadd.s32 $0xFFFFFE00  }
0x28: {  	_ =	swait.ge [sflag:s29], $0x80  }
0x29: {  	[sflag:s29] =	ssyncset.done $0x0  }
0x2a: {  	[sflag:s29] =	ssyncadd.s32 $0xFFFFFF80  }
0x2b: {  	_ =	swait.ge [sflag:s30], $0x80  }
0x2c: {  	[sflag:s30] =	ssyncset.done $0x0  }
0x2d: {  	s7 =	simm.s32 $0x0;
	[sflag:s30] =	ssyncadd.s32 $0xFFFFFF80  }
0x2e: {  	v0 =	vld [tilespmem:s7+$0x0];
	_ =	sdelay $0x4  }
0x2f: {  	v0 =	vmul.f32 $1.000000000e+02, v0;
	_ =	sdelay $0x1  }
0x30: {  	v0 =	vtrunc.f32 v0  }
0x31: {  	v0 =	vcvt.f32.s32 v0;
	_ =	sdelay $0x5  }
0x32: {  	v1 =	vld.idx.msk [tilespmem:v0+s26+$0x0], $0xffff;
	_ =	sdelay $0x2  }
0x33: {  	s8 =	simm.s32 $0x10;
	s9 =	simm.s32 $0x80  }
.LBB2_2:
0x34: {  	p0 =	sne.s32 s9, $0x7C0;
	v2 =	vld [tilespmem:s8+$0x0]  }
0x35: {  	(erf) = vrcp.f32 v1;
	_ =	sdelay $0x1  }
0x36: {  	v1 =	vld.idx.msk [tilespmem:v0+s25+$0x0], $0xffff;
	_ =	sdelay $0x1  }
0x37: {  	v0 =	vmul.f32 $1.000000000e+02, v2;
	_ =	sdelay $0x1  }
0x38: {  	v0 =	vtrunc.f32 v0  }
0x39: {  	v0 =	vcvt.f32.s32 v0  }
0x3a: {  	v1 =	vsub.f32 $0.0e+00, v1  }
0x3b: {  	v2 =	vpop (erf)  }
0x3c: {  	[tilespmem:s7+$0x300] =	vst v2;
	v1 =	vmul.f32 v2, v1;
	_ =	sdelay $0x1  }
0x3d: {  	[tilespmem:s7+$0x500] =	vst v1;
	s7 =	smov.u32 s8  }
.Ltmp0:
0x3e: {  	v1 =	vld.idx.msk [tilespmem:v0+s26+$0x0], $0xffff;
	(pc) =	sbr.rel @p0 .LBB2_2-.Ltmp0, $2  }
0x3f: {  	_ =	sdelay $0x2  }
0x40: {  	s8 =	sshra.s32 s9, $0x2;
	s9 =	sadd.s32 $0x40, s9  }
0x41: {  	v2 =	vld [tilespmem:s8+$0x0]  }
0x42: {  	(erf) = vrcp.f32 v1;
	_ =	sdelay $0x2  }
0x43: {  	v0 =	vld.idx.msk [tilespmem:v0+s25+$0x0], $0xffff  }
0x44: {  	v1 =	vmul.f32 $1.000000000e+02, v2;
	_ =	sdelay $0x1  }
0x45: {  	v1 =	vtrunc.f32 v1  }
0x46: {  	v1 =	vcvt.f32.s32 v1  }
0x47: {  	v0 =	vsub.f32 $0.0e+00, v0  }
0x48: {  	v2 =	vpop (erf)  }
0x49: {  	v0 =	vmul.f32 v2, v0  }
0x4a: {  	[tilespmem:s7+$0x300] =	vst v2  }
0x4b: {  	[tilespmem:s7+$0x500] =	vst v0  }
0x4c: {  	v0 =	vld.idx.msk [tilespmem:v1+s26+$0x0], $0xffff;
	_ =	sdelay $0x4  }
0x4d: {  	(erf) = vrcp.f32 v0;
	_ =	sdelay $0x2  }
0x4e: {  	v0 =	vld.idx.msk [tilespmem:v1+s25+$0x0], $0xffff;
	_ =	sdelay $0x4  }
0x4f: {  	v0 =	vsub.f32 $0.0e+00, v0  }
0x50: {  	v1 =	vpop (erf)  }
0x51: {  	v0 =	vmul.f32 v1, v0  }
0x52: {  	[tilespmem:s8+$0x300] =	vst v1  }
0x53: {  	s12 =	rddreg [dreg:$0xa];
	[tilespmem:s8+$0x500] =	vst v0;
	s8 =	simm.s32 $0x0  }
0x54: {  	[tilespmem:s31], [sflag:$0x3] =	stream.linear.gather [hbm4b:s12+s8], $0x8000, $0x38;
	[tilespmem:$0x18700] =	vst v63  }
0x55: {  	_ =	swait.ge [sflag:s0], $0x8000  }
0x56: {  	s13 =	sand.u32 $0x7000, s8;
	s9 =	sand.u32 $0x380, s8;
	[sflag:s0] =	ssyncset.done $0x0  }
0x57: {  	s7 =	sor.u32 s9, s13;
	[sflag:s0] =	ssyncadd.s32 $0xFFFF8000  }
0x58: {  	v4 =	vld [tilespmem:s7+$0x750]  }
0x59: {  	v2 =	vld [tilespmem:s7+$0xB50]  }
0x5a: {  	v5 =	vld [tilespmem:s7+$0xF10]  }
0x5b: {  	v3 =	vld [tilespmem:s7+$0xF00]  }
0x5c: {  	v6 =	vld [tilespmem:s7+$0xF70]  }
0x5d: {  	v8 =	vld [tilespmem:s7+$0xB00]  }
0x5e: {  	v12 =	vld [tilespmem:s7+$0xF60]  }
0x5f: {  	v11 =	vld [tilespmem:s7+$0x740]  }
0x60: {  	v0 =	vmov s8;
	v13 =	vld [tilespmem:s7+$0x710]  }
0x61: {  	v7 =	vld [tilespmem:s7+$0x720]  }
0x62: {  	v9 =	vld [tilespmem:s7+$0x1370]  }
0x63: {  	v10 =	vld [tilespmem:s7+$0x700]  }
0x64: {  	v14 =	vld [tilespmem:s7+$0x1340]  }
0x65: {  	v1 =	vld.idx.msk [tilespmem:v0+s1+$0x0], $0xffff  }
0x66: {  	v17 =	vld [tilespmem:s7+$0x1360]  }
0x67: {  	v0 =	vld.idx.msk [tilespmem:v0+s3+$0x0], $0xffff  }
0x68: {  	v19 =	vld [tilespmem:s7+$0x1300]  }
0x69: {  	v16 =	vld [tilespmem:s7+$0x1350]  }
0x6a: {  	v15 =	vld [tilespmem:s7+$0x1330];
	v10 =	vmul.f32 v10, v1;
	v9 =	vmul.f32 v9, v1  }
0x6b: {  	v20 =	vmul.f32 v7, v1;
	v7 =	vld [tilespmem:s7+$0x770];
	v22 =	vmul.f32 v14, v1  }
0x6c: {  	v18 =	vmul.f32 v17, v1;
	v14 =	vadd.f32 v10, v0;
	v10 =	vld [tilespmem:s7+$0xF40];
	v21 =	vadd.f32 v9, v0  }
0x6d: {  	s10 =	simm.s32 $0x0;
	s9 =	simm.s32 $0x1;
	v19 =	vmul.f32 v19, v1;
	v17 =	vadd.f32 v20, v0;
	v9 =	vld [tilespmem:s7+$0xB10];
	v20 =	vadd.f32 v22, v0  }
.LBB2_4:
0x6e: {  	p0 =	sne.s32 s9, $0x3F;
	v13 =	vmul.f32 v13, v1;
	v22 =	vld [tilespmem:s7+$0x1320];
	v16 =	vmul.f32 v16, v1;
	v18 =	vadd.f32 v18, v0;
	[tilespmem:s7+$0x1370] =	vst v21;
	s8 =	sadd.s32 $0x80, s8;
	s10 =	sadd.s32 $0x200, s10  }
0x6f: {  	v11 =	vmul.f32 v11, v1;
	v12 =	vmul.f32 v12, v1;
	s11 =	smov.u32 s9;
	s9 =	sadd.s32 $0x1, s9;
	v21 =	vld [tilespmem:s7+$0x730];
	v19 =	vadd.f32 v19, v0;
	[tilespmem:s7+$0x1340] =	vst v20  }
0x70: {  	v15 =	vmul.f32 v15, v1;
	v13 =	vadd.f32 v13, v0;
	[tilespmem:s7+$0x720] =	vst v17;
	v17 =	vld [tilespmem:s7+$0x760];
	v7 =	vmul.f32 v7, v1  }
0x71: {  	v8 =	vmul.f32 v8, v1;
	v16 =	vadd.f32 v16, v0;
	v20 =	vld [tilespmem:s7+$0xB20];
	v10 =	vmul.f32 v10, v1;
	[tilespmem:s7+$0x1300] =	vst v19  }
0x72: {  	v6 =	vmul.f32 v6, v1;
	v12 =	vadd.f32 v12, v0;
	v9 =	vmul.f32 v9, v1;
	v19 =	vld [tilespmem:s7+$0xB30];
	[tilespmem:s7+$0x1360] =	vst v18  }
0x73: {  	v4 =	vmul.f32 v4, v1;
	v3 =	vmul.f32 v3, v1;
	v15 =	vadd.f32 v15, v0;
	v18 =	vld [tilespmem:s7+$0xB40];
	[tilespmem:s7+$0x1350] =	vst v16  }
0x74: {  	v8 =	vadd.f32 v8, v0;
	v16 =	vmul.f32 v21, v1;
	v21 =	vld [tilespmem:s7+$0xF50];
	[tilespmem:s7+$0xF60] =	vst v12;
	v12 =	vmul.f32 v22, v1  }
0x75: {  	v5 =	vmul.f32 v5, v1;
	v7 =	vadd.f32 v7, v0;
	[tilespmem:s7+$0x700] =	vst v14;
	v14 =	vmul.f32 v17, v1;
	v17 =	vld [tilespmem:s7+$0xB70]  }
0x76: {  	v11 =	vadd.f32 v11, v0;
	v6 =	vadd.f32 v6, v0;
	v20 =	vmul.f32 v20, v1;
	v22 =	vld [tilespmem:s7+$0xF20];
	[tilespmem:s7+$0x1330] =	vst v15  }
0x77: {  	v2 =	vmul.f32 v2, v1;
	v9 =	vadd.f32 v9, v0;
	[tilespmem:s7+$0xB00] =	vst v8;
	v8 =	vmul.f32 v19, v1;
	v15 =	vld [tilespmem:s7+$0xB60]  }
0x78: {  	[tilespmem:s7+$0x740] =	vst v11;
	v11 =	vadd.f32 v14, v0;
	v14 =	vadd.f32 v20, v0;
	v18 =	vmul.f32 v18, v1;
	v19 =	vld [tilespmem:s7+$0x1310]  }
0x79: {  	v5 =	vadd.f32 v5, v0;
	v20 =	vadd.f32 v8, v0;
	v8 =	vld [tilespmem:s7+$0xF30];
	v21 =	vmul.f32 v21, v1;
	[tilespmem:s7+$0xF70] =	vst v6  }
0x7a: {  	v2 =	vadd.f32 v2, v0;
	[tilespmem:s7+$0x710] =	vst v13;
	v18 =	vadd.f32 v18, v0;
	v6 =	vmul.f32 v17, v1  }
0x7b: {  	v16 =	vadd.f32 v16, v0;
	v12 =	vadd.f32 v12, v0;
	[tilespmem:s7+$0x760] =	vst v11;
	v11 =	vmul.f32 v22, v1  }
0x7c: {  	v4 =	vadd.f32 v4, v0;
	v13 =	vmul.f32 v15, v1;
	v6 =	vadd.f32 v6, v0;
	[tilespmem:s7+$0xF10] =	vst v5  }
0x7d: {  	[tilespmem:s7+$0xB50] =	vst v2;
	v2 =	vadd.f32 v11, v0;
	v11 =	vadd.f32 v21, v0;
	v5 =	vmul.f32 v19, v1  }
0x7e: {  	v3 =	vadd.f32 v3, v0;
	[tilespmem:s7+$0xB20] =	vst v14;
	v1 =	vmul.f32 v8, v1;
	v8 =	vadd.f32 v10, v0  }
0x7f: {  	v10 =	vadd.f32 v13, v0;
	[tilespmem:s7+$0x750] =	vst v4;
	v4 =	vadd.f32 v5, v0  }
0x80: {  	[tilespmem:s7+$0xF20] =	vst v2;
	v0 =	vadd.f32 v1, v0  }
0x81: {  	s12 =	sand.u32 $0x7000, s10;
	s13 =	sand.u32 $0x380, s8;
	[tilespmem:s7+$0x1310] =	vst v4  }
0x82: {  	s12 =	sor.u32 s13, s12;
	[tilespmem:s7+$0xF30] =	vst v0  }
0x83: {  	v4 =	vld [tilespmem:s12+$0x750];
	[tilespmem:s7+$0xB60] =	vst v10  }
0x84: {  	v2 =	vld [tilespmem:s12+$0xB50];
	[tilespmem:s7+$0xF40] =	vst v8  }
0x85: {  	v5 =	vld [tilespmem:s12+$0xF10];
	[tilespmem:s7+$0xF00] =	vst v3  }
0x86: {  	v3 =	vld [tilespmem:s12+$0xF00];
	[tilespmem:s7+$0xB70] =	vst v6  }
0x87: {  	v6 =	vld [tilespmem:s12+$0xF70];
	[tilespmem:s7+$0xF50] =	vst v11  }
0x88: {  	v8 =	vld [tilespmem:s12+$0xB00];
	[tilespmem:s7+$0x1320] =	vst v12  }
0x89: {  	v12 =	vld [tilespmem:s12+$0xF60];
	[tilespmem:s7+$0x770] =	vst v7  }
0x8a: {  	v0 =	vmov s11;
	v11 =	vld [tilespmem:s12+$0x740];
	[tilespmem:s7+$0xB10] =	vst v9  }
0x8b: {  	v13 =	vld [tilespmem:s12+$0x710];
	[tilespmem:s7+$0x730] =	vst v16  }
0x8c: {  	v7 =	vld [tilespmem:s12+$0x720];
	[tilespmem:s7+$0xB30] =	vst v20  }
0x8d: {  	v9 =	vld [tilespmem:s12+$0x1370];
	[tilespmem:s7+$0xB40] =	vst v18;
	s7 =	smov.u32 s12  }
0x8e: {  	v10 =	vld [tilespmem:s7+$0x700]  }
0x8f: {  	v1 =	vld.idx.msk [tilespmem:v0+s1+$0x0], $0xffff  }
0x90: {  	v14 =	vld [tilespmem:s7+$0x1340]  }
0x91: {  	v0 =	vld.idx.msk [tilespmem:v0+s3+$0x0], $0xffff  }
0x92: {  	v17 =	vld [tilespmem:s7+$0x1360]  }
0x93: {  	v19 =	vld [tilespmem:s7+$0x1300]  }
.Ltmp1:
0x94: {  	v16 =	vld [tilespmem:s7+$0x1350];
	(pc) =	sbr.rel @p0 .LBB2_4-.Ltmp1, $4  }
0x95: {  	v10 =	vmul.f32 v10, v1;
	v9 =	vmul.f32 v9, v1;
	v15 =	vld [tilespmem:s7+$0x1330]  }
0x96: {  	v20 =	vmul.f32 v7, v1;
	v22 =	vmul.f32 v14, v1;
	v7 =	vld [tilespmem:s7+$0x770]  }
0x97: {  	v14 =	vadd.f32 v10, v0;
	v21 =	vadd.f32 v9, v0;
	v10 =	vld [tilespmem:s7+$0xF40];
	v18 =	vmul.f32 v17, v1  }
0x98: {  	v17 =	vadd.f32 v20, v0;
	v20 =	vadd.f32 v22, v0;
	v9 =	vld [tilespmem:s7+$0xB10];
	v19 =	vmul.f32 v19, v1  }
0x99: {  	[tilespmem:s7+$0x1370] =	vst v21  }
0x9a: {  	[tilespmem:s7+$0x700] =	vst v14  }
0x9b: {  	v16 =	vmul.f32 v16, v1;
	v18 =	vadd.f32 v18, v0;
	[tilespmem:s7+$0x1340] =	vst v20  }
0x9c: {  	v12 =	vmul.f32 v12, v1;
	v19 =	vadd.f32 v19, v0;
	[tilespmem:s7+$0x720] =	vst v17  }
0x9d: {  	v8 =	vmul.f32 v8, v1;
	v16 =	vadd.f32 v16, v0;
	[tilespmem:s7+$0x1360] =	vst v18  }
0x9e: {  	v11 =	vmul.f32 v11, v1;
	v12 =	vadd.f32 v12, v0;
	[tilespmem:s7+$0x1300] =	vst v19  }
0x9f: {  	v6 =	vmul.f32 v6, v1;
	v17 =	vld [tilespmem:s7+$0x760];
	v8 =	vadd.f32 v8, v0;
	[tilespmem:s7+$0x1350] =	vst v16  }
0xa0: {  	v15 =	vmul.f32 v15, v1;
	v11 =	vadd.f32 v11, v0;
	[tilespmem:s7+$0xF60] =	vst v12  }
0xa1: {  	v5 =	vmul.f32 v5, v1;
	v6 =	vadd.f32 v6, v0;
	[tilespmem:s7+$0xB00] =	vst v8  }
0xa2: {  	v2 =	vmul.f32 v2, v1;
	v15 =	vadd.f32 v15, v0;
	v12 =	vld [tilespmem:s7+$0xB20];
	[tilespmem:s7+$0x740] =	vst v11  }
0xa3: {  	v4 =	vmul.f32 v4, v1;
	v3 =	vmul.f32 v3, v1;
	v5 =	vadd.f32 v5, v0;
	[tilespmem:s7+$0xF70] =	vst v6  }
0xa4: {  	v13 =	vmul.f32 v13, v1;
	v2 =	vadd.f32 v2, v0;
	[tilespmem:s7+$0x1330] =	vst v15;
	v15 =	vmul.f32 v17, v1;
	v17 =	vld [tilespmem:s7+$0xF20]  }
0xa5: {  	v4 =	vadd.f32 v4, v0;
	v3 =	vadd.f32 v3, v0;
	v11 =	vld [tilespmem:s7+$0x1310];
	[tilespmem:s7+$0xF10] =	vst v5  }
0xa6: {  	v8 =	vadd.f32 v13, v0;
	[tilespmem:s7+$0xB50] =	vst v2;
	v13 =	vadd.f32 v15, v0;
	v15 =	vld [tilespmem:s7+$0xF30]  }
0xa7: {  	[tilespmem:s7+$0x750] =	vst v4;
	v6 =	vmul.f32 v12, v1  }
0xa8: {  	v4 =	vmul.f32 v10, v1;
	[tilespmem:s7+$0xF00] =	vst v3;
	v12 =	vld [tilespmem:s7+$0xB60]  }
0xa9: {  	[tilespmem:s7+$0x760] =	vst v13;
	v13 =	vld [tilespmem:s7+$0xB70];
	v6 =	vadd.f32 v6, v0;
	v17 =	vmul.f32 v17, v1  }
0xaa: {  	v16 =	vld [tilespmem:s7+$0xF50];
	[tilespmem:s7+$0x710] =	vst v8;
	v4 =	vadd.f32 v4, v0;
	v2 =	vmul.f32 v11, v1  }
0xab: {  	v5 =	vadd.f32 v17, v0;
	[tilespmem:s7+$0xB20] =	vst v6;
	v6 =	vmul.f32 v15, v1  }
0xac: {  	v22 =	vld [tilespmem:s7+$0x1320];
	v3 =	vmul.f32 v9, v1;
	[tilespmem:s7+$0xF40] =	vst v4;
	v2 =	vadd.f32 v2, v0  }
0xad: {  	v21 =	vld [tilespmem:s7+$0x730];
	v11 =	vmul.f32 v12, v1;
	[tilespmem:s7+$0xF20] =	vst v5;
	v5 =	vadd.f32 v6, v0  }
0xae: {  	v14 =	vld [tilespmem:s7+$0xB30];
	v3 =	vadd.f32 v3, v0;
	[tilespmem:s7+$0x1310] =	vst v2;
	v2 =	vmul.f32 v13, v1  }
0xaf: {  	v8 =	vld [tilespmem:s7+$0xB40];
	v6 =	vadd.f32 v11, v0;
	[tilespmem:s7+$0xF30] =	vst v5;
	v5 =	vmul.f32 v16, v1  }
0xb0: {  	v4 =	vmul.f32 v7, v1;
	[tilespmem:s7+$0xB10] =	vst v3;
	v2 =	vadd.f32 v2, v0  }
0xb1: {  	[tilespmem:s7+$0xB60] =	vst v6;
	v6 =	vmul.f32 v22, v1;
	v5 =	vadd.f32 v5, v0  }
0xb2: {  	v4 =	vadd.f32 v4, v0;
	[tilespmem:s7+$0xB70] =	vst v2;
	v2 =	vmul.f32 v21, v1  }
0xb3: {  	v6 =	vadd.f32 v6, v0;
	[tilespmem:s7+$0xF50] =	vst v5;
	v5 =	vmul.f32 v14, v1  }
0xb4: {  	[tilespmem:s7+$0x770] =	vst v4;
	v1 =	vmul.f32 v8, v1;
	v2 =	vadd.f32 v2, v0  }
0xb5: {  	[tilespmem:s7+$0x1320] =	vst v6;
	v4 =	vadd.f32 v5, v0  }
0xb6: {  	v0 =	vadd.f32 v1, v0;
	[tilespmem:s7+$0x730] =	vst v2  }
0xb7: {  	[tilespmem:s7+$0xB30] =	vst v4  }
0xb8: {  	s8 =	simm.s32 $0x0;
	s10 =	rddreg [dreg:$0xb];
	[tilespmem:s7+$0xB40] =	vst v0  }
0xb9: {  	[hbm4b:s10+s8] =	stream.linear.scatter [tilespmem:s23], [sflag:$0x4], $0x8000, $0x38;
	[tilespmem:$0x18700] =	vst v63  }
0xba: {  	_ =	swait.ge [sflag:s28], $0x8000  }
0xbb: {  	[sflag:s28] =	ssyncset.done $0x0  }
0xbc: {  	s11 =	rddreg [dreg:$0xc];
	[sflag:s28] =	ssyncadd.s32 $0xFFFF8000  }
0xbd: {  	[tilespmem:s23], [sflag:$0x1] =	stream.linear.gather [hbm4b:s11+s8], $0x8000, $0x38;
	[tilespmem:$0x18700] =	vst v63  }
0xbe: {  	_ =	swait.ge [sflag:s4], $0x8000  }
0xbf: {  	s12 =	sand.u32 $0x7000, s8;
	s9 =	sand.u32 $0x380, s8;
	[sflag:s4] =	ssyncset.done $0x0  }
0xc0: {  	s7 =	sor.u32 s9, s12;
	[sflag:s4] =	ssyncadd.s32 $0xFFFF8000  }
0xc1: {  	v4 =	vld [tilespmem:s7+$0x8750]  }
0xc2: {  	v2 =	vld [tilespmem:s7+$0x8B50]  }
0xc3: {  	v5 =	vld [tilespmem:s7+$0x8F10]  }
0xc4: {  	v3 =	vld [tilespmem:s7+$0x8F00]  }
0xc5: {  	v6 =	vld [tilespmem:s7+$0x8F70]  }
0xc6: {  	v8 =	vld [tilespmem:s7+$0x8B00]  }
0xc7: {  	s13 =	simm.s32 $0x40;
	v12 =	vld [tilespmem:s7+$0x8F60]  }
0xc8: {  	v0 =	vmov s13;
	v11 =	vld [tilespmem:s7+$0x8740]  }
0xc9: {  	v13 =	vld [tilespmem:s7+$0x8710]  }
0xca: {  	v7 =	vld [tilespmem:s7+$0x8720]  }
0xcb: {  	v9 =	vld [tilespmem:s7+$0x9370]  }
0xcc: {  	v10 =	vld [tilespmem:s7+$0x8700]  }
0xcd: {  	v1 =	vld.idx.msk [tilespmem:v0+s1+$0x0], $0xffff  }
0xce: {  	v14 =	vld [tilespmem:s7+$0x9340]  }
0xcf: {  	v0 =	vld.idx.msk [tilespmem:v0+s3+$0x0], $0xffff  }
0xd0: {  	v17 =	vld [tilespmem:s7+$0x9360]  }
0xd1: {  	v19 =	vld [tilespmem:s7+$0x9300]  }
0xd2: {  	v16 =	vld [tilespmem:s7+$0x9350]  }
0xd3: {  	v15 =	vld [tilespmem:s7+$0x9330];
	v10 =	vmul.f32 v10, v1;
	v9 =	vmul.f32 v9, v1  }
0xd4: {  	v20 =	vmul.f32 v7, v1;
	v7 =	vld [tilespmem:s7+$0x8770];
	v22 =	vmul.f32 v14, v1  }
0xd5: {  	v18 =	vmul.f32 v17, v1;
	v14 =	vadd.f32 v10, v0;
	v10 =	vld [tilespmem:s7+$0x8F40];
	v21 =	vadd.f32 v9, v0  }
0xd6: {  	s9 =	simm.s32 $0x41;
	s10 =	simm.s32 $0x0;
	v19 =	vmul.f32 v19, v1;
	v17 =	vadd.f32 v20, v0;
	v9 =	vld [tilespmem:s7+$0x8B10];
	v20 =	vadd.f32 v22, v0  }
.LBB2_6:
0xd7: {  	p0 =	sne.s32 s9, $0x7F;
	v13 =	vmul.f32 v13, v1;
	v22 =	vld [tilespmem:s7+$0x9320];
	v16 =	vmul.f32 v16, v1;
	v18 =	vadd.f32 v18, v0;
	[tilespmem:s7+$0x9370] =	vst v21;
	s8 =	sadd.s32 $0x80, s8;
	s10 =	sadd.s32 $0x200, s10  }
0xd8: {  	v11 =	vmul.f32 v11, v1;
	v12 =	vmul.f32 v12, v1;
	s11 =	smov.u32 s9;
	s9 =	sadd.s32 $0x1, s9;
	v21 =	vld [tilespmem:s7+$0x8730];
	v19 =	vadd.f32 v19, v0;
	[tilespmem:s7+$0x9340] =	vst v20  }
0xd9: {  	v15 =	vmul.f32 v15, v1;
	v13 =	vadd.f32 v13, v0;
	[tilespmem:s7+$0x8720] =	vst v17;
	v17 =	vld [tilespmem:s7+$0x8760];
	v7 =	vmul.f32 v7, v1  }
0xda: {  	v8 =	vmul.f32 v8, v1;
	v16 =	vadd.f32 v16, v0;
	v20 =	vld [tilespmem:s7+$0x8B20];
	v10 =	vmul.f32 v10, v1;
	[tilespmem:s7+$0x9300] =	vst v19  }
0xdb: {  	v6 =	vmul.f32 v6, v1;
	v12 =	vadd.f32 v12, v0;
	v9 =	vmul.f32 v9, v1;
	v19 =	vld [tilespmem:s7+$0x8B30];
	[tilespmem:s7+$0x9360] =	vst v18  }
0xdc: {  	v4 =	vmul.f32 v4, v1;
	v3 =	vmul.f32 v3, v1;
	v15 =	vadd.f32 v15, v0;
	v18 =	vld [tilespmem:s7+$0x8B40];
	[tilespmem:s7+$0x9350] =	vst v16  }
0xdd: {  	v8 =	vadd.f32 v8, v0;
	v16 =	vmul.f32 v21, v1;
	v21 =	vld [tilespmem:s7+$0x8F50];
	[tilespmem:s7+$0x8F60] =	vst v12;
	v12 =	vmul.f32 v22, v1  }
0xde: {  	v5 =	vmul.f32 v5, v1;
	v7 =	vadd.f32 v7, v0;
	[tilespmem:s7+$0x8700] =	vst v14;
	v14 =	vmul.f32 v17, v1;
	v17 =	vld [tilespmem:s7+$0x8B70]  }
0xdf: {  	v11 =	vadd.f32 v11, v0;
	v6 =	vadd.f32 v6, v0;
	v20 =	vmul.f32 v20, v1;
	v22 =	vld [tilespmem:s7+$0x8F20];
	[tilespmem:s7+$0x9330] =	vst v15  }
0xe0: {  	v2 =	vmul.f32 v2, v1;
	v9 =	vadd.f32 v9, v0;
	[tilespmem:s7+$0x8B00] =	vst v8;
	v8 =	vmul.f32 v19, v1;
	v15 =	vld [tilespmem:s7+$0x8B60]  }
0xe1: {  	[tilespmem:s7+$0x8740] =	vst v11;
	v11 =	vadd.f32 v14, v0;
	v14 =	vadd.f32 v20, v0;
	v18 =	vmul.f32 v18, v1;
	v19 =	vld [tilespmem:s7+$0x9310]  }
0xe2: {  	v5 =	vadd.f32 v5, v0;
	v20 =	vadd.f32 v8, v0;
	v8 =	vld [tilespmem:s7+$0x8F30];
	v21 =	vmul.f32 v21, v1;
	[tilespmem:s7+$0x8F70] =	vst v6  }
0xe3: {  	v2 =	vadd.f32 v2, v0;
	[tilespmem:s7+$0x8710] =	vst v13;
	v18 =	vadd.f32 v18, v0;
	v6 =	vmul.f32 v17, v1  }
0xe4: {  	v16 =	vadd.f32 v16, v0;
	v12 =	vadd.f32 v12, v0;
	[tilespmem:s7+$0x8760] =	vst v11;
	v11 =	vmul.f32 v22, v1  }
0xe5: {  	v4 =	vadd.f32 v4, v0;
	v13 =	vmul.f32 v15, v1;
	v6 =	vadd.f32 v6, v0;
	[tilespmem:s7+$0x8F10] =	vst v5  }
0xe6: {  	[tilespmem:s7+$0x8B50] =	vst v2;
	v2 =	vadd.f32 v11, v0;
	v11 =	vadd.f32 v21, v0;
	v5 =	vmul.f32 v19, v1  }
0xe7: {  	v3 =	vadd.f32 v3, v0;
	[tilespmem:s7+$0x8B20] =	vst v14;
	v1 =	vmul.f32 v8, v1;
	v8 =	vadd.f32 v10, v0  }
0xe8: {  	v10 =	vadd.f32 v13, v0;
	[tilespmem:s7+$0x8750] =	vst v4;
	v4 =	vadd.f32 v5, v0  }
0xe9: {  	[tilespmem:s7+$0x8F20] =	vst v2;
	v0 =	vadd.f32 v1, v0  }
0xea: {  	s12 =	sand.u32 $0x7000, s10;
	s13 =	sand.u32 $0x380, s8;
	[tilespmem:s7+$0x9310] =	vst v4  }
0xeb: {  	s12 =	sor.u32 s13, s12;
	[tilespmem:s7+$0x8F30] =	vst v0  }
0xec: {  	v4 =	vld [tilespmem:s12+$0x8750];
	[tilespmem:s7+$0x8B60] =	vst v10  }
0xed: {  	v2 =	vld [tilespmem:s12+$0x8B50];
	[tilespmem:s7+$0x8F40] =	vst v8  }
0xee: {  	v5 =	vld [tilespmem:s12+$0x8F10];
	[tilespmem:s7+$0x8F00] =	vst v3  }
0xef: {  	v3 =	vld [tilespmem:s12+$0x8F00];
	[tilespmem:s7+$0x8B70] =	vst v6  }
0xf0: {  	v6 =	vld [tilespmem:s12+$0x8F70];
	[tilespmem:s7+$0x8F50] =	vst v11  }
0xf1: {  	v8 =	vld [tilespmem:s12+$0x8B00];
	[tilespmem:s7+$0x9320] =	vst v12  }
0xf2: {  	v12 =	vld [tilespmem:s12+$0x8F60];
	[tilespmem:s7+$0x8770] =	vst v7  }
0xf3: {  	v0 =	vmov s11;
	v11 =	vld [tilespmem:s12+$0x8740];
	[tilespmem:s7+$0x8B10] =	vst v9  }
0xf4: {  	v13 =	vld [tilespmem:s12+$0x8710];
	[tilespmem:s7+$0x8730] =	vst v16  }
0xf5: {  	v7 =	vld [tilespmem:s12+$0x8720];
	[tilespmem:s7+$0x8B30] =	vst v20  }
0xf6: {  	v9 =	vld [tilespmem:s12+$0x9370];
	[tilespmem:s7+$0x8B40] =	vst v18;
	s7 =	smov.u32 s12  }
0xf7: {  	v10 =	vld [tilespmem:s7+$0x8700]  }
0xf8: {  	v1 =	vld.idx.msk [tilespmem:v0+s1+$0x0], $0xffff  }
0xf9: {  	v14 =	vld [tilespmem:s7+$0x9340]  }
0xfa: {  	v0 =	vld.idx.msk [tilespmem:v0+s3+$0x0], $0xffff  }
0xfb: {  	v17 =	vld [tilespmem:s7+$0x9360]  }
0xfc: {  	v19 =	vld [tilespmem:s7+$0x9300]  }
.Ltmp2:
0xfd: {  	v16 =	vld [tilespmem:s7+$0x9350];
	(pc) =	sbr.rel @p0 .LBB2_6-.Ltmp2, $4  }
0xfe: {  	v10 =	vmul.f32 v10, v1;
	v9 =	vmul.f32 v9, v1;
	v15 =	vld [tilespmem:s7+$0x9330]  }
0xff: {  	v20 =	vmul.f32 v7, v1;
	v22 =	vmul.f32 v14, v1;
	v7 =	vld [tilespmem:s7+$0x8770]  }
0x100: {  	v14 =	vadd.f32 v10, v0;
	v21 =	vadd.f32 v9, v0;
	v10 =	vld [tilespmem:s7+$0x8F40];
	v18 =	vmul.f32 v17, v1  }
0x101: {  	v17 =	vadd.f32 v20, v0;
	v20 =	vadd.f32 v22, v0;
	v9 =	vld [tilespmem:s7+$0x8B10];
	v19 =	vmul.f32 v19, v1  }
0x102: {  	[tilespmem:s7+$0x9370] =	vst v21  }
0x103: {  	[tilespmem:s7+$0x8700] =	vst v14  }
0x104: {  	v16 =	vmul.f32 v16, v1;
	v18 =	vadd.f32 v18, v0;
	[tilespmem:s7+$0x9340] =	vst v20  }
0x105: {  	v12 =	vmul.f32 v12, v1;
	v19 =	vadd.f32 v19, v0;
	[tilespmem:s7+$0x8720] =	vst v17  }
0x106: {  	v8 =	vmul.f32 v8, v1;
	v16 =	vadd.f32 v16, v0;
	[tilespmem:s7+$0x9360] =	vst v18  }
0x107: {  	v11 =	vmul.f32 v11, v1;
	v12 =	vadd.f32 v12, v0;
	[tilespmem:s7+$0x9300] =	vst v19  }
0x108: {  	v6 =	vmul.f32 v6, v1;
	v17 =	vld [tilespmem:s7+$0x8760];
	v8 =	vadd.f32 v8, v0;
	[tilespmem:s7+$0x9350] =	vst v16  }
0x109: {  	v15 =	vmul.f32 v15, v1;
	v11 =	vadd.f32 v11, v0;
	[tilespmem:s7+$0x8F60] =	vst v12  }
0x10a: {  	v5 =	vmul.f32 v5, v1;
	v6 =	vadd.f32 v6, v0;
	[tilespmem:s7+$0x8B00] =	vst v8  }
0x10b: {  	v2 =	vmul.f32 v2, v1;
	v15 =	vadd.f32 v15, v0;
	v12 =	vld [tilespmem:s7+$0x8B20];
	[tilespmem:s7+$0x8740] =	vst v11  }
0x10c: {  	v4 =	vmul.f32 v4, v1;
	v3 =	vmul.f32 v3, v1;
	v5 =	vadd.f32 v5, v0;
	[tilespmem:s7+$0x8F70] =	vst v6  }
0x10d: {  	v13 =	vmul.f32 v13, v1;
	v2 =	vadd.f32 v2, v0;
	[tilespmem:s7+$0x9330] =	vst v15;
	v15 =	vmul.f32 v17, v1;
	v17 =	vld [tilespmem:s7+$0x8F20]  }
0x10e: {  	v4 =	vadd.f32 v4, v0;
	v3 =	vadd.f32 v3, v0;
	v11 =	vld [tilespmem:s7+$0x9310];
	[tilespmem:s7+$0x8F10] =	vst v5  }
0x10f: {  	v8 =	vadd.f32 v13, v0;
	[tilespmem:s7+$0x8B50] =	vst v2;
	v13 =	vadd.f32 v15, v0;
	v15 =	vld [tilespmem:s7+$0x8F30]  }
0x110: {  	[tilespmem:s7+$0x8750] =	vst v4;
	v6 =	vmul.f32 v12, v1  }
0x111: {  	v4 =	vmul.f32 v10, v1;
	[tilespmem:s7+$0x8F00] =	vst v3;
	v12 =	vld [tilespmem:s7+$0x8B60]  }
0x112: {  	[tilespmem:s7+$0x8760] =	vst v13;
	v13 =	vld [tilespmem:s7+$0x8B70];
	v6 =	vadd.f32 v6, v0;
	v17 =	vmul.f32 v17, v1  }
0x113: {  	v16 =	vld [tilespmem:s7+$0x8F50];
	[tilespmem:s7+$0x8710] =	vst v8;
	v4 =	vadd.f32 v4, v0;
	v2 =	vmul.f32 v11, v1  }
0x114: {  	v5 =	vadd.f32 v17, v0;
	[tilespmem:s7+$0x8B20] =	vst v6;
	v6 =	vmul.f32 v15, v1  }
0x115: {  	v22 =	vld [tilespmem:s7+$0x9320];
	v3 =	vmul.f32 v9, v1;
	[tilespmem:s7+$0x8F40] =	vst v4;
	v2 =	vadd.f32 v2, v0  }
0x116: {  	v63 =	vld [tilespmem:s7+$0x8730];
	v11 =	vmul.f32 v12, v1;
	[tilespmem:s7+$0x8F20] =	vst v5;
	v5 =	vadd.f32 v6, v0  }
0x117: {  	v14 =	vld [tilespmem:s7+$0x8B30];
	v3 =	vadd.f32 v3, v0;
	[tilespmem:s7+$0x9310] =	vst v2;
	v2 =	vmul.f32 v13, v1  }
0x118: {  	v8 =	vld [tilespmem:s7+$0x8B40];
	v6 =	vadd.f32 v11, v0;
	[tilespmem:s7+$0x8F30] =	vst v5;
	v5 =	vmul.f32 v16, v1  }
0x119: {  	v4 =	vmul.f32 v7, v1;
	[tilespmem:s7+$0x8B10] =	vst v3;
	v2 =	vadd.f32 v2, v0  }
0x11a: {  	[tilespmem:s7+$0x8B60] =	vst v6;
	v6 =	vmul.f32 v22, v1;
	v5 =	vadd.f32 v5, v0  }
0x11b: {  	v4 =	vadd.f32 v4, v0;
	[tilespmem:s7+$0x8B70] =	vst v2;
	v2 =	vmul.f32 v63, v1  }
0x11c: {  	v6 =	vadd.f32 v6, v0;
	[tilespmem:s7+$0x8F50] =	vst v5;
	v5 =	vmul.f32 v14, v1  }
0x11d: {  	[tilespmem:s7+$0x8770] =	vst v4;
	v1 =	vmul.f32 v8, v1;
	v2 =	vadd.f32 v2, v0  }
0x11e: {  	[tilespmem:s7+$0x9320] =	vst v6;
	v4 =	vadd.f32 v5, v0  }
0x11f: {  	v0 =	vadd.f32 v1, v0;
	[tilespmem:s7+$0x8730] =	vst v2  }
0x120: {  	[tilespmem:s7+$0x8B30] =	vst v4  }
0x121: {  	s8 =	simm.s32 $0x0;
	s10 =	rddreg [dreg:$0xd];
	[tilespmem:s7+$0x8B40] =	vst v0  }
0x122: {  	[hbm4b:s10+s8] =	stream.linear.scatter [tilespmem:s24], [sflag:$0x5], $0x8000, $0x38;
	[tilespmem:$0x18700] =	vst v63  }
0x123: {  	_ =	swait.ge [sflag:s29], $0x8000  }
0x124: {  	[sflag:s29] =	ssyncset.done $0x0  }
0x125: {  	s11 =	rddreg [dreg:$0xe];
	[sflag:s29] =	ssyncadd.s32 $0xFFFF8000  }
0x126: {  	[tilespmem:s24], [sflag:$0x2] =	stream.linear.gather [hbm4b:s11+s8], $0x8000, $0x38;
	[tilespmem:$0x18700] =	vst v63  }
0x127: {  	s12 =	sand.u32 $0x7000, s8;
	s9 =	sand.u32 $0x380, s8;
	_ =	swait.ge [sflag:s5], $0x8000  }
0x128: {  	s11 =	sor.u32 s9, s12;
	[sflag:s5] =	ssyncset.done $0x0  }
0x129: {  	s7 =	sadd.s32 $0x10700, s11;
	[sflag:s5] =	ssyncadd.s32 $0xFFFF8000  }
0x12a: {  	v19 =	vld [tilespmem:s7+$0xC20]  }
0x12b: {  	v7 =	vld [tilespmem:s7+$0xC30]  }
0x12c: {  	v16 =	vld [tilespmem:s7+$0x430]  }
0x12d: {  	v15 =	vld [tilespmem:s7+$0x830]  }
0x12e: {  	v14 =	vld [tilespmem:s7+$0x70]  }
0x12f: {  	v13 =	vld [tilespmem:s7+$0x850]  }
0x130: {  	s13 =	simm.s32 $0x80;
	v12 =	vld [tilespmem:s7+$0x840]  }
0x131: {  	v1 =	vmov s13;
	v5 =	vld [tilespmem:s7+$0xC70]  }
0x132: {  	v9 =	vld [tilespmem:s7+$0x450]  }
0x133: {  	v11 =	vld [tilespmem:s7+$0x860]  }
0x134: {  	v4 =	vld [tilespmem:s7+$0x870]  }
0x135: {  	v17 =	vld [tilespmem:s11+$0x10700]  }
0x136: {  	v0 =	vld.idx.msk [tilespmem:v1+s3+$0x0], $0xffff  }
0x137: {  	v1 =	vld.idx.msk [tilespmem:v1+s1+$0x0], $0xffff  }
0x138: {  	v3 =	vld [tilespmem:s7+$0xC50]  }
0x139: {  	v2 =	vld [tilespmem:s7+$0x60]  }
0x13a: {  	v6 =	vld [tilespmem:s7+$0x420]  }
0x13b: {  	v8 =	vld [tilespmem:s7+$0x410]  }
0x13c: {  	v10 =	vld [tilespmem:s7+$0x400]  }
0x13d: {  	s10 =	simm.s32 $0x0;
	s9 =	simm.s32 $0x81;
	v18 =	vmul.f32 v17, v1;
	v17 =	vld [tilespmem:s7+$0x440];
	v19 =	vmul.f32 v19, v1  }
.LBB2_8:
0x13e: {  	p0 =	sne.s32 s9, $0xBF;
	v16 =	vmul.f32 v16, v1;
	v20 =	vld [tilespmem:s7+$0x460];
	v15 =	vmul.f32 v15, v1;
	s8 =	sadd.s32 $0x80, s8;
	s10 =	sadd.s32 $0x200, s10  }
0x13f: {  	v14 =	vmul.f32 v14, v1;
	s12 =	smov.u32 s9;
	s9 =	sadd.s32 $0x1, s9;
	v18 =	vadd.f32 v18, v0;
	v21 =	vld [tilespmem:s7+$0x810];
	v19 =	vadd.f32 v19, v0  }
0x140: {  	v13 =	vmul.f32 v13, v1;
	v16 =	vadd.f32 v16, v0;
	v22 =	vld [tilespmem:s7+$0x800];
	v15 =	vadd.f32 v15, v0  }
0x141: {  	v12 =	vmul.f32 v12, v1;
	v7 =	vmul.f32 v7, v1;
	v14 =	vadd.f32 v14, v0;
	v23 =	vld [tilespmem:s7+$0x470];
	[tilespmem:s7+$0xC20] =	vst v19  }
0x142: {  	v9 =	vmul.f32 v9, v1;
	v13 =	vadd.f32 v13, v0;
	[tilespmem:s11+$0x10700] =	vst v18;
	v17 =	vmul.f32 v17, v1;
	v18 =	vld [tilespmem:s7+$0x820]  }
0x143: {  	v12 =	vadd.f32 v12, v0;
	v7 =	vadd.f32 v7, v0;
	[tilespmem:s7+$0x430] =	vst v16;
	v16 =	vmul.f32 v20, v1;
	v19 =	vld [tilespmem:s7+$0xC00]  }
0x144: {  	v9 =	vadd.f32 v9, v0;
	v20 =	vld [tilespmem:s7+$0x50];
	v17 =	vadd.f32 v17, v0;
	v21 =	vmul.f32 v21, v1;
	[tilespmem:s7+$0x830] =	vst v15  }
0x145: {  	v10 =	vmul.f32 v10, v1;
	[tilespmem:s7+$0x70] =	vst v14;
	v14 =	vadd.f32 v16, v0;
	v15 =	vmul.f32 v22, v1;
	v16 =	vld [tilespmem:s7+$0xC10]  }
0x146: {  	v11 =	vmul.f32 v11, v1;
	v22 =	vmul.f32 v23, v1;
	v21 =	vadd.f32 v21, v0;
	[tilespmem:s7+$0x850] =	vst v13;
	v13 =	vld [tilespmem:s7+$0xC60]  }
0x147: {  	v10 =	vadd.f32 v10, v0;
	v23 =	vld [tilespmem:s7+$0x10];
	v15 =	vadd.f32 v15, v0;
	v18 =	vmul.f32 v18, v1;
	[tilespmem:s7+$0x840] =	vst v12  }
0x148: {  	v11 =	vadd.f32 v11, v0;
	v12 =	vld [tilespmem:s7+$0x20];
	v22 =	vadd.f32 v22, v0;
	[tilespmem:s7+$0x810] =	vst v21;
	v19 =	vmul.f32 v19, v1  }
0x149: {  	v8 =	vmul.f32 v8, v1;
	v21 =	vld [tilespmem:s7+$0x30];
	v20 =	vmul.f32 v20, v1;
	[tilespmem:s7+$0x800] =	vst v15;
	v18 =	vadd.f32 v18, v0  }
0x14a: {  	v4 =	vmul.f32 v4, v1;
	v15 =	vld [tilespmem:s7+$0x40];
	[tilespmem:s7+$0x860] =	vst v11;
	v11 =	vadd.f32 v19, v0;
	v16 =	vmul.f32 v16, v1  }
0x14b: {  	v8 =	vadd.f32 v8, v0;
	v19 =	vadd.f32 v20, v0;
	[tilespmem:s7+$0x440] =	vst v17;
	v13 =	vmul.f32 v13, v1  }
0x14c: {  	v4 =	vadd.f32 v4, v0;
	v17 =	vmul.f32 v23, v1;
	[tilespmem:s7+$0x470] =	vst v22;
	v20 =	vadd.f32 v16, v0;
	v16 =	vld [tilespmem:s7+$0xC40]  }
0x14d: {  	v5 =	vmul.f32 v5, v1;
	v12 =	vmul.f32 v12, v1;
	[tilespmem:s7+$0x50] =	vst v19;
	v13 =	vadd.f32 v13, v0  }
0x14e: {  	v6 =	vmul.f32 v6, v1;
	v17 =	vadd.f32 v17, v0;
	v19 =	vmul.f32 v21, v1;
	[tilespmem:s7+$0x460] =	vst v14  }
0x14f: {  	v5 =	vadd.f32 v5, v0;
	v21 =	vadd.f32 v12, v0;
	v12 =	vmul.f32 v15, v1;
	[tilespmem:s7+$0xC60] =	vst v13  }
0x150: {  	v6 =	vadd.f32 v6, v0;
	v22 =	vmov s12;
	[tilespmem:s7+$0x10] =	vst v17;
	v13 =	vadd.f32 v19, v0  }
0x151: {  	v3 =	vmul.f32 v3, v1;
	s11 =	sand.u32 $0x7000, s10;
	s12 =	sand.u32 $0x380, s8;
	v17 =	vadd.f32 v12, v0;
	v12 =	vmul.f32 v16, v1;
	[tilespmem:s7+$0xC70] =	vst v5  }
0x152: {  	s11 =	sor.u32 s12, s11;
	[tilespmem:s7+$0x30] =	vst v13  }
0x153: {  	v3 =	vadd.f32 v3, v0;
	s12 =	sadd.s32 $0x10700, s11;
	[tilespmem:s7+$0x450] =	vst v9;
	v19 =	vadd.f32 v12, v0  }
0x154: {  	v23 =	vld [tilespmem:s12+$0xC20];
	[tilespmem:s7+$0xC30] =	vst v7  }
0x155: {  	v7 =	vld [tilespmem:s12+$0xC30];
	[tilespmem:s7+$0xC00] =	vst v11  }
0x156: {  	v16 =	vld [tilespmem:s12+$0x430];
	[tilespmem:s7+$0xC50] =	vst v3  }
0x157: {  	v15 =	vld [tilespmem:s12+$0x830];
	[tilespmem:s7+$0x400] =	vst v10  }
0x158: {  	v14 =	vld [tilespmem:s12+$0x70];
	[tilespmem:s7+$0xC10] =	vst v20  }
0x159: {  	v13 =	vld [tilespmem:s12+$0x850];
	[tilespmem:s7+$0x410] =	vst v8  }
0x15a: {  	v12 =	vld [tilespmem:s12+$0x840];
	[tilespmem:s7+$0x820] =	vst v18  }
0x15b: {  	v1 =	vmul.f32 v2, v1;
	v5 =	vld [tilespmem:s12+$0xC70];
	[tilespmem:s7+$0x420] =	vst v6  }
0x15c: {  	v9 =	vld [tilespmem:s12+$0x450];
	[tilespmem:s7+$0x870] =	vst v4  }
0x15d: {  	v0 =	vadd.f32 v1, v0;
	v11 =	vld [tilespmem:s12+$0x860];
	[tilespmem:s7+$0xC40] =	vst v19  }
0x15e: {  	v4 =	vld [tilespmem:s12+$0x870];
	[tilespmem:s7+$0x40] =	vst v17  }
0x15f: {  	[tilespmem:s7+$0x20] =	vst v21  }
0x160: {  	v17 =	vld [tilespmem:s11+$0x10700];
	[tilespmem:s7+$0x60] =	vst v0;
	s7 =	smov.u32 s12  }
0x161: {  	v0 =	vld.idx.msk [tilespmem:v22+s3+$0x0], $0xffff  }
0x162: {  	v1 =	vld.idx.msk [tilespmem:v22+s1+$0x0], $0xffff  }
0x163: {  	v3 =	vld [tilespmem:s7+$0xC50]  }
.Ltmp3:
0x164: {  	v2 =	vld [tilespmem:s7+$0x60];
	(pc) =	sbr.rel @p0 .LBB2_8-.Ltmp3, $4  }
0x165: {  	v6 =	vld [tilespmem:s7+$0x420]  }
0x166: {  	v8 =	vld [tilespmem:s7+$0x410]  }
0x167: {  	v10 =	vld [tilespmem:s7+$0x400]  }
0x168: {  	v18 =	vmul.f32 v17, v1;
	v19 =	vmul.f32 v23, v1;
	v17 =	vld [tilespmem:s7+$0x440]  }
0x169: {  	_ = 	snop  }
0x16a: {  	v16 =	vmul.f32 v16, v1;
	v19 =	vadd.f32 v19, v0  }
0x16b: {  	v15 =	vmul.f32 v15, v1;
	v18 =	vadd.f32 v18, v0  }
0x16c: {  	v14 =	vmul.f32 v14, v1;
	v16 =	vadd.f32 v16, v0;
	[tilespmem:s7+$0xC20] =	vst v19  }
0x16d: {  	v13 =	vmul.f32 v13, v1;
	v15 =	vadd.f32 v15, v0;
	[tilespmem:s11+$0x10700] =	vst v18  }
0x16e: {  	v12 =	vmul.f32 v12, v1;
	v14 =	vadd.f32 v14, v0;
	[tilespmem:s7+$0x430] =	vst v16  }
0x16f: {  	v11 =	vmul.f32 v11, v1;
	v13 =	vadd.f32 v13, v0;
	[tilespmem:s7+$0x830] =	vst v15  }
0x170: {  	v5 =	vmul.f32 v5, v1;
	v12 =	vadd.f32 v12, v0;
	[tilespmem:s7+$0x70] =	vst v14  }
0x171: {  	v20 =	vld [tilespmem:s7+$0x810];
	v9 =	vmul.f32 v9, v1;
	v11 =	vadd.f32 v11, v0;
	[tilespmem:s7+$0x850] =	vst v13  }
0x172: {  	v21 =	vld [tilespmem:s7+$0x800];
	v3 =	vmul.f32 v3, v1;
	v5 =	vadd.f32 v5, v0;
	[tilespmem:s7+$0x840] =	vst v12  }
0x173: {  	v7 =	vmul.f32 v7, v1;
	v9 =	vadd.f32 v9, v0;
	[tilespmem:s7+$0x860] =	vst v11  }
0x174: {  	v22 =	vld [tilespmem:s7+$0x460];
	v6 =	vmul.f32 v6, v1;
	v3 =	vadd.f32 v3, v0;
	[tilespmem:s7+$0xC70] =	vst v5  }
0x175: {  	v19 =	vld [tilespmem:s7+$0x470];
	v5 =	vadd.f32 v7, v0;
	v7 =	vmul.f32 v10, v1;
	[tilespmem:s7+$0x450] =	vst v9  }
0x176: {  	v18 =	vld [tilespmem:s7+$0x820];
	v6 =	vadd.f32 v6, v0;
	[tilespmem:s7+$0xC50] =	vst v3;
	v20 =	vmul.f32 v20, v1  }
0x177: {  	v16 =	vld [tilespmem:s7+$0x50];
	v14 =	vmul.f32 v21, v1;
	[tilespmem:s7+$0xC30] =	vst v5;
	v5 =	vadd.f32 v7, v0  }
0x178: {  	v13 =	vld [tilespmem:s7+$0xC60];
	[tilespmem:s7+$0x420] =	vst v6;
	v7 =	vmul.f32 v8, v1;
	v15 =	vadd.f32 v20, v0  }
0x179: {  	v17 =	vmul.f32 v17, v1;
	v20 =	vld [tilespmem:s7+$0x10];
	v14 =	vadd.f32 v14, v0;
	[tilespmem:s7+$0x400] =	vst v5  }
0x17a: {  	v12 =	vmul.f32 v19, v1;
	v3 =	vadd.f32 v7, v0;
	[tilespmem:s7+$0x810] =	vst v15  }
0x17b: {  	v8 =	vmul.f32 v18, v1;
	v15 =	vadd.f32 v17, v0;
	[tilespmem:s7+$0x800] =	vst v14  }
0x17c: {  	v17 =	vld [tilespmem:s7+$0x30];
	v16 =	vmul.f32 v16, v1;
	v12 =	vadd.f32 v12, v0;
	[tilespmem:s7+$0x410] =	vst v3  }
0x17d: {  	v19 =	vld [tilespmem:s7+$0xC00];
	v14 =	vmul.f32 v22, v1;
	v5 =	vadd.f32 v8, v0;
	[tilespmem:s7+$0x440] =	vst v15  }
0x17e: {  	v13 =	vmul.f32 v13, v1;
	v16 =	vadd.f32 v16, v0;
	v15 =	vld [tilespmem:s7+$0x40];
	v20 =	vmul.f32 v20, v1;
	[tilespmem:s7+$0x470] =	vst v12  }
0x17f: {  	v11 =	vld [tilespmem:s7+$0x20];
	v14 =	vadd.f32 v14, v0;
	[tilespmem:s7+$0x820] =	vst v5  }
0x180: {  	v4 =	vmul.f32 v4, v1;
	v12 =	vadd.f32 v13, v0;
	v13 =	vld [tilespmem:s7+$0xC40];
	[tilespmem:s7+$0x50] =	vst v16;
	v16 =	vadd.f32 v20, v0  }
0x181: {  	[tilespmem:s7+$0x460] =	vst v14;
	v14 =	vld [tilespmem:s7+$0xC10];
	v17 =	vmul.f32 v17, v1  }
0x182: {  	v3 =	vadd.f32 v4, v0;
	[tilespmem:s7+$0x10] =	vst v16;
	v16 =	vmul.f32 v19, v1  }
0x183: {  	[tilespmem:s7+$0xC60] =	vst v12;
	v12 =	vadd.f32 v17, v0;
	v4 =	vmul.f32 v15, v1  }
0x184: {  	v5 =	vmul.f32 v11, v1;
	[tilespmem:s7+$0x870] =	vst v3;
	v10 =	vadd.f32 v16, v0  }
0x185: {  	v7 =	vmul.f32 v13, v1;
	[tilespmem:s7+$0x30] =	vst v12;
	v4 =	vadd.f32 v4, v0  }
0x186: {  	v9 =	vmul.f32 v14, v1;
	v1 =	vmul.f32 v2, v1;
	v2 =	vadd.f32 v5, v0;
	[tilespmem:s7+$0xC00] =	vst v10  }
0x187: {  	v7 =	vadd.f32 v7, v0;
	[tilespmem:s7+$0x40] =	vst v4  }
0x188: {  	v9 =	vadd.f32 v9, v0;
	[tilespmem:s7+$0x20] =	vst v2  }
0x189: {  	v0 =	vadd.f32 v1, v0;
	[tilespmem:s7+$0xC40] =	vst v7  }
0x18a: {  	[tilespmem:s7+$0xC10] =	vst v9  }
0x18b: {  	s8 =	simm.s32 $0x0;
	s11 =	rddreg [dreg:$0xf];
	[tilespmem:s7+$0x60] =	vst v0  }
0x18c: {  	[hbm4b:s11+s8] =	stream.linear.scatter [tilespmem:s31], [sflag:$0x6], $0x8000, $0x38;
	[tilespmem:$0x18700] =	vst v63  }
0x18d: {  	_ =	swait.ge [sflag:s30], $0x8000  }
0x18e: {  	[sflag:s30] =	ssyncset.done $0x0  }
0x18f: {  	[sflag:s30] =	ssyncadd.s32 $0xFFFF8000  }
0x190: {  	[tilespmem:s31], [sflag:$0x3] =	stream.linear.gather [hbm4b:s14+s8], $0x8000, $0x38;
	[tilespmem:$0x18700] =	vst v63  }
0x191: {  	_ =	swait.ge [sflag:s0], $0x8000  }
0x192: {  	s12 =	sand.u32 $0x7000, s8;
	s9 =	sand.u32 $0x380, s8;
	[sflag:s0] =	ssyncset.done $0x0  }
0x193: {  	s7 =	sor.u32 s9, s12;
	[sflag:s0] =	ssyncadd.s32 $0xFFFF8000  }
0x194: {  	v4 =	vld [tilespmem:s7+$0x750]  }
0x195: {  	v2 =	vld [tilespmem:s7+$0xB50]  }
0x196: {  	v5 =	vld [tilespmem:s7+$0xF10]  }
0x197: {  	v3 =	vld [tilespmem:s7+$0xF00]  }
0x198: {  	v6 =	vld [tilespmem:s7+$0xF70]  }
0x199: {  	v8 =	vld [tilespmem:s7+$0xB00]  }
0x19a: {  	s13 =	simm.s32 $0xC0;
	v12 =	vld [tilespmem:s7+$0xF60]  }
0x19b: {  	v0 =	vmov s13;
	v11 =	vld [tilespmem:s7+$0x740]  }
0x19c: {  	v13 =	vld [tilespmem:s7+$0x710]  }
0x19d: {  	v7 =	vld [tilespmem:s7+$0x720]  }
0x19e: {  	v9 =	vld [tilespmem:s7+$0x1370]  }
0x19f: {  	v10 =	vld [tilespmem:s7+$0x700]  }
0x1a0: {  	v1 =	vld.idx.msk [tilespmem:v0+s1+$0x0], $0xffff  }
0x1a1: {  	v14 =	vld [tilespmem:s7+$0x1340]  }
0x1a2: {  	v0 =	vld.idx.msk [tilespmem:v0+s3+$0x0], $0xffff  }
0x1a3: {  	v17 =	vld [tilespmem:s7+$0x1360]  }
0x1a4: {  	v19 =	vld [tilespmem:s7+$0x1300]  }
0x1a5: {  	v16 =	vld [tilespmem:s7+$0x1350]  }
0x1a6: {  	v15 =	vld [tilespmem:s7+$0x1330];
	v10 =	vmul.f32 v10, v1;
	v9 =	vmul.f32 v9, v1  }
0x1a7: {  	v20 =	vmul.f32 v7, v1;
	v7 =	vld [tilespmem:s7+$0x770];
	v22 =	vmul.f32 v14, v1  }
0x1a8: {  	v18 =	vmul.f32 v17, v1;
	v14 =	vadd.f32 v10, v0;
	v10 =	vld [tilespmem:s7+$0xF40];
	v21 =	vadd.f32 v9, v0  }
0x1a9: {  	s10 =	simm.s32 $0x0;
	s9 =	simm.s32 $0xC1;
	v19 =	vmul.f32 v19, v1;
	v17 =	vadd.f32 v20, v0;
	v9 =	vld [tilespmem:s7+$0xB10];
	v20 =	vadd.f32 v22, v0  }
.LBB2_10:
0x1aa: {  	p0 =	sne.s32 s9, $0xFF;
	v13 =	vmul.f32 v13, v1;
	v22 =	vld [tilespmem:s7+$0x1320];
	v16 =	vmul.f32 v16, v1;
	v18 =	vadd.f32 v18, v0;
	[tilespmem:s7+$0x1370] =	vst v21;
	s8 =	sadd.s32 $0x80, s8;
	s10 =	sadd.s32 $0x200, s10  }
0x1ab: {  	v11 =	vmul.f32 v11, v1;
	v12 =	vmul.f32 v12, v1;
	s11 =	smov.u32 s9;
	s9 =	sadd.s32 $0x1, s9;
	v21 =	vld [tilespmem:s7+$0x730];
	v19 =	vadd.f32 v19, v0;
	[tilespmem:s7+$0x1340] =	vst v20  }
0x1ac: {  	v15 =	vmul.f32 v15, v1;
	v13 =	vadd.f32 v13, v0;
	[tilespmem:s7+$0x720] =	vst v17;
	v17 =	vld [tilespmem:s7+$0x760];
	v7 =	vmul.f32 v7, v1  }
0x1ad: {  	v8 =	vmul.f32 v8, v1;
	v16 =	vadd.f32 v16, v0;
	v20 =	vld [tilespmem:s7+$0xB20];
	v10 =	vmul.f32 v10, v1;
	[tilespmem:s7+$0x1300] =	vst v19  }
0x1ae: {  	v6 =	vmul.f32 v6, v1;
	v12 =	vadd.f32 v12, v0;
	v9 =	vmul.f32 v9, v1;
	v19 =	vld [tilespmem:s7+$0xB30];
	[tilespmem:s7+$0x1360] =	vst v18  }
0x1af: {  	v4 =	vmul.f32 v4, v1;
	v3 =	vmul.f32 v3, v1;
	v15 =	vadd.f32 v15, v0;
	v18 =	vld [tilespmem:s7+$0xB40];
	[tilespmem:s7+$0x1350] =	vst v16  }
0x1b0: {  	v8 =	vadd.f32 v8, v0;
	v16 =	vmul.f32 v21, v1;
	v21 =	vld [tilespmem:s7+$0xF50];
	[tilespmem:s7+$0xF60] =	vst v12;
	v12 =	vmul.f32 v22, v1  }
0x1b1: {  	v5 =	vmul.f32 v5, v1;
	v7 =	vadd.f32 v7, v0;
	[tilespmem:s7+$0x700] =	vst v14;
	v14 =	vmul.f32 v17, v1;
	v17 =	vld [tilespmem:s7+$0xB70]  }
0x1b2: {  	v11 =	vadd.f32 v11, v0;
	v6 =	vadd.f32 v6, v0;
	v20 =	vmul.f32 v20, v1;
	v22 =	vld [tilespmem:s7+$0xF20];
	[tilespmem:s7+$0x1330] =	vst v15  }
0x1b3: {  	v2 =	vmul.f32 v2, v1;
	v9 =	vadd.f32 v9, v0;
	[tilespmem:s7+$0xB00] =	vst v8;
	v8 =	vmul.f32 v19, v1;
	v15 =	vld [tilespmem:s7+$0xB60]  }
0x1b4: {  	[tilespmem:s7+$0x740] =	vst v11;
	v11 =	vadd.f32 v14, v0;
	v14 =	vadd.f32 v20, v0;
	v18 =	vmul.f32 v18, v1;
	v19 =	vld [tilespmem:s7+$0x1310]  }
0x1b5: {  	v5 =	vadd.f32 v5, v0;
	v20 =	vadd.f32 v8, v0;
	v8 =	vld [tilespmem:s7+$0xF30];
	v21 =	vmul.f32 v21, v1;
	[tilespmem:s7+$0xF70] =	vst v6  }
0x1b6: {  	v2 =	vadd.f32 v2, v0;
	[tilespmem:s7+$0x710] =	vst v13;
	v18 =	vadd.f32 v18, v0;
	v6 =	vmul.f32 v17, v1  }
0x1b7: {  	v16 =	vadd.f32 v16, v0;
	v12 =	vadd.f32 v12, v0;
	[tilespmem:s7+$0x760] =	vst v11;
	v11 =	vmul.f32 v22, v1  }
0x1b8: {  	v4 =	vadd.f32 v4, v0;
	v13 =	vmul.f32 v15, v1;
	v6 =	vadd.f32 v6, v0;
	[tilespmem:s7+$0xF10] =	vst v5  }
0x1b9: {  	[tilespmem:s7+$0xB50] =	vst v2;
	v2 =	vadd.f32 v11, v0;
	v11 =	vadd.f32 v21, v0;
	v5 =	vmul.f32 v19, v1  }
0x1ba: {  	v3 =	vadd.f32 v3, v0;
	[tilespmem:s7+$0xB20] =	vst v14;
	v1 =	vmul.f32 v8, v1;
	v8 =	vadd.f32 v10, v0  }
0x1bb: {  	v10 =	vadd.f32 v13, v0;
	[tilespmem:s7+$0x750] =	vst v4;
	v4 =	vadd.f32 v5, v0  }
0x1bc: {  	[tilespmem:s7+$0xF20] =	vst v2;
	v0 =	vadd.f32 v1, v0  }
0x1bd: {  	s12 =	sand.u32 $0x7000, s10;
	s13 =	sand.u32 $0x380, s8;
	[tilespmem:s7+$0x1310] =	vst v4  }
0x1be: {  	s12 =	sor.u32 s13, s12;
	[tilespmem:s7+$0xF30] =	vst v0  }
0x1bf: {  	v4 =	vld [tilespmem:s12+$0x750];
	[tilespmem:s7+$0xB60] =	vst v10  }
0x1c0: {  	v2 =	vld [tilespmem:s12+$0xB50];
	[tilespmem:s7+$0xF40] =	vst v8  }
0x1c1: {  	v5 =	vld [tilespmem:s12+$0xF10];
	[tilespmem:s7+$0xF00] =	vst v3  }
0x1c2: {  	v3 =	vld [tilespmem:s12+$0xF00];
	[tilespmem:s7+$0xB70] =	vst v6  }
0x1c3: {  	v6 =	vld [tilespmem:s12+$0xF70];
	[tilespmem:s7+$0xF50] =	vst v11  }
0x1c4: {  	v8 =	vld [tilespmem:s12+$0xB00];
	[tilespmem:s7+$0x1320] =	vst v12  }
0x1c5: {  	v12 =	vld [tilespmem:s12+$0xF60];
	[tilespmem:s7+$0x770] =	vst v7  }
0x1c6: {  	v0 =	vmov s11;
	v11 =	vld [tilespmem:s12+$0x740];
	[tilespmem:s7+$0xB10] =	vst v9  }
0x1c7: {  	v13 =	vld [tilespmem:s12+$0x710];
	[tilespmem:s7+$0x730] =	vst v16  }
0x1c8: {  	v7 =	vld [tilespmem:s12+$0x720];
	[tilespmem:s7+$0xB30] =	vst v20  }
0x1c9: {  	v9 =	vld [tilespmem:s12+$0x1370];
	[tilespmem:s7+$0xB40] =	vst v18;
	s7 =	smov.u32 s12  }
0x1ca: {  	v10 =	vld [tilespmem:s7+$0x700]  }
0x1cb: {  	v1 =	vld.idx.msk [tilespmem:v0+s1+$0x0], $0xffff  }
0x1cc: {  	v14 =	vld [tilespmem:s7+$0x1340]  }
0x1cd: {  	v0 =	vld.idx.msk [tilespmem:v0+s3+$0x0], $0xffff  }
0x1ce: {  	v17 =	vld [tilespmem:s7+$0x1360]  }
0x1cf: {  	v19 =	vld [tilespmem:s7+$0x1300]  }
.Ltmp4:
0x1d0: {  	v16 =	vld [tilespmem:s7+$0x1350];
	(pc) =	sbr.rel @p0 .LBB2_10-.Ltmp4, $4  }
0x1d1: {  	v10 =	vmul.f32 v10, v1;
	v9 =	vmul.f32 v9, v1;
	v15 =	vld [tilespmem:s7+$0x1330]  }
0x1d2: {  	v20 =	vmul.f32 v7, v1;
	v22 =	vmul.f32 v14, v1;
	v7 =	vld [tilespmem:s7+$0x770]  }
0x1d3: {  	v14 =	vadd.f32 v10, v0;
	v21 =	vadd.f32 v9, v0;
	v10 =	vld [tilespmem:s7+$0xF40];
	v18 =	vmul.f32 v17, v1  }
0x1d4: {  	v17 =	vadd.f32 v20, v0;
	v20 =	vadd.f32 v22, v0;
	v9 =	vld [tilespmem:s7+$0xB10];
	v19 =	vmul.f32 v19, v1  }
0x1d5: {  	[tilespmem:s7+$0x1370] =	vst v21  }
0x1d6: {  	[tilespmem:s7+$0x700] =	vst v14  }
0x1d7: {  	v16 =	vmul.f32 v16, v1;
	v18 =	vadd.f32 v18, v0;
	[tilespmem:s7+$0x1340] =	vst v20  }
0x1d8: {  	v12 =	vmul.f32 v12, v1;
	v19 =	vadd.f32 v19, v0;
	[tilespmem:s7+$0x720] =	vst v17  }
0x1d9: {  	v8 =	vmul.f32 v8, v1;
	v16 =	vadd.f32 v16, v0;
	[tilespmem:s7+$0x1360] =	vst v18  }
0x1da: {  	v11 =	vmul.f32 v11, v1;
	v12 =	vadd.f32 v12, v0;
	[tilespmem:s7+$0x1300] =	vst v19  }
0x1db: {  	v6 =	vmul.f32 v6, v1;
	v17 =	vld [tilespmem:s7+$0x760];
	v8 =	vadd.f32 v8, v0;
	[tilespmem:s7+$0x1350] =	vst v16  }
0x1dc: {  	v15 =	vmul.f32 v15, v1;
	v11 =	vadd.f32 v11, v0;
	[tilespmem:s7+$0xF60] =	vst v12  }
0x1dd: {  	v5 =	vmul.f32 v5, v1;
	v6 =	vadd.f32 v6, v0;
	[tilespmem:s7+$0xB00] =	vst v8  }
0x1de: {  	v2 =	vmul.f32 v2, v1;
	v15 =	vadd.f32 v15, v0;
	v12 =	vld [tilespmem:s7+$0xB20];
	[tilespmem:s7+$0x740] =	vst v11  }
0x1df: {  	v4 =	vmul.f32 v4, v1;
	v3 =	vmul.f32 v3, v1;
	v5 =	vadd.f32 v5, v0;
	[tilespmem:s7+$0xF70] =	vst v6  }
0x1e0: {  	v13 =	vmul.f32 v13, v1;
	v2 =	vadd.f32 v2, v0;
	[tilespmem:s7+$0x1330] =	vst v15;
	v15 =	vmul.f32 v17, v1;
	v17 =	vld [tilespmem:s7+$0xF20]  }
0x1e1: {  	v4 =	vadd.f32 v4, v0;
	v3 =	vadd.f32 v3, v0;
	v11 =	vld [tilespmem:s7+$0x1310];
	[tilespmem:s7+$0xF10] =	vst v5  }
0x1e2: {  	v8 =	vadd.f32 v13, v0;
	[tilespmem:s7+$0xB50] =	vst v2;
	v13 =	vadd.f32 v15, v0;
	v15 =	vld [tilespmem:s7+$0xF30]  }
0x1e3: {  	[tilespmem:s7+$0x750] =	vst v4;
	v6 =	vmul.f32 v12, v1  }
0x1e4: {  	v4 =	vmul.f32 v10, v1;
	[tilespmem:s7+$0xF00] =	vst v3;
	v12 =	vld [tilespmem:s7+$0xB60]  }
0x1e5: {  	[tilespmem:s7+$0x760] =	vst v13;
	v13 =	vld [tilespmem:s7+$0xB70];
	v6 =	vadd.f32 v6, v0;
	v17 =	vmul.f32 v17, v1  }
0x1e6: {  	v16 =	vld [tilespmem:s7+$0xF50];
	[tilespmem:s7+$0x710] =	vst v8;
	v4 =	vadd.f32 v4, v0;
	v2 =	vmul.f32 v11, v1  }
0x1e7: {  	v5 =	vadd.f32 v17, v0;
	[tilespmem:s7+$0xB20] =	vst v6;
	v6 =	vmul.f32 v15, v1  }
0x1e8: {  	v22 =	vld [tilespmem:s7+$0x1320];
	v3 =	vmul.f32 v9, v1;
	[tilespmem:s7+$0xF40] =	vst v4;
	v2 =	vadd.f32 v2, v0  }
0x1e9: {  	v21 =	vld [tilespmem:s7+$0x730];
	v11 =	vmul.f32 v12, v1;
	[tilespmem:s7+$0xF20] =	vst v5;
	v5 =	vadd.f32 v6, v0  }
0x1ea: {  	v14 =	vld [tilespmem:s7+$0xB30];
	v3 =	vadd.f32 v3, v0;
	[tilespmem:s7+$0x1310] =	vst v2;
	v2 =	vmul.f32 v13, v1  }
0x1eb: {  	v8 =	vld [tilespmem:s7+$0xB40];
	v6 =	vadd.f32 v11, v0;
	[tilespmem:s7+$0xF30] =	vst v5;
	v5 =	vmul.f32 v16, v1  }
0x1ec: {  	v4 =	vmul.f32 v7, v1;
	[tilespmem:s7+$0xB10] =	vst v3;
	v2 =	vadd.f32 v2, v0  }
0x1ed: {  	[tilespmem:s7+$0xB60] =	vst v6;
	v6 =	vmul.f32 v22, v1;
	v5 =	vadd.f32 v5, v0  }
0x1ee: {  	v4 =	vadd.f32 v4, v0;
	[tilespmem:s7+$0xB70] =	vst v2;
	v2 =	vmul.f32 v21, v1  }
0x1ef: {  	v6 =	vadd.f32 v6, v0;
	[tilespmem:s7+$0xF50] =	vst v5;
	v5 =	vmul.f32 v14, v1  }
0x1f0: {  	[tilespmem:s7+$0x770] =	vst v4;
	v1 =	vmul.f32 v8, v1;
	v2 =	vadd.f32 v2, v0  }
0x1f1: {  	[tilespmem:s7+$0x1320] =	vst v6;
	v4 =	vadd.f32 v5, v0  }
0x1f2: {  	v0 =	vadd.f32 v1, v0;
	[tilespmem:s7+$0x730] =	vst v2  }
0x1f3: {  	[tilespmem:s7+$0xB30] =	vst v4  }
0x1f4: {  	s8 =	simm.s32 $0x0;
	[tilespmem:s7+$0xB40] =	vst v0  }
0x1f5: {  	[hbm4b:s15+s8] =	stream.linear.scatter [tilespmem:s23], [sflag:$0x4], $0x8000, $0x38;
	[tilespmem:$0x18700] =	vst v63  }
0x1f6: {  	_ =	swait.ge [sflag:s28], $0x8000  }
0x1f7: {  	[sflag:s28] =	ssyncset.done $0x0  }
0x1f8: {  	[sflag:s28] =	ssyncadd.s32 $0xFFFF8000  }
0x1f9: {  	[tilespmem:s23], [sflag:$0x1] =	stream.linear.gather [hbm4b:s16+s8], $0x8000, $0x38;
	[tilespmem:$0x18700] =	vst v63  }
0x1fa: {  	_ =	swait.ge [sflag:s4], $0x8000  }
0x1fb: {  	s12 =	sand.u32 $0x7000, s8;
	s9 =	sand.u32 $0x380, s8;
	[sflag:s4] =	ssyncset.done $0x0  }
0x1fc: {  	s7 =	sor.u32 s9, s12;
	[sflag:s4] =	ssyncadd.s32 $0xFFFF8000  }
0x1fd: {  	v4 =	vld [tilespmem:s7+$0x8750]  }
0x1fe: {  	v2 =	vld [tilespmem:s7+$0x8B50]  }
0x1ff: {  	v5 =	vld [tilespmem:s7+$0x8F10]  }
0x200: {  	v3 =	vld [tilespmem:s7+$0x8F00]  }
0x201: {  	v6 =	vld [tilespmem:s7+$0x8F70]  }
0x202: {  	v8 =	vld [tilespmem:s7+$0x8B00]  }
0x203: {  	s13 =	simm.s32 $0x100;
	v12 =	vld [tilespmem:s7+$0x8F60]  }
0x204: {  	v0 =	vmov s13;
	v11 =	vld [tilespmem:s7+$0x8740]  }
0x205: {  	v13 =	vld [tilespmem:s7+$0x8710]  }
0x206: {  	v7 =	vld [tilespmem:s7+$0x8720]  }
0x207: {  	v9 =	vld [tilespmem:s7+$0x9370]  }
0x208: {  	v10 =	vld [tilespmem:s7+$0x8700]  }
0x209: {  	v1 =	vld.idx.msk [tilespmem:v0+s1+$0x0], $0xffff  }
0x20a: {  	v14 =	vld [tilespmem:s7+$0x9340]  }
0x20b: {  	v0 =	vld.idx.msk [tilespmem:v0+s3+$0x0], $0xffff  }
0x20c: {  	v17 =	vld [tilespmem:s7+$0x9360]  }
0x20d: {  	v19 =	vld [tilespmem:s7+$0x9300]  }
0x20e: {  	v16 =	vld [tilespmem:s7+$0x9350]  }
0x20f: {  	v15 =	vld [tilespmem:s7+$0x9330];
	v10 =	vmul.f32 v10, v1;
	v9 =	vmul.f32 v9, v1  }
0x210: {  	v20 =	vmul.f32 v7, v1;
	v7 =	vld [tilespmem:s7+$0x8770];
	v22 =	vmul.f32 v14, v1  }
0x211: {  	v18 =	vmul.f32 v17, v1;
	v14 =	vadd.f32 v10, v0;
	v10 =	vld [tilespmem:s7+$0x8F40];
	v21 =	vadd.f32 v9, v0  }
0x212: {  	s10 =	simm.s32 $0x0;
	s9 =	simm.s32 $0x101;
	v19 =	vmul.f32 v19, v1;
	v17 =	vadd.f32 v20, v0;
	v9 =	vld [tilespmem:s7+$0x8B10];
	v20 =	vadd.f32 v22, v0  }
.LBB2_12:
0x213: {  	p0 =	sne.s32 s9, $0x13F;
	v13 =	vmul.f32 v13, v1;
	v22 =	vld [tilespmem:s7+$0x9320];
	v16 =	vmul.f32 v16, v1;
	v18 =	vadd.f32 v18, v0;
	[tilespmem:s7+$0x9370] =	vst v21;
	s8 =	sadd.s32 $0x80, s8;
	s10 =	sadd.s32 $0x200, s10  }
0x214: {  	v11 =	vmul.f32 v11, v1;
	v12 =	vmul.f32 v12, v1;
	s11 =	smov.u32 s9;
	s9 =	sadd.s32 $0x1, s9;
	v21 =	vld [tilespmem:s7+$0x8730];
	v19 =	vadd.f32 v19, v0;
	[tilespmem:s7+$0x9340] =	vst v20  }
0x215: {  	v15 =	vmul.f32 v15, v1;
	v13 =	vadd.f32 v13, v0;
	[tilespmem:s7+$0x8720] =	vst v17;
	v17 =	vld [tilespmem:s7+$0x8760];
	v7 =	vmul.f32 v7, v1  }
0x216: {  	v8 =	vmul.f32 v8, v1;
	v16 =	vadd.f32 v16, v0;
	v20 =	vld [tilespmem:s7+$0x8B20];
	v10 =	vmul.f32 v10, v1;
	[tilespmem:s7+$0x9300] =	vst v19  }
0x217: {  	v6 =	vmul.f32 v6, v1;
	v12 =	vadd.f32 v12, v0;
	v9 =	vmul.f32 v9, v1;
	v19 =	vld [tilespmem:s7+$0x8B30];
	[tilespmem:s7+$0x9360] =	vst v18  }
0x218: {  	v4 =	vmul.f32 v4, v1;
	v3 =	vmul.f32 v3, v1;
	v15 =	vadd.f32 v15, v0;
	v18 =	vld [tilespmem:s7+$0x8B40];
	[tilespmem:s7+$0x9350] =	vst v16  }
0x219: {  	v8 =	vadd.f32 v8, v0;
	v16 =	vmul.f32 v21, v1;
	v21 =	vld [tilespmem:s7+$0x8F50];
	[tilespmem:s7+$0x8F60] =	vst v12;
	v12 =	vmul.f32 v22, v1  }
0x21a: {  	v5 =	vmul.f32 v5, v1;
	v7 =	vadd.f32 v7, v0;
	[tilespmem:s7+$0x8700] =	vst v14;
	v14 =	vmul.f32 v17, v1;
	v17 =	vld [tilespmem:s7+$0x8B70]  }
0x21b: {  	v11 =	vadd.f32 v11, v0;
	v6 =	vadd.f32 v6, v0;
	v20 =	vmul.f32 v20, v1;
	v22 =	vld [tilespmem:s7+$0x8F20];
	[tilespmem:s7+$0x9330] =	vst v15  }
0x21c: {  	v2 =	vmul.f32 v2, v1;
	v9 =	vadd.f32 v9, v0;
	[tilespmem:s7+$0x8B00] =	vst v8;
	v8 =	vmul.f32 v19, v1;
	v15 =	vld [tilespmem:s7+$0x8B60]  }
0x21d: {  	[tilespmem:s7+$0x8740] =	vst v11;
	v11 =	vadd.f32 v14, v0;
	v14 =	vadd.f32 v20, v0;
	v18 =	vmul.f32 v18, v1;
	v19 =	vld [tilespmem:s7+$0x9310]  }
0x21e: {  	v5 =	vadd.f32 v5, v0;
	v20 =	vadd.f32 v8, v0;
	v8 =	vld [tilespmem:s7+$0x8F30];
	v21 =	vmul.f32 v21, v1;
	[tilespmem:s7+$0x8F70] =	vst v6  }
0x21f: {  	v2 =	vadd.f32 v2, v0;
	[tilespmem:s7+$0x8710] =	vst v13;
	v18 =	vadd.f32 v18, v0;
	v6 =	vmul.f32 v17, v1  }
0x220: {  	v16 =	vadd.f32 v16, v0;
	v12 =	vadd.f32 v12, v0;
	[tilespmem:s7+$0x8760] =	vst v11;
	v11 =	vmul.f32 v22, v1  }
0x221: {  	v4 =	vadd.f32 v4, v0;
	v13 =	vmul.f32 v15, v1;
	v6 =	vadd.f32 v6, v0;
	[tilespmem:s7+$0x8F10] =	vst v5  }
0x222: {  	[tilespmem:s7+$0x8B50] =	vst v2;
	v2 =	vadd.f32 v11, v0;
	v11 =	vadd.f32 v21, v0;
	v5 =	vmul.f32 v19, v1  }
0x223: {  	v3 =	vadd.f32 v3, v0;
	[tilespmem:s7+$0x8B20] =	vst v14;
	v1 =	vmul.f32 v8, v1;
	v8 =	vadd.f32 v10, v0  }
0x224: {  	v10 =	vadd.f32 v13, v0;
	[tilespmem:s7+$0x8750] =	vst v4;
	v4 =	vadd.f32 v5, v0  }
0x225: {  	[tilespmem:s7+$0x8F20] =	vst v2;
	v0 =	vadd.f32 v1, v0  }
0x226: {  	s12 =	sand.u32 $0x7000, s10;
	s13 =	sand.u32 $0x380, s8;
	[tilespmem:s7+$0x9310] =	vst v4  }
0x227: {  	s12 =	sor.u32 s13, s12;
	[tilespmem:s7+$0x8F30] =	vst v0  }
0x228: {  	v4 =	vld [tilespmem:s12+$0x8750];
	[tilespmem:s7+$0x8B60] =	vst v10  }
0x229: {  	v2 =	vld [tilespmem:s12+$0x8B50];
	[tilespmem:s7+$0x8F40] =	vst v8  }
0x22a: {  	v5 =	vld [tilespmem:s12+$0x8F10];
	[tilespmem:s7+$0x8F00] =	vst v3  }
0x22b: {  	v3 =	vld [tilespmem:s12+$0x8F00];
	[tilespmem:s7+$0x8B70] =	vst v6  }
0x22c: {  	v6 =	vld [tilespmem:s12+$0x8F70];
	[tilespmem:s7+$0x8F50] =	vst v11  }
0x22d: {  	v8 =	vld [tilespmem:s12+$0x8B00];
	[tilespmem:s7+$0x9320] =	vst v12  }
0x22e: {  	v12 =	vld [tilespmem:s12+$0x8F60];
	[tilespmem:s7+$0x8770] =	vst v7  }
0x22f: {  	v0 =	vmov s11;
	v11 =	vld [tilespmem:s12+$0x8740];
	[tilespmem:s7+$0x8B10] =	vst v9  }
0x230: {  	v13 =	vld [tilespmem:s12+$0x8710];
	[tilespmem:s7+$0x8730] =	vst v16  }
0x231: {  	v7 =	vld [tilespmem:s12+$0x8720];
	[tilespmem:s7+$0x8B30] =	vst v20  }
0x232: {  	v9 =	vld [tilespmem:s12+$0x9370];
	[tilespmem:s7+$0x8B40] =	vst v18;
	s7 =	smov.u32 s12  }
0x233: {  	v10 =	vld [tilespmem:s7+$0x8700]  }
0x234: {  	v1 =	vld.idx.msk [tilespmem:v0+s1+$0x0], $0xffff  }
0x235: {  	v14 =	vld [tilespmem:s7+$0x9340]  }
0x236: {  	v0 =	vld.idx.msk [tilespmem:v0+s3+$0x0], $0xffff  }
0x237: {  	v17 =	vld [tilespmem:s7+$0x9360]  }
0x238: {  	v19 =	vld [tilespmem:s7+$0x9300]  }
.Ltmp5:
0x239: {  	v16 =	vld [tilespmem:s7+$0x9350];
	(pc) =	sbr.rel @p0 .LBB2_12-.Ltmp5, $4  }
0x23a: {  	v10 =	vmul.f32 v10, v1;
	v9 =	vmul.f32 v9, v1;
	v15 =	vld [tilespmem:s7+$0x9330]  }
0x23b: {  	v20 =	vmul.f32 v7, v1;
	v22 =	vmul.f32 v14, v1;
	v7 =	vld [tilespmem:s7+$0x8770]  }
0x23c: {  	v14 =	vadd.f32 v10, v0;
	v21 =	vadd.f32 v9, v0;
	v10 =	vld [tilespmem:s7+$0x8F40];
	v18 =	vmul.f32 v17, v1  }
0x23d: {  	v17 =	vadd.f32 v20, v0;
	v20 =	vadd.f32 v22, v0;
	v9 =	vld [tilespmem:s7+$0x8B10];
	v19 =	vmul.f32 v19, v1  }
0x23e: {  	[tilespmem:s7+$0x9370] =	vst v21  }
0x23f: {  	[tilespmem:s7+$0x8700] =	vst v14  }
0x240: {  	v16 =	vmul.f32 v16, v1;
	v18 =	vadd.f32 v18, v0;
	[tilespmem:s7+$0x9340] =	vst v20  }
0x241: {  	v12 =	vmul.f32 v12, v1;
	v19 =	vadd.f32 v19, v0;
	[tilespmem:s7+$0x8720] =	vst v17  }
0x242: {  	v8 =	vmul.f32 v8, v1;
	v16 =	vadd.f32 v16, v0;
	[tilespmem:s7+$0x9360] =	vst v18  }
0x243: {  	v11 =	vmul.f32 v11, v1;
	v12 =	vadd.f32 v12, v0;
	[tilespmem:s7+$0x9300] =	vst v19  }
0x244: {  	v6 =	vmul.f32 v6, v1;
	v17 =	vld [tilespmem:s7+$0x8760];
	v8 =	vadd.f32 v8, v0;
	[tilespmem:s7+$0x9350] =	vst v16  }
0x245: {  	v15 =	vmul.f32 v15, v1;
	v11 =	vadd.f32 v11, v0;
	[tilespmem:s7+$0x8F60] =	vst v12  }
0x246: {  	v5 =	vmul.f32 v5, v1;
	v6 =	vadd.f32 v6, v0;
	[tilespmem:s7+$0x8B00] =	vst v8  }
0x247: {  	v2 =	vmul.f32 v2, v1;
	v15 =	vadd.f32 v15, v0;
	v12 =	vld [tilespmem:s7+$0x8B20];
	[tilespmem:s7+$0x8740] =	vst v11  }
0x248: {  	v4 =	vmul.f32 v4, v1;
	v3 =	vmul.f32 v3, v1;
	v5 =	vadd.f32 v5, v0;
	[tilespmem:s7+$0x8F70] =	vst v6  }
0x249: {  	v13 =	vmul.f32 v13, v1;
	v2 =	vadd.f32 v2, v0;
	[tilespmem:s7+$0x9330] =	vst v15;
	v15 =	vmul.f32 v17, v1;
	v17 =	vld [tilespmem:s7+$0x8F20]  }
0x24a: {  	v4 =	vadd.f32 v4, v0;
	v3 =	vadd.f32 v3, v0;
	v11 =	vld [tilespmem:s7+$0x9310];
	[tilespmem:s7+$0x8F10] =	vst v5  }
0x24b: {  	v8 =	vadd.f32 v13, v0;
	[tilespmem:s7+$0x8B50] =	vst v2;
	v13 =	vadd.f32 v15, v0;
	v15 =	vld [tilespmem:s7+$0x8F30]  }
0x24c: {  	[tilespmem:s7+$0x8750] =	vst v4;
	v6 =	vmul.f32 v12, v1  }
0x24d: {  	v4 =	vmul.f32 v10, v1;
	[tilespmem:s7+$0x8F00] =	vst v3;
	v12 =	vld [tilespmem:s7+$0x8B60]  }
0x24e: {  	[tilespmem:s7+$0x8760] =	vst v13;
	v13 =	vld [tilespmem:s7+$0x8B70];
	v6 =	vadd.f32 v6, v0;
	v17 =	vmul.f32 v17, v1  }
0x24f: {  	v16 =	vld [tilespmem:s7+$0x8F50];
	[tilespmem:s7+$0x8710] =	vst v8;
	v4 =	vadd.f32 v4, v0;
	v2 =	vmul.f32 v11, v1  }
0x250: {  	v5 =	vadd.f32 v17, v0;
	[tilespmem:s7+$0x8B20] =	vst v6;
	v6 =	vmul.f32 v15, v1  }
0x251: {  	v22 =	vld [tilespmem:s7+$0x9320];
	v3 =	vmul.f32 v9, v1;
	[tilespmem:s7+$0x8F40] =	vst v4;
	v2 =	vadd.f32 v2, v0  }
0x252: {  	v63 =	vld [tilespmem:s7+$0x8730];
	v11 =	vmul.f32 v12, v1;
	[tilespmem:s7+$0x8F20] =	vst v5;
	v5 =	vadd.f32 v6, v0  }
0x253: {  	v14 =	vld [tilespmem:s7+$0x8B30];
	v3 =	vadd.f32 v3, v0;
	[tilespmem:s7+$0x9310] =	vst v2;
	v2 =	vmul.f32 v13, v1  }
0x254: {  	v8 =	vld [tilespmem:s7+$0x8B40];
	v6 =	vadd.f32 v11, v0;
	[tilespmem:s7+$0x8F30] =	vst v5;
	v5 =	vmul.f32 v16, v1  }
0x255: {  	v4 =	vmul.f32 v7, v1;
	[tilespmem:s7+$0x8B10] =	vst v3;
	v2 =	vadd.f32 v2, v0  }
0x256: {  	[tilespmem:s7+$0x8B60] =	vst v6;
	v6 =	vmul.f32 v22, v1;
	v5 =	vadd.f32 v5, v0  }
0x257: {  	v4 =	vadd.f32 v4, v0;
	[tilespmem:s7+$0x8B70] =	vst v2;
	v2 =	vmul.f32 v63, v1  }
0x258: {  	v6 =	vadd.f32 v6, v0;
	[tilespmem:s7+$0x8F50] =	vst v5;
	v5 =	vmul.f32 v14, v1  }
0x259: {  	[tilespmem:s7+$0x8770] =	vst v4;
	v1 =	vmul.f32 v8, v1;
	v2 =	vadd.f32 v2, v0  }
0x25a: {  	[tilespmem:s7+$0x9320] =	vst v6;
	v4 =	vadd.f32 v5, v0  }
0x25b: {  	v0 =	vadd.f32 v1, v0;
	[tilespmem:s7+$0x8730] =	vst v2  }
0x25c: {  	[tilespmem:s7+$0x8B30] =	vst v4  }
0x25d: {  	s8 =	simm.s32 $0x0;
	[tilespmem:s7+$0x8B40] =	vst v0  }
0x25e: {  	[hbm4b:s17+s8] =	stream.linear.scatter [tilespmem:s24], [sflag:$0x5], $0x8000, $0x38;
	[tilespmem:$0x18700] =	vst v63  }
0x25f: {  	_ =	swait.ge [sflag:s29], $0x8000  }
0x260: {  	[sflag:s29] =	ssyncset.done $0x0  }
0x261: {  	[sflag:s29] =	ssyncadd.s32 $0xFFFF8000  }
0x262: {  	[tilespmem:s24], [sflag:$0x2] =	stream.linear.gather [hbm4b:s18+s8], $0x8000, $0x38;
	[tilespmem:$0x18700] =	vst v63  }
0x263: {  	s12 =	sand.u32 $0x7000, s8;
	s9 =	sand.u32 $0x380, s8;
	_ =	swait.ge [sflag:s5], $0x8000  }
0x264: {  	s11 =	sor.u32 s9, s12;
	[sflag:s5] =	ssyncset.done $0x0  }
0x265: {  	s7 =	sadd.s32 $0x10700, s11;
	[sflag:s5] =	ssyncadd.s32 $0xFFFF8000  }
0x266: {  	v19 =	vld [tilespmem:s7+$0xC20]  }
0x267: {  	v7 =	vld [tilespmem:s7+$0xC30]  }
0x268: {  	v16 =	vld [tilespmem:s7+$0x430]  }
0x269: {  	v15 =	vld [tilespmem:s7+$0x830]  }
0x26a: {  	v14 =	vld [tilespmem:s7+$0x70]  }
0x26b: {  	v13 =	vld [tilespmem:s7+$0x850]  }
0x26c: {  	s13 =	simm.s32 $0x140;
	v12 =	vld [tilespmem:s7+$0x840]  }
0x26d: {  	v1 =	vmov s13;
	v5 =	vld [tilespmem:s7+$0xC70]  }
0x26e: {  	v9 =	vld [tilespmem:s7+$0x450]  }
0x26f: {  	v11 =	vld [tilespmem:s7+$0x860]  }
0x270: {  	v4 =	vld [tilespmem:s7+$0x870]  }
0x271: {  	v17 =	vld [tilespmem:s11+$0x10700]  }
0x272: {  	v0 =	vld.idx.msk [tilespmem:v1+s3+$0x0], $0xffff  }
0x273: {  	v1 =	vld.idx.msk [tilespmem:v1+s1+$0x0], $0xffff  }
0x274: {  	v3 =	vld [tilespmem:s7+$0xC50]  }
0x275: {  	v2 =	vld [tilespmem:s7+$0x60]  }
0x276: {  	v6 =	vld [tilespmem:s7+$0x420]  }
0x277: {  	v8 =	vld [tilespmem:s7+$0x410]  }
0x278: {  	v10 =	vld [tilespmem:s7+$0x400]  }
0x279: {  	s10 =	simm.s32 $0x0;
	s9 =	simm.s32 $0x141;
	v18 =	vmul.f32 v17, v1;
	v17 =	vld [tilespmem:s7+$0x440];
	v19 =	vmul.f32 v19, v1  }
.LBB2_14:
0x27a: {  	p0 =	sne.s32 s9, $0x17F;
	v16 =	vmul.f32 v16, v1;
	v20 =	vld [tilespmem:s7+$0x460];
	v15 =	vmul.f32 v15, v1;
	s8 =	sadd.s32 $0x80, s8;
	s10 =	sadd.s32 $0x200, s10  }
0x27b: {  	v14 =	vmul.f32 v14, v1;
	s12 =	smov.u32 s9;
	s9 =	sadd.s32 $0x1, s9;
	v18 =	vadd.f32 v18, v0;
	v21 =	vld [tilespmem:s7+$0x810];
	v19 =	vadd.f32 v19, v0  }
0x27c: {  	v13 =	vmul.f32 v13, v1;
	v16 =	vadd.f32 v16, v0;
	v22 =	vld [tilespmem:s7+$0x800];
	v15 =	vadd.f32 v15, v0  }
0x27d: {  	v12 =	vmul.f32 v12, v1;
	v7 =	vmul.f32 v7, v1;
	v14 =	vadd.f32 v14, v0;
	v23 =	vld [tilespmem:s7+$0x470];
	[tilespmem:s7+$0xC20] =	vst v19  }
0x27e: {  	v9 =	vmul.f32 v9, v1;
	v13 =	vadd.f32 v13, v0;
	[tilespmem:s11+$0x10700] =	vst v18;
	v17 =	vmul.f32 v17, v1;
	v18 =	vld [tilespmem:s7+$0x820]  }
0x27f: {  	v12 =	vadd.f32 v12, v0;
	v7 =	vadd.f32 v7, v0;
	[tilespmem:s7+$0x430] =	vst v16;
	v16 =	vmul.f32 v20, v1;
	v19 =	vld [tilespmem:s7+$0xC00]  }
0x280: {  	v9 =	vadd.f32 v9, v0;
	v20 =	vld [tilespmem:s7+$0x50];
	v17 =	vadd.f32 v17, v0;
	v21 =	vmul.f32 v21, v1;
	[tilespmem:s7+$0x830] =	vst v15  }
0x281: {  	v10 =	vmul.f32 v10, v1;
	[tilespmem:s7+$0x70] =	vst v14;
	v14 =	vadd.f32 v16, v0;
	v15 =	vmul.f32 v22, v1;
	v16 =	vld [tilespmem:s7+$0xC10]  }
0x282: {  	v11 =	vmul.f32 v11, v1;
	v22 =	vmul.f32 v23, v1;
	v21 =	vadd.f32 v21, v0;
	[tilespmem:s7+$0x850] =	vst v13;
	v13 =	vld [tilespmem:s7+$0xC60]  }
0x283: {  	v10 =	vadd.f32 v10, v0;
	v23 =	vld [tilespmem:s7+$0x10];
	v15 =	vadd.f32 v15, v0;
	v18 =	vmul.f32 v18, v1;
	[tilespmem:s7+$0x840] =	vst v12  }
0x284: {  	v11 =	vadd.f32 v11, v0;
	v12 =	vld [tilespmem:s7+$0x20];
	v22 =	vadd.f32 v22, v0;
	[tilespmem:s7+$0x810] =	vst v21;
	v19 =	vmul.f32 v19, v1  }
0x285: {  	v8 =	vmul.f32 v8, v1;
	v21 =	vld [tilespmem:s7+$0x30];
	v20 =	vmul.f32 v20, v1;
	[tilespmem:s7+$0x800] =	vst v15;
	v18 =	vadd.f32 v18, v0  }
0x286: {  	v4 =	vmul.f32 v4, v1;
	v15 =	vld [tilespmem:s7+$0x40];
	[tilespmem:s7+$0x860] =	vst v11;
	v11 =	vadd.f32 v19, v0;
	v16 =	vmul.f32 v16, v1  }
0x287: {  	v8 =	vadd.f32 v8, v0;
	v19 =	vadd.f32 v20, v0;
	[tilespmem:s7+$0x440] =	vst v17;
	v13 =	vmul.f32 v13, v1  }
0x288: {  	v4 =	vadd.f32 v4, v0;
	v17 =	vmul.f32 v23, v1;
	[tilespmem:s7+$0x470] =	vst v22;
	v20 =	vadd.f32 v16, v0;
	v16 =	vld [tilespmem:s7+$0xC40]  }
0x289: {  	v5 =	vmul.f32 v5, v1;
	v12 =	vmul.f32 v12, v1;
	[tilespmem:s7+$0x50] =	vst v19;
	v13 =	vadd.f32 v13, v0  }
0x28a: {  	v6 =	vmul.f32 v6, v1;
	v17 =	vadd.f32 v17, v0;
	v19 =	vmul.f32 v21, v1;
	[tilespmem:s7+$0x460] =	vst v14  }
0x28b: {  	v5 =	vadd.f32 v5, v0;
	v21 =	vadd.f32 v12, v0;
	v12 =	vmul.f32 v15, v1;
	[tilespmem:s7+$0xC60] =	vst v13  }
0x28c: {  	v6 =	vadd.f32 v6, v0;
	v22 =	vmov s12;
	[tilespmem:s7+$0x10] =	vst v17;
	v13 =	vadd.f32 v19, v0  }
0x28d: {  	v3 =	vmul.f32 v3, v1;
	s11 =	sand.u32 $0x7000, s10;
	s12 =	sand.u32 $0x380, s8;
	v17 =	vadd.f32 v12, v0;
	v12 =	vmul.f32 v16, v1;
	[tilespmem:s7+$0xC70] =	vst v5  }
0x28e: {  	s11 =	sor.u32 s12, s11;
	[tilespmem:s7+$0x30] =	vst v13  }
0x28f: {  	v3 =	vadd.f32 v3, v0;
	s12 =	sadd.s32 $0x10700, s11;
	[tilespmem:s7+$0x450] =	vst v9;
	v19 =	vadd.f32 v12, v0  }
0x290: {  	v23 =	vld [tilespmem:s12+$0xC20];
	[tilespmem:s7+$0xC30] =	vst v7  }
0x291: {  	v7 =	vld [tilespmem:s12+$0xC30];
	[tilespmem:s7+$0xC00] =	vst v11  }
0x292: {  	v16 =	vld [tilespmem:s12+$0x430];
	[tilespmem:s7+$0xC50] =	vst v3  }
0x293: {  	v15 =	vld [tilespmem:s12+$0x830];
	[tilespmem:s7+$0x400] =	vst v10  }
0x294: {  	v14 =	vld [tilespmem:s12+$0x70];
	[tilespmem:s7+$0xC10] =	vst v20  }
0x295: {  	v13 =	vld [tilespmem:s12+$0x850];
	[tilespmem:s7+$0x410] =	vst v8  }
0x296: {  	v12 =	vld [tilespmem:s12+$0x840];
	[tilespmem:s7+$0x820] =	vst v18  }
0x297: {  	v1 =	vmul.f32 v2, v1;
	v5 =	vld [tilespmem:s12+$0xC70];
	[tilespmem:s7+$0x420] =	vst v6  }
0x298: {  	v9 =	vld [tilespmem:s12+$0x450];
	[tilespmem:s7+$0x870] =	vst v4  }
0x299: {  	v0 =	vadd.f32 v1, v0;
	v11 =	vld [tilespmem:s12+$0x860];
	[tilespmem:s7+$0xC40] =	vst v19  }
0x29a: {  	v4 =	vld [tilespmem:s12+$0x870];
	[tilespmem:s7+$0x40] =	vst v17  }
0x29b: {  	[tilespmem:s7+$0x20] =	vst v21  }
0x29c: {  	v17 =	vld [tilespmem:s11+$0x10700];
	[tilespmem:s7+$0x60] =	vst v0;
	s7 =	smov.u32 s12  }
0x29d: {  	v0 =	vld.idx.msk [tilespmem:v22+s3+$0x0], $0xffff  }
0x29e: {  	v1 =	vld.idx.msk [tilespmem:v22+s1+$0x0], $0xffff  }
0x29f: {  	v3 =	vld [tilespmem:s7+$0xC50]  }
.Ltmp6:
0x2a0: {  	v2 =	vld [tilespmem:s7+$0x60];
	(pc) =	sbr.rel @p0 .LBB2_14-.Ltmp6, $4  }
0x2a1: {  	v6 =	vld [tilespmem:s7+$0x420]  }
0x2a2: {  	v8 =	vld [tilespmem:s7+$0x410]  }
0x2a3: {  	v10 =	vld [tilespmem:s7+$0x400]  }
0x2a4: {  	v18 =	vmul.f32 v17, v1;
	v19 =	vmul.f32 v23, v1;
	v17 =	vld [tilespmem:s7+$0x440]  }
0x2a5: {  	_ = 	snop  }
0x2a6: {  	v16 =	vmul.f32 v16, v1;
	v19 =	vadd.f32 v19, v0  }
0x2a7: {  	v15 =	vmul.f32 v15, v1;
	v18 =	vadd.f32 v18, v0  }
0x2a8: {  	v14 =	vmul.f32 v14, v1;
	v16 =	vadd.f32 v16, v0;
	[tilespmem:s7+$0xC20] =	vst v19  }
0x2a9: {  	v13 =	vmul.f32 v13, v1;
	v15 =	vadd.f32 v15, v0;
	[tilespmem:s11+$0x10700] =	vst v18  }
0x2aa: {  	v12 =	vmul.f32 v12, v1;
	v14 =	vadd.f32 v14, v0;
	[tilespmem:s7+$0x430] =	vst v16  }
0x2ab: {  	v11 =	vmul.f32 v11, v1;
	v13 =	vadd.f32 v13, v0;
	[tilespmem:s7+$0x830] =	vst v15  }
0x2ac: {  	v5 =	vmul.f32 v5, v1;
	v12 =	vadd.f32 v12, v0;
	[tilespmem:s7+$0x70] =	vst v14  }
0x2ad: {  	v20 =	vld [tilespmem:s7+$0x810];
	v9 =	vmul.f32 v9, v1;
	v11 =	vadd.f32 v11, v0;
	[tilespmem:s7+$0x850] =	vst v13  }
0x2ae: {  	v21 =	vld [tilespmem:s7+$0x800];
	v3 =	vmul.f32 v3, v1;
	v5 =	vadd.f32 v5, v0;
	[tilespmem:s7+$0x840] =	vst v12  }
0x2af: {  	v7 =	vmul.f32 v7, v1;
	v9 =	vadd.f32 v9, v0;
	[tilespmem:s7+$0x860] =	vst v11  }
0x2b0: {  	v22 =	vld [tilespmem:s7+$0x460];
	v6 =	vmul.f32 v6, v1;
	v3 =	vadd.f32 v3, v0;
	[tilespmem:s7+$0xC70] =	vst v5  }
0x2b1: {  	v19 =	vld [tilespmem:s7+$0x470];
	v5 =	vadd.f32 v7, v0;
	v7 =	vmul.f32 v10, v1;
	[tilespmem:s7+$0x450] =	vst v9  }
0x2b2: {  	v18 =	vld [tilespmem:s7+$0x820];
	v6 =	vadd.f32 v6, v0;
	[tilespmem:s7+$0xC50] =	vst v3;
	v20 =	vmul.f32 v20, v1  }
0x2b3: {  	v16 =	vld [tilespmem:s7+$0x50];
	v14 =	vmul.f32 v21, v1;
	[tilespmem:s7+$0xC30] =	vst v5;
	v5 =	vadd.f32 v7, v0  }
0x2b4: {  	v13 =	vld [tilespmem:s7+$0xC60];
	[tilespmem:s7+$0x420] =	vst v6;
	v7 =	vmul.f32 v8, v1;
	v15 =	vadd.f32 v20, v0  }
0x2b5: {  	v17 =	vmul.f32 v17, v1;
	v20 =	vld [tilespmem:s7+$0x10];
	v14 =	vadd.f32 v14, v0;
	[tilespmem:s7+$0x400] =	vst v5  }
0x2b6: {  	v12 =	vmul.f32 v19, v1;
	v3 =	vadd.f32 v7, v0;
	[tilespmem:s7+$0x810] =	vst v15  }
0x2b7: {  	v8 =	vmul.f32 v18, v1;
	v15 =	vadd.f32 v17, v0;
	[tilespmem:s7+$0x800] =	vst v14  }
0x2b8: {  	v17 =	vld [tilespmem:s7+$0x30];
	v16 =	vmul.f32 v16, v1;
	v12 =	vadd.f32 v12, v0;
	[tilespmem:s7+$0x410] =	vst v3  }
0x2b9: {  	v19 =	vld [tilespmem:s7+$0xC00];
	v14 =	vmul.f32 v22, v1;
	v5 =	vadd.f32 v8, v0;
	[tilespmem:s7+$0x440] =	vst v15  }
0x2ba: {  	v13 =	vmul.f32 v13, v1;
	v16 =	vadd.f32 v16, v0;
	v15 =	vld [tilespmem:s7+$0x40];
	v20 =	vmul.f32 v20, v1;
	[tilespmem:s7+$0x470] =	vst v12  }
0x2bb: {  	v11 =	vld [tilespmem:s7+$0x20];
	v14 =	vadd.f32 v14, v0;
	[tilespmem:s7+$0x820] =	vst v5  }
0x2bc: {  	v4 =	vmul.f32 v4, v1;
	v12 =	vadd.f32 v13, v0;
	v13 =	vld [tilespmem:s7+$0xC40];
	[tilespmem:s7+$0x50] =	vst v16;
	v16 =	vadd.f32 v20, v0  }
0x2bd: {  	[tilespmem:s7+$0x460] =	vst v14;
	v14 =	vld [tilespmem:s7+$0xC10];
	v17 =	vmul.f32 v17, v1  }
0x2be: {  	v3 =	vadd.f32 v4, v0;
	[tilespmem:s7+$0x10] =	vst v16;
	v16 =	vmul.f32 v19, v1  }
0x2bf: {  	[tilespmem:s7+$0xC60] =	vst v12;
	v12 =	vadd.f32 v17, v0;
	v4 =	vmul.f32 v15, v1  }
0x2c0: {  	v5 =	vmul.f32 v11, v1;
	[tilespmem:s7+$0x870] =	vst v3;
	v10 =	vadd.f32 v16, v0  }
0x2c1: {  	v7 =	vmul.f32 v13, v1;
	[tilespmem:s7+$0x30] =	vst v12;
	v4 =	vadd.f32 v4, v0  }
0x2c2: {  	v9 =	vmul.f32 v14, v1;
	v1 =	vmul.f32 v2, v1;
	v2 =	vadd.f32 v5, v0;
	[tilespmem:s7+$0xC00] =	vst v10  }
0x2c3: {  	v7 =	vadd.f32 v7, v0;
	[tilespmem:s7+$0x40] =	vst v4  }
0x2c4: {  	v9 =	vadd.f32 v9, v0;
	[tilespmem:s7+$0x20] =	vst v2  }
0x2c5: {  	v0 =	vadd.f32 v1, v0;
	[tilespmem:s7+$0xC40] =	vst v7  }
0x2c6: {  	[tilespmem:s7+$0xC10] =	vst v9  }
0x2c7: {  	s8 =	simm.s32 $0x0;
	[tilespmem:s7+$0x60] =	vst v0  }
0x2c8: {  	[hbm4b:s19+s8] =	stream.linear.scatter [tilespmem:s31], [sflag:$0x6], $0x8000, $0x38;
	[tilespmem:$0x18700] =	vst v63  }
0x2c9: {  	_ =	swait.ge [sflag:s0], $0x8000  }
0x2ca: {  	s12 =	sand.u32 $0x7000, s8;
	s9 =	sand.u32 $0x380, s8;
	[sflag:s0] =	ssyncset.done $0x0  }
0x2cb: {  	s7 =	sor.u32 s9, s12;
	[sflag:s0] =	ssyncadd.s32 $0xFFFF8000  }
0x2cc: {  	v4 =	vld [tilespmem:s7+$0x750]  }
0x2cd: {  	v2 =	vld [tilespmem:s7+$0xB50]  }
0x2ce: {  	v5 =	vld [tilespmem:s7+$0xF10]  }
0x2cf: {  	v3 =	vld [tilespmem:s7+$0xF00]  }
0x2d0: {  	v6 =	vld [tilespmem:s7+$0xF70]  }
0x2d1: {  	v8 =	vld [tilespmem:s7+$0xB00]  }
0x2d2: {  	s13 =	simm.s32 $0x180;
	v12 =	vld [tilespmem:s7+$0xF60]  }
0x2d3: {  	v0 =	vmov s13;
	v11 =	vld [tilespmem:s7+$0x740]  }
0x2d4: {  	v13 =	vld [tilespmem:s7+$0x710]  }
0x2d5: {  	v7 =	vld [tilespmem:s7+$0x720]  }
0x2d6: {  	v9 =	vld [tilespmem:s7+$0x1370]  }
0x2d7: {  	v10 =	vld [tilespmem:s7+$0x700]  }
0x2d8: {  	v1 =	vld.idx.msk [tilespmem:v0+s1+$0x0], $0xffff  }
0x2d9: {  	v14 =	vld [tilespmem:s7+$0x1340]  }
0x2da: {  	v0 =	vld.idx.msk [tilespmem:v0+s3+$0x0], $0xffff  }
0x2db: {  	v17 =	vld [tilespmem:s7+$0x1360]  }
0x2dc: {  	v19 =	vld [tilespmem:s7+$0x1300]  }
0x2dd: {  	v16 =	vld [tilespmem:s7+$0x1350]  }
0x2de: {  	v15 =	vld [tilespmem:s7+$0x1330];
	v10 =	vmul.f32 v10, v1;
	v9 =	vmul.f32 v9, v1  }
0x2df: {  	v20 =	vmul.f32 v7, v1;
	v7 =	vld [tilespmem:s7+$0x770];
	v22 =	vmul.f32 v14, v1  }
0x2e0: {  	v18 =	vmul.f32 v17, v1;
	v14 =	vadd.f32 v10, v0;
	v10 =	vld [tilespmem:s7+$0xF40];
	v21 =	vadd.f32 v9, v0  }
0x2e1: {  	s10 =	simm.s32 $0x0;
	s9 =	simm.s32 $0x181;
	v19 =	vmul.f32 v19, v1;
	v17 =	vadd.f32 v20, v0;
	v9 =	vld [tilespmem:s7+$0xB10];
	v20 =	vadd.f32 v22, v0  }
.LBB2_16:
0x2e2: {  	p0 =	sne.s32 s9, $0x1BF;
	v13 =	vmul.f32 v13, v1;
	v22 =	vld [tilespmem:s7+$0x1320];
	v16 =	vmul.f32 v16, v1;
	v18 =	vadd.f32 v18, v0;
	[tilespmem:s7+$0x1370] =	vst v21;
	s8 =	sadd.s32 $0x80, s8;
	s10 =	sadd.s32 $0x200, s10  }
0x2e3: {  	v11 =	vmul.f32 v11, v1;
	v12 =	vmul.f32 v12, v1;
	s11 =	smov.u32 s9;
	s9 =	sadd.s32 $0x1, s9;
	v21 =	vld [tilespmem:s7+$0x730];
	v19 =	vadd.f32 v19, v0;
	[tilespmem:s7+$0x1340] =	vst v20  }
0x2e4: {  	v15 =	vmul.f32 v15, v1;
	v13 =	vadd.f32 v13, v0;
	[tilespmem:s7+$0x720] =	vst v17;
	v17 =	vld [tilespmem:s7+$0x760];
	v7 =	vmul.f32 v7, v1  }
0x2e5: {  	v8 =	vmul.f32 v8, v1;
	v16 =	vadd.f32 v16, v0;
	v20 =	vld [tilespmem:s7+$0xB20];
	v10 =	vmul.f32 v10, v1;
	[tilespmem:s7+$0x1300] =	vst v19  }
0x2e6: {  	v6 =	vmul.f32 v6, v1;
	v12 =	vadd.f32 v12, v0;
	v9 =	vmul.f32 v9, v1;
	v19 =	vld [tilespmem:s7+$0xB30];
	[tilespmem:s7+$0x1360] =	vst v18  }
0x2e7: {  	v4 =	vmul.f32 v4, v1;
	v3 =	vmul.f32 v3, v1;
	v15 =	vadd.f32 v15, v0;
	v18 =	vld [tilespmem:s7+$0xB40];
	[tilespmem:s7+$0x1350] =	vst v16  }
0x2e8: {  	v8 =	vadd.f32 v8, v0;
	v16 =	vmul.f32 v21, v1;
	v21 =	vld [tilespmem:s7+$0xF50];
	[tilespmem:s7+$0xF60] =	vst v12;
	v12 =	vmul.f32 v22, v1  }
0x2e9: {  	v5 =	vmul.f32 v5, v1;
	v7 =	vadd.f32 v7, v0;
	[tilespmem:s7+$0x700] =	vst v14;
	v14 =	vmul.f32 v17, v1;
	v17 =	vld [tilespmem:s7+$0xB70]  }
0x2ea: {  	v11 =	vadd.f32 v11, v0;
	v6 =	vadd.f32 v6, v0;
	v20 =	vmul.f32 v20, v1;
	v22 =	vld [tilespmem:s7+$0xF20];
	[tilespmem:s7+$0x1330] =	vst v15  }
0x2eb: {  	v2 =	vmul.f32 v2, v1;
	v9 =	vadd.f32 v9, v0;
	[tilespmem:s7+$0xB00] =	vst v8;
	v8 =	vmul.f32 v19, v1;
	v15 =	vld [tilespmem:s7+$0xB60]  }
0x2ec: {  	[tilespmem:s7+$0x740] =	vst v11;
	v11 =	vadd.f32 v14, v0;
	v14 =	vadd.f32 v20, v0;
	v18 =	vmul.f32 v18, v1;
	v19 =	vld [tilespmem:s7+$0x1310]  }
0x2ed: {  	v5 =	vadd.f32 v5, v0;
	v20 =	vadd.f32 v8, v0;
	v8 =	vld [tilespmem:s7+$0xF30];
	v21 =	vmul.f32 v21, v1;
	[tilespmem:s7+$0xF70] =	vst v6  }
0x2ee: {  	v2 =	vadd.f32 v2, v0;
	[tilespmem:s7+$0x710] =	vst v13;
	v18 =	vadd.f32 v18, v0;
	v6 =	vmul.f32 v17, v1  }
0x2ef: {  	v16 =	vadd.f32 v16, v0;
	v12 =	vadd.f32 v12, v0;
	[tilespmem:s7+$0x760] =	vst v11;
	v11 =	vmul.f32 v22, v1  }
0x2f0: {  	v4 =	vadd.f32 v4, v0;
	v13 =	vmul.f32 v15, v1;
	v6 =	vadd.f32 v6, v0;
	[tilespmem:s7+$0xF10] =	vst v5  }
0x2f1: {  	[tilespmem:s7+$0xB50] =	vst v2;
	v2 =	vadd.f32 v11, v0;
	v11 =	vadd.f32 v21, v0;
	v5 =	vmul.f32 v19, v1  }
0x2f2: {  	v3 =	vadd.f32 v3, v0;
	[tilespmem:s7+$0xB20] =	vst v14;
	v1 =	vmul.f32 v8, v1;
	v8 =	vadd.f32 v10, v0  }
0x2f3: {  	v10 =	vadd.f32 v13, v0;
	[tilespmem:s7+$0x750] =	vst v4;
	v4 =	vadd.f32 v5, v0  }
0x2f4: {  	[tilespmem:s7+$0xF20] =	vst v2;
	v0 =	vadd.f32 v1, v0  }
0x2f5: {  	s12 =	sand.u32 $0x7000, s10;
	s13 =	sand.u32 $0x380, s8;
	[tilespmem:s7+$0x1310] =	vst v4  }
0x2f6: {  	s12 =	sor.u32 s13, s12;
	[tilespmem:s7+$0xF30] =	vst v0  }
0x2f7: {  	v4 =	vld [tilespmem:s12+$0x750];
	[tilespmem:s7+$0xB60] =	vst v10  }
0x2f8: {  	v2 =	vld [tilespmem:s12+$0xB50];
	[tilespmem:s7+$0xF40] =	vst v8  }
0x2f9: {  	v5 =	vld [tilespmem:s12+$0xF10];
	[tilespmem:s7+$0xF00] =	vst v3  }
0x2fa: {  	v3 =	vld [tilespmem:s12+$0xF00];
	[tilespmem:s7+$0xB70] =	vst v6  }
0x2fb: {  	v6 =	vld [tilespmem:s12+$0xF70];
	[tilespmem:s7+$0xF50] =	vst v11  }
0x2fc: {  	v8 =	vld [tilespmem:s12+$0xB00];
	[tilespmem:s7+$0x1320] =	vst v12  }
0x2fd: {  	v12 =	vld [tilespmem:s12+$0xF60];
	[tilespmem:s7+$0x770] =	vst v7  }
0x2fe: {  	v0 =	vmov s11;
	v11 =	vld [tilespmem:s12+$0x740];
	[tilespmem:s7+$0xB10] =	vst v9  }
0x2ff: {  	v13 =	vld [tilespmem:s12+$0x710];
	[tilespmem:s7+$0x730] =	vst v16  }
0x300: {  	v7 =	vld [tilespmem:s12+$0x720];
	[tilespmem:s7+$0xB30] =	vst v20  }
0x301: {  	v9 =	vld [tilespmem:s12+$0x1370];
	[tilespmem:s7+$0xB40] =	vst v18;
	s7 =	smov.u32 s12  }
0x302: {  	v10 =	vld [tilespmem:s7+$0x700]  }
0x303: {  	v1 =	vld.idx.msk [tilespmem:v0+s1+$0x0], $0xffff  }
0x304: {  	v14 =	vld [tilespmem:s7+$0x1340]  }
0x305: {  	v0 =	vld.idx.msk [tilespmem:v0+s3+$0x0], $0xffff  }
0x306: {  	v17 =	vld [tilespmem:s7+$0x1360]  }
0x307: {  	v19 =	vld [tilespmem:s7+$0x1300]  }
.Ltmp7:
0x308: {  	v16 =	vld [tilespmem:s7+$0x1350];
	(pc) =	sbr.rel @p0 .LBB2_16-.Ltmp7, $4  }
0x309: {  	v10 =	vmul.f32 v10, v1;
	v9 =	vmul.f32 v9, v1;
	v15 =	vld [tilespmem:s7+$0x1330]  }
0x30a: {  	v20 =	vmul.f32 v7, v1;
	v22 =	vmul.f32 v14, v1;
	v7 =	vld [tilespmem:s7+$0x770]  }
0x30b: {  	v14 =	vadd.f32 v10, v0;
	v21 =	vadd.f32 v9, v0;
	v10 =	vld [tilespmem:s7+$0xF40];
	v18 =	vmul.f32 v17, v1  }
0x30c: {  	v17 =	vadd.f32 v20, v0;
	v20 =	vadd.f32 v22, v0;
	v9 =	vld [tilespmem:s7+$0xB10];
	v19 =	vmul.f32 v19, v1  }
0x30d: {  	[tilespmem:s7+$0x1370] =	vst v21  }
0x30e: {  	[tilespmem:s7+$0x700] =	vst v14  }
0x30f: {  	v16 =	vmul.f32 v16, v1;
	v18 =	vadd.f32 v18, v0;
	[tilespmem:s7+$0x1340] =	vst v20  }
0x310: {  	v12 =	vmul.f32 v12, v1;
	v19 =	vadd.f32 v19, v0;
	[tilespmem:s7+$0x720] =	vst v17  }
0x311: {  	v8 =	vmul.f32 v8, v1;
	v16 =	vadd.f32 v16, v0;
	[tilespmem:s7+$0x1360] =	vst v18  }
0x312: {  	v11 =	vmul.f32 v11, v1;
	v12 =	vadd.f32 v12, v0;
	[tilespmem:s7+$0x1300] =	vst v19  }
0x313: {  	v6 =	vmul.f32 v6, v1;
	v17 =	vld [tilespmem:s7+$0x760];
	v8 =	vadd.f32 v8, v0;
	[tilespmem:s7+$0x1350] =	vst v16  }
0x314: {  	v15 =	vmul.f32 v15, v1;
	v11 =	vadd.f32 v11, v0;
	[tilespmem:s7+$0xF60] =	vst v12  }
0x315: {  	v5 =	vmul.f32 v5, v1;
	v6 =	vadd.f32 v6, v0;
	[tilespmem:s7+$0xB00] =	vst v8  }
0x316: {  	v2 =	vmul.f32 v2, v1;
	v15 =	vadd.f32 v15, v0;
	v12 =	vld [tilespmem:s7+$0xB20];
	[tilespmem:s7+$0x740] =	vst v11  }
0x317: {  	v4 =	vmul.f32 v4, v1;
	v3 =	vmul.f32 v3, v1;
	v5 =	vadd.f32 v5, v0;
	[tilespmem:s7+$0xF70] =	vst v6  }
0x318: {  	v13 =	vmul.f32 v13, v1;
	v2 =	vadd.f32 v2, v0;
	[tilespmem:s7+$0x1330] =	vst v15;
	v15 =	vmul.f32 v17, v1;
	v17 =	vld [tilespmem:s7+$0xF20]  }
0x319: {  	v4 =	vadd.f32 v4, v0;
	v3 =	vadd.f32 v3, v0;
	v11 =	vld [tilespmem:s7+$0x1310];
	[tilespmem:s7+$0xF10] =	vst v5  }
0x31a: {  	v8 =	vadd.f32 v13, v0;
	[tilespmem:s7+$0xB50] =	vst v2;
	v13 =	vadd.f32 v15, v0;
	v15 =	vld [tilespmem:s7+$0xF30]  }
0x31b: {  	[tilespmem:s7+$0x750] =	vst v4;
	v6 =	vmul.f32 v12, v1  }
0x31c: {  	v4 =	vmul.f32 v10, v1;
	[tilespmem:s7+$0xF00] =	vst v3;
	v12 =	vld [tilespmem:s7+$0xB60]  }
0x31d: {  	[tilespmem:s7+$0x760] =	vst v13;
	v13 =	vld [tilespmem:s7+$0xB70];
	v6 =	vadd.f32 v6, v0;
	v17 =	vmul.f32 v17, v1  }
0x31e: {  	v16 =	vld [tilespmem:s7+$0xF50];
	[tilespmem:s7+$0x710] =	vst v8;
	v4 =	vadd.f32 v4, v0;
	v2 =	vmul.f32 v11, v1  }
0x31f: {  	v5 =	vadd.f32 v17, v0;
	[tilespmem:s7+$0xB20] =	vst v6;
	v6 =	vmul.f32 v15, v1  }
0x320: {  	v22 =	vld [tilespmem:s7+$0x1320];
	v3 =	vmul.f32 v9, v1;
	[tilespmem:s7+$0xF40] =	vst v4;
	v2 =	vadd.f32 v2, v0  }
0x321: {  	v21 =	vld [tilespmem:s7+$0x730];
	v11 =	vmul.f32 v12, v1;
	[tilespmem:s7+$0xF20] =	vst v5;
	v5 =	vadd.f32 v6, v0  }
0x322: {  	v14 =	vld [tilespmem:s7+$0xB30];
	v3 =	vadd.f32 v3, v0;
	[tilespmem:s7+$0x1310] =	vst v2;
	v2 =	vmul.f32 v13, v1  }
0x323: {  	v8 =	vld [tilespmem:s7+$0xB40];
	v6 =	vadd.f32 v11, v0;
	[tilespmem:s7+$0xF30] =	vst v5;
	v5 =	vmul.f32 v16, v1  }
0x324: {  	v4 =	vmul.f32 v7, v1;
	[tilespmem:s7+$0xB10] =	vst v3;
	v2 =	vadd.f32 v2, v0  }
0x325: {  	[tilespmem:s7+$0xB60] =	vst v6;
	v6 =	vmul.f32 v22, v1;
	v5 =	vadd.f32 v5, v0  }
0x326: {  	v4 =	vadd.f32 v4, v0;
	[tilespmem:s7+$0xB70] =	vst v2;
	v2 =	vmul.f32 v21, v1  }
0x327: {  	v6 =	vadd.f32 v6, v0;
	[tilespmem:s7+$0xF50] =	vst v5;
	v5 =	vmul.f32 v14, v1  }
0x328: {  	[tilespmem:s7+$0x770] =	vst v4;
	v1 =	vmul.f32 v8, v1;
	v2 =	vadd.f32 v2, v0  }
0x329: {  	[tilespmem:s7+$0x1320] =	vst v6;
	v4 =	vadd.f32 v5, v0  }
0x32a: {  	v0 =	vadd.f32 v1, v0;
	[tilespmem:s7+$0x730] =	vst v2  }
0x32b: {  	[tilespmem:s7+$0xB30] =	vst v4  }
0x32c: {  	s8 =	simm.s32 $0x0;
	[tilespmem:s7+$0xB40] =	vst v0  }
0x32d: {  	[hbm4b:s20+s8] =	stream.linear.scatter [tilespmem:s23], [sflag:$0x4], $0x8000, $0x38;
	[tilespmem:$0x18700] =	vst v63  }
0x32e: {  	_ =	swait.ge [sflag:s4], $0x8000  }
0x32f: {  	s12 =	sand.u32 $0x7000, s8;
	s9 =	sand.u32 $0x380, s8;
	[sflag:s4] =	ssyncset.done $0x0  }
0x330: {  	s7 =	sor.u32 s9, s12;
	[sflag:s4] =	ssyncadd.s32 $0xFFFF8000  }
0x331: {  	v4 =	vld [tilespmem:s7+$0x8750]  }
0x332: {  	v2 =	vld [tilespmem:s7+$0x8B50]  }
0x333: {  	v5 =	vld [tilespmem:s7+$0x8F10]  }
0x334: {  	v3 =	vld [tilespmem:s7+$0x8F00]  }
0x335: {  	v6 =	vld [tilespmem:s7+$0x8F70]  }
0x336: {  	v8 =	vld [tilespmem:s7+$0x8B00]  }
0x337: {  	s13 =	simm.s32 $0x1C0;
	v12 =	vld [tilespmem:s7+$0x8F60]  }
0x338: {  	v0 =	vmov s13;
	v11 =	vld [tilespmem:s7+$0x8740]  }
0x339: {  	v13 =	vld [tilespmem:s7+$0x8710]  }
0x33a: {  	v7 =	vld [tilespmem:s7+$0x8720]  }
0x33b: {  	v9 =	vld [tilespmem:s7+$0x9370]  }
0x33c: {  	v10 =	vld [tilespmem:s7+$0x8700]  }
0x33d: {  	v1 =	vld.idx.msk [tilespmem:v0+s1+$0x0], $0xffff  }
0x33e: {  	v14 =	vld [tilespmem:s7+$0x9340]  }
0x33f: {  	v0 =	vld.idx.msk [tilespmem:v0+s3+$0x0], $0xffff  }
0x340: {  	v17 =	vld [tilespmem:s7+$0x9360]  }
0x341: {  	v19 =	vld [tilespmem:s7+$0x9300]  }
0x342: {  	v16 =	vld [tilespmem:s7+$0x9350]  }
0x343: {  	v15 =	vld [tilespmem:s7+$0x9330];
	v10 =	vmul.f32 v10, v1;
	v9 =	vmul.f32 v9, v1  }
0x344: {  	v20 =	vmul.f32 v7, v1;
	v7 =	vld [tilespmem:s7+$0x8770];
	v22 =	vmul.f32 v14, v1  }
0x345: {  	v18 =	vmul.f32 v17, v1;
	v14 =	vadd.f32 v10, v0;
	v10 =	vld [tilespmem:s7+$0x8F40];
	v21 =	vadd.f32 v9, v0  }
0x346: {  	s10 =	simm.s32 $0x0;
	s9 =	simm.s32 $0x1C1;
	v19 =	vmul.f32 v19, v1;
	v17 =	vadd.f32 v20, v0;
	v9 =	vld [tilespmem:s7+$0x8B10];
	v20 =	vadd.f32 v22, v0  }
.LBB2_18:
0x347: {  	p0 =	sne.s32 s9, $0x1FF;
	v13 =	vmul.f32 v13, v1;
	v22 =	vld [tilespmem:s7+$0x9320];
	v16 =	vmul.f32 v16, v1;
	v18 =	vadd.f32 v18, v0;
	[tilespmem:s7+$0x9370] =	vst v21;
	s8 =	sadd.s32 $0x80, s8;
	s10 =	sadd.s32 $0x200, s10  }
0x348: {  	v11 =	vmul.f32 v11, v1;
	v12 =	vmul.f32 v12, v1;
	s11 =	smov.u32 s9;
	s9 =	sadd.s32 $0x1, s9;
	v21 =	vld [tilespmem:s7+$0x8730];
	v19 =	vadd.f32 v19, v0;
	[tilespmem:s7+$0x9340] =	vst v20  }
0x349: {  	v15 =	vmul.f32 v15, v1;
	v13 =	vadd.f32 v13, v0;
	[tilespmem:s7+$0x8720] =	vst v17;
	v17 =	vld [tilespmem:s7+$0x8760];
	v7 =	vmul.f32 v7, v1  }
0x34a: {  	v8 =	vmul.f32 v8, v1;
	v16 =	vadd.f32 v16, v0;
	v20 =	vld [tilespmem:s7+$0x8B20];
	v10 =	vmul.f32 v10, v1;
	[tilespmem:s7+$0x9300] =	vst v19  }
0x34b: {  	v6 =	vmul.f32 v6, v1;
	v12 =	vadd.f32 v12, v0;
	v9 =	vmul.f32 v9, v1;
	v19 =	vld [tilespmem:s7+$0x8B30];
	[tilespmem:s7+$0x9360] =	vst v18  }
0x34c: {  	v4 =	vmul.f32 v4, v1;
	v3 =	vmul.f32 v3, v1;
	v15 =	vadd.f32 v15, v0;
	v18 =	vld [tilespmem:s7+$0x8B40];
	[tilespmem:s7+$0x9350] =	vst v16  }
0x34d: {  	v8 =	vadd.f32 v8, v0;
	v16 =	vmul.f32 v21, v1;
	v21 =	vld [tilespmem:s7+$0x8F50];
	[tilespmem:s7+$0x8F60] =	vst v12;
	v12 =	vmul.f32 v22, v1  }
0x34e: {  	v5 =	vmul.f32 v5, v1;
	v7 =	vadd.f32 v7, v0;
	[tilespmem:s7+$0x8700] =	vst v14;
	v14 =	vmul.f32 v17, v1;
	v17 =	vld [tilespmem:s7+$0x8B70]  }
0x34f: {  	v11 =	vadd.f32 v11, v0;
	v6 =	vadd.f32 v6, v0;
	v20 =	vmul.f32 v20, v1;
	v22 =	vld [tilespmem:s7+$0x8F20];
	[tilespmem:s7+$0x9330] =	vst v15  }
0x350: {  	v2 =	vmul.f32 v2, v1;
	v9 =	vadd.f32 v9, v0;
	[tilespmem:s7+$0x8B00] =	vst v8;
	v8 =	vmul.f32 v19, v1;
	v15 =	vld [tilespmem:s7+$0x8B60]  }
0x351: {  	[tilespmem:s7+$0x8740] =	vst v11;
	v11 =	vadd.f32 v14, v0;
	v14 =	vadd.f32 v20, v0;
	v18 =	vmul.f32 v18, v1;
	v19 =	vld [tilespmem:s7+$0x9310]  }
0x352: {  	v5 =	vadd.f32 v5, v0;
	v20 =	vadd.f32 v8, v0;
	v8 =	vld [tilespmem:s7+$0x8F30];
	v21 =	vmul.f32 v21, v1;
	[tilespmem:s7+$0x8F70] =	vst v6  }
0x353: {  	v2 =	vadd.f32 v2, v0;
	[tilespmem:s7+$0x8710] =	vst v13;
	v18 =	vadd.f32 v18, v0;
	v6 =	vmul.f32 v17, v1  }
0x354: {  	v16 =	vadd.f32 v16, v0;
	v12 =	vadd.f32 v12, v0;
	[tilespmem:s7+$0x8760] =	vst v11;
	v11 =	vmul.f32 v22, v1  }
0x355: {  	v4 =	vadd.f32 v4, v0;
	v13 =	vmul.f32 v15, v1;
	v6 =	vadd.f32 v6, v0;
	[tilespmem:s7+$0x8F10] =	vst v5  }
0x356: {  	[tilespmem:s7+$0x8B50] =	vst v2;
	v2 =	vadd.f32 v11, v0;
	v11 =	vadd.f32 v21, v0;
	v5 =	vmul.f32 v19, v1  }
0x357: {  	v3 =	vadd.f32 v3, v0;
	[tilespmem:s7+$0x8B20] =	vst v14;
	v1 =	vmul.f32 v8, v1;
	v8 =	vadd.f32 v10, v0  }
0x358: {  	v10 =	vadd.f32 v13, v0;
	[tilespmem:s7+$0x8750] =	vst v4;
	v4 =	vadd.f32 v5, v0  }
0x359: {  	[tilespmem:s7+$0x8F20] =	vst v2;
	v0 =	vadd.f32 v1, v0  }
0x35a: {  	s12 =	sand.u32 $0x7000, s10;
	s13 =	sand.u32 $0x380, s8;
	[tilespmem:s7+$0x9310] =	vst v4  }
0x35b: {  	s12 =	sor.u32 s13, s12;
	[tilespmem:s7+$0x8F30] =	vst v0  }
0x35c: {  	v4 =	vld [tilespmem:s12+$0x8750];
	[tilespmem:s7+$0x8B60] =	vst v10  }
0x35d: {  	v2 =	vld [tilespmem:s12+$0x8B50];
	[tilespmem:s7+$0x8F40] =	vst v8  }
0x35e: {  	v5 =	vld [tilespmem:s12+$0x8F10];
	[tilespmem:s7+$0x8F00] =	vst v3  }
0x35f: {  	v3 =	vld [tilespmem:s12+$0x8F00];
	[tilespmem:s7+$0x8B70] =	vst v6  }
0x360: {  	v6 =	vld [tilespmem:s12+$0x8F70];
	[tilespmem:s7+$0x8F50] =	vst v11  }
0x361: {  	v8 =	vld [tilespmem:s12+$0x8B00];
	[tilespmem:s7+$0x9320] =	vst v12  }
0x362: {  	v12 =	vld [tilespmem:s12+$0x8F60];
	[tilespmem:s7+$0x8770] =	vst v7  }
0x363: {  	v0 =	vmov s11;
	v11 =	vld [tilespmem:s12+$0x8740];
	[tilespmem:s7+$0x8B10] =	vst v9  }
0x364: {  	v13 =	vld [tilespmem:s12+$0x8710];
	[tilespmem:s7+$0x8730] =	vst v16  }
0x365: {  	v7 =	vld [tilespmem:s12+$0x8720];
	[tilespmem:s7+$0x8B30] =	vst v20  }
0x366: {  	v9 =	vld [tilespmem:s12+$0x9370];
	[tilespmem:s7+$0x8B40] =	vst v18;
	s7 =	smov.u32 s12  }
0x367: {  	v10 =	vld [tilespmem:s7+$0x8700]  }
0x368: {  	v1 =	vld.idx.msk [tilespmem:v0+s1+$0x0], $0xffff  }
0x369: {  	v14 =	vld [tilespmem:s7+$0x9340]  }
0x36a: {  	v0 =	vld.idx.msk [tilespmem:v0+s3+$0x0], $0xffff  }
0x36b: {  	v17 =	vld [tilespmem:s7+$0x9360]  }
0x36c: {  	v19 =	vld [tilespmem:s7+$0x9300]  }
.Ltmp8:
0x36d: {  	v16 =	vld [tilespmem:s7+$0x9350];
	(pc) =	sbr.rel @p0 .LBB2_18-.Ltmp8, $4  }
0x36e: {  	v10 =	vmul.f32 v10, v1;
	v9 =	vmul.f32 v9, v1;
	v15 =	vld [tilespmem:s7+$0x9330]  }
0x36f: {  	v20 =	vmul.f32 v7, v1;
	v22 =	vmul.f32 v14, v1;
	v7 =	vld [tilespmem:s7+$0x8770]  }
0x370: {  	v14 =	vadd.f32 v10, v0;
	v21 =	vadd.f32 v9, v0;
	v10 =	vld [tilespmem:s7+$0x8F40];
	v18 =	vmul.f32 v17, v1  }
0x371: {  	v17 =	vadd.f32 v20, v0;
	v20 =	vadd.f32 v22, v0;
	v9 =	vld [tilespmem:s7+$0x8B10];
	v19 =	vmul.f32 v19, v1  }
0x372: {  	[tilespmem:s7+$0x9370] =	vst v21  }
0x373: {  	[tilespmem:s7+$0x8700] =	vst v14  }
0x374: {  	v16 =	vmul.f32 v16, v1;
	v18 =	vadd.f32 v18, v0;
	[tilespmem:s7+$0x9340] =	vst v20  }
0x375: {  	v12 =	vmul.f32 v12, v1;
	v19 =	vadd.f32 v19, v0;
	[tilespmem:s7+$0x8720] =	vst v17  }
0x376: {  	v8 =	vmul.f32 v8, v1;
	v16 =	vadd.f32 v16, v0;
	[tilespmem:s7+$0x9360] =	vst v18  }
0x377: {  	v11 =	vmul.f32 v11, v1;
	v12 =	vadd.f32 v12, v0;
	[tilespmem:s7+$0x9300] =	vst v19  }
0x378: {  	v6 =	vmul.f32 v6, v1;
	v8 =	vadd.f32 v8, v0;
	[tilespmem:s7+$0x9350] =	vst v16  }
0x379: {  	v13 =	vmul.f32 v13, v1;
	v11 =	vadd.f32 v11, v0;
	[tilespmem:s7+$0x8F60] =	vst v12  }
0x37a: {  	v5 =	vmul.f32 v5, v1;
	v6 =	vadd.f32 v6, v0;
	[tilespmem:s7+$0x8B00] =	vst v8  }
0x37b: {  	v2 =	vmul.f32 v2, v1;
	v39 =	vadd.f32 v13, v0;
	[tilespmem:s7+$0x8740] =	vst v11  }
0x37c: {  	v33 =	vld [tilespmem:s7+$0x8760];
	v4 =	vmul.f32 v4, v1;
	v5 =	vadd.f32 v5, v0;
	[tilespmem:s7+$0x8F70] =	vst v6  }
0x37d: {  	v35 =	vld [tilespmem:s7+$0x8B20];
	v3 =	vmul.f32 v3, v1;
	v2 =	vadd.f32 v2, v0;
	[tilespmem:s7+$0x8710] =	vst v39  }
0x37e: {  	v38 =	vld [tilespmem:s7+$0x8F20];
	v15 =	vmul.f32 v15, v1;
	v4 =	vadd.f32 v4, v0;
	[tilespmem:s7+$0x8F10] =	vst v5  }
0x37f: {  	v40 =	vld [tilespmem:s7+$0x9310];
	v3 =	vadd.f32 v3, v0;
	v51 =	vmul.f32 v10, v1;
	[tilespmem:s7+$0x8B50] =	vst v2  }
0x380: {  	v42 =	vld [tilespmem:s7+$0x8F30];
	v15 =	vadd.f32 v15, v0;
	[tilespmem:s7+$0x8750] =	vst v4;
	v58 =	vmul.f32 v9, v1  }
0x381: {  	v44 =	vld [tilespmem:s7+$0x8B60];
	[tilespmem:s7+$0x8F00] =	vst v3;
	v37 =	vmul.f32 v33, v1;
	v4 =	vadd.f32 v51, v0  }
0x382: {  	v34 =	vld [tilespmem:s7+$0x8F50];
	[tilespmem:s7+$0x9330] =	vst v15;
	v43 =	vmul.f32 v35, v1;
	v3 =	vadd.f32 v58, v0  }
0x383: {  	v17 =	vmul.f32 v38, v1;
	v41 =	vadd.f32 v37, v0;
	[tilespmem:s7+$0x8F40] =	vst v4  }
0x384: {  	v36 =	vld [tilespmem:s7+$0x8B30];
	v47 =	vmul.f32 v40, v1;
	v6 =	vadd.f32 v43, v0;
	[tilespmem:s7+$0x8B10] =	vst v3  }
0x385: {  	v45 =	vld [tilespmem:s7+$0x8B40];
	v49 =	vmul.f32 v42, v1;
	v48 =	vadd.f32 v17, v0;
	[tilespmem:s7+$0x8760] =	vst v41  }
0x386: {  	v46 =	vld [tilespmem:s7+$0x8B70];
	v50 =	vmul.f32 v44, v1;
	v2 =	vadd.f32 v47, v0;
	[tilespmem:s7+$0x8B20] =	vst v6  }
0x387: {  	v22 =	vld [tilespmem:s7+$0x9320];
	v55 =	vmul.f32 v34, v1;
	v52 =	vadd.f32 v49, v0;
	[tilespmem:s7+$0x8F20] =	vst v48  }
0x388: {  	v32 =	vld [tilespmem:s7+$0x8730];
	v57 =	vmul.f32 v7, v1;
	v53 =	vadd.f32 v50, v0;
	[tilespmem:s7+$0x9310] =	vst v2  }
0x389: {  	v60 =	vmul.f32 v36, v1;
	v5 =	vadd.f32 v55, v0;
	[tilespmem:s7+$0x8F30] =	vst v52  }
0x38a: {  	v61 =	vmul.f32 v45, v1;
	v4 =	vadd.f32 v57, v0;
	[tilespmem:s7+$0x8B60] =	vst v53  }
0x38b: {  	v54 =	vmul.f32 v46, v1;
	v62 =	vadd.f32 v60, v0;
	[tilespmem:s7+$0x8F50] =	vst v5  }
0x38c: {  	v56 =	vmul.f32 v22, v1;
	v63 =	vadd.f32 v61, v0;
	[tilespmem:s7+$0x8770] =	vst v4  }
0x38d: {  	v59 =	vmul.f32 v32, v1;
	v2 =	vadd.f32 v54, v0;
	[tilespmem:s7+$0x8B30] =	vst v62  }
0x38e: {  	v6 =	vadd.f32 v56, v0;
	[tilespmem:s7+$0x8B40] =	vst v63  }
0x38f: {  	[tilespmem:s7+$0x8B70] =	vst v2;
	v2 =	vadd.f32 v59, v0  }
0x390: {  	[tilespmem:s7+$0x9320] =	vst v6  }
0x391: {  	[tilespmem:s7+$0x8730] =	vst v2  }
0x392: {  	[hbm4b:s21+s2] =	stream.linear.scatter [tilespmem:s24], [sflag:$0x5], $0x8000, $0x38;
	[tilespmem:$0x18700] =	vst v63  }
0x393: {  	_ =	swait.ge [sflag:s30], $0x8000  }
0x394: {  	[sflag:s30] =	ssyncset.done $0x0  }
0x395: {  	s6 =	sadd.s32 $0x1, s6;
	[sflag:s30] =	ssyncadd.s32 $0xFFFF8000  }
0x396: {  	p0 =	sne.s32 s6, s22;
	_ =	swait.ge [sflag:s28], $0x8000  }
.Ltmp9:
0x397: {  	[sflag:s28] =	ssyncset.done $0x0;
	(pc) =	sbr.rel @p0 .LBB2_1-.Ltmp9, $4  }
0x398: {  	[sflag:s28] =	ssyncadd.s32 $0xFFFF8000  }
0x399: {  	_ =	swait.ge [sflag:s29], $0x8000  }
0x39a: {  	[sflag:s29] =	ssyncset.done $0x0  }
0x39b: {  	[sflag:s29] =	ssyncadd.s32 $0xFFFF8000  }
0x39c: {  	_ =	sfence.sel $0x180000  }
0x39d: {  	[bflag:$0x0] =	sbarrier.arrive $0xFFFF  }
0x39e: {  	_ =	strace $0x90000047  }
0x39f: {  	s0 =	stileid.u32;
	[bflag:$0x2] =	sbarrier.arrive $0xFFFF  }
0x3a0: {  	p0 =	sne.s32 s0, $0x0;
	s0 =	rddreg [dreg:$0x4]  }
0x3a1: {  	s0 =	sadd.s32 @!p0 $0x100000, s0  }
0x3a2: {  	[sflag:s0] =	ssyncadd.tile.s32 @!p0 $0x1;
	_ =	shalt  }
.Lfunc_end2:
_tile_overlayer_lowered:
.L_overlay_start_2:
0x3a3: {  	(tag) =	ssettag $0x2  }
0x3a4: {  	s0 =	rddreg [dreg:$0x0];
	s2 =	stileid.u32  }
0x3a5: {  	s1 =	rddreg [dreg:$0x1];
	p0 =	sne.s32 s2, $0x0  }
0x3a6: {  	s3 =	rddreg [dreg:$0x2];
	[bflag:$0x3] =	sbarrier.arrive $0xFFFF;
	s2 =	simm.s32 @!p0 $0x1C07  }
0x3a7: {  	[timem:s3], [sflag:s2] =	dma.local @!p0 [hbm:s0], s1  }
0x3a8: {  	s0 =	simm.s32 @!p0 $0x7  }
0x3a9: {  	_ =	swait.ge @!p0 [sflag:s0], s1  }
0x3aa: {  	s1 =	ssub.s32 @!p0 $0x0, s1;
	[sflag:s0] =	ssyncset.done @!p0 $0x0  }
0x3ab: {  	[sflag:s0] =	ssyncadd.s32 @!p0 s1  }
0x3ac: {  	[bflag:$0x3] =	sbarrier.arrive $0xFFFF  }
0x3ad: {  	_ =	shalt  }

</sc_bundles>
